<compile_context>
chip_gen: v7x
topology: tpu7x:2x2x1
jax: 0.10.2.dev20260603
libtpu: 0.0.44.dev20260713+nightly
codegen_flags: <defaults>
</compile_context>

<pallas_src>
import functools

import jax
import jax.numpy as jnp
from jax import lax
from jax.experimental import pallas as pl
from jax.experimental.pallas import tpu as pltpu
from jax.experimental.pallas import tpu_sc as plsc

N = 50000
E = 800000
E_PAD = 819200
HID = 256
OUT = 512
NG = 8
LANES = 16
WIN = 128
NWIN = E_PAD // WIN
NSC = 2
NTILES = 16
NPAD = 50048
STRIPE = NPAD // NTILES
SPLIT0 = 3584
CF = 64
NCH = HID // CF
BR = 2000
GRID = N // BR


def _sc_seg_sum(table_flat, src3, dst3, zeros, n_chunks, d, dtype):
    mesh = plsc.VectorSubcoreMesh(core_axis_name="c", subcore_axis_name="s")

    @functools.partial(
        pl.kernel,
        out_type=jax.ShapeDtypeStruct((NSC, n_chunks, NPAD, d), dtype),
        mesh=mesh,
        scratch_types=[
            pltpu.VMEM((1, WIN), jnp.int32),
            pltpu.VMEM((1, WIN), jnp.int32),
            pltpu.VMEM((1, WIN), jnp.int32),
            pltpu.VMEM((1, WIN), jnp.int32),
            pltpu.VMEM((WIN, d), dtype),
            pltpu.VMEM((WIN, d), dtype),
            pltpu.VMEM_SHARED((NPAD, d), dtype),
            pltpu.SemaphoreType.DMA,
            pltpu.SemaphoreType.DMA,
            pltpu.SemaphoreType.DMA,
            pltpu.SemaphoreType.DMA,
        ],
        compiler_params=pltpu.CompilerParams(use_tc_tiling_on_sc=False),
    )
    def k(table_hbm, src_hbm, dst_hbm, zero_hbm, out_hbm,
          src_a, dst_a, src_b, dst_b, rows_a, rows_b, acc,
          sem_ia, sem_ib, sem_ga, sem_gb):
        core = lax.axis_index("c")
        sub = lax.axis_index("s")
        r0 = sub * STRIPE
        nwin_c = SPLIT0 + core * (NWIN - 2 * SPLIT0)
        npairs = nwin_c // (2 * NTILES)
        wbase = core * SPLIT0 + sub

        def issue_idx(t, sv, dv, sem):
            w = wbase + t * NTILES
            pltpu.async_copy(src_hbm.at[w], sv, sem)
            pltpu.async_copy(dst_hbm.at[w], dv, sem)

        def wait_idx(sv, dv, sem):
            pltpu.make_async_copy(src_hbm.at[0], sv, sem).wait()
            pltpu.make_async_copy(dst_hbm.at[0], dv, sem).wait()

        def compute_idx(sv, off):
            if n_chunks > 1:
                for kk in range(WIN // LANES):
                    sl = pl.ds(kk * LANES, LANES)
                    sv[0, sl] = sv[0, sl] + off

        def start_gather(sv, rows, sem):
            pltpu.async_copy(table_hbm.at[sv.at[0]], rows, sem)

        def wait_gather(sv, rows, sem):
            pltpu.make_async_copy(table_hbm.at[sv.at[0]], rows, sem).wait()

        def scatter(rows, dv):
            pltpu.sync_copy(rows, acc.at[dv.at[0]], add=True)

        @pl.loop(0, n_chunks)
        def _chunk(cidx):
            off = cidx * N
            pltpu.sync_copy(zero_hbm.at[pl.ds(r0, STRIPE)],
                            acc.at[pl.ds(r0, STRIPE)])
            plsc.subcore_barrier()

            issue_idx(0, src_a, dst_a, sem_ia)
            wait_idx(src_a, dst_a, sem_ia)
            compute_idx(src_a, off)
            start_gather(src_a, rows_a, sem_ga)
            issue_idx(1, src_b, dst_b, sem_ib)

            @pl.loop(0, npairs)
            def _it(k):
                not_last = k < (npairs - 1)
                wait_idx(src_b, dst_b, sem_ib)
                compute_idx(src_b, off)
                wait_gather(src_a, rows_a, sem_ga)
                start_gather(src_b, rows_b, sem_gb)
                scatter(rows_a, dst_a)

                @pl.when(not_last)
                def _():
                    issue_idx(2 * k + 2, src_a, dst_a, sem_ia)
                    wait_idx(src_a, dst_a, sem_ia)
                    compute_idx(src_a, off)

                wait_gather(src_b, rows_b, sem_gb)

                @pl.when(not_last)
                def _():
                    start_gather(src_a, rows_a, sem_ga)
                    issue_idx(2 * k + 3, src_b, dst_b, sem_ib)

                scatter(rows_b, dst_b)

            plsc.subcore_barrier()
            pltpu.sync_copy(acc.at[pl.ds(r0, STRIPE)],
                            out_hbm.at[core, cidx, pl.ds(r0, STRIPE)])

    return k(table_flat, src3, dst3, zeros)


def _tc_layer1(P1, x_pad, wl, wr, b):
    def body(p_ref, x_ref, wl_ref, wr_ref, b_ref, hf_ref, ht_ref, inv_ref):
        s = (p_ref[0].astype(jnp.float32)
             + p_ref[1].astype(jnp.float32))
        cnt = s[:, 3:4]
        inv = 1.0 / jnp.maximum(cnt, 1.0)
        mean = s * inv
        z = (jnp.dot(mean, wl_ref[...], preferred_element_type=jnp.float32)
             + jnp.dot(x_ref[...], wr_ref[...],
                       preferred_element_type=jnp.float32)
             + b_ref[...])
        h = jnp.maximum(z, 0.0)
        hf_ref[...] = h
        for c in range(NCH):
            ht_ref[c] = h[:, c * CF:(c + 1) * CF].astype(jnp.bfloat16)
        inv_ref[...] = inv

    return pl.pallas_call(
        body,
        grid=(GRID,),
        in_specs=[
            pl.BlockSpec((NSC, BR, 32), lambda i: (0, i, 0)),
            pl.BlockSpec((BR, 16), lambda i: (i, 0)),
            pl.BlockSpec((32, HID), lambda i: (0, 0)),
            pl.BlockSpec((16, HID), lambda i: (0, 0)),
            pl.BlockSpec((1, HID), lambda i: (0, 0)),
        ],
        out_specs=[
            pl.BlockSpec((BR, HID), lambda i: (i, 0)),
            pl.BlockSpec((NCH, BR, CF), lambda i: (0, i, 0)),
            pl.BlockSpec((BR, 1), lambda i: (i, 0)),
        ],
        out_shape=[
            jax.ShapeDtypeStruct((N, HID), jnp.float32),
            jax.ShapeDtypeStruct((NCH, N, CF), jnp.bfloat16),
            jax.ShapeDtypeStruct((N, 1), jnp.float32),
        ],
    )(P1, x_pad, wl, wr, b)


def _tc_layer2(P, hf, inv, wl, wr, b):
    def body(p_ref, h_ref, inv_ref, wl_ref, wr_ref, b_ref, hf_ref, ht_ref):
        mean = jnp.concatenate(
            [(p_ref[0, c].astype(jnp.float32)
              + p_ref[1, c].astype(jnp.float32)) for c in range(NCH)], axis=1)
        z = (jnp.dot((mean * inv_ref[...]).astype(jnp.bfloat16), wl_ref[...],
                     preferred_element_type=jnp.float32)
             + jnp.dot(h_ref[...].astype(jnp.bfloat16), wr_ref[...],
                       preferred_element_type=jnp.float32)
             + b_ref[...])
        h = jnp.maximum(z, 0.0)
        hf_ref[...] = h
        for c in range(NCH):
            ht_ref[c] = h[:, c * CF:(c + 1) * CF].astype(jnp.bfloat16)

    return pl.pallas_call(
        body,
        grid=(GRID,),
        in_specs=[
            pl.BlockSpec((NSC, NCH, BR, CF), lambda i: (0, 0, i, 0)),
            pl.BlockSpec((BR, HID), lambda i: (i, 0)),
            pl.BlockSpec((BR, 1), lambda i: (i, 0)),
            pl.BlockSpec((HID, HID), lambda i: (0, 0)),
            pl.BlockSpec((HID, HID), lambda i: (0, 0)),
            pl.BlockSpec((1, HID), lambda i: (0, 0)),
        ],
        out_specs=[
            pl.BlockSpec((BR, HID), lambda i: (i, 0)),
            pl.BlockSpec((NCH, BR, CF), lambda i: (0, i, 0)),
        ],
        out_shape=[
            jax.ShapeDtypeStruct((N, HID), jnp.float32),
            jax.ShapeDtypeStruct((NCH, N, CF), jnp.bfloat16),
        ],
    )(P, hf, inv, wl, wr, b)


def _tc_layer3_pool(P, hf, inv, wl, wr, b, batch2d):
    def body(p_ref, h_ref, inv_ref, wl_ref, wr_ref, b_ref, bat_ref, o_ref,
             psum, pcnt):
        i = pl.program_id(0)

        @pl.when(i == 0)
        def _():
            psum[...] = jnp.zeros_like(psum)
            pcnt[...] = jnp.zeros_like(pcnt)

        mean = jnp.concatenate(
            [(p_ref[0, c].astype(jnp.float32)
              + p_ref[1, c].astype(jnp.float32)) for c in range(NCH)], axis=1)
        z = (jnp.dot((mean * inv_ref[...]).astype(jnp.bfloat16), wl_ref[...],
                     preferred_element_type=jnp.float32)
             + jnp.dot(h_ref[...].astype(jnp.bfloat16), wr_ref[...],
                       preferred_element_type=jnp.float32)
             + b_ref[...])
        onehot = (bat_ref[...] ==
                  lax.broadcasted_iota(jnp.int32, (BR, NG), 1)
                  ).astype(jnp.float32)
        psum[...] += lax.dot_general(
            onehot, z, (((0,), (0,)), ((), ())),
            preferred_element_type=jnp.float32)
        pcnt[...] += lax.dot_general(
            onehot, jnp.ones((BR, 1), jnp.float32),
            (((0,), (0,)), ((), ())),
            preferred_element_type=jnp.float32)

        @pl.when(i == GRID - 1)
        def _():
            o_ref[...] = psum[...] / jnp.maximum(pcnt[...], 1.0)

    return pl.pallas_call(
        body,
        grid=(GRID,),
        in_specs=[
            pl.BlockSpec((NSC, NCH, BR, CF), lambda i: (0, 0, i, 0)),
            pl.BlockSpec((BR, HID), lambda i: (i, 0)),
            pl.BlockSpec((BR, 1), lambda i: (i, 0)),
            pl.BlockSpec((HID, OUT), lambda i: (0, 0)),
            pl.BlockSpec((HID, OUT), lambda i: (0, 0)),
            pl.BlockSpec((1, OUT), lambda i: (0, 0)),
            pl.BlockSpec((BR, 1), lambda i: (i, 0)),
        ],
        out_specs=pl.BlockSpec((NG, OUT), lambda i: (0, 0)),
        out_shape=jax.ShapeDtypeStruct((NG, OUT), jnp.float32),
        scratch_shapes=[
            pltpu.VMEM((NG, OUT), jnp.float32),
            pltpu.VMEM((NG, 1), jnp.float32),
        ],
    )(P, hf, inv, wl, wr, b, batch2d)


def kernel(x, edge_index, batch, W1l, W1r, b1, W2l, W2r, b2, W3l, W3r, b3):
    f32 = jnp.float32
    pad = E_PAD - E
    src3 = jnp.concatenate(
        [edge_index[0].astype(jnp.int32), jnp.zeros((pad,), jnp.int32)]
    ).reshape(NWIN, 1, WIN)
    dst3 = jnp.concatenate(
        [edge_index[1].astype(jnp.int32),
         N + jnp.arange(pad, dtype=jnp.int32) % (NPAD - N)]
    ).reshape(NWIN, 1, WIN)
    batch2d = batch.astype(jnp.int32).reshape(N, 1)

    bf16 = jnp.bfloat16
    x_pad = jnp.concatenate(
        [x.astype(f32), jnp.ones((N, 1), f32), jnp.zeros((N, 12), f32)],
        axis=1)
    x_sc = jnp.concatenate(
        [x.astype(bf16), jnp.ones((N, 1), bf16), jnp.zeros((N, 28), bf16)],
        axis=1)
    z32 = jnp.zeros((NPAD, 32), bf16)
    zcf = jnp.zeros((NPAD, CF), bf16)

    wl1 = jnp.zeros((32, HID), f32).at[:3].set(W1l.T)
    wr1 = jnp.zeros((16, HID), f32).at[:3].set(W1r.T)
    b1r = b1.reshape(1, HID)
    wl2, wr2, b2r = W2l.T.astype(bf16), W2r.T.astype(bf16), b2.reshape(1, HID)
    wl3, wr3, b3r = W3l.T.astype(bf16), W3r.T.astype(bf16), b3.reshape(1, OUT)

    P1 = _sc_seg_sum(x_sc, src3, dst3, z32, 1, 32, bf16)
    h1f, h1t, inv = _tc_layer1(P1.reshape(NSC, NPAD, 32), x_pad,
                               wl1, wr1, b1r)
    P2 = _sc_seg_sum(h1t.reshape(NCH * N, CF), src3, dst3, zcf, NCH, CF,
                     jnp.bfloat16)
    h2f, h2t = _tc_layer2(P2, h1f, inv, wl2, wr2, b2r)
    P3 = _sc_seg_sum(h2t.reshape(NCH * N, CF), src3, dst3, zcf, NCH, CF,
                     jnp.bfloat16)
    return _tc_layer3_pool(P3, h2f, inv, wl3, wr3, b3r, batch2d)

# --- scband reference (transcript-rebuilt; emitter-appended) ---
"""Pipeline reference for scband-simple-mesh-encoder-37220186587363 (READ-ONLY COPY).

The authoritative reference and input builder live on the scoring server;
editing this copy changes nothing except your own understanding.
"""

import jax, jax.numpy as jnp
import numpy as np

N_NODES = 50000
N_EDGES = 800000
N_GRAPHS = 8
HID = 256
OUT = 512


def _sage_conv(x, src, dst, Wl, bl, Wr, num_nodes):
    # PyG SAGEConv (aggr='mean'): out = lin_l(mean_j x_j) + lin_r(x_i)
    msgs = x[src]
    sums = jax.ops.segment_sum(msgs, dst, num_segments=num_nodes)
    cnt = jax.ops.segment_sum(jnp.ones((src.shape[0], 1), dtype=x.dtype), dst, num_segments=num_nodes)
    mean = sums / jnp.clip(cnt, 1.0)
    return mean @ Wl.T + bl + x @ Wr.T


def setup_inputs(seed: int = 0) -> dict:
    key = jax.random.key(seed)
    ks = jax.random.split(key, 12)
    x = jax.random.normal(ks[0], (N_NODES, 3), dtype=jnp.float32)
    edge_index = jax.random.randint(ks[1], (2, N_EDGES), 0, N_NODES, dtype=jnp.int64)
    batch = jnp.sort(jax.random.randint(ks[2], (N_NODES,), 0, N_GRAPHS, dtype=jnp.int64))
    def glorot(k, shape):
        fan_in = shape[1]
        return jax.random.normal(k, shape, dtype=jnp.float32) / np.sqrt(fan_in)
    W1l = glorot(ks[3], (HID, 3)); W1r = glorot(ks[4], (HID, 3)); b1 = jnp.zeros((HID,), jnp.float32)
    W2l = glorot(ks[5], (HID, HID)); W2r = glorot(ks[6], (HID, HID)); b2 = jnp.zeros((HID,), jnp.float32)
    W3l = glorot(ks[7], (OUT, HID)); W3r = glorot(ks[8], (OUT, HID)); b3 = jnp.zeros((OUT,), jnp.float32)
    return {"x": x, "edge_index": edge_index, "batch": batch,
            "W1l": W1l, "W1r": W1r, "b1": b1,
            "W2l": W2l, "W2r": W2r, "b2": b2,
            "W3l": W3l, "W3r": W3r, "b3": b3}


def reference(x, edge_index, batch, W1l, W1r, b1, W2l, W2r, b2, W3l, W3r, b3):
    src = edge_index[0]
    dst = edge_index[1]
    h = _sage_conv(x, src, dst, W1l, b1, W1r, N_NODES)
    h = jax.nn.relu(h)
    h = _sage_conv(h, src, dst, W2l, b2, W2r, N_NODES)
    h = jax.nn.relu(h)
    h = _sage_conv(h, src, dst, W3l, b3, W3r, N_NODES)
    # global_mean_pool over batch ids
    sums = jax.ops.segment_sum(h, batch, num_segments=N_GRAPHS)
    cnt = jax.ops.segment_sum(jnp.ones((N_NODES, 1), jnp.float32), batch, num_segments=N_GRAPHS)
    return sums / jnp.clip(cnt, 1.0)

if __name__ == "__main__":
    import jax
    _d = setup_inputs()
    print(jax.jit(kernel)(*tuple(_d.values())))

</pallas_src>

<mosaic_0001>
#map = affine_map<(d0, d1) -> (0, 0)>
#map1 = affine_map<(d0, d1) -> (0, 0, 0)>
#map2 = affine_map<(d0, d1) -> (0, 0, 0, 0)>
module attributes {stable_mosaic.version = 14 : i64} {
  func.func @k(%arg0: i32, %arg1: i32, %arg2: memref<50000x32xbf16, #tpu.memory_space<hbm>>, %arg3: memref<6400x1x128xi32, #tpu.memory_space<hbm>>, %arg4: memref<6400x1x128xi32, #tpu.memory_space<hbm>>, %arg5: memref<50048x32xbf16, #tpu.memory_space<hbm>>, %arg6: memref<2x1x50048x32xbf16, #tpu.memory_space<hbm>>, %arg7: memref<1x128xi32, #tpu.memory_space<vmem>>, %arg8: memref<1x128xi32, #tpu.memory_space<vmem>>, %arg9: memref<1x128xi32, #tpu.memory_space<vmem>>, %arg10: memref<1x128xi32, #tpu.memory_space<vmem>>, %arg11: memref<128x32xbf16, #tpu.memory_space<vmem>>, %arg12: memref<128x32xbf16, #tpu.memory_space<vmem>>, %arg13: memref<50048x32xbf16, #tpu.memory_space<vmem_shared>>, %arg14: memref<!tpu.dma_semaphore, #tpu.memory_space<semaphore_mem>>, %arg15: memref<!tpu.dma_semaphore, #tpu.memory_space<semaphore_mem>>, %arg16: memref<!tpu.dma_semaphore, #tpu.memory_space<semaphore_mem>>, %arg17: memref<!tpu.dma_semaphore, #tpu.memory_space<semaphore_mem>>) attributes {dimension_semantics = [#tpu.dimension_semantics<core_parallel>, #tpu.dimension_semantics<subcore_parallel>], iteration_bounds = array<i64: 2, 16>, scalar_prefetch = 0 : i64, scratch_operands = 11 : i64, tpu.core_type = #tpu.core_type<sc_vector_subcore>, window_params = [{transform_indices = #map}, {transform_indices = #map1}, {transform_indices = #map1}, {transform_indices = #map}, {transform_indices = #map2}]} {
    %mul3A = arith.constant 3128 : i32
    %mul3A_0 = arith.muli %arg1, %mul3A : i32
    %mul3A_1 = arith.constant -768 : i32
    %mul3A_2 = arith.muli %arg0, %mul3A_1 : i32
    %add3A = arith.constant 3584 : i32
    %add3A_3 = arith.addi %add3A, %mul3A_2 : i32
    %jit3A = arith.constant 32 : i32
    %div3A = arith.divsi %add3A_3, %jit3A : i32
    %sign3A = arith.constant 0 : i32
    %sign3A_4 = arith.cmpi sgt, %add3A_3, %sign3A : i32
    %sign3A_5 = arith.extui %sign3A_4 : i1 to i32
    %sign3A_6 = arith.constant 0 : i32
    %sign3A_7 = arith.cmpi slt, %add3A_3, %sign3A_6 : i32
    %sign3A_8 = arith.extui %sign3A_7 : i1 to i32
    %sign3A_9 = arith.subi %sign3A_5, %sign3A_8 : i32
    %sign3A_10 = arith.constant 0 : i32
    %sign3A_11 = arith.cmpi sgt, %jit3A, %sign3A_10 : i32
    %sign3A_12 = arith.extui %sign3A_11 : i1 to i32
    %sign3A_13 = arith.constant 0 : i32
    %sign3A_14 = arith.cmpi slt, %jit3A, %sign3A_13 : i32
    %sign3A_15 = arith.extui %sign3A_14 : i1 to i32
    %sign3A_16 = arith.subi %sign3A_12, %sign3A_15 : i32
    %ne3A = arith.cmpi ne, %sign3A_9, %sign3A_16 : i32
    %rem3A = arith.remsi %add3A_3, %jit3A : i32
    %ne3A_17 = arith.constant 0 : i32
    %ne3A_18 = arith.cmpi ne, %rem3A, %ne3A_17 : i32
    %and3A = arith.andi %ne3A, %ne3A_18 : i1
    %sub3A = arith.constant 1 : i32
    %sub3A_19 = arith.subi %div3A, %sub3A : i32
    %select_n3A = arith.select %and3A, %sub3A_19, %div3A : i32
    %mul3A_20 = arith.constant 3584 : i32
    %mul3A_21 = arith.muli %arg0, %mul3A_20 : i32
    %add3A_22 = arith.addi %mul3A_21, %arg1 : i32
    %scan3A = arith.constant 0 : i32
    %mul3A_23 = arith.constant 1 : i32
    %mul3A_24 = arith.muli %scan3A, %mul3A_23 : i32
    %add3A_25 = arith.constant 0 : i32
    %add3A_26 = arith.addi %add3A_25, %mul3A_24 : i32
    %mul3A_27 = arith.constant 50000 : i32
    %mul3A_28 = arith.muli %add3A_26, %mul3A_27 : i32
    "tpu.region"() ({
      %run_scoped3A = tpu.sem_alloc : memref<!tpu.dma_semaphore, #tpu.memory_space<semaphore_mem>>
      %dma_start3A_108 = arith.constant 0 : i32
      %dma_start3A_109 = tpu.memref_slice %arg13[%mul3A_0, %dma_start3A_108] : memref<50048x32xbf16, #tpu.memory_space<vmem_shared>> -> memref<3128x32xbf16, #tpu.memory_space<vmem_shared>>
      %dma_start3A_110 = arith.constant 0 : i32
      %dma_start3A_111 = tpu.memref_slice %arg5[%mul3A_0, %dma_start3A_110] : memref<50048x32xbf16, #tpu.memory_space<hbm>> -> memref<3128x32xbf16, #tpu.memory_space<hbm>>
      tpu.enqueue_dma source(%dma_start3A_111 : memref<3128x32xbf16, #tpu.memory_space<hbm>>) target(%dma_start3A_109 : memref<3128x32xbf16, #tpu.memory_space<vmem_shared>>) target_semaphore(%run_scoped3A : memref<!tpu.dma_semaphore, #tpu.memory_space<semaphore_mem>>)
      %dma_wait3A_112 = arith.constant 0 : i32
      %dma_wait3A_113 = tpu.memref_slice %arg13[%mul3A_0, %dma_wait3A_112] : memref<50048x32xbf16, #tpu.memory_space<vmem_shared>> -> memref<3128x32xbf16, #tpu.memory_space<vmem_shared>>
      %dma_wait3A_114 = arith.constant 0 : i32
      %dma_wait3A_115 = tpu.memref_slice %arg5[%mul3A_0, %dma_wait3A_114] : memref<50048x32xbf16, #tpu.memory_space<hbm>> -> memref<3128x32xbf16, #tpu.memory_space<hbm>>
      tpu.wait_dma2 semaphore(%run_scoped3A : memref<!tpu.dma_semaphore, #tpu.memory_space<semaphore_mem>>) src(%dma_wait3A_115 : memref<3128x32xbf16, #tpu.memory_space<hbm>>) dst(%dma_wait3A_113 : memref<3128x32xbf16, #tpu.memory_space<vmem_shared>>)
      tpu.yield
    }) : () -> ()
    %barrier3A = arith.constant 0 : index
    tpu.barrier barrier_id(%barrier3A)
    %add3A_29 = arith.constant 0 : i32
    %add3A_30 = arith.addi %add3A_22, %add3A_29 : i32
    %dma_start3A = arith.constant 0 : i32
    %dma_start3A_31 = arith.constant 0 : i32
    %dma_start3A_32 = tpu.memref_slice %arg3[%add3A_30, %dma_start3A, %dma_start3A_31] : memref<6400x1x128xi32, #tpu.memory_space<hbm>> -> memref<1x1x128xi32, #tpu.memory_space<hbm>>
    %dma_start3A_33 = tpu.memref_squeeze %dma_start3A_32 : memref<1x1x128xi32, #tpu.memory_space<hbm>> -> memref<1x128xi32, #tpu.memory_space<hbm>>
    %dma_start3A_34 = arith.constant 0 : i32
    %dma_start3A_35 = arith.constant 0 : i32
    %dma_start3A_36 = tpu.memref_slice %arg3[%add3A_30, %dma_start3A_34, %dma_start3A_35] : memref<6400x1x128xi32, #tpu.memory_space<hbm>> -> memref<1x1x128xi32, #tpu.memory_space<hbm>>
    %dma_start3A_37 = tpu.memref_squeeze %dma_start3A_36 : memref<1x1x128xi32, #tpu.memory_space<hbm>> -> memref<1x128xi32, #tpu.memory_space<hbm>>
    tpu.enqueue_dma source(%dma_start3A_37 : memref<1x128xi32, #tpu.memory_space<hbm>>) target(%arg7 : memref<1x128xi32, #tpu.memory_space<vmem>>) target_semaphore(%arg14 : memref<!tpu.dma_semaphore, #tpu.memory_space<semaphore_mem>>)
    %dma_start3A_38 = arith.constant 0 : i32
    %dma_start3A_39 = arith.constant 0 : i32
    %dma_start3A_40 = tpu.memref_slice %arg4[%add3A_30, %dma_start3A_38, %dma_start3A_39] : memref<6400x1x128xi32, #tpu.memory_space<hbm>> -> memref<1x1x128xi32, #tpu.memory_space<hbm>>
    %dma_start3A_41 = tpu.memref_squeeze %dma_start3A_40 : memref<1x1x128xi32, #tpu.memory_space<hbm>> -> memref<1x128xi32, #tpu.memory_space<hbm>>
    %dma_start3A_42 = arith.constant 0 : i32
    %dma_start3A_43 = arith.constant 0 : i32
    %dma_start3A_44 = tpu.memref_slice %arg4[%add3A_30, %dma_start3A_42, %dma_start3A_43] : memref<6400x1x128xi32, #tpu.memory_space<hbm>> -> memref<1x1x128xi32, #tpu.memory_space<hbm>>
    %dma_start3A_45 = tpu.memref_squeeze %dma_start3A_44 : memref<1x1x128xi32, #tpu.memory_space<hbm>> -> memref<1x128xi32, #tpu.memory_space<hbm>>
    tpu.enqueue_dma source(%dma_start3A_45 : memref<1x128xi32, #tpu.memory_space<hbm>>) target(%arg8 : memref<1x128xi32, #tpu.memory_space<vmem>>) target_semaphore(%arg14 : memref<!tpu.dma_semaphore, #tpu.memory_space<semaphore_mem>>)
    %dma_wait3A = arith.constant 0 : i32
    %dma_wait3A_46 = arith.constant 0 : i32
    %dma_wait3A_47 = arith.constant 0 : i32
    %dma_wait3A_48 = tpu.memref_slice %arg3[%dma_wait3A, %dma_wait3A_46, %dma_wait3A_47] : memref<6400x1x128xi32, #tpu.memory_space<hbm>> -> memref<1x1x128xi32, #tpu.memory_space<hbm>>
    %dma_wait3A_49 = tpu.memref_squeeze %dma_wait3A_48 : memref<1x1x128xi32, #tpu.memory_space<hbm>> -> memref<1x128xi32, #tpu.memory_space<hbm>>
    %dma_wait3A_50 = arith.constant 0 : i32
    %dma_wait3A_51 = arith.constant 0 : i32
    %dma_wait3A_52 = tpu.memref_slice %arg3[%dma_wait3A, %dma_wait3A_50, %dma_wait3A_51] : memref<6400x1x128xi32, #tpu.memory_space<hbm>> -> memref<1x1x128xi32, #tpu.memory_space<hbm>>
    %dma_wait3A_53 = tpu.memref_squeeze %dma_wait3A_52 : memref<1x1x128xi32, #tpu.memory_space<hbm>> -> memref<1x128xi32, #tpu.memory_space<hbm>>
    tpu.wait_dma2 semaphore(%arg14 : memref<!tpu.dma_semaphore, #tpu.memory_space<semaphore_mem>>) src(%dma_wait3A_53 : memref<1x128xi32, #tpu.memory_space<hbm>>) dst(%arg7 : memref<1x128xi32, #tpu.memory_space<vmem>>)
    %dma_wait3A_54 = arith.constant 0 : i32
    %dma_wait3A_55 = arith.constant 0 : i32
    %dma_wait3A_56 = arith.constant 0 : i32
    %dma_wait3A_57 = tpu.memref_slice %arg4[%dma_wait3A_54, %dma_wait3A_55, %dma_wait3A_56] : memref<6400x1x128xi32, #tpu.memory_space<hbm>> -> memref<1x1x128xi32, #tpu.memory_space<hbm>>
    %dma_wait3A_58 = tpu.memref_squeeze %dma_wait3A_57 : memref<1x1x128xi32, #tpu.memory_space<hbm>> -> memref<1x128xi32, #tpu.memory_space<hbm>>
    %dma_wait3A_59 = arith.constant 0 : i32
    %dma_wait3A_60 = arith.constant 0 : i32
    %dma_wait3A_61 = tpu.memref_slice %arg4[%dma_wait3A_54, %dma_wait3A_59, %dma_wait3A_60] : memref<6400x1x128xi32, #tpu.memory_space<hbm>> -> memref<1x1x128xi32, #tpu.memory_space<hbm>>
    %dma_wait3A_62 = tpu.memref_squeeze %dma_wait3A_61 : memref<1x1x128xi32, #tpu.memory_space<hbm>> -> memref<1x128xi32, #tpu.memory_space<hbm>>
    tpu.wait_dma2 semaphore(%arg14 : memref<!tpu.dma_semaphore, #tpu.memory_space<semaphore_mem>>) src(%dma_wait3A_62 : memref<1x128xi32, #tpu.memory_space<hbm>>) dst(%arg8 : memref<1x128xi32, #tpu.memory_space<vmem>>)
    %dma_start3A_63 = arith.constant 0 : i32
    %dma_start3A_64 = arith.constant 0 : i32
    %dma_start3A_65 = tpu.memref_slice %arg7[%dma_start3A_63, %dma_start3A_64] : memref<1x128xi32, #tpu.memory_space<vmem>> -> memref<1x128xi32, #tpu.memory_space<vmem>>
    %dma_start3A_66 = tpu.memref_squeeze %dma_start3A_65 : memref<1x128xi32, #tpu.memory_space<vmem>> -> memref<128xi32, #tpu.memory_space<vmem>>
    %dma_start3A_67 = arith.constant 0 : i32
    %dma_start3A_68 = arith.constant 0 : i32
    %dma_start3A_69 = tpu.memref_slice %arg2[%dma_start3A_67, %dma_start3A_68] : memref<50000x32xbf16, #tpu.memory_space<hbm>> -> memref<50000x32xbf16, #tpu.memory_space<hbm>>
    tpu.enqueue_indirect_dma source(%dma_start3A_69 : memref<50000x32xbf16, #tpu.memory_space<hbm>>) target(%arg11 : memref<128x32xbf16, #tpu.memory_space<vmem>>) offsets(%dma_start3A_66 : memref<128xi32, #tpu.memory_space<vmem>>) semaphore(%arg16 : memref<!tpu.dma_semaphore, #tpu.memory_space<semaphore_mem>>)
    %add3A_70 = arith.constant 16 : i32
    %add3A_71 = arith.addi %add3A_22, %add3A_70 : i32
    %dma_start3A_72 = arith.constant 0 : i32
    %dma_start3A_73 = arith.constant 0 : i32
    %dma_start3A_74 = tpu.memref_slice %arg3[%add3A_71, %dma_start3A_72, %dma_start3A_73] : memref<6400x1x128xi32, #tpu.memory_space<hbm>> -> memref<1x1x128xi32, #tpu.memory_space<hbm>>
    %dma_start3A_75 = tpu.memref_squeeze %dma_start3A_74 : memref<1x1x128xi32, #tpu.memory_space<hbm>> -> memref<1x128xi32, #tpu.memory_space<hbm>>
    %dma_start3A_76 = arith.constant 0 : i32
    %dma_start3A_77 = arith.constant 0 : i32
    %dma_start3A_78 = tpu.memref_slice %arg3[%add3A_71, %dma_start3A_76, %dma_start3A_77] : memref<6400x1x128xi32, #tpu.memory_space<hbm>> -> memref<1x1x128xi32, #tpu.memory_space<hbm>>
    %dma_start3A_79 = tpu.memref_squeeze %dma_start3A_78 : memref<1x1x128xi32, #tpu.memory_space<hbm>> -> memref<1x128xi32, #tpu.memory_space<hbm>>
    tpu.enqueue_dma source(%dma_start3A_79 : memref<1x128xi32, #tpu.memory_space<hbm>>) target(%arg9 : memref<1x128xi32, #tpu.memory_space<vmem>>) target_semaphore(%arg15 : memref<!tpu.dma_semaphore, #tpu.memory_space<semaphore_mem>>)
    %dma_start3A_80 = arith.constant 0 : i32
    %dma_start3A_81 = arith.constant 0 : i32
    %dma_start3A_82 = tpu.memref_slice %arg4[%add3A_71, %dma_start3A_80, %dma_start3A_81] : memref<6400x1x128xi32, #tpu.memory_space<hbm>> -> memref<1x1x128xi32, #tpu.memory_space<hbm>>
    %dma_start3A_83 = tpu.memref_squeeze %dma_start3A_82 : memref<1x1x128xi32, #tpu.memory_space<hbm>> -> memref<1x128xi32, #tpu.memory_space<hbm>>
    %dma_start3A_84 = arith.constant 0 : i32
    %dma_start3A_85 = arith.constant 0 : i32
    %dma_start3A_86 = tpu.memref_slice %arg4[%add3A_71, %dma_start3A_84, %dma_start3A_85] : memref<6400x1x128xi32, #tpu.memory_space<hbm>> -> memref<1x1x128xi32, #tpu.memory_space<hbm>>
    %dma_start3A_87 = tpu.memref_squeeze %dma_start3A_86 : memref<1x1x128xi32, #tpu.memory_space<hbm>> -> memref<1x128xi32, #tpu.memory_space<hbm>>
    tpu.enqueue_dma source(%dma_start3A_87 : memref<1x128xi32, #tpu.memory_space<hbm>>) target(%arg10 : memref<1x128xi32, #tpu.memory_space<vmem>>) target_semaphore(%arg15 : memref<!tpu.dma_semaphore, #tpu.memory_space<semaphore_mem>>)
    %sub3A_88 = arith.constant 0 : i32
    %sub3A_89 = arith.subi %select_n3A, %sub3A_88 : i32
    %sub3A_90 = arith.constant 1 : i32
    %sub3A_91 = arith.constant 1 : i32
    %sub3A_92 = arith.subi %sub3A_90, %sub3A_91 : i32
    %add3A_93 = arith.addi %sub3A_89, %sub3A_92 : i32
    %div3A_94 = arith.constant 1 : i32
    %div3A_95 = arith.divsi %add3A_93, %div3A_94 : i32
    %while3A = arith.constant 1 : i32
    %while3A_96 = arith.constant 0 : i32
    %while3A_97 = arith.constant 0 : i32
    %while3A_98 = arith.subi %div3A_95, %while3A_97 : i32
    %while3A_99 = arith.addi %while3A_97, %while3A_98 : i32
    %while3A_100 = arith.constant 1 : i32
    %while3A_101 = arith.divsi %while3A_98, %while3A_100 : i32
    %while3A_102 = arith.muli %while3A_101, %while3A_100 : i32
    %while3A_103 = arith.addi %while3A_97, %while3A_102 : i32
    %while3A_104 = arith.constant 1 : i32
    scf.for %while3A_108 = %while3A_97 to %while3A_103 step %while3A_104  : i32 {
      %mul3A_109 = arith.muli %while3A_108, %while3A : i32
      %add3A_110 = arith.addi %while3A_96, %mul3A_109 : i32
      %sub3A_111 = arith.constant 1 : i32
      %sub3A_112 = arith.subi %select_n3A, %sub3A_111 : i32
      %lt3A = arith.cmpi slt, %add3A_110, %sub3A_112 : i32
      %dma_wait3A_113 = arith.constant 0 : i32
      %dma_wait3A_114 = arith.constant 0 : i32
      %dma_wait3A_115 = arith.constant 0 : i32
      %dma_wait3A_116 = tpu.memref_slice %arg3[%dma_wait3A_113, %dma_wait3A_114, %dma_wait3A_115] : memref<6400x1x128xi32, #tpu.memory_space<hbm>> -> memref<1x1x128xi32, #tpu.memory_space<hbm>>
      %dma_wait3A_117 = tpu.memref_squeeze %dma_wait3A_116 : memref<1x1x128xi32, #tpu.memory_space<hbm>> -> memref<1x128xi32, #tpu.memory_space<hbm>>
      %dma_wait3A_118 = arith.constant 0 : i32
      %dma_wait3A_119 = arith.constant 0 : i32
      %dma_wait3A_120 = tpu.memref_slice %arg3[%dma_wait3A_113, %dma_wait3A_118, %dma_wait3A_119] : memref<6400x1x128xi32, #tpu.memory_space<hbm>> -> memref<1x1x128xi32, #tpu.memory_space<hbm>>
      %dma_wait3A_121 = tpu.memref_squeeze %dma_wait3A_120 : memref<1x1x128xi32, #tpu.memory_space<hbm>> -> memref<1x128xi32, #tpu.memory_space<hbm>>
      tpu.wait_dma2 semaphore(%arg15 : memref<!tpu.dma_semaphore, #tpu.memory_space<semaphore_mem>>) src(%dma_wait3A_121 : memref<1x128xi32, #tpu.memory_space<hbm>>) dst(%arg9 : memref<1x128xi32, #tpu.memory_space<vmem>>)
      %dma_wait3A_122 = arith.constant 0 : i32
      %dma_wait3A_123 = arith.constant 0 : i32
      %dma_wait3A_124 = arith.constant 0 : i32
      %dma_wait3A_125 = tpu.memref_slice %arg4[%dma_wait3A_122, %dma_wait3A_123, %dma_wait3A_124] : memref<6400x1x128xi32, #tpu.memory_space<hbm>> -> memref<1x1x128xi32, #tpu.memory_space<hbm>>
      %dma_wait3A_126 = tpu.memref_squeeze %dma_wait3A_125 : memref<1x1x128xi32, #tpu.memory_space<hbm>> -> memref<1x128xi32, #tpu.memory_space<hbm>>
      %dma_wait3A_127 = arith.constant 0 : i32
      %dma_wait3A_128 = arith.constant 0 : i32
      %dma_wait3A_129 = tpu.memref_slice %arg4[%dma_wait3A_122, %dma_wait3A_127, %dma_wait3A_128] : memref<6400x1x128xi32, #tpu.memory_space<hbm>> -> memref<1x1x128xi32, #tpu.memory_space<hbm>>
      %dma_wait3A_130 = tpu.memref_squeeze %dma_wait3A_129 : memref<1x1x128xi32, #tpu.memory_space<hbm>> -> memref<1x128xi32, #tpu.memory_space<hbm>>
      tpu.wait_dma2 semaphore(%arg15 : memref<!tpu.dma_semaphore, #tpu.memory_space<semaphore_mem>>) src(%dma_wait3A_130 : memref<1x128xi32, #tpu.memory_space<hbm>>) dst(%arg10 : memref<1x128xi32, #tpu.memory_space<vmem>>)
      %dma_wait3A_131 = arith.constant 0 : i32
      %dma_wait3A_132 = arith.constant 0 : i32
      %dma_wait3A_133 = tpu.memref_slice %arg7[%dma_wait3A_131, %dma_wait3A_132] : memref<1x128xi32, #tpu.memory_space<vmem>> -> memref<1x128xi32, #tpu.memory_space<vmem>>
      %dma_wait3A_134 = tpu.memref_squeeze %dma_wait3A_133 : memref<1x128xi32, #tpu.memory_space<vmem>> -> memref<128xi32, #tpu.memory_space<vmem>>
      %dma_wait3A_135 = arith.constant 0 : i32
      %dma_wait3A_136 = arith.constant 0 : i32
      %dma_wait3A_137 = tpu.memref_slice %arg2[%dma_wait3A_135, %dma_wait3A_136] : memref<50000x32xbf16, #tpu.memory_space<hbm>> -> memref<50000x32xbf16, #tpu.memory_space<hbm>>
      tpu.wait_indirect_dma semaphore(%arg16 : memref<!tpu.dma_semaphore, #tpu.memory_space<semaphore_mem>>) src(%dma_wait3A_137 : memref<50000x32xbf16, #tpu.memory_space<hbm>>) dst(%arg11 : memref<128x32xbf16, #tpu.memory_space<vmem>>)
      %dma_start3A_138 = arith.constant 0 : i32
      %dma_start3A_139 = arith.constant 0 : i32
      %dma_start3A_140 = tpu.memref_slice %arg9[%dma_start3A_138, %dma_start3A_139] : memref<1x128xi32, #tpu.memory_space<vmem>> -> memref<1x128xi32, #tpu.memory_space<vmem>>
      %dma_start3A_141 = tpu.memref_squeeze %dma_start3A_140 : memref<1x128xi32, #tpu.memory_space<vmem>> -> memref<128xi32, #tpu.memory_space<vmem>>
      %dma_start3A_142 = arith.constant 0 : i32
      %dma_start3A_143 = arith.constant 0 : i32
      %dma_start3A_144 = tpu.memref_slice %arg2[%dma_start3A_142, %dma_start3A_143] : memref<50000x32xbf16, #tpu.memory_space<hbm>> -> memref<50000x32xbf16, #tpu.memory_space<hbm>>
      tpu.enqueue_indirect_dma source(%dma_start3A_144 : memref<50000x32xbf16, #tpu.memory_space<hbm>>) target(%arg12 : memref<128x32xbf16, #tpu.memory_space<vmem>>) offsets(%dma_start3A_141 : memref<128xi32, #tpu.memory_space<vmem>>) semaphore(%arg17 : memref<!tpu.dma_semaphore, #tpu.memory_space<semaphore_mem>>)
      %run_scoped3A = arith.constant 0 : i32
      "tpu.region"() ({
        %run_scoped3A_157 = tpu.sem_alloc : memref<!tpu.dma_semaphore, #tpu.memory_space<semaphore_mem>>
        %dma_start3A_158 = arith.constant 0 : i32
        %dma_start3A_159 = tpu.memref_slice %arg8[%run_scoped3A, %dma_start3A_158] : memref<1x128xi32, #tpu.memory_space<vmem>> -> memref<1x128xi32, #tpu.memory_space<vmem>>
        %dma_start3A_160 = tpu.memref_squeeze %dma_start3A_159 : memref<1x128xi32, #tpu.memory_space<vmem>> -> memref<128xi32, #tpu.memory_space<vmem>>
        %dma_start3A_161 = arith.constant 0 : i32
        %dma_start3A_162 = arith.constant 0 : i32
        %dma_start3A_163 = tpu.memref_slice %arg13[%dma_start3A_161, %dma_start3A_162] : memref<50048x32xbf16, #tpu.memory_space<vmem_shared>> -> memref<50048x32xbf16, #tpu.memory_space<vmem_shared>>
        tpu.enqueue_indirect_dma source(%arg11 : memref<128x32xbf16, #tpu.memory_space<vmem>>) target(%dma_start3A_163 : memref<50048x32xbf16, #tpu.memory_space<vmem_shared>>) offsets(%dma_start3A_160 : memref<128xi32, #tpu.memory_space<vmem>>) semaphore(%run_scoped3A_157 : memref<!tpu.dma_semaphore, #tpu.memory_space<semaphore_mem>>) {add = true}
        %dma_wait3A_164 = arith.constant 0 : i32
        %dma_wait3A_165 = tpu.memref_slice %arg8[%run_scoped3A, %dma_wait3A_164] : memref<1x128xi32, #tpu.memory_space<vmem>> -> memref<1x128xi32, #tpu.memory_space<vmem>>
        %dma_wait3A_166 = tpu.memref_squeeze %dma_wait3A_165 : memref<1x128xi32, #tpu.memory_space<vmem>> -> memref<128xi32, #tpu.memory_space<vmem>>
        %dma_wait3A_167 = arith.constant 0 : i32
        %dma_wait3A_168 = arith.constant 0 : i32
        %dma_wait3A_169 = tpu.memref_slice %arg13[%dma_wait3A_167, %dma_wait3A_168] : memref<50048x32xbf16, #tpu.memory_space<vmem_shared>> -> memref<50048x32xbf16, #tpu.memory_space<vmem_shared>>
        tpu.wait_indirect_dma semaphore(%run_scoped3A_157 : memref<!tpu.dma_semaphore, #tpu.memory_space<semaphore_mem>>) src(%arg11 : memref<128x32xbf16, #tpu.memory_space<vmem>>) dst(%dma_wait3A_169 : memref<50048x32xbf16, #tpu.memory_space<vmem_shared>>)
        tpu.yield
      }) : () -> ()
      %convert_element_type3A = arith.extui %lt3A : i1 to i32
      %cond3A = arith.constant 0 : i32
      %cond3A_145 = arith.cmpi ne, %convert_element_type3A, %cond3A : i32
      scf.if %cond3A_145 {
        %mul3A_157 = arith.constant 2 : i32
        %mul3A_158 = arith.muli %mul3A_157, %add3A_110 : i32
        %add3A_159 = arith.constant 2 : i32
        %add3A_160 = arith.addi %mul3A_158, %add3A_159 : i32
        %mul3A_161 = arith.constant 16 : i32
        %mul3A_162 = arith.muli %add3A_160, %mul3A_161 : i32
        %add3A_163 = arith.addi %add3A_22, %mul3A_162 : i32
        %dma_start3A_164 = arith.constant 0 : i32
        %dma_start3A_165 = arith.constant 0 : i32
        %dma_start3A_166 = tpu.memref_slice %arg3[%add3A_163, %dma_start3A_164, %dma_start3A_165] : memref<6400x1x128xi32, #tpu.memory_space<hbm>> -> memref<1x1x128xi32, #tpu.memory_space<hbm>>
        %dma_start3A_167 = tpu.memref_squeeze %dma_start3A_166 : memref<1x1x128xi32, #tpu.memory_space<hbm>> -> memref<1x128xi32, #tpu.memory_space<hbm>>
        %dma_start3A_168 = arith.constant 0 : i32
        %dma_start3A_169 = arith.constant 0 : i32
        %dma_start3A_170 = tpu.memref_slice %arg3[%add3A_163, %dma_start3A_168, %dma_start3A_169] : memref<6400x1x128xi32, #tpu.memory_space<hbm>> -> memref<1x1x128xi32, #tpu.memory_space<hbm>>
        %dma_start3A_171 = tpu.memref_squeeze %dma_start3A_170 : memref<1x1x128xi32, #tpu.memory_space<hbm>> -> memref<1x128xi32, #tpu.memory_space<hbm>>
        tpu.enqueue_dma source(%dma_start3A_171 : memref<1x128xi32, #tpu.memory_space<hbm>>) target(%arg7 : memref<1x128xi32, #tpu.memory_space<vmem>>) target_semaphore(%arg14 : memref<!tpu.dma_semaphore, #tpu.memory_space<semaphore_mem>>)
        %dma_start3A_172 = arith.constant 0 : i32
        %dma_start3A_173 = arith.constant 0 : i32
        %dma_start3A_174 = tpu.memref_slice %arg4[%add3A_163, %dma_start3A_172, %dma_start3A_173] : memref<6400x1x128xi32, #tpu.memory_space<hbm>> -> memref<1x1x128xi32, #tpu.memory_space<hbm>>
        %dma_start3A_175 = tpu.memref_squeeze %dma_start3A_174 : memref<1x1x128xi32, #tpu.memory_space<hbm>> -> memref<1x128xi32, #tpu.memory_space<hbm>>
        %dma_start3A_176 = arith.constant 0 : i32
        %dma_start3A_177 = arith.constant 0 : i32
        %dma_start3A_178 = tpu.memref_slice %arg4[%add3A_163, %dma_start3A_176, %dma_start3A_177] : memref<6400x1x128xi32, #tpu.memory_space<hbm>> -> memref<1x1x128xi32, #tpu.memory_space<hbm>>
        %dma_start3A_179 = tpu.memref_squeeze %dma_start3A_178 : memref<1x1x128xi32, #tpu.memory_space<hbm>> -> memref<1x128xi32, #tpu.memory_space<hbm>>
        tpu.enqueue_dma source(%dma_start3A_179 : memref<1x128xi32, #tpu.memory_space<hbm>>) target(%arg8 : memref<1x128xi32, #tpu.memory_space<vmem>>) target_semaphore(%arg14 : memref<!tpu.dma_semaphore, #tpu.memory_space<semaphore_mem>>)
        %dma_wait3A_180 = arith.constant 0 : i32
        %dma_wait3A_181 = arith.constant 0 : i32
        %dma_wait3A_182 = arith.constant 0 : i32
        %dma_wait3A_183 = tpu.memref_slice %arg3[%dma_wait3A_180, %dma_wait3A_181, %dma_wait3A_182] : memref<6400x1x128xi32, #tpu.memory_space<hbm>> -> memref<1x1x128xi32, #tpu.memory_space<hbm>>
        %dma_wait3A_184 = tpu.memref_squeeze %dma_wait3A_183 : memref<1x1x128xi32, #tpu.memory_space<hbm>> -> memref<1x128xi32, #tpu.memory_space<hbm>>
        %dma_wait3A_185 = arith.constant 0 : i32
        %dma_wait3A_186 = arith.constant 0 : i32
        %dma_wait3A_187 = tpu.memref_slice %arg3[%dma_wait3A_180, %dma_wait3A_185, %dma_wait3A_186] : memref<6400x1x128xi32, #tpu.memory_space<hbm>> -> memref<1x1x128xi32, #tpu.memory_space<hbm>>
        %dma_wait3A_188 = tpu.memref_squeeze %dma_wait3A_187 : memref<1x1x128xi32, #tpu.memory_space<hbm>> -> memref<1x128xi32, #tpu.memory_space<hbm>>
        tpu.wait_dma2 semaphore(%arg14 : memref<!tpu.dma_semaphore, #tpu.memory_space<semaphore_mem>>) src(%dma_wait3A_188 : memref<1x128xi32, #tpu.memory_space<hbm>>) dst(%arg7 : memref<1x128xi32, #tpu.memory_space<vmem>>)
        %dma_wait3A_189 = arith.constant 0 : i32
        %dma_wait3A_190 = arith.constant 0 : i32
        %dma_wait3A_191 = arith.constant 0 : i32
        %dma_wait3A_192 = tpu.memref_slice %arg4[%dma_wait3A_189, %dma_wait3A_190, %dma_wait3A_191] : memref<6400x1x128xi32, #tpu.memory_space<hbm>> -> memref<1x1x128xi32, #tpu.memory_space<hbm>>
        %dma_wait3A_193 = tpu.memref_squeeze %dma_wait3A_192 : memref<1x1x128xi32, #tpu.memory_space<hbm>> -> memref<1x128xi32, #tpu.memory_space<hbm>>
        %dma_wait3A_194 = arith.constant 0 : i32
        %dma_wait3A_195 = arith.constant 0 : i32
        %dma_wait3A_196 = tpu.memref_slice %arg4[%dma_wait3A_189, %dma_wait3A_194, %dma_wait3A_195] : memref<6400x1x128xi32, #tpu.memory_space<hbm>> -> memref<1x1x128xi32, #tpu.memory_space<hbm>>
        %dma_wait3A_197 = tpu.memref_squeeze %dma_wait3A_196 : memref<1x1x128xi32, #tpu.memory_space<hbm>> -> memref<1x128xi32, #tpu.memory_space<hbm>>
        tpu.wait_dma2 semaphore(%arg14 : memref<!tpu.dma_semaphore, #tpu.memory_space<semaphore_mem>>) src(%dma_wait3A_197 : memref<1x128xi32, #tpu.memory_space<hbm>>) dst(%arg8 : memref<1x128xi32, #tpu.memory_space<vmem>>)
      } else {
      }
      %dma_wait3A_146 = arith.constant 0 : i32
      %dma_wait3A_147 = arith.constant 0 : i32
      %dma_wait3A_148 = tpu.memref_slice %arg9[%dma_wait3A_146, %dma_wait3A_147] : memref<1x128xi32, #tpu.memory_space<vmem>> -> memref<1x128xi32, #tpu.memory_space<vmem>>
      %dma_wait3A_149 = tpu.memref_squeeze %dma_wait3A_148 : memref<1x128xi32, #tpu.memory_space<vmem>> -> memref<128xi32, #tpu.memory_space<vmem>>
      %dma_wait3A_150 = arith.constant 0 : i32
      %dma_wait3A_151 = arith.constant 0 : i32
      %dma_wait3A_152 = tpu.memref_slice %arg2[%dma_wait3A_150, %dma_wait3A_151] : memref<50000x32xbf16, #tpu.memory_space<hbm>> -> memref<50000x32xbf16, #tpu.memory_space<hbm>>
      tpu.wait_indirect_dma semaphore(%arg17 : memref<!tpu.dma_semaphore, #tpu.memory_space<semaphore_mem>>) src(%dma_wait3A_152 : memref<50000x32xbf16, #tpu.memory_space<hbm>>) dst(%arg12 : memref<128x32xbf16, #tpu.memory_space<vmem>>)
      %convert_element_type3A_153 = arith.extui %lt3A : i1 to i32
      %cond3A_154 = arith.constant 0 : i32
      %cond3A_155 = arith.cmpi ne, %convert_element_type3A_153, %cond3A_154 : i32
      scf.if %cond3A_155 {
        %dma_start3A_157 = arith.constant 0 : i32
        %dma_start3A_158 = arith.constant 0 : i32
        %dma_start3A_159 = tpu.memref_slice %arg7[%dma_start3A_157, %dma_start3A_158] : memref<1x128xi32, #tpu.memory_space<vmem>> -> memref<1x128xi32, #tpu.memory_space<vmem>>
        %dma_start3A_160 = tpu.memref_squeeze %dma_start3A_159 : memref<1x128xi32, #tpu.memory_space<vmem>> -> memref<128xi32, #tpu.memory_space<vmem>>
        %dma_start3A_161 = arith.constant 0 : i32
        %dma_start3A_162 = arith.constant 0 : i32
        %dma_start3A_163 = tpu.memref_slice %arg2[%dma_start3A_161, %dma_start3A_162] : memref<50000x32xbf16, #tpu.memory_space<hbm>> -> memref<50000x32xbf16, #tpu.memory_space<hbm>>
        tpu.enqueue_indirect_dma source(%dma_start3A_163 : memref<50000x32xbf16, #tpu.memory_space<hbm>>) target(%arg11 : memref<128x32xbf16, #tpu.memory_space<vmem>>) offsets(%dma_start3A_160 : memref<128xi32, #tpu.memory_space<vmem>>) semaphore(%arg16 : memref<!tpu.dma_semaphore, #tpu.memory_space<semaphore_mem>>)
        %mul3A_164 = arith.constant 2 : i32
        %mul3A_165 = arith.muli %mul3A_164, %add3A_110 : i32
        %add3A_166 = arith.constant 3 : i32
        %add3A_167 = arith.addi %mul3A_165, %add3A_166 : i32
        %mul3A_168 = arith.constant 16 : i32
        %mul3A_169 = arith.muli %add3A_167, %mul3A_168 : i32
        %add3A_170 = arith.addi %add3A_22, %mul3A_169 : i32
        %dma_start3A_171 = arith.constant 0 : i32
        %dma_start3A_172 = arith.constant 0 : i32
        %dma_start3A_173 = tpu.memref_slice %arg3[%add3A_170, %dma_start3A_171, %dma_start3A_172] : memref<6400x1x128xi32, #tpu.memory_space<hbm>> -> memref<1x1x128xi32, #tpu.memory_space<hbm>>
        %dma_start3A_174 = tpu.memref_squeeze %dma_start3A_173 : memref<1x1x128xi32, #tpu.memory_space<hbm>> -> memref<1x128xi32, #tpu.memory_space<hbm>>
        %dma_start3A_175 = arith.constant 0 : i32
        %dma_start3A_176 = arith.constant 0 : i32
        %dma_start3A_177 = tpu.memref_slice %arg3[%add3A_170, %dma_start3A_175, %dma_start3A_176] : memref<6400x1x128xi32, #tpu.memory_space<hbm>> -> memref<1x1x128xi32, #tpu.memory_space<hbm>>
        %dma_start3A_178 = tpu.memref_squeeze %dma_start3A_177 : memref<1x1x128xi32, #tpu.memory_space<hbm>> -> memref<1x128xi32, #tpu.memory_space<hbm>>
        tpu.enqueue_dma source(%dma_start3A_178 : memref<1x128xi32, #tpu.memory_space<hbm>>) target(%arg9 : memref<1x128xi32, #tpu.memory_space<vmem>>) target_semaphore(%arg15 : memref<!tpu.dma_semaphore, #tpu.memory_space<semaphore_mem>>)
        %dma_start3A_179 = arith.constant 0 : i32
        %dma_start3A_180 = arith.constant 0 : i32
        %dma_start3A_181 = tpu.memref_slice %arg4[%add3A_170, %dma_start3A_179, %dma_start3A_180] : memref<6400x1x128xi32, #tpu.memory_space<hbm>> -> memref<1x1x128xi32, #tpu.memory_space<hbm>>
        %dma_start3A_182 = tpu.memref_squeeze %dma_start3A_181 : memref<1x1x128xi32, #tpu.memory_space<hbm>> -> memref<1x128xi32, #tpu.memory_space<hbm>>
        %dma_start3A_183 = arith.constant 0 : i32
        %dma_start3A_184 = arith.constant 0 : i32
        %dma_start3A_185 = tpu.memref_slice %arg4[%add3A_170, %dma_start3A_183, %dma_start3A_184] : memref<6400x1x128xi32, #tpu.memory_space<hbm>> -> memref<1x1x128xi32, #tpu.memory_space<hbm>>
        %dma_start3A_186 = tpu.memref_squeeze %dma_start3A_185 : memref<1x1x128xi32, #tpu.memory_space<hbm>> -> memref<1x128xi32, #tpu.memory_space<hbm>>
        tpu.enqueue_dma source(%dma_start3A_186 : memref<1x128xi32, #tpu.memory_space<hbm>>) target(%arg10 : memref<1x128xi32, #tpu.memory_space<vmem>>) target_semaphore(%arg15 : memref<!tpu.dma_semaphore, #tpu.memory_space<semaphore_mem>>)
      } else {
      }
      %run_scoped3A_156 = arith.constant 0 : i32
      "tpu.region"() ({
        %run_scoped3A_157 = tpu.sem_alloc : memref<!tpu.dma_semaphore, #tpu.memory_space<semaphore_mem>>
        %dma_start3A_158 = arith.constant 0 : i32
        %dma_start3A_159 = tpu.memref_slice %arg10[%run_scoped3A_156, %dma_start3A_158] : memref<1x128xi32, #tpu.memory_space<vmem>> -> memref<1x128xi32, #tpu.memory_space<vmem>>
        %dma_start3A_160 = tpu.memref_squeeze %dma_start3A_159 : memref<1x128xi32, #tpu.memory_space<vmem>> -> memref<128xi32, #tpu.memory_space<vmem>>
        %dma_start3A_161 = arith.constant 0 : i32
        %dma_start3A_162 = arith.constant 0 : i32
        %dma_start3A_163 = tpu.memref_slice %arg13[%dma_start3A_161, %dma_start3A_162] : memref<50048x32xbf16, #tpu.memory_space<vmem_shared>> -> memref<50048x32xbf16, #tpu.memory_space<vmem_shared>>
        tpu.enqueue_indirect_dma source(%arg12 : memref<128x32xbf16, #tpu.memory_space<vmem>>) target(%dma_start3A_163 : memref<50048x32xbf16, #tpu.memory_space<vmem_shared>>) offsets(%dma_start3A_160 : memref<128xi32, #tpu.memory_space<vmem>>) semaphore(%run_scoped3A_157 : memref<!tpu.dma_semaphore, #tpu.memory_space<semaphore_mem>>) {add = true}
        %dma_wait3A_164 = arith.constant 0 : i32
        %dma_wait3A_165 = tpu.memref_slice %arg10[%run_scoped3A_156, %dma_wait3A_164] : memref<1x128xi32, #tpu.memory_space<vmem>> -> memref<1x128xi32, #tpu.memory_space<vmem>>
        %dma_wait3A_166 = tpu.memref_squeeze %dma_wait3A_165 : memref<1x128xi32, #tpu.memory_space<vmem>> -> memref<128xi32, #tpu.memory_space<vmem>>
        %dma_wait3A_167 = arith.constant 0 : i32
        %dma_wait3A_168 = arith.constant 0 : i32
        %dma_wait3A_169 = tpu.memref_slice %arg13[%dma_wait3A_167, %dma_wait3A_168] : memref<50048x32xbf16, #tpu.memory_space<vmem_shared>> -> memref<50048x32xbf16, #tpu.memory_space<vmem_shared>>
        tpu.wait_indirect_dma semaphore(%run_scoped3A_157 : memref<!tpu.dma_semaphore, #tpu.memory_space<semaphore_mem>>) src(%arg12 : memref<128x32xbf16, #tpu.memory_space<vmem>>) dst(%dma_wait3A_169 : memref<50048x32xbf16, #tpu.memory_space<vmem_shared>>)
        tpu.yield
      }) : () -> ()
    }
    %while3A_105 = arith.constant 1 : i32
    scf.for %while3A_108 = %while3A_103 to %while3A_99 step %while3A_105  : i32 {
      %mul3A_109 = arith.muli %while3A_108, %while3A : i32
      %add3A_110 = arith.addi %while3A_96, %mul3A_109 : i32
      %sub3A_111 = arith.constant 1 : i32
      %sub3A_112 = arith.subi %select_n3A, %sub3A_111 : i32
      %lt3A = arith.cmpi slt, %add3A_110, %sub3A_112 : i32
      %dma_wait3A_113 = arith.constant 0 : i32
      %dma_wait3A_114 = arith.constant 0 : i32
      %dma_wait3A_115 = arith.constant 0 : i32
      %dma_wait3A_116 = tpu.memref_slice %arg3[%dma_wait3A_113, %dma_wait3A_114, %dma_wait3A_115] : memref<6400x1x128xi32, #tpu.memory_space<hbm>> -> memref<1x1x128xi32, #tpu.memory_space<hbm>>
      %dma_wait3A_117 = tpu.memref_squeeze %dma_wait3A_116 : memref<1x1x128xi32, #tpu.memory_space<hbm>> -> memref<1x128xi32, #tpu.memory_space<hbm>>
      %dma_wait3A_118 = arith.constant 0 : i32
      %dma_wait3A_119 = arith.constant 0 : i32
      %dma_wait3A_120 = tpu.memref_slice %arg3[%dma_wait3A_113, %dma_wait3A_118, %dma_wait3A_119] : memref<6400x1x128xi32, #tpu.memory_space<hbm>> -> memref<1x1x128xi32, #tpu.memory_space<hbm>>
      %dma_wait3A_121 = tpu.memref_squeeze %dma_wait3A_120 : memref<1x1x128xi32, #tpu.memory_space<hbm>> -> memref<1x128xi32, #tpu.memory_space<hbm>>
      tpu.wait_dma2 semaphore(%arg15 : memref<!tpu.dma_semaphore, #tpu.memory_space<semaphore_mem>>) src(%dma_wait3A_121 : memref<1x128xi32, #tpu.memory_space<hbm>>) dst(%arg9 : memref<1x128xi32, #tpu.memory_space<vmem>>)
      %dma_wait3A_122 = arith.constant 0 : i32
      %dma_wait3A_123 = arith.constant 0 : i32
      %dma_wait3A_124 = arith.constant 0 : i32
      %dma_wait3A_125 = tpu.memref_slice %arg4[%dma_wait3A_122, %dma_wait3A_123, %dma_wait3A_124] : memref<6400x1x128xi32, #tpu.memory_space<hbm>> -> memref<1x1x128xi32, #tpu.memory_space<hbm>>
      %dma_wait3A_126 = tpu.memref_squeeze %dma_wait3A_125 : memref<1x1x128xi32, #tpu.memory_space<hbm>> -> memref<1x128xi32, #tpu.memory_space<hbm>>
      %dma_wait3A_127 = arith.constant 0 : i32
      %dma_wait3A_128 = arith.constant 0 : i32
      %dma_wait3A_129 = tpu.memref_slice %arg4[%dma_wait3A_122, %dma_wait3A_127, %dma_wait3A_128] : memref<6400x1x128xi32, #tpu.memory_space<hbm>> -> memref<1x1x128xi32, #tpu.memory_space<hbm>>
      %dma_wait3A_130 = tpu.memref_squeeze %dma_wait3A_129 : memref<1x1x128xi32, #tpu.memory_space<hbm>> -> memref<1x128xi32, #tpu.memory_space<hbm>>
      tpu.wait_dma2 semaphore(%arg15 : memref<!tpu.dma_semaphore, #tpu.memory_space<semaphore_mem>>) src(%dma_wait3A_130 : memref<1x128xi32, #tpu.memory_space<hbm>>) dst(%arg10 : memref<1x128xi32, #tpu.memory_space<vmem>>)
      %dma_wait3A_131 = arith.constant 0 : i32
      %dma_wait3A_132 = arith.constant 0 : i32
      %dma_wait3A_133 = tpu.memref_slice %arg7[%dma_wait3A_131, %dma_wait3A_132] : memref<1x128xi32, #tpu.memory_space<vmem>> -> memref<1x128xi32, #tpu.memory_space<vmem>>
      %dma_wait3A_134 = tpu.memref_squeeze %dma_wait3A_133 : memref<1x128xi32, #tpu.memory_space<vmem>> -> memref<128xi32, #tpu.memory_space<vmem>>
      %dma_wait3A_135 = arith.constant 0 : i32
      %dma_wait3A_136 = arith.constant 0 : i32
      %dma_wait3A_137 = tpu.memref_slice %arg2[%dma_wait3A_135, %dma_wait3A_136] : memref<50000x32xbf16, #tpu.memory_space<hbm>> -> memref<50000x32xbf16, #tpu.memory_space<hbm>>
      tpu.wait_indirect_dma semaphore(%arg16 : memref<!tpu.dma_semaphore, #tpu.memory_space<semaphore_mem>>) src(%dma_wait3A_137 : memref<50000x32xbf16, #tpu.memory_space<hbm>>) dst(%arg11 : memref<128x32xbf16, #tpu.memory_space<vmem>>)
      %dma_start3A_138 = arith.constant 0 : i32
      %dma_start3A_139 = arith.constant 0 : i32
      %dma_start3A_140 = tpu.memref_slice %arg9[%dma_start3A_138, %dma_start3A_139] : memref<1x128xi32, #tpu.memory_space<vmem>> -> memref<1x128xi32, #tpu.memory_space<vmem>>
      %dma_start3A_141 = tpu.memref_squeeze %dma_start3A_140 : memref<1x128xi32, #tpu.memory_space<vmem>> -> memref<128xi32, #tpu.memory_space<vmem>>
      %dma_start3A_142 = arith.constant 0 : i32
      %dma_start3A_143 = arith.constant 0 : i32
      %dma_start3A_144 = tpu.memref_slice %arg2[%dma_start3A_142, %dma_start3A_143] : memref<50000x32xbf16, #tpu.memory_space<hbm>> -> memref<50000x32xbf16, #tpu.memory_space<hbm>>
      tpu.enqueue_indirect_dma source(%dma_start3A_144 : memref<50000x32xbf16, #tpu.memory_space<hbm>>) target(%arg12 : memref<128x32xbf16, #tpu.memory_space<vmem>>) offsets(%dma_start3A_141 : memref<128xi32, #tpu.memory_space<vmem>>) semaphore(%arg17 : memref<!tpu.dma_semaphore, #tpu.memory_space<semaphore_mem>>)
      %run_scoped3A = arith.constant 0 : i32
      "tpu.region"() ({
        %run_scoped3A_157 = tpu.sem_alloc : memref<!tpu.dma_semaphore, #tpu.memory_space<semaphore_mem>>
        %dma_start3A_158 = arith.constant 0 : i32
        %dma_start3A_159 = tpu.memref_slice %arg8[%run_scoped3A, %dma_start3A_158] : memref<1x128xi32, #tpu.memory_space<vmem>> -> memref<1x128xi32, #tpu.memory_space<vmem>>
        %dma_start3A_160 = tpu.memref_squeeze %dma_start3A_159 : memref<1x128xi32, #tpu.memory_space<vmem>> -> memref<128xi32, #tpu.memory_space<vmem>>
        %dma_start3A_161 = arith.constant 0 : i32
        %dma_start3A_162 = arith.constant 0 : i32
        %dma_start3A_163 = tpu.memref_slice %arg13[%dma_start3A_161, %dma_start3A_162] : memref<50048x32xbf16, #tpu.memory_space<vmem_shared>> -> memref<50048x32xbf16, #tpu.memory_space<vmem_shared>>
        tpu.enqueue_indirect_dma source(%arg11 : memref<128x32xbf16, #tpu.memory_space<vmem>>) target(%dma_start3A_163 : memref<50048x32xbf16, #tpu.memory_space<vmem_shared>>) offsets(%dma_start3A_160 : memref<128xi32, #tpu.memory_space<vmem>>) semaphore(%run_scoped3A_157 : memref<!tpu.dma_semaphore, #tpu.memory_space<semaphore_mem>>) {add = true}
        %dma_wait3A_164 = arith.constant 0 : i32
        %dma_wait3A_165 = tpu.memref_slice %arg8[%run_scoped3A, %dma_wait3A_164] : memref<1x128xi32, #tpu.memory_space<vmem>> -> memref<1x128xi32, #tpu.memory_space<vmem>>
        %dma_wait3A_166 = tpu.memref_squeeze %dma_wait3A_165 : memref<1x128xi32, #tpu.memory_space<vmem>> -> memref<128xi32, #tpu.memory_space<vmem>>
        %dma_wait3A_167 = arith.constant 0 : i32
        %dma_wait3A_168 = arith.constant 0 : i32
        %dma_wait3A_169 = tpu.memref_slice %arg13[%dma_wait3A_167, %dma_wait3A_168] : memref<50048x32xbf16, #tpu.memory_space<vmem_shared>> -> memref<50048x32xbf16, #tpu.memory_space<vmem_shared>>
        tpu.wait_indirect_dma semaphore(%run_scoped3A_157 : memref<!tpu.dma_semaphore, #tpu.memory_space<semaphore_mem>>) src(%arg11 : memref<128x32xbf16, #tpu.memory_space<vmem>>) dst(%dma_wait3A_169 : memref<50048x32xbf16, #tpu.memory_space<vmem_shared>>)
        tpu.yield
      }) : () -> ()
      %convert_element_type3A = arith.extui %lt3A : i1 to i32
      %cond3A = arith.constant 0 : i32
      %cond3A_145 = arith.cmpi ne, %convert_element_type3A, %cond3A : i32
      scf.if %cond3A_145 {
        %mul3A_157 = arith.constant 2 : i32
        %mul3A_158 = arith.muli %mul3A_157, %add3A_110 : i32
        %add3A_159 = arith.constant 2 : i32
        %add3A_160 = arith.addi %mul3A_158, %add3A_159 : i32
        %mul3A_161 = arith.constant 16 : i32
        %mul3A_162 = arith.muli %add3A_160, %mul3A_161 : i32
        %add3A_163 = arith.addi %add3A_22, %mul3A_162 : i32
        %dma_start3A_164 = arith.constant 0 : i32
        %dma_start3A_165 = arith.constant 0 : i32
        %dma_start3A_166 = tpu.memref_slice %arg3[%add3A_163, %dma_start3A_164, %dma_start3A_165] : memref<6400x1x128xi32, #tpu.memory_space<hbm>> -> memref<1x1x128xi32, #tpu.memory_space<hbm>>
        %dma_start3A_167 = tpu.memref_squeeze %dma_start3A_166 : memref<1x1x128xi32, #tpu.memory_space<hbm>> -> memref<1x128xi32, #tpu.memory_space<hbm>>
        %dma_start3A_168 = arith.constant 0 : i32
        %dma_start3A_169 = arith.constant 0 : i32
        %dma_start3A_170 = tpu.memref_slice %arg3[%add3A_163, %dma_start3A_168, %dma_start3A_169] : memref<6400x1x128xi32, #tpu.memory_space<hbm>> -> memref<1x1x128xi32, #tpu.memory_space<hbm>>
        %dma_start3A_171 = tpu.memref_squeeze %dma_start3A_170 : memref<1x1x128xi32, #tpu.memory_space<hbm>> -> memref<1x128xi32, #tpu.memory_space<hbm>>
        tpu.enqueue_dma source(%dma_start3A_171 : memref<1x128xi32, #tpu.memory_space<hbm>>) target(%arg7 : memref<1x128xi32, #tpu.memory_space<vmem>>) target_semaphore(%arg14 : memref<!tpu.dma_semaphore, #tpu.memory_space<semaphore_mem>>)
        %dma_start3A_172 = arith.constant 0 : i32
        %dma_start3A_173 = arith.constant 0 : i32
        %dma_start3A_174 = tpu.memref_slice %arg4[%add3A_163, %dma_start3A_172, %dma_start3A_173] : memref<6400x1x128xi32, #tpu.memory_space<hbm>> -> memref<1x1x128xi32, #tpu.memory_space<hbm>>
        %dma_start3A_175 = tpu.memref_squeeze %dma_start3A_174 : memref<1x1x128xi32, #tpu.memory_space<hbm>> -> memref<1x128xi32, #tpu.memory_space<hbm>>
        %dma_start3A_176 = arith.constant 0 : i32
        %dma_start3A_177 = arith.constant 0 : i32
        %dma_start3A_178 = tpu.memref_slice %arg4[%add3A_163, %dma_start3A_176, %dma_start3A_177] : memref<6400x1x128xi32, #tpu.memory_space<hbm>> -> memref<1x1x128xi32, #tpu.memory_space<hbm>>
        %dma_start3A_179 = tpu.memref_squeeze %dma_start3A_178 : memref<1x1x128xi32, #tpu.memory_space<hbm>> -> memref<1x128xi32, #tpu.memory_space<hbm>>
        tpu.enqueue_dma source(%dma_start3A_179 : memref<1x128xi32, #tpu.memory_space<hbm>>) target(%arg8 : memref<1x128xi32, #tpu.memory_space<vmem>>) target_semaphore(%arg14 : memref<!tpu.dma_semaphore, #tpu.memory_space<semaphore_mem>>)
        %dma_wait3A_180 = arith.constant 0 : i32
        %dma_wait3A_181 = arith.constant 0 : i32
        %dma_wait3A_182 = arith.constant 0 : i32
        %dma_wait3A_183 = tpu.memref_slice %arg3[%dma_wait3A_180, %dma_wait3A_181, %dma_wait3A_182] : memref<6400x1x128xi32, #tpu.memory_space<hbm>> -> memref<1x1x128xi32, #tpu.memory_space<hbm>>
        %dma_wait3A_184 = tpu.memref_squeeze %dma_wait3A_183 : memref<1x1x128xi32, #tpu.memory_space<hbm>> -> memref<1x128xi32, #tpu.memory_space<hbm>>
        %dma_wait3A_185 = arith.constant 0 : i32
        %dma_wait3A_186 = arith.constant 0 : i32
        %dma_wait3A_187 = tpu.memref_slice %arg3[%dma_wait3A_180, %dma_wait3A_185, %dma_wait3A_186] : memref<6400x1x128xi32, #tpu.memory_space<hbm>> -> memref<1x1x128xi32, #tpu.memory_space<hbm>>
        %dma_wait3A_188 = tpu.memref_squeeze %dma_wait3A_187 : memref<1x1x128xi32, #tpu.memory_space<hbm>> -> memref<1x128xi32, #tpu.memory_space<hbm>>
        tpu.wait_dma2 semaphore(%arg14 : memref<!tpu.dma_semaphore, #tpu.memory_space<semaphore_mem>>) src(%dma_wait3A_188 : memref<1x128xi32, #tpu.memory_space<hbm>>) dst(%arg7 : memref<1x128xi32, #tpu.memory_space<vmem>>)
        %dma_wait3A_189 = arith.constant 0 : i32
        %dma_wait3A_190 = arith.constant 0 : i32
        %dma_wait3A_191 = arith.constant 0 : i32
        %dma_wait3A_192 = tpu.memref_slice %arg4[%dma_wait3A_189, %dma_wait3A_190, %dma_wait3A_191] : memref<6400x1x128xi32, #tpu.memory_space<hbm>> -> memref<1x1x128xi32, #tpu.memory_space<hbm>>
        %dma_wait3A_193 = tpu.memref_squeeze %dma_wait3A_192 : memref<1x1x128xi32, #tpu.memory_space<hbm>> -> memref<1x128xi32, #tpu.memory_space<hbm>>
        %dma_wait3A_194 = arith.constant 0 : i32
        %dma_wait3A_195 = arith.constant 0 : i32
        %dma_wait3A_196 = tpu.memref_slice %arg4[%dma_wait3A_189, %dma_wait3A_194, %dma_wait3A_195] : memref<6400x1x128xi32, #tpu.memory_space<hbm>> -> memref<1x1x128xi32, #tpu.memory_space<hbm>>
        %dma_wait3A_197 = tpu.memref_squeeze %dma_wait3A_196 : memref<1x1x128xi32, #tpu.memory_space<hbm>> -> memref<1x128xi32, #tpu.memory_space<hbm>>
        tpu.wait_dma2 semaphore(%arg14 : memref<!tpu.dma_semaphore, #tpu.memory_space<semaphore_mem>>) src(%dma_wait3A_197 : memref<1x128xi32, #tpu.memory_space<hbm>>) dst(%arg8 : memref<1x128xi32, #tpu.memory_space<vmem>>)
      } else {
      }
      %dma_wait3A_146 = arith.constant 0 : i32
      %dma_wait3A_147 = arith.constant 0 : i32
      %dma_wait3A_148 = tpu.memref_slice %arg9[%dma_wait3A_146, %dma_wait3A_147] : memref<1x128xi32, #tpu.memory_space<vmem>> -> memref<1x128xi32, #tpu.memory_space<vmem>>
      %dma_wait3A_149 = tpu.memref_squeeze %dma_wait3A_148 : memref<1x128xi32, #tpu.memory_space<vmem>> -> memref<128xi32, #tpu.memory_space<vmem>>
      %dma_wait3A_150 = arith.constant 0 : i32
      %dma_wait3A_151 = arith.constant 0 : i32
      %dma_wait3A_152 = tpu.memref_slice %arg2[%dma_wait3A_150, %dma_wait3A_151] : memref<50000x32xbf16, #tpu.memory_space<hbm>> -> memref<50000x32xbf16, #tpu.memory_space<hbm>>
      tpu.wait_indirect_dma semaphore(%arg17 : memref<!tpu.dma_semaphore, #tpu.memory_space<semaphore_mem>>) src(%dma_wait3A_152 : memref<50000x32xbf16, #tpu.memory_space<hbm>>) dst(%arg12 : memref<128x32xbf16, #tpu.memory_space<vmem>>)
      %convert_element_type3A_153 = arith.extui %lt3A : i1 to i32
      %cond3A_154 = arith.constant 0 : i32
      %cond3A_155 = arith.cmpi ne, %convert_element_type3A_153, %cond3A_154 : i32
      scf.if %cond3A_155 {
        %dma_start3A_157 = arith.constant 0 : i32
        %dma_start3A_158 = arith.constant 0 : i32
        %dma_start3A_159 = tpu.memref_slice %arg7[%dma_start3A_157, %dma_start3A_158] : memref<1x128xi32, #tpu.memory_space<vmem>> -> memref<1x128xi32, #tpu.memory_space<vmem>>
        %dma_start3A_160 = tpu.memref_squeeze %dma_start3A_159 : memref<1x128xi32, #tpu.memory_space<vmem>> -> memref<128xi32, #tpu.memory_space<vmem>>
        %dma_start3A_161 = arith.constant 0 : i32
        %dma_start3A_162 = arith.constant 0 : i32
        %dma_start3A_163 = tpu.memref_slice %arg2[%dma_start3A_161, %dma_start3A_162] : memref<50000x32xbf16, #tpu.memory_space<hbm>> -> memref<50000x32xbf16, #tpu.memory_space<hbm>>
        tpu.enqueue_indirect_dma source(%dma_start3A_163 : memref<50000x32xbf16, #tpu.memory_space<hbm>>) target(%arg11 : memref<128x32xbf16, #tpu.memory_space<vmem>>) offsets(%dma_start3A_160 : memref<128xi32, #tpu.memory_space<vmem>>) semaphore(%arg16 : memref<!tpu.dma_semaphore, #tpu.memory_space<semaphore_mem>>)
        %mul3A_164 = arith.constant 2 : i32
        %mul3A_165 = arith.muli %mul3A_164, %add3A_110 : i32
        %add3A_166 = arith.constant 3 : i32
        %add3A_167 = arith.addi %mul3A_165, %add3A_166 : i32
        %mul3A_168 = arith.constant 16 : i32
        %mul3A_169 = arith.muli %add3A_167, %mul3A_168 : i32
        %add3A_170 = arith.addi %add3A_22, %mul3A_169 : i32
        %dma_start3A_171 = arith.constant 0 : i32
        %dma_start3A_172 = arith.constant 0 : i32
        %dma_start3A_173 = tpu.memref_slice %arg3[%add3A_170, %dma_start3A_171, %dma_start3A_172] : memref<6400x1x128xi32, #tpu.memory_space<hbm>> -> memref<1x1x128xi32, #tpu.memory_space<hbm>>
        %dma_start3A_174 = tpu.memref_squeeze %dma_start3A_173 : memref<1x1x128xi32, #tpu.memory_space<hbm>> -> memref<1x128xi32, #tpu.memory_space<hbm>>
        %dma_start3A_175 = arith.constant 0 : i32
        %dma_start3A_176 = arith.constant 0 : i32
        %dma_start3A_177 = tpu.memref_slice %arg3[%add3A_170, %dma_start3A_175, %dma_start3A_176] : memref<6400x1x128xi32, #tpu.memory_space<hbm>> -> memref<1x1x128xi32, #tpu.memory_space<hbm>>
        %dma_start3A_178 = tpu.memref_squeeze %dma_start3A_177 : memref<1x1x128xi32, #tpu.memory_space<hbm>> -> memref<1x128xi32, #tpu.memory_space<hbm>>
        tpu.enqueue_dma source(%dma_start3A_178 : memref<1x128xi32, #tpu.memory_space<hbm>>) target(%arg9 : memref<1x128xi32, #tpu.memory_space<vmem>>) target_semaphore(%arg15 : memref<!tpu.dma_semaphore, #tpu.memory_space<semaphore_mem>>)
        %dma_start3A_179 = arith.constant 0 : i32
        %dma_start3A_180 = arith.constant 0 : i32
        %dma_start3A_181 = tpu.memref_slice %arg4[%add3A_170, %dma_start3A_179, %dma_start3A_180] : memref<6400x1x128xi32, #tpu.memory_space<hbm>> -> memref<1x1x128xi32, #tpu.memory_space<hbm>>
        %dma_start3A_182 = tpu.memref_squeeze %dma_start3A_181 : memref<1x1x128xi32, #tpu.memory_space<hbm>> -> memref<1x128xi32, #tpu.memory_space<hbm>>
        %dma_start3A_183 = arith.constant 0 : i32
        %dma_start3A_184 = arith.constant 0 : i32
        %dma_start3A_185 = tpu.memref_slice %arg4[%add3A_170, %dma_start3A_183, %dma_start3A_184] : memref<6400x1x128xi32, #tpu.memory_space<hbm>> -> memref<1x1x128xi32, #tpu.memory_space<hbm>>
        %dma_start3A_186 = tpu.memref_squeeze %dma_start3A_185 : memref<1x1x128xi32, #tpu.memory_space<hbm>> -> memref<1x128xi32, #tpu.memory_space<hbm>>
        tpu.enqueue_dma source(%dma_start3A_186 : memref<1x128xi32, #tpu.memory_space<hbm>>) target(%arg10 : memref<1x128xi32, #tpu.memory_space<vmem>>) target_semaphore(%arg15 : memref<!tpu.dma_semaphore, #tpu.memory_space<semaphore_mem>>)
      } else {
      }
      %run_scoped3A_156 = arith.constant 0 : i32
      "tpu.region"() ({
        %run_scoped3A_157 = tpu.sem_alloc : memref<!tpu.dma_semaphore, #tpu.memory_space<semaphore_mem>>
        %dma_start3A_158 = arith.constant 0 : i32
        %dma_start3A_159 = tpu.memref_slice %arg10[%run_scoped3A_156, %dma_start3A_158] : memref<1x128xi32, #tpu.memory_space<vmem>> -> memref<1x128xi32, #tpu.memory_space<vmem>>
        %dma_start3A_160 = tpu.memref_squeeze %dma_start3A_159 : memref<1x128xi32, #tpu.memory_space<vmem>> -> memref<128xi32, #tpu.memory_space<vmem>>
        %dma_start3A_161 = arith.constant 0 : i32
        %dma_start3A_162 = arith.constant 0 : i32
        %dma_start3A_163 = tpu.memref_slice %arg13[%dma_start3A_161, %dma_start3A_162] : memref<50048x32xbf16, #tpu.memory_space<vmem_shared>> -> memref<50048x32xbf16, #tpu.memory_space<vmem_shared>>
        tpu.enqueue_indirect_dma source(%arg12 : memref<128x32xbf16, #tpu.memory_space<vmem>>) target(%dma_start3A_163 : memref<50048x32xbf16, #tpu.memory_space<vmem_shared>>) offsets(%dma_start3A_160 : memref<128xi32, #tpu.memory_space<vmem>>) semaphore(%run_scoped3A_157 : memref<!tpu.dma_semaphore, #tpu.memory_space<semaphore_mem>>) {add = true}
        %dma_wait3A_164 = arith.constant 0 : i32
        %dma_wait3A_165 = tpu.memref_slice %arg10[%run_scoped3A_156, %dma_wait3A_164] : memref<1x128xi32, #tpu.memory_space<vmem>> -> memref<1x128xi32, #tpu.memory_space<vmem>>
        %dma_wait3A_166 = tpu.memref_squeeze %dma_wait3A_165 : memref<1x128xi32, #tpu.memory_space<vmem>> -> memref<128xi32, #tpu.memory_space<vmem>>
        %dma_wait3A_167 = arith.constant 0 : i32
        %dma_wait3A_168 = arith.constant 0 : i32
        %dma_wait3A_169 = tpu.memref_slice %arg13[%dma_wait3A_167, %dma_wait3A_168] : memref<50048x32xbf16, #tpu.memory_space<vmem_shared>> -> memref<50048x32xbf16, #tpu.memory_space<vmem_shared>>
        tpu.wait_indirect_dma semaphore(%run_scoped3A_157 : memref<!tpu.dma_semaphore, #tpu.memory_space<semaphore_mem>>) src(%arg12 : memref<128x32xbf16, #tpu.memory_space<vmem>>) dst(%dma_wait3A_169 : memref<50048x32xbf16, #tpu.memory_space<vmem_shared>>)
        tpu.yield
      }) : () -> ()
    }
    %barrier3A_106 = arith.constant 0 : index
    tpu.barrier barrier_id(%barrier3A_106)
    "tpu.region"() ({
      %run_scoped3A = tpu.sem_alloc : memref<!tpu.dma_semaphore, #tpu.memory_space<semaphore_mem>>
      %dma_start3A_108 = arith.constant 0 : i32
      %dma_start3A_109 = tpu.memref_slice %arg6[%arg0, %add3A_26, %mul3A_0, %dma_start3A_108] : memref<2x1x50048x32xbf16, #tpu.memory_space<hbm>> -> memref<1x1x3128x32xbf16, #tpu.memory_space<hbm>>
      %dma_start3A_110 = tpu.memref_squeeze %dma_start3A_109 : memref<1x1x3128x32xbf16, #tpu.memory_space<hbm>> -> memref<3128x32xbf16, #tpu.memory_space<hbm>>
      %dma_start3A_111 = arith.constant 0 : i32
      %dma_start3A_112 = tpu.memref_slice %arg13[%mul3A_0, %dma_start3A_111] : memref<50048x32xbf16, #tpu.memory_space<vmem_shared>> -> memref<3128x32xbf16, #tpu.memory_space<vmem_shared>>
      tpu.enqueue_dma source(%dma_start3A_112 : memref<3128x32xbf16, #tpu.memory_space<vmem_shared>>) target(%dma_start3A_110 : memref<3128x32xbf16, #tpu.memory_space<hbm>>) target_semaphore(%run_scoped3A : memref<!tpu.dma_semaphore, #tpu.memory_space<semaphore_mem>>)
      %dma_wait3A_113 = arith.constant 0 : i32
      %dma_wait3A_114 = tpu.memref_slice %arg6[%arg0, %add3A_26, %mul3A_0, %dma_wait3A_113] : memref<2x1x50048x32xbf16, #tpu.memory_space<hbm>> -> memref<1x1x3128x32xbf16, #tpu.memory_space<hbm>>
      %dma_wait3A_115 = tpu.memref_squeeze %dma_wait3A_114 : memref<1x1x3128x32xbf16, #tpu.memory_space<hbm>> -> memref<3128x32xbf16, #tpu.memory_space<hbm>>
      %dma_wait3A_116 = arith.constant 0 : i32
      %dma_wait3A_117 = tpu.memref_slice %arg13[%mul3A_0, %dma_wait3A_116] : memref<50048x32xbf16, #tpu.memory_space<vmem_shared>> -> memref<3128x32xbf16, #tpu.memory_space<vmem_shared>>
      tpu.wait_dma2 semaphore(%run_scoped3A : memref<!tpu.dma_semaphore, #tpu.memory_space<semaphore_mem>>) src(%dma_wait3A_117 : memref<3128x32xbf16, #tpu.memory_space<vmem_shared>>) dst(%dma_wait3A_115 : memref<3128x32xbf16, #tpu.memory_space<hbm>>)
      tpu.yield
    }) : () -> ()
    %scan3A_107 = arith.constant 1 : i32
    return
  }
}

#map = affine_map<(d0, d1) -> (0, 0)>
#map1 = affine_map<(d0, d1) -> (0, 0, 0)>
#map2 = affine_map<(d0, d1) -> (0, 0, 0, 0)>
module attributes {stable_mosaic.version = 14 : i64} {
  func.func @k(%arg0: i32, %arg1: i32, %arg2: memref<200000x64xbf16, #tpu.memory_space<hbm>>, %arg3: memref<6400x1x128xi32, #tpu.memory_space<hbm>>, %arg4: memref<6400x1x128xi32, #tpu.memory_space<hbm>>, %arg5: memref<50048x64xbf16, #tpu.memory_space<hbm>>, %arg6: memref<2x4x50048x64xbf16, #tpu.memory_space<hbm>>, %arg7: memref<1x128xi32, #tpu.memory_space<vmem>>, %arg8: memref<1x128xi32, #tpu.memory_space<vmem>>, %arg9: memref<1x128xi32, #tpu.memory_space<vmem>>, %arg10: memref<1x128xi32, #tpu.memory_space<vmem>>, %arg11: memref<128x64xbf16, #tpu.memory_space<vmem>>, %arg12: memref<128x64xbf16, #tpu.memory_space<vmem>>, %arg13: memref<50048x64xbf16, #tpu.memory_space<vmem_shared>>, %arg14: memref<!tpu.dma_semaphore, #tpu.memory_space<semaphore_mem>>, %arg15: memref<!tpu.dma_semaphore, #tpu.memory_space<semaphore_mem>>, %arg16: memref<!tpu.dma_semaphore, #tpu.memory_space<semaphore_mem>>, %arg17: memref<!tpu.dma_semaphore, #tpu.memory_space<semaphore_mem>>) attributes {dimension_semantics = [#tpu.dimension_semantics<core_parallel>, #tpu.dimension_semantics<subcore_parallel>], iteration_bounds = array<i64: 2, 16>, scalar_prefetch = 0 : i64, scratch_operands = 11 : i64, tpu.core_type = #tpu.core_type<sc_vector_subcore>, window_params = [{transform_indices = #map}, {transform_indices = #map1}, {transform_indices = #map1}, {transform_indices = #map}, {transform_indices = #map2}]} {
    %mul3A = arith.constant 3128 : i32
    %mul3A_0 = arith.muli %arg1, %mul3A : i32
    %mul3A_1 = arith.constant -768 : i32
    %mul3A_2 = arith.muli %arg0, %mul3A_1 : i32
    %add3A = arith.constant 3584 : i32
    %add3A_3 = arith.addi %add3A, %mul3A_2 : i32
    %jit3A = arith.constant 32 : i32
    %div3A = arith.divsi %add3A_3, %jit3A : i32
    %sign3A = arith.constant 0 : i32
    %sign3A_4 = arith.cmpi sgt, %add3A_3, %sign3A : i32
    %sign3A_5 = arith.extui %sign3A_4 : i1 to i32
    %sign3A_6 = arith.constant 0 : i32
    %sign3A_7 = arith.cmpi slt, %add3A_3, %sign3A_6 : i32
    %sign3A_8 = arith.extui %sign3A_7 : i1 to i32
    %sign3A_9 = arith.subi %sign3A_5, %sign3A_8 : i32
    %sign3A_10 = arith.constant 0 : i32
    %sign3A_11 = arith.cmpi sgt, %jit3A, %sign3A_10 : i32
    %sign3A_12 = arith.extui %sign3A_11 : i1 to i32
    %sign3A_13 = arith.constant 0 : i32
    %sign3A_14 = arith.cmpi slt, %jit3A, %sign3A_13 : i32
    %sign3A_15 = arith.extui %sign3A_14 : i1 to i32
    %sign3A_16 = arith.subi %sign3A_12, %sign3A_15 : i32
    %ne3A = arith.cmpi ne, %sign3A_9, %sign3A_16 : i32
    %rem3A = arith.remsi %add3A_3, %jit3A : i32
    %ne3A_17 = arith.constant 0 : i32
    %ne3A_18 = arith.cmpi ne, %rem3A, %ne3A_17 : i32
    %and3A = arith.andi %ne3A, %ne3A_18 : i1
    %sub3A = arith.constant 1 : i32
    %sub3A_19 = arith.subi %div3A, %sub3A : i32
    %select_n3A = arith.select %and3A, %sub3A_19, %div3A : i32
    %mul3A_20 = arith.constant 3584 : i32
    %mul3A_21 = arith.muli %arg0, %mul3A_20 : i32
    %add3A_22 = arith.addi %mul3A_21, %arg1 : i32
    %scan3A = arith.constant 0 : i32
    %scan3A_23 = arith.constant 4 : i32
    %scan3A_24 = arith.addi %scan3A, %scan3A_23 : i32
    %scan3A_25 = arith.constant 1 : i32
    scf.for %scan3A_27 = %scan3A to %scan3A_24 step %scan3A_25  : i32 {
      %mul3A_28 = arith.constant 1 : i32
      %mul3A_29 = arith.muli %scan3A_27, %mul3A_28 : i32
      %add3A_30 = arith.constant 0 : i32
      %add3A_31 = arith.addi %add3A_30, %mul3A_29 : i32
      %mul3A_32 = arith.constant 50000 : i32
      %mul3A_33 = arith.muli %add3A_31, %mul3A_32 : i32
      "tpu.region"() ({
        %run_scoped3A = tpu.sem_alloc : memref<!tpu.dma_semaphore, #tpu.memory_space<semaphore_mem>>
        %dma_start3A_214 = arith.constant 0 : i32
        %dma_start3A_215 = tpu.memref_slice %arg13[%mul3A_0, %dma_start3A_214] : memref<50048x64xbf16, #tpu.memory_space<vmem_shared>> -> memref<3128x64xbf16, #tpu.memory_space<vmem_shared>>
        %dma_start3A_216 = arith.constant 0 : i32
        %dma_start3A_217 = tpu.memref_slice %arg5[%mul3A_0, %dma_start3A_216] : memref<50048x64xbf16, #tpu.memory_space<hbm>> -> memref<3128x64xbf16, #tpu.memory_space<hbm>>
        tpu.enqueue_dma source(%dma_start3A_217 : memref<3128x64xbf16, #tpu.memory_space<hbm>>) target(%dma_start3A_215 : memref<3128x64xbf16, #tpu.memory_space<vmem_shared>>) target_semaphore(%run_scoped3A : memref<!tpu.dma_semaphore, #tpu.memory_space<semaphore_mem>>)
        %dma_wait3A_218 = arith.constant 0 : i32
        %dma_wait3A_219 = tpu.memref_slice %arg13[%mul3A_0, %dma_wait3A_218] : memref<50048x64xbf16, #tpu.memory_space<vmem_shared>> -> memref<3128x64xbf16, #tpu.memory_space<vmem_shared>>
        %dma_wait3A_220 = arith.constant 0 : i32
        %dma_wait3A_221 = tpu.memref_slice %arg5[%mul3A_0, %dma_wait3A_220] : memref<50048x64xbf16, #tpu.memory_space<hbm>> -> memref<3128x64xbf16, #tpu.memory_space<hbm>>
        tpu.wait_dma2 semaphore(%run_scoped3A : memref<!tpu.dma_semaphore, #tpu.memory_space<semaphore_mem>>) src(%dma_wait3A_221 : memref<3128x64xbf16, #tpu.memory_space<hbm>>) dst(%dma_wait3A_219 : memref<3128x64xbf16, #tpu.memory_space<vmem_shared>>)
        tpu.yield
      }) : () -> ()
      %barrier3A = arith.constant 0 : index
      tpu.barrier barrier_id(%barrier3A)
      %add3A_34 = arith.constant 0 : i32
      %add3A_35 = arith.addi %add3A_22, %add3A_34 : i32
      %dma_start3A = arith.constant 0 : i32
      %dma_start3A_36 = arith.constant 0 : i32
      %dma_start3A_37 = tpu.memref_slice %arg3[%add3A_35, %dma_start3A, %dma_start3A_36] : memref<6400x1x128xi32, #tpu.memory_space<hbm>> -> memref<1x1x128xi32, #tpu.memory_space<hbm>>
      %dma_start3A_38 = tpu.memref_squeeze %dma_start3A_37 : memref<1x1x128xi32, #tpu.memory_space<hbm>> -> memref<1x128xi32, #tpu.memory_space<hbm>>
      %dma_start3A_39 = arith.constant 0 : i32
      %dma_start3A_40 = arith.constant 0 : i32
      %dma_start3A_41 = tpu.memref_slice %arg3[%add3A_35, %dma_start3A_39, %dma_start3A_40] : memref<6400x1x128xi32, #tpu.memory_space<hbm>> -> memref<1x1x128xi32, #tpu.memory_space<hbm>>
      %dma_start3A_42 = tpu.memref_squeeze %dma_start3A_41 : memref<1x1x128xi32, #tpu.memory_space<hbm>> -> memref<1x128xi32, #tpu.memory_space<hbm>>
      tpu.enqueue_dma source(%dma_start3A_42 : memref<1x128xi32, #tpu.memory_space<hbm>>) target(%arg7 : memref<1x128xi32, #tpu.memory_space<vmem>>) target_semaphore(%arg14 : memref<!tpu.dma_semaphore, #tpu.memory_space<semaphore_mem>>)
      %dma_start3A_43 = arith.constant 0 : i32
      %dma_start3A_44 = arith.constant 0 : i32
      %dma_start3A_45 = tpu.memref_slice %arg4[%add3A_35, %dma_start3A_43, %dma_start3A_44] : memref<6400x1x128xi32, #tpu.memory_space<hbm>> -> memref<1x1x128xi32, #tpu.memory_space<hbm>>
      %dma_start3A_46 = tpu.memref_squeeze %dma_start3A_45 : memref<1x1x128xi32, #tpu.memory_space<hbm>> -> memref<1x128xi32, #tpu.memory_space<hbm>>
      %dma_start3A_47 = arith.constant 0 : i32
      %dma_start3A_48 = arith.constant 0 : i32
      %dma_start3A_49 = tpu.memref_slice %arg4[%add3A_35, %dma_start3A_47, %dma_start3A_48] : memref<6400x1x128xi32, #tpu.memory_space<hbm>> -> memref<1x1x128xi32, #tpu.memory_space<hbm>>
      %dma_start3A_50 = tpu.memref_squeeze %dma_start3A_49 : memref<1x1x128xi32, #tpu.memory_space<hbm>> -> memref<1x128xi32, #tpu.memory_space<hbm>>
      tpu.enqueue_dma source(%dma_start3A_50 : memref<1x128xi32, #tpu.memory_space<hbm>>) target(%arg8 : memref<1x128xi32, #tpu.memory_space<vmem>>) target_semaphore(%arg14 : memref<!tpu.dma_semaphore, #tpu.memory_space<semaphore_mem>>)
      %dma_wait3A = arith.constant 0 : i32
      %dma_wait3A_51 = arith.constant 0 : i32
      %dma_wait3A_52 = arith.constant 0 : i32
      %dma_wait3A_53 = tpu.memref_slice %arg3[%dma_wait3A, %dma_wait3A_51, %dma_wait3A_52] : memref<6400x1x128xi32, #tpu.memory_space<hbm>> -> memref<1x1x128xi32, #tpu.memory_space<hbm>>
      %dma_wait3A_54 = tpu.memref_squeeze %dma_wait3A_53 : memref<1x1x128xi32, #tpu.memory_space<hbm>> -> memref<1x128xi32, #tpu.memory_space<hbm>>
      %dma_wait3A_55 = arith.constant 0 : i32
      %dma_wait3A_56 = arith.constant 0 : i32
      %dma_wait3A_57 = tpu.memref_slice %arg3[%dma_wait3A, %dma_wait3A_55, %dma_wait3A_56] : memref<6400x1x128xi32, #tpu.memory_space<hbm>> -> memref<1x1x128xi32, #tpu.memory_space<hbm>>
      %dma_wait3A_58 = tpu.memref_squeeze %dma_wait3A_57 : memref<1x1x128xi32, #tpu.memory_space<hbm>> -> memref<1x128xi32, #tpu.memory_space<hbm>>
      tpu.wait_dma2 semaphore(%arg14 : memref<!tpu.dma_semaphore, #tpu.memory_space<semaphore_mem>>) src(%dma_wait3A_58 : memref<1x128xi32, #tpu.memory_space<hbm>>) dst(%arg7 : memref<1x128xi32, #tpu.memory_space<vmem>>)
      %dma_wait3A_59 = arith.constant 0 : i32
      %dma_wait3A_60 = arith.constant 0 : i32
      %dma_wait3A_61 = arith.constant 0 : i32
      %dma_wait3A_62 = tpu.memref_slice %arg4[%dma_wait3A_59, %dma_wait3A_60, %dma_wait3A_61] : memref<6400x1x128xi32, #tpu.memory_space<hbm>> -> memref<1x1x128xi32, #tpu.memory_space<hbm>>
      %dma_wait3A_63 = tpu.memref_squeeze %dma_wait3A_62 : memref<1x1x128xi32, #tpu.memory_space<hbm>> -> memref<1x128xi32, #tpu.memory_space<hbm>>
      %dma_wait3A_64 = arith.constant 0 : i32
      %dma_wait3A_65 = arith.constant 0 : i32
      %dma_wait3A_66 = tpu.memref_slice %arg4[%dma_wait3A_59, %dma_wait3A_64, %dma_wait3A_65] : memref<6400x1x128xi32, #tpu.memory_space<hbm>> -> memref<1x1x128xi32, #tpu.memory_space<hbm>>
      %dma_wait3A_67 = tpu.memref_squeeze %dma_wait3A_66 : memref<1x1x128xi32, #tpu.memory_space<hbm>> -> memref<1x128xi32, #tpu.memory_space<hbm>>
      tpu.wait_dma2 semaphore(%arg14 : memref<!tpu.dma_semaphore, #tpu.memory_space<semaphore_mem>>) src(%dma_wait3A_67 : memref<1x128xi32, #tpu.memory_space<hbm>>) dst(%arg8 : memref<1x128xi32, #tpu.memory_space<vmem>>)
      %get3A = arith.constant 0 : i32
      %get3A_68 = arith.index_cast %get3A : i32 to index
      %get3A_69 = arith.constant 0 : index
      %get3A_70 = tpu.vector_load %arg7[%get3A_68, %get3A_69] {strides = array<i32>} : memref<1x128xi32, #tpu.memory_space<vmem>>, vector<1x16xi32>,
      %get3A_71 = vector.shape_cast %get3A_70 : vector<1x16xi32> to vector<16xi32>
      %add3A_72 = vector.broadcast %mul3A_33 : i32 to vector<16xi32>
      %add3A_73 = arith.addi %get3A_71, %add3A_72 : vector<16xi32>
      %swap3A = arith.constant 0 : i32
      %swap3A_74 = arith.index_cast %swap3A : i32 to index
      %swap3A_75 = arith.constant 0 : index
      %swap3A_76 = tpu.vector_load %arg7[%swap3A_74, %swap3A_75] {strides = array<i32>} : memref<1x128xi32, #tpu.memory_space<vmem>>, vector<1x16xi32>,
      %swap3A_77 = vector.shape_cast %swap3A_76 : vector<1x16xi32> to vector<16xi32>
      %swap3A_78 = vector.shape_cast %add3A_73 : vector<16xi32> to vector<1x16xi32>
      tpu.vector_store %arg7[%swap3A_74, %swap3A_75], %swap3A_78 {strides = array<i32>} : memref<1x128xi32, #tpu.memory_space<vmem>>, vector<1x16xi32>,
      %get3A_79 = arith.constant 0 : i32
      %get3A_80 = arith.index_cast %get3A_79 : i32 to index
      %get3A_81 = arith.constant 16 : index
      %get3A_82 = tpu.vector_load %arg7[%get3A_80, %get3A_81] {strides = array<i32>} : memref<1x128xi32, #tpu.memory_space<vmem>>, vector<1x16xi32>,
      %get3A_83 = vector.shape_cast %get3A_82 : vector<1x16xi32> to vector<16xi32>
      %add3A_84 = vector.broadcast %mul3A_33 : i32 to vector<16xi32>
      %add3A_85 = arith.addi %get3A_83, %add3A_84 : vector<16xi32>
      %swap3A_86 = arith.constant 0 : i32
      %swap3A_87 = arith.index_cast %swap3A_86 : i32 to index
      %swap3A_88 = arith.constant 16 : index
      %swap3A_89 = tpu.vector_load %arg7[%swap3A_87, %swap3A_88] {strides = array<i32>} : memref<1x128xi32, #tpu.memory_space<vmem>>, vector<1x16xi32>,
      %swap3A_90 = vector.shape_cast %swap3A_89 : vector<1x16xi32> to vector<16xi32>
      %swap3A_91 = vector.shape_cast %add3A_85 : vector<16xi32> to vector<1x16xi32>
      tpu.vector_store %arg7[%swap3A_87, %swap3A_88], %swap3A_91 {strides = array<i32>} : memref<1x128xi32, #tpu.memory_space<vmem>>, vector<1x16xi32>,
      %get3A_92 = arith.constant 0 : i32
      %get3A_93 = arith.index_cast %get3A_92 : i32 to index
      %get3A_94 = arith.constant 32 : index
      %get3A_95 = tpu.vector_load %arg7[%get3A_93, %get3A_94] {strides = array<i32>} : memref<1x128xi32, #tpu.memory_space<vmem>>, vector<1x16xi32>,
      %get3A_96 = vector.shape_cast %get3A_95 : vector<1x16xi32> to vector<16xi32>
      %add3A_97 = vector.broadcast %mul3A_33 : i32 to vector<16xi32>
      %add3A_98 = arith.addi %get3A_96, %add3A_97 : vector<16xi32>
      %swap3A_99 = arith.constant 0 : i32
      %swap3A_100 = arith.index_cast %swap3A_99 : i32 to index
      %swap3A_101 = arith.constant 32 : index
      %swap3A_102 = tpu.vector_load %arg7[%swap3A_100, %swap3A_101] {strides = array<i32>} : memref<1x128xi32, #tpu.memory_space<vmem>>, vector<1x16xi32>,
      %swap3A_103 = vector.shape_cast %swap3A_102 : vector<1x16xi32> to vector<16xi32>
      %swap3A_104 = vector.shape_cast %add3A_98 : vector<16xi32> to vector<1x16xi32>
      tpu.vector_store %arg7[%swap3A_100, %swap3A_101], %swap3A_104 {strides = array<i32>} : memref<1x128xi32, #tpu.memory_space<vmem>>, vector<1x16xi32>,
      %get3A_105 = arith.constant 0 : i32
      %get3A_106 = arith.index_cast %get3A_105 : i32 to index
      %get3A_107 = arith.constant 48 : index
      %get3A_108 = tpu.vector_load %arg7[%get3A_106, %get3A_107] {strides = array<i32>} : memref<1x128xi32, #tpu.memory_space<vmem>>, vector<1x16xi32>,
      %get3A_109 = vector.shape_cast %get3A_108 : vector<1x16xi32> to vector<16xi32>
      %add3A_110 = vector.broadcast %mul3A_33 : i32 to vector<16xi32>
      %add3A_111 = arith.addi %get3A_109, %add3A_110 : vector<16xi32>
      %swap3A_112 = arith.constant 0 : i32
      %swap3A_113 = arith.index_cast %swap3A_112 : i32 to index
      %swap3A_114 = arith.constant 48 : index
      %swap3A_115 = tpu.vector_load %arg7[%swap3A_113, %swap3A_114] {strides = array<i32>} : memref<1x128xi32, #tpu.memory_space<vmem>>, vector<1x16xi32>,
      %swap3A_116 = vector.shape_cast %swap3A_115 : vector<1x16xi32> to vector<16xi32>
      %swap3A_117 = vector.shape_cast %add3A_111 : vector<16xi32> to vector<1x16xi32>
      tpu.vector_store %arg7[%swap3A_113, %swap3A_114], %swap3A_117 {strides = array<i32>} : memref<1x128xi32, #tpu.memory_space<vmem>>, vector<1x16xi32>,
      %get3A_118 = arith.constant 0 : i32
      %get3A_119 = arith.index_cast %get3A_118 : i32 to index
      %get3A_120 = arith.constant 64 : index
      %get3A_121 = tpu.vector_load %arg7[%get3A_119, %get3A_120] {strides = array<i32>} : memref<1x128xi32, #tpu.memory_space<vmem>>, vector<1x16xi32>,
      %get3A_122 = vector.shape_cast %get3A_121 : vector<1x16xi32> to vector<16xi32>
      %add3A_123 = vector.broadcast %mul3A_33 : i32 to vector<16xi32>
      %add3A_124 = arith.addi %get3A_122, %add3A_123 : vector<16xi32>
      %swap3A_125 = arith.constant 0 : i32
      %swap3A_126 = arith.index_cast %swap3A_125 : i32 to index
      %swap3A_127 = arith.constant 64 : index
      %swap3A_128 = tpu.vector_load %arg7[%swap3A_126, %swap3A_127] {strides = array<i32>} : memref<1x128xi32, #tpu.memory_space<vmem>>, vector<1x16xi32>,
      %swap3A_129 = vector.shape_cast %swap3A_128 : vector<1x16xi32> to vector<16xi32>
      %swap3A_130 = vector.shape_cast %add3A_124 : vector<16xi32> to vector<1x16xi32>
      tpu.vector_store %arg7[%swap3A_126, %swap3A_127], %swap3A_130 {strides = array<i32>} : memref<1x128xi32, #tpu.memory_space<vmem>>, vector<1x16xi32>,
      %get3A_131 = arith.constant 0 : i32
      %get3A_132 = arith.index_cast %get3A_131 : i32 to index
      %get3A_133 = arith.constant 80 : index
      %get3A_134 = tpu.vector_load %arg7[%get3A_132, %get3A_133] {strides = array<i32>} : memref<1x128xi32, #tpu.memory_space<vmem>>, vector<1x16xi32>,
      %get3A_135 = vector.shape_cast %get3A_134 : vector<1x16xi32> to vector<16xi32>
      %add3A_136 = vector.broadcast %mul3A_33 : i32 to vector<16xi32>
      %add3A_137 = arith.addi %get3A_135, %add3A_136 : vector<16xi32>
      %swap3A_138 = arith.constant 0 : i32
      %swap3A_139 = arith.index_cast %swap3A_138 : i32 to index
      %swap3A_140 = arith.constant 80 : index
      %swap3A_141 = tpu.vector_load %arg7[%swap3A_139, %swap3A_140] {strides = array<i32>} : memref<1x128xi32, #tpu.memory_space<vmem>>, vector<1x16xi32>,
      %swap3A_142 = vector.shape_cast %swap3A_141 : vector<1x16xi32> to vector<16xi32>
      %swap3A_143 = vector.shape_cast %add3A_137 : vector<16xi32> to vector<1x16xi32>
      tpu.vector_store %arg7[%swap3A_139, %swap3A_140], %swap3A_143 {strides = array<i32>} : memref<1x128xi32, #tpu.memory_space<vmem>>, vector<1x16xi32>,
      %get3A_144 = arith.constant 0 : i32
      %get3A_145 = arith.index_cast %get3A_144 : i32 to index
      %get3A_146 = arith.constant 96 : index
      %get3A_147 = tpu.vector_load %arg7[%get3A_145, %get3A_146] {strides = array<i32>} : memref<1x128xi32, #tpu.memory_space<vmem>>, vector<1x16xi32>,
      %get3A_148 = vector.shape_cast %get3A_147 : vector<1x16xi32> to vector<16xi32>
      %add3A_149 = vector.broadcast %mul3A_33 : i32 to vector<16xi32>
      %add3A_150 = arith.addi %get3A_148, %add3A_149 : vector<16xi32>
      %swap3A_151 = arith.constant 0 : i32
      %swap3A_152 = arith.index_cast %swap3A_151 : i32 to index
      %swap3A_153 = arith.constant 96 : index
      %swap3A_154 = tpu.vector_load %arg7[%swap3A_152, %swap3A_153] {strides = array<i32>} : memref<1x128xi32, #tpu.memory_space<vmem>>, vector<1x16xi32>,
      %swap3A_155 = vector.shape_cast %swap3A_154 : vector<1x16xi32> to vector<16xi32>
      %swap3A_156 = vector.shape_cast %add3A_150 : vector<16xi32> to vector<1x16xi32>
      tpu.vector_store %arg7[%swap3A_152, %swap3A_153], %swap3A_156 {strides = array<i32>} : memref<1x128xi32, #tpu.memory_space<vmem>>, vector<1x16xi32>,
      %get3A_157 = arith.constant 0 : i32
      %get3A_158 = arith.index_cast %get3A_157 : i32 to index
      %get3A_159 = arith.constant 112 : index
      %get3A_160 = tpu.vector_load %arg7[%get3A_158, %get3A_159] {strides = array<i32>} : memref<1x128xi32, #tpu.memory_space<vmem>>, vector<1x16xi32>,
      %get3A_161 = vector.shape_cast %get3A_160 : vector<1x16xi32> to vector<16xi32>
      %add3A_162 = vector.broadcast %mul3A_33 : i32 to vector<16xi32>
      %add3A_163 = arith.addi %get3A_161, %add3A_162 : vector<16xi32>
      %swap3A_164 = arith.constant 0 : i32
      %swap3A_165 = arith.index_cast %swap3A_164 : i32 to index
      %swap3A_166 = arith.constant 112 : index
      %swap3A_167 = tpu.vector_load %arg7[%swap3A_165, %swap3A_166] {strides = array<i32>} : memref<1x128xi32, #tpu.memory_space<vmem>>, vector<1x16xi32>,
      %swap3A_168 = vector.shape_cast %swap3A_167 : vector<1x16xi32> to vector<16xi32>
      %swap3A_169 = vector.shape_cast %add3A_163 : vector<16xi32> to vector<1x16xi32>
      tpu.vector_store %arg7[%swap3A_165, %swap3A_166], %swap3A_169 {strides = array<i32>} : memref<1x128xi32, #tpu.memory_space<vmem>>, vector<1x16xi32>,
      %dma_start3A_170 = arith.constant 0 : i32
      %dma_start3A_171 = arith.constant 0 : i32
      %dma_start3A_172 = tpu.memref_slice %arg7[%dma_start3A_170, %dma_start3A_171] : memref<1x128xi32, #tpu.memory_space<vmem>> -> memref<1x128xi32, #tpu.memory_space<vmem>>
      %dma_start3A_173 = tpu.memref_squeeze %dma_start3A_172 : memref<1x128xi32, #tpu.memory_space<vmem>> -> memref<128xi32, #tpu.memory_space<vmem>>
      %dma_start3A_174 = arith.constant 0 : i32
      %dma_start3A_175 = arith.constant 0 : i32
      %dma_start3A_176 = tpu.memref_slice %arg2[%dma_start3A_174, %dma_start3A_175] : memref<200000x64xbf16, #tpu.memory_space<hbm>> -> memref<200000x64xbf16, #tpu.memory_space<hbm>>
      tpu.enqueue_indirect_dma source(%dma_start3A_176 : memref<200000x64xbf16, #tpu.memory_space<hbm>>) target(%arg11 : memref<128x64xbf16, #tpu.memory_space<vmem>>) offsets(%dma_start3A_173 : memref<128xi32, #tpu.memory_space<vmem>>) semaphore(%arg16 : memref<!tpu.dma_semaphore, #tpu.memory_space<semaphore_mem>>)
      %add3A_177 = arith.constant 16 : i32
      %add3A_178 = arith.addi %add3A_22, %add3A_177 : i32
      %dma_start3A_179 = arith.constant 0 : i32
      %dma_start3A_180 = arith.constant 0 : i32
      %dma_start3A_181 = tpu.memref_slice %arg3[%add3A_178, %dma_start3A_179, %dma_start3A_180] : memref<6400x1x128xi32, #tpu.memory_space<hbm>> -> memref<1x1x128xi32, #tpu.memory_space<hbm>>
      %dma_start3A_182 = tpu.memref_squeeze %dma_start3A_181 : memref<1x1x128xi32, #tpu.memory_space<hbm>> -> memref<1x128xi32, #tpu.memory_space<hbm>>
      %dma_start3A_183 = arith.constant 0 : i32
      %dma_start3A_184 = arith.constant 0 : i32
      %dma_start3A_185 = tpu.memref_slice %arg3[%add3A_178, %dma_start3A_183, %dma_start3A_184] : memref<6400x1x128xi32, #tpu.memory_space<hbm>> -> memref<1x1x128xi32, #tpu.memory_space<hbm>>
      %dma_start3A_186 = tpu.memref_squeeze %dma_start3A_185 : memref<1x1x128xi32, #tpu.memory_space<hbm>> -> memref<1x128xi32, #tpu.memory_space<hbm>>
      tpu.enqueue_dma source(%dma_start3A_186 : memref<1x128xi32, #tpu.memory_space<hbm>>) target(%arg9 : memref<1x128xi32, #tpu.memory_space<vmem>>) target_semaphore(%arg15 : memref<!tpu.dma_semaphore, #tpu.memory_space<semaphore_mem>>)
      %dma_start3A_187 = arith.constant 0 : i32
      %dma_start3A_188 = arith.constant 0 : i32
      %dma_start3A_189 = tpu.memref_slice %arg4[%add3A_178, %dma_start3A_187, %dma_start3A_188] : memref<6400x1x128xi32, #tpu.memory_space<hbm>> -> memref<1x1x128xi32, #tpu.memory_space<hbm>>
      %dma_start3A_190 = tpu.memref_squeeze %dma_start3A_189 : memref<1x1x128xi32, #tpu.memory_space<hbm>> -> memref<1x128xi32, #tpu.memory_space<hbm>>
      %dma_start3A_191 = arith.constant 0 : i32
      %dma_start3A_192 = arith.constant 0 : i32
      %dma_start3A_193 = tpu.memref_slice %arg4[%add3A_178, %dma_start3A_191, %dma_start3A_192] : memref<6400x1x128xi32, #tpu.memory_space<hbm>> -> memref<1x1x128xi32, #tpu.memory_space<hbm>>
      %dma_start3A_194 = tpu.memref_squeeze %dma_start3A_193 : memref<1x1x128xi32, #tpu.memory_space<hbm>> -> memref<1x128xi32, #tpu.memory_space<hbm>>
      tpu.enqueue_dma source(%dma_start3A_194 : memref<1x128xi32, #tpu.memory_space<hbm>>) target(%arg10 : memref<1x128xi32, #tpu.memory_space<vmem>>) target_semaphore(%arg15 : memref<!tpu.dma_semaphore, #tpu.memory_space<semaphore_mem>>)
      %sub3A_195 = arith.constant 0 : i32
      %sub3A_196 = arith.subi %select_n3A, %sub3A_195 : i32
      %sub3A_197 = arith.constant 1 : i32
      %sub3A_198 = arith.constant 1 : i32
      %sub3A_199 = arith.subi %sub3A_197, %sub3A_198 : i32
      %add3A_200 = arith.addi %sub3A_196, %sub3A_199 : i32
      %div3A_201 = arith.constant 1 : i32
      %div3A_202 = arith.divsi %add3A_200, %div3A_201 : i32
      %while3A = arith.constant 1 : i32
      %while3A_203 = arith.constant 0 : i32
      %while3A_204 = arith.constant 0 : i32
      %while3A_205 = arith.subi %div3A_202, %while3A_204 : i32
      %while3A_206 = arith.addi %while3A_204, %while3A_205 : i32
      %while3A_207 = arith.constant 1 : i32
      %while3A_208 = arith.divsi %while3A_205, %while3A_207 : i32
      %while3A_209 = arith.muli %while3A_208, %while3A_207 : i32
      %while3A_210 = arith.addi %while3A_204, %while3A_209 : i32
      %while3A_211 = arith.constant 1 : i32
      scf.for %while3A_214 = %while3A_204 to %while3A_210 step %while3A_211  : i32 {
        %mul3A_215 = arith.muli %while3A_214, %while3A : i32
        %add3A_216 = arith.addi %while3A_203, %mul3A_215 : i32
        %sub3A_217 = arith.constant 1 : i32
        %sub3A_218 = arith.subi %select_n3A, %sub3A_217 : i32
        %lt3A = arith.cmpi slt, %add3A_216, %sub3A_218 : i32
        %dma_wait3A_219 = arith.constant 0 : i32
        %dma_wait3A_220 = arith.constant 0 : i32
        %dma_wait3A_221 = arith.constant 0 : i32
        %dma_wait3A_222 = tpu.memref_slice %arg3[%dma_wait3A_219, %dma_wait3A_220, %dma_wait3A_221] : memref<6400x1x128xi32, #tpu.memory_space<hbm>> -> memref<1x1x128xi32, #tpu.memory_space<hbm>>
        %dma_wait3A_223 = tpu.memref_squeeze %dma_wait3A_222 : memref<1x1x128xi32, #tpu.memory_space<hbm>> -> memref<1x128xi32, #tpu.memory_space<hbm>>
        %dma_wait3A_224 = arith.constant 0 : i32
        %dma_wait3A_225 = arith.constant 0 : i32
        %dma_wait3A_226 = tpu.memref_slice %arg3[%dma_wait3A_219, %dma_wait3A_224, %dma_wait3A_225] : memref<6400x1x128xi32, #tpu.memory_space<hbm>> -> memref<1x1x128xi32, #tpu.memory_space<hbm>>
        %dma_wait3A_227 = tpu.memref_squeeze %dma_wait3A_226 : memref<1x1x128xi32, #tpu.memory_space<hbm>> -> memref<1x128xi32, #tpu.memory_space<hbm>>
        tpu.wait_dma2 semaphore(%arg15 : memref<!tpu.dma_semaphore, #tpu.memory_space<semaphore_mem>>) src(%dma_wait3A_227 : memref<1x128xi32, #tpu.memory_space<hbm>>) dst(%arg9 : memref<1x128xi32, #tpu.memory_space<vmem>>)
        %dma_wait3A_228 = arith.constant 0 : i32
        %dma_wait3A_229 = arith.constant 0 : i32
        %dma_wait3A_230 = arith.constant 0 : i32
        %dma_wait3A_231 = tpu.memref_slice %arg4[%dma_wait3A_228, %dma_wait3A_229, %dma_wait3A_230] : memref<6400x1x128xi32, #tpu.memory_space<hbm>> -> memref<1x1x128xi32, #tpu.memory_space<hbm>>
        %dma_wait3A_232 = tpu.memref_squeeze %dma_wait3A_231 : memref<1x1x128xi32, #tpu.memory_space<hbm>> -> memref<1x128xi32, #tpu.memory_space<hbm>>
        %dma_wait3A_233 = arith.constant 0 : i32
        %dma_wait3A_234 = arith.constant 0 : i32
        %dma_wait3A_235 = tpu.memref_slice %arg4[%dma_wait3A_228, %dma_wait3A_233, %dma_wait3A_234] : memref<6400x1x128xi32, #tpu.memory_space<hbm>> -> memref<1x1x128xi32, #tpu.memory_space<hbm>>
        %dma_wait3A_236 = tpu.memref_squeeze %dma_wait3A_235 : memref<1x1x128xi32, #tpu.memory_space<hbm>> -> memref<1x128xi32, #tpu.memory_space<hbm>>
        tpu.wait_dma2 semaphore(%arg15 : memref<!tpu.dma_semaphore, #tpu.memory_space<semaphore_mem>>) src(%dma_wait3A_236 : memref<1x128xi32, #tpu.memory_space<hbm>>) dst(%arg10 : memref<1x128xi32, #tpu.memory_space<vmem>>)
        %get3A_237 = arith.constant 0 : i32
        %get3A_238 = arith.index_cast %get3A_237 : i32 to index
        %get3A_239 = arith.constant 0 : index
        %get3A_240 = tpu.vector_load %arg9[%get3A_238, %get3A_239] {strides = array<i32>} : memref<1x128xi32, #tpu.memory_space<vmem>>, vector<1x16xi32>,
        %get3A_241 = vector.shape_cast %get3A_240 : vector<1x16xi32> to vector<16xi32>
        %add3A_242 = vector.broadcast %mul3A_33 : i32 to vector<16xi32>
        %add3A_243 = arith.addi %get3A_241, %add3A_242 : vector<16xi32>
        %swap3A_244 = arith.constant 0 : i32
        %swap3A_245 = arith.index_cast %swap3A_244 : i32 to index
        %swap3A_246 = arith.constant 0 : index
        %swap3A_247 = tpu.vector_load %arg9[%swap3A_245, %swap3A_246] {strides = array<i32>} : memref<1x128xi32, #tpu.memory_space<vmem>>, vector<1x16xi32>,
        %swap3A_248 = vector.shape_cast %swap3A_247 : vector<1x16xi32> to vector<16xi32>
        %swap3A_249 = vector.shape_cast %add3A_243 : vector<16xi32> to vector<1x16xi32>
        tpu.vector_store %arg9[%swap3A_245, %swap3A_246], %swap3A_249 {strides = array<i32>} : memref<1x128xi32, #tpu.memory_space<vmem>>, vector<1x16xi32>,
        %get3A_250 = arith.constant 0 : i32
        %get3A_251 = arith.index_cast %get3A_250 : i32 to index
        %get3A_252 = arith.constant 16 : index
        %get3A_253 = tpu.vector_load %arg9[%get3A_251, %get3A_252] {strides = array<i32>} : memref<1x128xi32, #tpu.memory_space<vmem>>, vector<1x16xi32>,
        %get3A_254 = vector.shape_cast %get3A_253 : vector<1x16xi32> to vector<16xi32>
        %add3A_255 = vector.broadcast %mul3A_33 : i32 to vector<16xi32>
        %add3A_256 = arith.addi %get3A_254, %add3A_255 : vector<16xi32>
        %swap3A_257 = arith.constant 0 : i32
        %swap3A_258 = arith.index_cast %swap3A_257 : i32 to index
        %swap3A_259 = arith.constant 16 : index
        %swap3A_260 = tpu.vector_load %arg9[%swap3A_258, %swap3A_259] {strides = array<i32>} : memref<1x128xi32, #tpu.memory_space<vmem>>, vector<1x16xi32>,
        %swap3A_261 = vector.shape_cast %swap3A_260 : vector<1x16xi32> to vector<16xi32>
        %swap3A_262 = vector.shape_cast %add3A_256 : vector<16xi32> to vector<1x16xi32>
        tpu.vector_store %arg9[%swap3A_258, %swap3A_259], %swap3A_262 {strides = array<i32>} : memref<1x128xi32, #tpu.memory_space<vmem>>, vector<1x16xi32>,
        %get3A_263 = arith.constant 0 : i32
        %get3A_264 = arith.index_cast %get3A_263 : i32 to index
        %get3A_265 = arith.constant 32 : index
        %get3A_266 = tpu.vector_load %arg9[%get3A_264, %get3A_265] {strides = array<i32>} : memref<1x128xi32, #tpu.memory_space<vmem>>, vector<1x16xi32>,
        %get3A_267 = vector.shape_cast %get3A_266 : vector<1x16xi32> to vector<16xi32>
        %add3A_268 = vector.broadcast %mul3A_33 : i32 to vector<16xi32>
        %add3A_269 = arith.addi %get3A_267, %add3A_268 : vector<16xi32>
        %swap3A_270 = arith.constant 0 : i32
        %swap3A_271 = arith.index_cast %swap3A_270 : i32 to index
        %swap3A_272 = arith.constant 32 : index
        %swap3A_273 = tpu.vector_load %arg9[%swap3A_271, %swap3A_272] {strides = array<i32>} : memref<1x128xi32, #tpu.memory_space<vmem>>, vector<1x16xi32>,
        %swap3A_274 = vector.shape_cast %swap3A_273 : vector<1x16xi32> to vector<16xi32>
        %swap3A_275 = vector.shape_cast %add3A_269 : vector<16xi32> to vector<1x16xi32>
        tpu.vector_store %arg9[%swap3A_271, %swap3A_272], %swap3A_275 {strides = array<i32>} : memref<1x128xi32, #tpu.memory_space<vmem>>, vector<1x16xi32>,
        %get3A_276 = arith.constant 0 : i32
        %get3A_277 = arith.index_cast %get3A_276 : i32 to index
        %get3A_278 = arith.constant 48 : index
        %get3A_279 = tpu.vector_load %arg9[%get3A_277, %get3A_278] {strides = array<i32>} : memref<1x128xi32, #tpu.memory_space<vmem>>, vector<1x16xi32>,
        %get3A_280 = vector.shape_cast %get3A_279 : vector<1x16xi32> to vector<16xi32>
        %add3A_281 = vector.broadcast %mul3A_33 : i32 to vector<16xi32>
        %add3A_282 = arith.addi %get3A_280, %add3A_281 : vector<16xi32>
        %swap3A_283 = arith.constant 0 : i32
        %swap3A_284 = arith.index_cast %swap3A_283 : i32 to index
        %swap3A_285 = arith.constant 48 : index
        %swap3A_286 = tpu.vector_load %arg9[%swap3A_284, %swap3A_285] {strides = array<i32>} : memref<1x128xi32, #tpu.memory_space<vmem>>, vector<1x16xi32>,
        %swap3A_287 = vector.shape_cast %swap3A_286 : vector<1x16xi32> to vector<16xi32>
        %swap3A_288 = vector.shape_cast %add3A_282 : vector<16xi32> to vector<1x16xi32>
        tpu.vector_store %arg9[%swap3A_284, %swap3A_285], %swap3A_288 {strides = array<i32>} : memref<1x128xi32, #tpu.memory_space<vmem>>, vector<1x16xi32>,
        %get3A_289 = arith.constant 0 : i32
        %get3A_290 = arith.index_cast %get3A_289 : i32 to index
        %get3A_291 = arith.constant 64 : index
        %get3A_292 = tpu.vector_load %arg9[%get3A_290, %get3A_291] {strides = array<i32>} : memref<1x128xi32, #tpu.memory_space<vmem>>, vector<1x16xi32>,
        %get3A_293 = vector.shape_cast %get3A_292 : vector<1x16xi32> to vector<16xi32>
        %add3A_294 = vector.broadcast %mul3A_33 : i32 to vector<16xi32>
        %add3A_295 = arith.addi %get3A_293, %add3A_294 : vector<16xi32>
        %swap3A_296 = arith.constant 0 : i32
        %swap3A_297 = arith.index_cast %swap3A_296 : i32 to index
        %swap3A_298 = arith.constant 64 : index
        %swap3A_299 = tpu.vector_load %arg9[%swap3A_297, %swap3A_298] {strides = array<i32>} : memref<1x128xi32, #tpu.memory_space<vmem>>, vector<1x16xi32>,
        %swap3A_300 = vector.shape_cast %swap3A_299 : vector<1x16xi32> to vector<16xi32>
        %swap3A_301 = vector.shape_cast %add3A_295 : vector<16xi32> to vector<1x16xi32>
        tpu.vector_store %arg9[%swap3A_297, %swap3A_298], %swap3A_301 {strides = array<i32>} : memref<1x128xi32, #tpu.memory_space<vmem>>, vector<1x16xi32>,
        %get3A_302 = arith.constant 0 : i32
        %get3A_303 = arith.index_cast %get3A_302 : i32 to index
        %get3A_304 = arith.constant 80 : index
        %get3A_305 = tpu.vector_load %arg9[%get3A_303, %get3A_304] {strides = array<i32>} : memref<1x128xi32, #tpu.memory_space<vmem>>, vector<1x16xi32>,
        %get3A_306 = vector.shape_cast %get3A_305 : vector<1x16xi32> to vector<16xi32>
        %add3A_307 = vector.broadcast %mul3A_33 : i32 to vector<16xi32>
        %add3A_308 = arith.addi %get3A_306, %add3A_307 : vector<16xi32>
        %swap3A_309 = arith.constant 0 : i32
        %swap3A_310 = arith.index_cast %swap3A_309 : i32 to index
        %swap3A_311 = arith.constant 80 : index
        %swap3A_312 = tpu.vector_load %arg9[%swap3A_310, %swap3A_311] {strides = array<i32>} : memref<1x128xi32, #tpu.memory_space<vmem>>, vector<1x16xi32>,
        %swap3A_313 = vector.shape_cast %swap3A_312 : vector<1x16xi32> to vector<16xi32>
        %swap3A_314 = vector.shape_cast %add3A_308 : vector<16xi32> to vector<1x16xi32>
        tpu.vector_store %arg9[%swap3A_310, %swap3A_311], %swap3A_314 {strides = array<i32>} : memref<1x128xi32, #tpu.memory_space<vmem>>, vector<1x16xi32>,
        %get3A_315 = arith.constant 0 : i32
        %get3A_316 = arith.index_cast %get3A_315 : i32 to index
        %get3A_317 = arith.constant 96 : index
        %get3A_318 = tpu.vector_load %arg9[%get3A_316, %get3A_317] {strides = array<i32>} : memref<1x128xi32, #tpu.memory_space<vmem>>, vector<1x16xi32>,
        %get3A_319 = vector.shape_cast %get3A_318 : vector<1x16xi32> to vector<16xi32>
        %add3A_320 = vector.broadcast %mul3A_33 : i32 to vector<16xi32>
        %add3A_321 = arith.addi %get3A_319, %add3A_320 : vector<16xi32>
        %swap3A_322 = arith.constant 0 : i32
        %swap3A_323 = arith.index_cast %swap3A_322 : i32 to index
        %swap3A_324 = arith.constant 96 : index
        %swap3A_325 = tpu.vector_load %arg9[%swap3A_323, %swap3A_324] {strides = array<i32>} : memref<1x128xi32, #tpu.memory_space<vmem>>, vector<1x16xi32>,
        %swap3A_326 = vector.shape_cast %swap3A_325 : vector<1x16xi32> to vector<16xi32>
        %swap3A_327 = vector.shape_cast %add3A_321 : vector<16xi32> to vector<1x16xi32>
        tpu.vector_store %arg9[%swap3A_323, %swap3A_324], %swap3A_327 {strides = array<i32>} : memref<1x128xi32, #tpu.memory_space<vmem>>, vector<1x16xi32>,
        %get3A_328 = arith.constant 0 : i32
        %get3A_329 = arith.index_cast %get3A_328 : i32 to index
        %get3A_330 = arith.constant 112 : index
        %get3A_331 = tpu.vector_load %arg9[%get3A_329, %get3A_330] {strides = array<i32>} : memref<1x128xi32, #tpu.memory_space<vmem>>, vector<1x16xi32>,
        %get3A_332 = vector.shape_cast %get3A_331 : vector<1x16xi32> to vector<16xi32>
        %add3A_333 = vector.broadcast %mul3A_33 : i32 to vector<16xi32>
        %add3A_334 = arith.addi %get3A_332, %add3A_333 : vector<16xi32>
        %swap3A_335 = arith.constant 0 : i32
        %swap3A_336 = arith.index_cast %swap3A_335 : i32 to index
        %swap3A_337 = arith.constant 112 : index
        %swap3A_338 = tpu.vector_load %arg9[%swap3A_336, %swap3A_337] {strides = array<i32>} : memref<1x128xi32, #tpu.memory_space<vmem>>, vector<1x16xi32>,
        %swap3A_339 = vector.shape_cast %swap3A_338 : vector<1x16xi32> to vector<16xi32>
        %swap3A_340 = vector.shape_cast %add3A_334 : vector<16xi32> to vector<1x16xi32>
        tpu.vector_store %arg9[%swap3A_336, %swap3A_337], %swap3A_340 {strides = array<i32>} : memref<1x128xi32, #tpu.memory_space<vmem>>, vector<1x16xi32>,
        %dma_wait3A_341 = arith.constant 0 : i32
        %dma_wait3A_342 = arith.constant 0 : i32
        %dma_wait3A_343 = tpu.memref_slice %arg7[%dma_wait3A_341, %dma_wait3A_342] : memref<1x128xi32, #tpu.memory_space<vmem>> -> memref<1x128xi32, #tpu.memory_space<vmem>>
        %dma_wait3A_344 = tpu.memref_squeeze %dma_wait3A_343 : memref<1x128xi32, #tpu.memory_space<vmem>> -> memref<128xi32, #tpu.memory_space<vmem>>
        %dma_wait3A_345 = arith.constant 0 : i32
        %dma_wait3A_346 = arith.constant 0 : i32
        %dma_wait3A_347 = tpu.memref_slice %arg2[%dma_wait3A_345, %dma_wait3A_346] : memref<200000x64xbf16, #tpu.memory_space<hbm>> -> memref<200000x64xbf16, #tpu.memory_space<hbm>>
        tpu.wait_indirect_dma semaphore(%arg16 : memref<!tpu.dma_semaphore, #tpu.memory_space<semaphore_mem>>) src(%dma_wait3A_347 : memref<200000x64xbf16, #tpu.memory_space<hbm>>) dst(%arg11 : memref<128x64xbf16, #tpu.memory_space<vmem>>)
        %dma_start3A_348 = arith.constant 0 : i32
        %dma_start3A_349 = arith.constant 0 : i32
        %dma_start3A_350 = tpu.memref_slice %arg9[%dma_start3A_348, %dma_start3A_349] : memref<1x128xi32, #tpu.memory_space<vmem>> -> memref<1x128xi32, #tpu.memory_space<vmem>>
        %dma_start3A_351 = tpu.memref_squeeze %dma_start3A_350 : memref<1x128xi32, #tpu.memory_space<vmem>> -> memref<128xi32, #tpu.memory_space<vmem>>
        %dma_start3A_352 = arith.constant 0 : i32
        %dma_start3A_353 = arith.constant 0 : i32
        %dma_start3A_354 = tpu.memref_slice %arg2[%dma_start3A_352, %dma_start3A_353] : memref<200000x64xbf16, #tpu.memory_space<hbm>> -> memref<200000x64xbf16, #tpu.memory_space<hbm>>
        tpu.enqueue_indirect_dma source(%dma_start3A_354 : memref<200000x64xbf16, #tpu.memory_space<hbm>>) target(%arg12 : memref<128x64xbf16, #tpu.memory_space<vmem>>) offsets(%dma_start3A_351 : memref<128xi32, #tpu.memory_space<vmem>>) semaphore(%arg17 : memref<!tpu.dma_semaphore, #tpu.memory_space<semaphore_mem>>)
        %run_scoped3A = arith.constant 0 : i32
        "tpu.region"() ({
          %run_scoped3A_367 = tpu.sem_alloc : memref<!tpu.dma_semaphore, #tpu.memory_space<semaphore_mem>>
          %dma_start3A_368 = arith.constant 0 : i32
          %dma_start3A_369 = tpu.memref_slice %arg8[%run_scoped3A, %dma_start3A_368] : memref<1x128xi32, #tpu.memory_space<vmem>> -> memref<1x128xi32, #tpu.memory_space<vmem>>
          %dma_start3A_370 = tpu.memref_squeeze %dma_start3A_369 : memref<1x128xi32, #tpu.memory_space<vmem>> -> memref<128xi32, #tpu.memory_space<vmem>>
          %dma_start3A_371 = arith.constant 0 : i32
          %dma_start3A_372 = arith.constant 0 : i32
          %dma_start3A_373 = tpu.memref_slice %arg13[%dma_start3A_371, %dma_start3A_372] : memref<50048x64xbf16, #tpu.memory_space<vmem_shared>> -> memref<50048x64xbf16, #tpu.memory_space<vmem_shared>>
          tpu.enqueue_indirect_dma source(%arg11 : memref<128x64xbf16, #tpu.memory_space<vmem>>) target(%dma_start3A_373 : memref<50048x64xbf16, #tpu.memory_space<vmem_shared>>) offsets(%dma_start3A_370 : memref<128xi32, #tpu.memory_space<vmem>>) semaphore(%run_scoped3A_367 : memref<!tpu.dma_semaphore, #tpu.memory_space<semaphore_mem>>) {add = true}
          %dma_wait3A_374 = arith.constant 0 : i32
          %dma_wait3A_375 = tpu.memref_slice %arg8[%run_scoped3A, %dma_wait3A_374] : memref<1x128xi32, #tpu.memory_space<vmem>> -> memref<1x128xi32, #tpu.memory_space<vmem>>
          %dma_wait3A_376 = tpu.memref_squeeze %dma_wait3A_375 : memref<1x128xi32, #tpu.memory_space<vmem>> -> memref<128xi32, #tpu.memory_space<vmem>>
          %dma_wait3A_377 = arith.constant 0 : i32
          %dma_wait3A_378 = arith.constant 0 : i32
          %dma_wait3A_379 = tpu.memref_slice %arg13[%dma_wait3A_377, %dma_wait3A_378] : memref<50048x64xbf16, #tpu.memory_space<vmem_shared>> -> memref<50048x64xbf16, #tpu.memory_space<vmem_shared>>
          tpu.wait_indirect_dma semaphore(%run_scoped3A_367 : memref<!tpu.dma_semaphore, #tpu.memory_space<semaphore_mem>>) src(%arg11 : memref<128x64xbf16, #tpu.memory_space<vmem>>) dst(%dma_wait3A_379 : memref<50048x64xbf16, #tpu.memory_space<vmem_shared>>)
          tpu.yield
        }) : () -> ()
        %convert_element_type3A = arith.extui %lt3A : i1 to i32
        %cond3A = arith.constant 0 : i32
        %cond3A_355 = arith.cmpi ne, %convert_element_type3A, %cond3A : i32
        scf.if %cond3A_355 {
          %mul3A_367 = arith.constant 2 : i32
          %mul3A_368 = arith.muli %mul3A_367, %add3A_216 : i32
          %add3A_369 = arith.constant 2 : i32
          %add3A_370 = arith.addi %mul3A_368, %add3A_369 : i32
          %mul3A_371 = arith.constant 16 : i32
          %mul3A_372 = arith.muli %add3A_370, %mul3A_371 : i32
          %add3A_373 = arith.addi %add3A_22, %mul3A_372 : i32
          %dma_start3A_374 = arith.constant 0 : i32
          %dma_start3A_375 = arith.constant 0 : i32
          %dma_start3A_376 = tpu.memref_slice %arg3[%add3A_373, %dma_start3A_374, %dma_start3A_375] : memref<6400x1x128xi32, #tpu.memory_space<hbm>> -> memref<1x1x128xi32, #tpu.memory_space<hbm>>
          %dma_start3A_377 = tpu.memref_squeeze %dma_start3A_376 : memref<1x1x128xi32, #tpu.memory_space<hbm>> -> memref<1x128xi32, #tpu.memory_space<hbm>>
          %dma_start3A_378 = arith.constant 0 : i32
          %dma_start3A_379 = arith.constant 0 : i32
          %dma_start3A_380 = tpu.memref_slice %arg3[%add3A_373, %dma_start3A_378, %dma_start3A_379] : memref<6400x1x128xi32, #tpu.memory_space<hbm>> -> memref<1x1x128xi32, #tpu.memory_space<hbm>>
          %dma_start3A_381 = tpu.memref_squeeze %dma_start3A_380 : memref<1x1x128xi32, #tpu.memory_space<hbm>> -> memref<1x128xi32, #tpu.memory_space<hbm>>
          tpu.enqueue_dma source(%dma_start3A_381 : memref<1x128xi32, #tpu.memory_space<hbm>>) target(%arg7 : memref<1x128xi32, #tpu.memory_space<vmem>>) target_semaphore(%arg14 : memref<!tpu.dma_semaphore, #tpu.memory_space<semaphore_mem>>)
          %dma_start3A_382 = arith.constant 0 : i32
          %dma_start3A_383 = arith.constant 0 : i32
          %dma_start3A_384 = tpu.memref_slice %arg4[%add3A_373, %dma_start3A_382, %dma_start3A_383] : memref<6400x1x128xi32, #tpu.memory_space<hbm>> -> memref<1x1x128xi32, #tpu.memory_space<hbm>>
          %dma_start3A_385 = tpu.memref_squeeze %dma_start3A_384 : memref<1x1x128xi32, #tpu.memory_space<hbm>> -> memref<1x128xi32, #tpu.memory_space<hbm>>
          %dma_start3A_386 = arith.constant 0 : i32
          %dma_start3A_387 = arith.constant 0 : i32
          %dma_start3A_388 = tpu.memref_slice %arg4[%add3A_373, %dma_start3A_386, %dma_start3A_387] : memref<6400x1x128xi32, #tpu.memory_space<hbm>> -> memref<1x1x128xi32, #tpu.memory_space<hbm>>
          %dma_start3A_389 = tpu.memref_squeeze %dma_start3A_388 : memref<1x1x128xi32, #tpu.memory_space<hbm>> -> memref<1x128xi32, #tpu.memory_space<hbm>>
          tpu.enqueue_dma source(%dma_start3A_389 : memref<1x128xi32, #tpu.memory_space<hbm>>) target(%arg8 : memref<1x128xi32, #tpu.memory_space<vmem>>) target_semaphore(%arg14 : memref<!tpu.dma_semaphore, #tpu.memory_space<semaphore_mem>>)
          %dma_wait3A_390 = arith.constant 0 : i32
          %dma_wait3A_391 = arith.constant 0 : i32
          %dma_wait3A_392 = arith.constant 0 : i32
          %dma_wait3A_393 = tpu.memref_slice %arg3[%dma_wait3A_390, %dma_wait3A_391, %dma_wait3A_392] : memref<6400x1x128xi32, #tpu.memory_space<hbm>> -> memref<1x1x128xi32, #tpu.memory_space<hbm>>
          %dma_wait3A_394 = tpu.memref_squeeze %dma_wait3A_393 : memref<1x1x128xi32, #tpu.memory_space<hbm>> -> memref<1x128xi32, #tpu.memory_space<hbm>>
          %dma_wait3A_395 = arith.constant 0 : i32
          %dma_wait3A_396 = arith.constant 0 : i32
          %dma_wait3A_397 = tpu.memref_slice %arg3[%dma_wait3A_390, %dma_wait3A_395, %dma_wait3A_396] : memref<6400x1x128xi32, #tpu.memory_space<hbm>> -> memref<1x1x128xi32, #tpu.memory_space<hbm>>
          %dma_wait3A_398 = tpu.memref_squeeze %dma_wait3A_397 : memref<1x1x128xi32, #tpu.memory_space<hbm>> -> memref<1x128xi32, #tpu.memory_space<hbm>>
          tpu.wait_dma2 semaphore(%arg14 : memref<!tpu.dma_semaphore, #tpu.memory_space<semaphore_mem>>) src(%dma_wait3A_398 : memref<1x128xi32, #tpu.memory_space<hbm>>) dst(%arg7 : memref<1x128xi32, #tpu.memory_space<vmem>>)
          %dma_wait3A_399 = arith.constant 0 : i32
          %dma_wait3A_400 = arith.constant 0 : i32
          %dma_wait3A_401 = arith.constant 0 : i32
          %dma_wait3A_402 = tpu.memref_slice %arg4[%dma_wait3A_399, %dma_wait3A_400, %dma_wait3A_401] : memref<6400x1x128xi32, #tpu.memory_space<hbm>> -> memref<1x1x128xi32, #tpu.memory_space<hbm>>
          %dma_wait3A_403 = tpu.memref_squeeze %dma_wait3A_402 : memref<1x1x128xi32, #tpu.memory_space<hbm>> -> memref<1x128xi32, #tpu.memory_space<hbm>>
          %dma_wait3A_404 = arith.constant 0 : i32
          %dma_wait3A_405 = arith.constant 0 : i32
          %dma_wait3A_406 = tpu.memref_slice %arg4[%dma_wait3A_399, %dma_wait3A_404, %dma_wait3A_405] : memref<6400x1x128xi32, #tpu.memory_space<hbm>> -> memref<1x1x128xi32, #tpu.memory_space<hbm>>
          %dma_wait3A_407 = tpu.memref_squeeze %dma_wait3A_406 : memref<1x1x128xi32, #tpu.memory_space<hbm>> -> memref<1x128xi32, #tpu.memory_space<hbm>>
          tpu.wait_dma2 semaphore(%arg14 : memref<!tpu.dma_semaphore, #tpu.memory_space<semaphore_mem>>) src(%dma_wait3A_407 : memref<1x128xi32, #tpu.memory_space<hbm>>) dst(%arg8 : memref<1x128xi32, #tpu.memory_space<vmem>>)
          %get3A_408 = arith.constant 0 : i32
          %get3A_409 = arith.index_cast %get3A_408 : i32 to index
          %get3A_410 = arith.constant 0 : index
          %get3A_411 = tpu.vector_load %arg7[%get3A_409, %get3A_410] {strides = array<i32>} : memref<1x128xi32, #tpu.memory_space<vmem>>, vector<1x16xi32>,
          %get3A_412 = vector.shape_cast %get3A_411 : vector<1x16xi32> to vector<16xi32>
          %add3A_413 = vector.broadcast %mul3A_33 : i32 to vector<16xi32>
          %add3A_414 = arith.addi %get3A_412, %add3A_413 : vector<16xi32>
          %swap3A_415 = arith.constant 0 : i32
          %swap3A_416 = arith.index_cast %swap3A_415 : i32 to index
          %swap3A_417 = arith.constant 0 : index
          %swap3A_418 = tpu.vector_load %arg7[%swap3A_416, %swap3A_417] {strides = array<i32>} : memref<1x128xi32, #tpu.memory_space<vmem>>, vector<1x16xi32>,
          %swap3A_419 = vector.shape_cast %swap3A_418 : vector<1x16xi32> to vector<16xi32>
          %swap3A_420 = vector.shape_cast %add3A_414 : vector<16xi32> to vector<1x16xi32>
          tpu.vector_store %arg7[%swap3A_416, %swap3A_417], %swap3A_420 {strides = array<i32>} : memref<1x128xi32, #tpu.memory_space<vmem>>, vector<1x16xi32>,
          %get3A_421 = arith.constant 0 : i32
          %get3A_422 = arith.index_cast %get3A_421 : i32 to index
          %get3A_423 = arith.constant 16 : index
          %get3A_424 = tpu.vector_load %arg7[%get3A_422, %get3A_423] {strides = array<i32>} : memref<1x128xi32, #tpu.memory_space<vmem>>, vector<1x16xi32>,
          %get3A_425 = vector.shape_cast %get3A_424 : vector<1x16xi32> to vector<16xi32>
          %add3A_426 = vector.broadcast %mul3A_33 : i32 to vector<16xi32>
          %add3A_427 = arith.addi %get3A_425, %add3A_426 : vector<16xi32>
          %swap3A_428 = arith.constant 0 : i32
          %swap3A_429 = arith.index_cast %swap3A_428 : i32 to index
          %swap3A_430 = arith.constant 16 : index
          %swap3A_431 = tpu.vector_load %arg7[%swap3A_429, %swap3A_430] {strides = array<i32>} : memref<1x128xi32, #tpu.memory_space<vmem>>, vector<1x16xi32>,
          %swap3A_432 = vector.shape_cast %swap3A_431 : vector<1x16xi32> to vector<16xi32>
          %swap3A_433 = vector.shape_cast %add3A_427 : vector<16xi32> to vector<1x16xi32>
          tpu.vector_store %arg7[%swap3A_429, %swap3A_430], %swap3A_433 {strides = array<i32>} : memref<1x128xi32, #tpu.memory_space<vmem>>, vector<1x16xi32>,
          %get3A_434 = arith.constant 0 : i32
          %get3A_435 = arith.index_cast %get3A_434 : i32 to index
          %get3A_436 = arith.constant 32 : index
          %get3A_437 = tpu.vector_load %arg7[%get3A_435, %get3A_436] {strides = array<i32>} : memref<1x128xi32, #tpu.memory_space<vmem>>, vector<1x16xi32>,
          %get3A_438 = vector.shape_cast %get3A_437 : vector<1x16xi32> to vector<16xi32>
          %add3A_439 = vector.broadcast %mul3A_33 : i32 to vector<16xi32>
          %add3A_440 = arith.addi %get3A_438, %add3A_439 : vector<16xi32>
          %swap3A_441 = arith.constant 0 : i32
          %swap3A_442 = arith.index_cast %swap3A_441 : i32 to index
          %swap3A_443 = arith.constant 32 : index
          %swap3A_444 = tpu.vector_load %arg7[%swap3A_442, %swap3A_443] {strides = array<i32>} : memref<1x128xi32, #tpu.memory_space<vmem>>, vector<1x16xi32>,
          %swap3A_445 = vector.shape_cast %swap3A_444 : vector<1x16xi32> to vector<16xi32>
          %swap3A_446 = vector.shape_cast %add3A_440 : vector<16xi32> to vector<1x16xi32>
          tpu.vector_store %arg7[%swap3A_442, %swap3A_443], %swap3A_446 {strides = array<i32>} : memref<1x128xi32, #tpu.memory_space<vmem>>, vector<1x16xi32>,
          %get3A_447 = arith.constant 0 : i32
          %get3A_448 = arith.index_cast %get3A_447 : i32 to index
          %get3A_449 = arith.constant 48 : index
          %get3A_450 = tpu.vector_load %arg7[%get3A_448, %get3A_449] {strides = array<i32>} : memref<1x128xi32, #tpu.memory_space<vmem>>, vector<1x16xi32>,
          %get3A_451 = vector.shape_cast %get3A_450 : vector<1x16xi32> to vector<16xi32>
          %add3A_452 = vector.broadcast %mul3A_33 : i32 to vector<16xi32>
          %add3A_453 = arith.addi %get3A_451, %add3A_452 : vector<16xi32>
          %swap3A_454 = arith.constant 0 : i32
          %swap3A_455 = arith.index_cast %swap3A_454 : i32 to index
          %swap3A_456 = arith.constant 48 : index
          %swap3A_457 = tpu.vector_load %arg7[%swap3A_455, %swap3A_456] {strides = array<i32>} : memref<1x128xi32, #tpu.memory_space<vmem>>, vector<1x16xi32>,
          %swap3A_458 = vector.shape_cast %swap3A_457 : vector<1x16xi32> to vector<16xi32>
          %swap3A_459 = vector.shape_cast %add3A_453 : vector<16xi32> to vector<1x16xi32>
          tpu.vector_store %arg7[%swap3A_455, %swap3A_456], %swap3A_459 {strides = array<i32>} : memref<1x128xi32, #tpu.memory_space<vmem>>, vector<1x16xi32>,
          %get3A_460 = arith.constant 0 : i32
          %get3A_461 = arith.index_cast %get3A_460 : i32 to index
          %get3A_462 = arith.constant 64 : index
          %get3A_463 = tpu.vector_load %arg7[%get3A_461, %get3A_462] {strides = array<i32>} : memref<1x128xi32, #tpu.memory_space<vmem>>, vector<1x16xi32>,
          %get3A_464 = vector.shape_cast %get3A_463 : vector<1x16xi32> to vector<16xi32>
          %add3A_465 = vector.broadcast %mul3A_33 : i32 to vector<16xi32>
          %add3A_466 = arith.addi %get3A_464, %add3A_465 : vector<16xi32>
          %swap3A_467 = arith.constant 0 : i32
          %swap3A_468 = arith.index_cast %swap3A_467 : i32 to index
          %swap3A_469 = arith.constant 64 : index
          %swap3A_470 = tpu.vector_load %arg7[%swap3A_468, %swap3A_469] {strides = array<i32>} : memref<1x128xi32, #tpu.memory_space<vmem>>, vector<1x16xi32>,
          %swap3A_471 = vector.shape_cast %swap3A_470 : vector<1x16xi32> to vector<16xi32>
          %swap3A_472 = vector.shape_cast %add3A_466 : vector<16xi32> to vector<1x16xi32>
          tpu.vector_store %arg7[%swap3A_468, %swap3A_469], %swap3A_472 {strides = array<i32>} : memref<1x128xi32, #tpu.memory_space<vmem>>, vector<1x16xi32>,
          %get3A_473 = arith.constant 0 : i32
          %get3A_474 = arith.index_cast %get3A_473 : i32 to index
          %get3A_475 = arith.constant 80 : index
          %get3A_476 = tpu.vector_load %arg7[%get3A_474, %get3A_475] {strides = array<i32>} : memref<1x128xi32, #tpu.memory_space<vmem>>, vector<1x16xi32>,
          %get3A_477 = vector.shape_cast %get3A_476 : vector<1x16xi32> to vector<16xi32>
          %add3A_478 = vector.broadcast %mul3A_33 : i32 to vector<16xi32>
          %add3A_479 = arith.addi %get3A_477, %add3A_478 : vector<16xi32>
          %swap3A_480 = arith.constant 0 : i32
          %swap3A_481 = arith.index_cast %swap3A_480 : i32 to index
          %swap3A_482 = arith.constant 80 : index
          %swap3A_483 = tpu.vector_load %arg7[%swap3A_481, %swap3A_482] {strides = array<i32>} : memref<1x128xi32, #tpu.memory_space<vmem>>, vector<1x16xi32>,
          %swap3A_484 = vector.shape_cast %swap3A_483 : vector<1x16xi32> to vector<16xi32>
          %swap3A_485 = vector.shape_cast %add3A_479 : vector<16xi32> to vector<1x16xi32>
          tpu.vector_store %arg7[%swap3A_481, %swap3A_482], %swap3A_485 {strides = array<i32>} : memref<1x128xi32, #tpu.memory_space<vmem>>, vector<1x16xi32>,
          %get3A_486 = arith.constant 0 : i32
          %get3A_487 = arith.index_cast %get3A_486 : i32 to index
          %get3A_488 = arith.constant 96 : index
          %get3A_489 = tpu.vector_load %arg7[%get3A_487, %get3A_488] {strides = array<i32>} : memref<1x128xi32, #tpu.memory_space<vmem>>, vector<1x16xi32>,
          %get3A_490 = vector.shape_cast %get3A_489 : vector<1x16xi32> to vector<16xi32>
          %add3A_491 = vector.broadcast %mul3A_33 : i32 to vector<16xi32>
          %add3A_492 = arith.addi %get3A_490, %add3A_491 : vector<16xi32>
          %swap3A_493 = arith.constant 0 : i32
          %swap3A_494 = arith.index_cast %swap3A_493 : i32 to index
          %swap3A_495 = arith.constant 96 : index
          %swap3A_496 = tpu.vector_load %arg7[%swap3A_494, %swap3A_495] {strides = array<i32>} : memref<1x128xi32, #tpu.memory_space<vmem>>, vector<1x16xi32>,
          %swap3A_497 = vector.shape_cast %swap3A_496 : vector<1x16xi32> to vector<16xi32>
          %swap3A_498 = vector.shape_cast %add3A_492 : vector<16xi32> to vector<1x16xi32>
          tpu.vector_store %arg7[%swap3A_494, %swap3A_495], %swap3A_498 {strides = array<i32>} : memref<1x128xi32, #tpu.memory_space<vmem>>, vector<1x16xi32>,
          %get3A_499 = arith.constant 0 : i32
          %get3A_500 = arith.index_cast %get3A_499 : i32 to index
          %get3A_501 = arith.constant 112 : index
          %get3A_502 = tpu.vector_load %arg7[%get3A_500, %get3A_501] {strides = array<i32>} : memref<1x128xi32, #tpu.memory_space<vmem>>, vector<1x16xi32>,
          %get3A_503 = vector.shape_cast %get3A_502 : vector<1x16xi32> to vector<16xi32>
          %add3A_504 = vector.broadcast %mul3A_33 : i32 to vector<16xi32>
          %add3A_505 = arith.addi %get3A_503, %add3A_504 : vector<16xi32>
          %swap3A_506 = arith.constant 0 : i32
          %swap3A_507 = arith.index_cast %swap3A_506 : i32 to index
          %swap3A_508 = arith.constant 112 : index
          %swap3A_509 = tpu.vector_load %arg7[%swap3A_507, %swap3A_508] {strides = array<i32>} : memref<1x128xi32, #tpu.memory_space<vmem>>, vector<1x16xi32>,
          %swap3A_510 = vector.shape_cast %swap3A_509 : vector<1x16xi32> to vector<16xi32>
          %swap3A_511 = vector.shape_cast %add3A_505 : vector<16xi32> to vector<1x16xi32>
          tpu.vector_store %arg7[%swap3A_507, %swap3A_508], %swap3A_511 {strides = array<i32>} : memref<1x128xi32, #tpu.memory_space<vmem>>, vector<1x16xi32>,
        } else {
        }
        %dma_wait3A_356 = arith.constant 0 : i32
        %dma_wait3A_357 = arith.constant 0 : i32
        %dma_wait3A_358 = tpu.memref_slice %arg9[%dma_wait3A_356, %dma_wait3A_357] : memref<1x128xi32, #tpu.memory_space<vmem>> -> memref<1x128xi32, #tpu.memory_space<vmem>>
        %dma_wait3A_359 = tpu.memref_squeeze %dma_wait3A_358 : memref<1x128xi32, #tpu.memory_space<vmem>> -> memref<128xi32, #tpu.memory_space<vmem>>
        %dma_wait3A_360 = arith.constant 0 : i32
        %dma_wait3A_361 = arith.constant 0 : i32
        %dma_wait3A_362 = tpu.memref_slice %arg2[%dma_wait3A_360, %dma_wait3A_361] : memref<200000x64xbf16, #tpu.memory_space<hbm>> -> memref<200000x64xbf16, #tpu.memory_space<hbm>>
        tpu.wait_indirect_dma semaphore(%arg17 : memref<!tpu.dma_semaphore, #tpu.memory_space<semaphore_mem>>) src(%dma_wait3A_362 : memref<200000x64xbf16, #tpu.memory_space<hbm>>) dst(%arg12 : memref<128x64xbf16, #tpu.memory_space<vmem>>)
        %convert_element_type3A_363 = arith.extui %lt3A : i1 to i32
        %cond3A_364 = arith.constant 0 : i32
        %cond3A_365 = arith.cmpi ne, %convert_element_type3A_363, %cond3A_364 : i32
        scf.if %cond3A_365 {
          %dma_start3A_367 = arith.constant 0 : i32
          %dma_start3A_368 = arith.constant 0 : i32
          %dma_start3A_369 = tpu.memref_slice %arg7[%dma_start3A_367, %dma_start3A_368] : memref<1x128xi32, #tpu.memory_space<vmem>> -> memref<1x128xi32, #tpu.memory_space<vmem>>
          %dma_start3A_370 = tpu.memref_squeeze %dma_start3A_369 : memref<1x128xi32, #tpu.memory_space<vmem>> -> memref<128xi32, #tpu.memory_space<vmem>>
          %dma_start3A_371 = arith.constant 0 : i32
          %dma_start3A_372 = arith.constant 0 : i32
          %dma_start3A_373 = tpu.memref_slice %arg2[%dma_start3A_371, %dma_start3A_372] : memref<200000x64xbf16, #tpu.memory_space<hbm>> -> memref<200000x64xbf16, #tpu.memory_space<hbm>>
          tpu.enqueue_indirect_dma source(%dma_start3A_373 : memref<200000x64xbf16, #tpu.memory_space<hbm>>) target(%arg11 : memref<128x64xbf16, #tpu.memory_space<vmem>>) offsets(%dma_start3A_370 : memref<128xi32, #tpu.memory_space<vmem>>) semaphore(%arg16 : memref<!tpu.dma_semaphore, #tpu.memory_space<semaphore_mem>>)
          %mul3A_374 = arith.constant 2 : i32
          %mul3A_375 = arith.muli %mul3A_374, %add3A_216 : i32
          %add3A_376 = arith.constant 3 : i32
          %add3A_377 = arith.addi %mul3A_375, %add3A_376 : i32
          %mul3A_378 = arith.constant 16 : i32
          %mul3A_379 = arith.muli %add3A_377, %mul3A_378 : i32
          %add3A_380 = arith.addi %add3A_22, %mul3A_379 : i32
          %dma_start3A_381 = arith.constant 0 : i32
          %dma_start3A_382 = arith.constant 0 : i32
          %dma_start3A_383 = tpu.memref_slice %arg3[%add3A_380, %dma_start3A_381, %dma_start3A_382] : memref<6400x1x128xi32, #tpu.memory_space<hbm>> -> memref<1x1x128xi32, #tpu.memory_space<hbm>>
          %dma_start3A_384 = tpu.memref_squeeze %dma_start3A_383 : memref<1x1x128xi32, #tpu.memory_space<hbm>> -> memref<1x128xi32, #tpu.memory_space<hbm>>
          %dma_start3A_385 = arith.constant 0 : i32
          %dma_start3A_386 = arith.constant 0 : i32
          %dma_start3A_387 = tpu.memref_slice %arg3[%add3A_380, %dma_start3A_385, %dma_start3A_386] : memref<6400x1x128xi32, #tpu.memory_space<hbm>> -> memref<1x1x128xi32, #tpu.memory_space<hbm>>
          %dma_start3A_388 = tpu.memref_squeeze %dma_start3A_387 : memref<1x1x128xi32, #tpu.memory_space<hbm>> -> memref<1x128xi32, #tpu.memory_space<hbm>>
          tpu.enqueue_dma source(%dma_start3A_388 : memref<1x128xi32, #tpu.memory_space<hbm>>) target(%arg9 : memref<1x128xi32, #tpu.memory_space<vmem>>) target_semaphore(%arg15 : memref<!tpu.dma_semaphore, #tpu.memory_space<semaphore_mem>>)
          %dma_start3A_389 = arith.constant 0 : i32
          %dma_start3A_390 = arith.constant 0 : i32
          %dma_start3A_391 = tpu.memref_slice %arg4[%add3A_380, %dma_start3A_389, %dma_start3A_390] : memref<6400x1x128xi32, #tpu.memory_space<hbm>> -> memref<1x1x128xi32, #tpu.memory_space<hbm>>
          %dma_start3A_392 = tpu.memref_squeeze %dma_start3A_391 : memref<1x1x128xi32, #tpu.memory_space<hbm>> -> memref<1x128xi32, #tpu.memory_space<hbm>>
          %dma_start3A_393 = arith.constant 0 : i32
          %dma_start3A_394 = arith.constant 0 : i32
          %dma_start3A_395 = tpu.memref_slice %arg4[%add3A_380, %dma_start3A_393, %dma_start3A_394] : memref<6400x1x128xi32, #tpu.memory_space<hbm>> -> memref<1x1x128xi32, #tpu.memory_space<hbm>>
          %dma_start3A_396 = tpu.memref_squeeze %dma_start3A_395 : memref<1x1x128xi32, #tpu.memory_space<hbm>> -> memref<1x128xi32, #tpu.memory_space<hbm>>
          tpu.enqueue_dma source(%dma_start3A_396 : memref<1x128xi32, #tpu.memory_space<hbm>>) target(%arg10 : memref<1x128xi32, #tpu.memory_space<vmem>>) target_semaphore(%arg15 : memref<!tpu.dma_semaphore, #tpu.memory_space<semaphore_mem>>)
        } else {
        }
        %run_scoped3A_366 = arith.constant 0 : i32
        "tpu.region"() ({
          %run_scoped3A_367 = tpu.sem_alloc : memref<!tpu.dma_semaphore, #tpu.memory_space<semaphore_mem>>
          %dma_start3A_368 = arith.constant 0 : i32
          %dma_start3A_369 = tpu.memref_slice %arg10[%run_scoped3A_366, %dma_start3A_368] : memref<1x128xi32, #tpu.memory_space<vmem>> -> memref<1x128xi32, #tpu.memory_space<vmem>>
          %dma_start3A_370 = tpu.memref_squeeze %dma_start3A_369 : memref<1x128xi32, #tpu.memory_space<vmem>> -> memref<128xi32, #tpu.memory_space<vmem>>
          %dma_start3A_371 = arith.constant 0 : i32
          %dma_start3A_372 = arith.constant 0 : i32
          %dma_start3A_373 = tpu.memref_slice %arg13[%dma_start3A_371, %dma_start3A_372] : memref<50048x64xbf16, #tpu.memory_space<vmem_shared>> -> memref<50048x64xbf16, #tpu.memory_space<vmem_shared>>
          tpu.enqueue_indirect_dma source(%arg12 : memref<128x64xbf16, #tpu.memory_space<vmem>>) target(%dma_start3A_373 : memref<50048x64xbf16, #tpu.memory_space<vmem_shared>>) offsets(%dma_start3A_370 : memref<128xi32, #tpu.memory_space<vmem>>) semaphore(%run_scoped3A_367 : memref<!tpu.dma_semaphore, #tpu.memory_space<semaphore_mem>>) {add = true}
          %dma_wait3A_374 = arith.constant 0 : i32
          %dma_wait3A_375 = tpu.memref_slice %arg10[%run_scoped3A_366, %dma_wait3A_374] : memref<1x128xi32, #tpu.memory_space<vmem>> -> memref<1x128xi32, #tpu.memory_space<vmem>>
          %dma_wait3A_376 = tpu.memref_squeeze %dma_wait3A_375 : memref<1x128xi32, #tpu.memory_space<vmem>> -> memref<128xi32, #tpu.memory_space<vmem>>
          %dma_wait3A_377 = arith.constant 0 : i32
          %dma_wait3A_378 = arith.constant 0 : i32
          %dma_wait3A_379 = tpu.memref_slice %arg13[%dma_wait3A_377, %dma_wait3A_378] : memref<50048x64xbf16, #tpu.memory_space<vmem_shared>> -> memref<50048x64xbf16, #tpu.memory_space<vmem_shared>>
          tpu.wait_indirect_dma semaphore(%run_scoped3A_367 : memref<!tpu.dma_semaphore, #tpu.memory_space<semaphore_mem>>) src(%arg12 : memref<128x64xbf16, #tpu.memory_space<vmem>>) dst(%dma_wait3A_379 : memref<50048x64xbf16, #tpu.memory_space<vmem_shared>>)
          tpu.yield
        }) : () -> ()
      }
      %while3A_212 = arith.constant 1 : i32
      scf.for %while3A_214 = %while3A_210 to %while3A_206 step %while3A_212  : i32 {
        %mul3A_215 = arith.muli %while3A_214, %while3A : i32
        %add3A_216 = arith.addi %while3A_203, %mul3A_215 : i32
        %sub3A_217 = arith.constant 1 : i32
        %sub3A_218 = arith.subi %select_n3A, %sub3A_217 : i32
        %lt3A = arith.cmpi slt, %add3A_216, %sub3A_218 : i32
        %dma_wait3A_219 = arith.constant 0 : i32
        %dma_wait3A_220 = arith.constant 0 : i32
        %dma_wait3A_221 = arith.constant 0 : i32
        %dma_wait3A_222 = tpu.memref_slice %arg3[%dma_wait3A_219, %dma_wait3A_220, %dma_wait3A_221] : memref<6400x1x128xi32, #tpu.memory_space<hbm>> -> memref<1x1x128xi32, #tpu.memory_space<hbm>>
        %dma_wait3A_223 = tpu.memref_squeeze %dma_wait3A_222 : memref<1x1x128xi32, #tpu.memory_space<hbm>> -> memref<1x128xi32, #tpu.memory_space<hbm>>
        %dma_wait3A_224 = arith.constant 0 : i32
        %dma_wait3A_225 = arith.constant 0 : i32
        %dma_wait3A_226 = tpu.memref_slice %arg3[%dma_wait3A_219, %dma_wait3A_224, %dma_wait3A_225] : memref<6400x1x128xi32, #tpu.memory_space<hbm>> -> memref<1x1x128xi32, #tpu.memory_space<hbm>>
        %dma_wait3A_227 = tpu.memref_squeeze %dma_wait3A_226 : memref<1x1x128xi32, #tpu.memory_space<hbm>> -> memref<1x128xi32, #tpu.memory_space<hbm>>
        tpu.wait_dma2 semaphore(%arg15 : memref<!tpu.dma_semaphore, #tpu.memory_space<semaphore_mem>>) src(%dma_wait3A_227 : memref<1x128xi32, #tpu.memory_space<hbm>>) dst(%arg9 : memref<1x128xi32, #tpu.memory_space<vmem>>)
        %dma_wait3A_228 = arith.constant 0 : i32
        %dma_wait3A_229 = arith.constant 0 : i32
        %dma_wait3A_230 = arith.constant 0 : i32
        %dma_wait3A_231 = tpu.memref_slice %arg4[%dma_wait3A_228, %dma_wait3A_229, %dma_wait3A_230] : memref<6400x1x128xi32, #tpu.memory_space<hbm>> -> memref<1x1x128xi32, #tpu.memory_space<hbm>>
        %dma_wait3A_232 = tpu.memref_squeeze %dma_wait3A_231 : memref<1x1x128xi32, #tpu.memory_space<hbm>> -> memref<1x128xi32, #tpu.memory_space<hbm>>
        %dma_wait3A_233 = arith.constant 0 : i32
        %dma_wait3A_234 = arith.constant 0 : i32
        %dma_wait3A_235 = tpu.memref_slice %arg4[%dma_wait3A_228, %dma_wait3A_233, %dma_wait3A_234] : memref<6400x1x128xi32, #tpu.memory_space<hbm>> -> memref<1x1x128xi32, #tpu.memory_space<hbm>>
        %dma_wait3A_236 = tpu.memref_squeeze %dma_wait3A_235 : memref<1x1x128xi32, #tpu.memory_space<hbm>> -> memref<1x128xi32, #tpu.memory_space<hbm>>
        tpu.wait_dma2 semaphore(%arg15 : memref<!tpu.dma_semaphore, #tpu.memory_space<semaphore_mem>>) src(%dma_wait3A_236 : memref<1x128xi32, #tpu.memory_space<hbm>>) dst(%arg10 : memref<1x128xi32, #tpu.memory_space<vmem>>)
        %get3A_237 = arith.constant 0 : i32
        %get3A_238 = arith.index_cast %get3A_237 : i32 to index
        %get3A_239 = arith.constant 0 : index
        %get3A_240 = tpu.vector_load %arg9[%get3A_238, %get3A_239] {strides = array<i32>} : memref<1x128xi32, #tpu.memory_space<vmem>>, vector<1x16xi32>,
        %get3A_241 = vector.shape_cast %get3A_240 : vector<1x16xi32> to vector<16xi32>
        %add3A_242 = vector.broadcast %mul3A_33 : i32 to vector<16xi32>
        %add3A_243 = arith.addi %get3A_241, %add3A_242 : vector<16xi32>
        %swap3A_244 = arith.constant 0 : i32
        %swap3A_245 = arith.index_cast %swap3A_244 : i32 to index
        %swap3A_246 = arith.constant 0 : index
        %swap3A_247 = tpu.vector_load %arg9[%swap3A_245, %swap3A_246] {strides = array<i32>} : memref<1x128xi32, #tpu.memory_space<vmem>>, vector<1x16xi32>,
        %swap3A_248 = vector.shape_cast %swap3A_247 : vector<1x16xi32> to vector<16xi32>
        %swap3A_249 = vector.shape_cast %add3A_243 : vector<16xi32> to vector<1x16xi32>
        tpu.vector_store %arg9[%swap3A_245, %swap3A_246], %swap3A_249 {strides = array<i32>} : memref<1x128xi32, #tpu.memory_space<vmem>>, vector<1x16xi32>,
        %get3A_250 = arith.constant 0 : i32
        %get3A_251 = arith.index_cast %get3A_250 : i32 to index
        %get3A_252 = arith.constant 16 : index
        %get3A_253 = tpu.vector_load %arg9[%get3A_251, %get3A_252] {strides = array<i32>} : memref<1x128xi32, #tpu.memory_space<vmem>>, vector<1x16xi32>,
        %get3A_254 = vector.shape_cast %get3A_253 : vector<1x16xi32> to vector<16xi32>
        %add3A_255 = vector.broadcast %mul3A_33 : i32 to vector<16xi32>
        %add3A_256 = arith.addi %get3A_254, %add3A_255 : vector<16xi32>
        %swap3A_257 = arith.constant 0 : i32
        %swap3A_258 = arith.index_cast %swap3A_257 : i32 to index
        %swap3A_259 = arith.constant 16 : index
        %swap3A_260 = tpu.vector_load %arg9[%swap3A_258, %swap3A_259] {strides = array<i32>} : memref<1x128xi32, #tpu.memory_space<vmem>>, vector<1x16xi32>,
        %swap3A_261 = vector.shape_cast %swap3A_260 : vector<1x16xi32> to vector<16xi32>
        %swap3A_262 = vector.shape_cast %add3A_256 : vector<16xi32> to vector<1x16xi32>
        tpu.vector_store %arg9[%swap3A_258, %swap3A_259], %swap3A_262 {strides = array<i32>} : memref<1x128xi32, #tpu.memory_space<vmem>>, vector<1x16xi32>,
        %get3A_263 = arith.constant 0 : i32
        %get3A_264 = arith.index_cast %get3A_263 : i32 to index
        %get3A_265 = arith.constant 32 : index
        %get3A_266 = tpu.vector_load %arg9[%get3A_264, %get3A_265] {strides = array<i32>} : memref<1x128xi32, #tpu.memory_space<vmem>>, vector<1x16xi32>,
        %get3A_267 = vector.shape_cast %get3A_266 : vector<1x16xi32> to vector<16xi32>
        %add3A_268 = vector.broadcast %mul3A_33 : i32 to vector<16xi32>
        %add3A_269 = arith.addi %get3A_267, %add3A_268 : vector<16xi32>
        %swap3A_270 = arith.constant 0 : i32
        %swap3A_271 = arith.index_cast %swap3A_270 : i32 to index
        %swap3A_272 = arith.constant 32 : index
        %swap3A_273 = tpu.vector_load %arg9[%swap3A_271, %swap3A_272] {strides = array<i32>} : memref<1x128xi32, #tpu.memory_space<vmem>>, vector<1x16xi32>,
        %swap3A_274 = vector.shape_cast %swap3A_273 : vector<1x16xi32> to vector<16xi32>
        %swap3A_275 = vector.shape_cast %add3A_269 : vector<16xi32> to vector<1x16xi32>
        tpu.vector_store %arg9[%swap3A_271, %swap3A_272], %swap3A_275 {strides = array<i32>} : memref<1x128xi32, #tpu.memory_space<vmem>>, vector<1x16xi32>,
        %get3A_276 = arith.constant 0 : i32
        %get3A_277 = arith.index_cast %get3A_276 : i32 to index
        %get3A_278 = arith.constant 48 : index
        %get3A_279 = tpu.vector_load %arg9[%get3A_277, %get3A_278] {strides = array<i32>} : memref<1x128xi32, #tpu.memory_space<vmem>>, vector<1x16xi32>,
        %get3A_280 = vector.shape_cast %get3A_279 : vector<1x16xi32> to vector<16xi32>
        %add3A_281 = vector.broadcast %mul3A_33 : i32 to vector<16xi32>
        %add3A_282 = arith.addi %get3A_280, %add3A_281 : vector<16xi32>
        %swap3A_283 = arith.constant 0 : i32
        %swap3A_284 = arith.index_cast %swap3A_283 : i32 to index
        %swap3A_285 = arith.constant 48 : index
        %swap3A_286 = tpu.vector_load %arg9[%swap3A_284, %swap3A_285] {strides = array<i32>} : memref<1x128xi32, #tpu.memory_space<vmem>>, vector<1x16xi32>,
        %swap3A_287 = vector.shape_cast %swap3A_286 : vector<1x16xi32> to vector<16xi32>
        %swap3A_288 = vector.shape_cast %add3A_282 : vector<16xi32> to vector<1x16xi32>
        tpu.vector_store %arg9[%swap3A_284, %swap3A_285], %swap3A_288 {strides = array<i32>} : memref<1x128xi32, #tpu.memory_space<vmem>>, vector<1x16xi32>,
        %get3A_289 = arith.constant 0 : i32
        %get3A_290 = arith.index_cast %get3A_289 : i32 to index
        %get3A_291 = arith.constant 64 : index
        %get3A_292 = tpu.vector_load %arg9[%get3A_290, %get3A_291] {strides = array<i32>} : memref<1x128xi32, #tpu.memory_space<vmem>>, vector<1x16xi32>,
        %get3A_293 = vector.shape_cast %get3A_292 : vector<1x16xi32> to vector<16xi32>
        %add3A_294 = vector.broadcast %mul3A_33 : i32 to vector<16xi32>
        %add3A_295 = arith.addi %get3A_293, %add3A_294 : vector<16xi32>
        %swap3A_296 = arith.constant 0 : i32
        %swap3A_297 = arith.index_cast %swap3A_296 : i32 to index
        %swap3A_298 = arith.constant 64 : index
        %swap3A_299 = tpu.vector_load %arg9[%swap3A_297, %swap3A_298] {strides = array<i32>} : memref<1x128xi32, #tpu.memory_space<vmem>>, vector<1x16xi32>,
        %swap3A_300 = vector.shape_cast %swap3A_299 : vector<1x16xi32> to vector<16xi32>
        %swap3A_301 = vector.shape_cast %add3A_295 : vector<16xi32> to vector<1x16xi32>
        tpu.vector_store %arg9[%swap3A_297, %swap3A_298], %swap3A_301 {strides = array<i32>} : memref<1x128xi32, #tpu.memory_space<vmem>>, vector<1x16xi32>,
        %get3A_302 = arith.constant 0 : i32
        %get3A_303 = arith.index_cast %get3A_302 : i32 to index
        %get3A_304 = arith.constant 80 : index
        %get3A_305 = tpu.vector_load %arg9[%get3A_303, %get3A_304] {strides = array<i32>} : memref<1x128xi32, #tpu.memory_space<vmem>>, vector<1x16xi32>,
        %get3A_306 = vector.shape_cast %get3A_305 : vector<1x16xi32> to vector<16xi32>
        %add3A_307 = vector.broadcast %mul3A_33 : i32 to vector<16xi32>
        %add3A_308 = arith.addi %get3A_306, %add3A_307 : vector<16xi32>
        %swap3A_309 = arith.constant 0 : i32
        %swap3A_310 = arith.index_cast %swap3A_309 : i32 to index
        %swap3A_311 = arith.constant 80 : index
        %swap3A_312 = tpu.vector_load %arg9[%swap3A_310, %swap3A_311] {strides = array<i32>} : memref<1x128xi32, #tpu.memory_space<vmem>>, vector<1x16xi32>,
        %swap3A_313 = vector.shape_cast %swap3A_312 : vector<1x16xi32> to vector<16xi32>
        %swap3A_314 = vector.shape_cast %add3A_308 : vector<16xi32> to vector<1x16xi32>
        tpu.vector_store %arg9[%swap3A_310, %swap3A_311], %swap3A_314 {strides = array<i32>} : memref<1x128xi32, #tpu.memory_space<vmem>>, vector<1x16xi32>,
        %get3A_315 = arith.constant 0 : i32
        %get3A_316 = arith.index_cast %get3A_315 : i32 to index
        %get3A_317 = arith.constant 96 : index
        %get3A_318 = tpu.vector_load %arg9[%get3A_316, %get3A_317] {strides = array<i32>} : memref<1x128xi32, #tpu.memory_space<vmem>>, vector<1x16xi32>,
        %get3A_319 = vector.shape_cast %get3A_318 : vector<1x16xi32> to vector<16xi32>
        %add3A_320 = vector.broadcast %mul3A_33 : i32 to vector<16xi32>
        %add3A_321 = arith.addi %get3A_319, %add3A_320 : vector<16xi32>
        %swap3A_322 = arith.constant 0 : i32
        %swap3A_323 = arith.index_cast %swap3A_322 : i32 to index
        %swap3A_324 = arith.constant 96 : index
        %swap3A_325 = tpu.vector_load %arg9[%swap3A_323, %swap3A_324] {strides = array<i32>} : memref<1x128xi32, #tpu.memory_space<vmem>>, vector<1x16xi32>,
        %swap3A_326 = vector.shape_cast %swap3A_325 : vector<1x16xi32> to vector<16xi32>
        %swap3A_327 = vector.shape_cast %add3A_321 : vector<16xi32> to vector<1x16xi32>
        tpu.vector_store %arg9[%swap3A_323, %swap3A_324], %swap3A_327 {strides = array<i32>} : memref<1x128xi32, #tpu.memory_space<vmem>>, vector<1x16xi32>,
        %get3A_328 = arith.constant 0 : i32
        %get3A_329 = arith.index_cast %get3A_328 : i32 to index
        %get3A_330 = arith.constant 112 : index
        %get3A_331 = tpu.vector_load %arg9[%get3A_329, %get3A_330] {strides = array<i32>} : memref<1x128xi32, #tpu.memory_space<vmem>>, vector<1x16xi32>,
        %get3A_332 = vector.shape_cast %get3A_331 : vector<1x16xi32> to vector<16xi32>
        %add3A_333 = vector.broadcast %mul3A_33 : i32 to vector<16xi32>
        %add3A_334 = arith.addi %get3A_332, %add3A_333 : vector<16xi32>
        %swap3A_335 = arith.constant 0 : i32
        %swap3A_336 = arith.index_cast %swap3A_335 : i32 to index
        %swap3A_337 = arith.constant 112 : index
        %swap3A_338 = tpu.vector_load %arg9[%swap3A_336, %swap3A_337] {strides = array<i32>} : memref<1x128xi32, #tpu.memory_space<vmem>>, vector<1x16xi32>,
        %swap3A_339 = vector.shape_cast %swap3A_338 : vector<1x16xi32> to vector<16xi32>
        %swap3A_340 = vector.shape_cast %add3A_334 : vector<16xi32> to vector<1x16xi32>
        tpu.vector_store %arg9[%swap3A_336, %swap3A_337], %swap3A_340 {strides = array<i32>} : memref<1x128xi32, #tpu.memory_space<vmem>>, vector<1x16xi32>,
        %dma_wait3A_341 = arith.constant 0 : i32
        %dma_wait3A_342 = arith.constant 0 : i32
        %dma_wait3A_343 = tpu.memref_slice %arg7[%dma_wait3A_341, %dma_wait3A_342] : memref<1x128xi32, #tpu.memory_space<vmem>> -> memref<1x128xi32, #tpu.memory_space<vmem>>
        %dma_wait3A_344 = tpu.memref_squeeze %dma_wait3A_343 : memref<1x128xi32, #tpu.memory_space<vmem>> -> memref<128xi32, #tpu.memory_space<vmem>>
        %dma_wait3A_345 = arith.constant 0 : i32
        %dma_wait3A_346 = arith.constant 0 : i32
        %dma_wait3A_347 = tpu.memref_slice %arg2[%dma_wait3A_345, %dma_wait3A_346] : memref<200000x64xbf16, #tpu.memory_space<hbm>> -> memref<200000x64xbf16, #tpu.memory_space<hbm>>
        tpu.wait_indirect_dma semaphore(%arg16 : memref<!tpu.dma_semaphore, #tpu.memory_space<semaphore_mem>>) src(%dma_wait3A_347 : memref<200000x64xbf16, #tpu.memory_space<hbm>>) dst(%arg11 : memref<128x64xbf16, #tpu.memory_space<vmem>>)
        %dma_start3A_348 = arith.constant 0 : i32
        %dma_start3A_349 = arith.constant 0 : i32
        %dma_start3A_350 = tpu.memref_slice %arg9[%dma_start3A_348, %dma_start3A_349] : memref<1x128xi32, #tpu.memory_space<vmem>> -> memref<1x128xi32, #tpu.memory_space<vmem>>
        %dma_start3A_351 = tpu.memref_squeeze %dma_start3A_350 : memref<1x128xi32, #tpu.memory_space<vmem>> -> memref<128xi32, #tpu.memory_space<vmem>>
        %dma_start3A_352 = arith.constant 0 : i32
        %dma_start3A_353 = arith.constant 0 : i32
        %dma_start3A_354 = tpu.memref_slice %arg2[%dma_start3A_352, %dma_start3A_353] : memref<200000x64xbf16, #tpu.memory_space<hbm>> -> memref<200000x64xbf16, #tpu.memory_space<hbm>>
        tpu.enqueue_indirect_dma source(%dma_start3A_354 : memref<200000x64xbf16, #tpu.memory_space<hbm>>) target(%arg12 : memref<128x64xbf16, #tpu.memory_space<vmem>>) offsets(%dma_start3A_351 : memref<128xi32, #tpu.memory_space<vmem>>) semaphore(%arg17 : memref<!tpu.dma_semaphore, #tpu.memory_space<semaphore_mem>>)
        %run_scoped3A = arith.constant 0 : i32
        "tpu.region"() ({
          %run_scoped3A_367 = tpu.sem_alloc : memref<!tpu.dma_semaphore, #tpu.memory_space<semaphore_mem>>
          %dma_start3A_368 = arith.constant 0 : i32
          %dma_start3A_369 = tpu.memref_slice %arg8[%run_scoped3A, %dma_start3A_368] : memref<1x128xi32, #tpu.memory_space<vmem>> -> memref<1x128xi32, #tpu.memory_space<vmem>>
          %dma_start3A_370 = tpu.memref_squeeze %dma_start3A_369 : memref<1x128xi32, #tpu.memory_space<vmem>> -> memref<128xi32, #tpu.memory_space<vmem>>
          %dma_start3A_371 = arith.constant 0 : i32
          %dma_start3A_372 = arith.constant 0 : i32
          %dma_start3A_373 = tpu.memref_slice %arg13[%dma_start3A_371, %dma_start3A_372] : memref<50048x64xbf16, #tpu.memory_space<vmem_shared>> -> memref<50048x64xbf16, #tpu.memory_space<vmem_shared>>
          tpu.enqueue_indirect_dma source(%arg11 : memref<128x64xbf16, #tpu.memory_space<vmem>>) target(%dma_start3A_373 : memref<50048x64xbf16, #tpu.memory_space<vmem_shared>>) offsets(%dma_start3A_370 : memref<128xi32, #tpu.memory_space<vmem>>) semaphore(%run_scoped3A_367 : memref<!tpu.dma_semaphore, #tpu.memory_space<semaphore_mem>>) {add = true}
          %dma_wait3A_374 = arith.constant 0 : i32
          %dma_wait3A_375 = tpu.memref_slice %arg8[%run_scoped3A, %dma_wait3A_374] : memref<1x128xi32, #tpu.memory_space<vmem>> -> memref<1x128xi32, #tpu.memory_space<vmem>>
          %dma_wait3A_376 = tpu.memref_squeeze %dma_wait3A_375 : memref<1x128xi32, #tpu.memory_space<vmem>> -> memref<128xi32, #tpu.memory_space<vmem>>
          %dma_wait3A_377 = arith.constant 0 : i32
          %dma_wait3A_378 = arith.constant 0 : i32
          %dma_wait3A_379 = tpu.memref_slice %arg13[%dma_wait3A_377, %dma_wait3A_378] : memref<50048x64xbf16, #tpu.memory_space<vmem_shared>> -> memref<50048x64xbf16, #tpu.memory_space<vmem_shared>>
          tpu.wait_indirect_dma semaphore(%run_scoped3A_367 : memref<!tpu.dma_semaphore, #tpu.memory_space<semaphore_mem>>) src(%arg11 : memref<128x64xbf16, #tpu.memory_space<vmem>>) dst(%dma_wait3A_379 : memref<50048x64xbf16, #tpu.memory_space<vmem_shared>>)
          tpu.yield
        }) : () -> ()
        %convert_element_type3A = arith.extui %lt3A : i1 to i32
        %cond3A = arith.constant 0 : i32
        %cond3A_355 = arith.cmpi ne, %convert_element_type3A, %cond3A : i32
        scf.if %cond3A_355 {
          %mul3A_367 = arith.constant 2 : i32
          %mul3A_368 = arith.muli %mul3A_367, %add3A_216 : i32
          %add3A_369 = arith.constant 2 : i32
          %add3A_370 = arith.addi %mul3A_368, %add3A_369 : i32
          %mul3A_371 = arith.constant 16 : i32
          %mul3A_372 = arith.muli %add3A_370, %mul3A_371 : i32
          %add3A_373 = arith.addi %add3A_22, %mul3A_372 : i32
          %dma_start3A_374 = arith.constant 0 : i32
          %dma_start3A_375 = arith.constant 0 : i32
          %dma_start3A_376 = tpu.memref_slice %arg3[%add3A_373, %dma_start3A_374, %dma_start3A_375] : memref<6400x1x128xi32, #tpu.memory_space<hbm>> -> memref<1x1x128xi32, #tpu.memory_space<hbm>>
          %dma_start3A_377 = tpu.memref_squeeze %dma_start3A_376 : memref<1x1x128xi32, #tpu.memory_space<hbm>> -> memref<1x128xi32, #tpu.memory_space<hbm>>
          %dma_start3A_378 = arith.constant 0 : i32
          %dma_start3A_379 = arith.constant 0 : i32
          %dma_start3A_380 = tpu.memref_slice %arg3[%add3A_373, %dma_start3A_378, %dma_start3A_379] : memref<6400x1x128xi32, #tpu.memory_space<hbm>> -> memref<1x1x128xi32, #tpu.memory_space<hbm>>
          %dma_start3A_381 = tpu.memref_squeeze %dma_start3A_380 : memref<1x1x128xi32, #tpu.memory_space<hbm>> -> memref<1x128xi32, #tpu.memory_space<hbm>>
          tpu.enqueue_dma source(%dma_start3A_381 : memref<1x128xi32, #tpu.memory_space<hbm>>) target(%arg7 : memref<1x128xi32, #tpu.memory_space<vmem>>) target_semaphore(%arg14 : memref<!tpu.dma_semaphore, #tpu.memory_space<semaphore_mem>>)
          %dma_start3A_382 = arith.constant 0 : i32
          %dma_start3A_383 = arith.constant 0 : i32
          %dma_start3A_384 = tpu.memref_slice %arg4[%add3A_373, %dma_start3A_382, %dma_start3A_383] : memref<6400x1x128xi32, #tpu.memory_space<hbm>> -> memref<1x1x128xi32, #tpu.memory_space<hbm>>
          %dma_start3A_385 = tpu.memref_squeeze %dma_start3A_384 : memref<1x1x128xi32, #tpu.memory_space<hbm>> -> memref<1x128xi32, #tpu.memory_space<hbm>>
          %dma_start3A_386 = arith.constant 0 : i32
          %dma_start3A_387 = arith.constant 0 : i32
          %dma_start3A_388 = tpu.memref_slice %arg4[%add3A_373, %dma_start3A_386, %dma_start3A_387] : memref<6400x1x128xi32, #tpu.memory_space<hbm>> -> memref<1x1x128xi32, #tpu.memory_space<hbm>>
          %dma_start3A_389 = tpu.memref_squeeze %dma_start3A_388 : memref<1x1x128xi32, #tpu.memory_space<hbm>> -> memref<1x128xi32, #tpu.memory_space<hbm>>
          tpu.enqueue_dma source(%dma_start3A_389 : memref<1x128xi32, #tpu.memory_space<hbm>>) target(%arg8 : memref<1x128xi32, #tpu.memory_space<vmem>>) target_semaphore(%arg14 : memref<!tpu.dma_semaphore, #tpu.memory_space<semaphore_mem>>)
          %dma_wait3A_390 = arith.constant 0 : i32
          %dma_wait3A_391 = arith.constant 0 : i32
          %dma_wait3A_392 = arith.constant 0 : i32
          %dma_wait3A_393 = tpu.memref_slice %arg3[%dma_wait3A_390, %dma_wait3A_391, %dma_wait3A_392] : memref<6400x1x128xi32, #tpu.memory_space<hbm>> -> memref<1x1x128xi32, #tpu.memory_space<hbm>>
          %dma_wait3A_394 = tpu.memref_squeeze %dma_wait3A_393 : memref<1x1x128xi32, #tpu.memory_space<hbm>> -> memref<1x128xi32, #tpu.memory_space<hbm>>
          %dma_wait3A_395 = arith.constant 0 : i32
          %dma_wait3A_396 = arith.constant 0 : i32
          %dma_wait3A_397 = tpu.memref_slice %arg3[%dma_wait3A_390, %dma_wait3A_395, %dma_wait3A_396] : memref<6400x1x128xi32, #tpu.memory_space<hbm>> -> memref<1x1x128xi32, #tpu.memory_space<hbm>>
          %dma_wait3A_398 = tpu.memref_squeeze %dma_wait3A_397 : memref<1x1x128xi32, #tpu.memory_space<hbm>> -> memref<1x128xi32, #tpu.memory_space<hbm>>
          tpu.wait_dma2 semaphore(%arg14 : memref<!tpu.dma_semaphore, #tpu.memory_space<semaphore_mem>>) src(%dma_wait3A_398 : memref<1x128xi32, #tpu.memory_space<hbm>>) dst(%arg7 : memref<1x128xi32, #tpu.memory_space<vmem>>)
          %dma_wait3A_399 = arith.constant 0 : i32
          %dma_wait3A_400 = arith.constant 0 : i32
          %dma_wait3A_401 = arith.constant 0 : i32
          %dma_wait3A_402 = tpu.memref_slice %arg4[%dma_wait3A_399, %dma_wait3A_400, %dma_wait3A_401] : memref<6400x1x128xi32, #tpu.memory_space<hbm>> -> memref<1x1x128xi32, #tpu.memory_space<hbm>>
          %dma_wait3A_403 = tpu.memref_squeeze %dma_wait3A_402 : memref<1x1x128xi32, #tpu.memory_space<hbm>> -> memref<1x128xi32, #tpu.memory_space<hbm>>
          %dma_wait3A_404 = arith.constant 0 : i32
          %dma_wait3A_405 = arith.constant 0 : i32
          %dma_wait3A_406 = tpu.memref_slice %arg4[%dma_wait3A_399, %dma_wait3A_404, %dma_wait3A_405] : memref<6400x1x128xi32, #tpu.memory_space<hbm>> -> memref<1x1x128xi32, #tpu.memory_space<hbm>>
          %dma_wait3A_407 = tpu.memref_squeeze %dma_wait3A_406 : memref<1x1x128xi32, #tpu.memory_space<hbm>> -> memref<1x128xi32, #tpu.memory_space<hbm>>
          tpu.wait_dma2 semaphore(%arg14 : memref<!tpu.dma_semaphore, #tpu.memory_space<semaphore_mem>>) src(%dma_wait3A_407 : memref<1x128xi32, #tpu.memory_space<hbm>>) dst(%arg8 : memref<1x128xi32, #tpu.memory_space<vmem>>)
          %get3A_408 = arith.constant 0 : i32
          %get3A_409 = arith.index_cast %get3A_408 : i32 to index
          %get3A_410 = arith.constant 0 : index
          %get3A_411 = tpu.vector_load %arg7[%get3A_409, %get3A_410] {strides = array<i32>} : memref<1x128xi32, #tpu.memory_space<vmem>>, vector<1x16xi32>,
          %get3A_412 = vector.shape_cast %get3A_411 : vector<1x16xi32> to vector<16xi32>
          %add3A_413 = vector.broadcast %mul3A_33 : i32 to vector<16xi32>
          %add3A_414 = arith.addi %get3A_412, %add3A_413 : vector<16xi32>
          %swap3A_415 = arith.constant 0 : i32
          %swap3A_416 = arith.index_cast %swap3A_415 : i32 to index
          %swap3A_417 = arith.constant 0 : index
          %swap3A_418 = tpu.vector_load %arg7[%swap3A_416, %swap3A_417] {strides = array<i32>} : memref<1x128xi32, #tpu.memory_space<vmem>>, vector<1x16xi32>,
          %swap3A_419 = vector.shape_cast %swap3A_418 : vector<1x16xi32> to vector<16xi32>
          %swap3A_420 = vector.shape_cast %add3A_414 : vector<16xi32> to vector<1x16xi32>
          tpu.vector_store %arg7[%swap3A_416, %swap3A_417], %swap3A_420 {strides = array<i32>} : memref<1x128xi32, #tpu.memory_space<vmem>>, vector<1x16xi32>,
          %get3A_421 = arith.constant 0 : i32
          %get3A_422 = arith.index_cast %get3A_421 : i32 to index
          %get3A_423 = arith.constant 16 : index
          %get3A_424 = tpu.vector_load %arg7[%get3A_422, %get3A_423] {strides = array<i32>} : memref<1x128xi32, #tpu.memory_space<vmem>>, vector<1x16xi32>,
          %get3A_425 = vector.shape_cast %get3A_424 : vector<1x16xi32> to vector<16xi32>
          %add3A_426 = vector.broadcast %mul3A_33 : i32 to vector<16xi32>
          %add3A_427 = arith.addi %get3A_425, %add3A_426 : vector<16xi32>
          %swap3A_428 = arith.constant 0 : i32
          %swap3A_429 = arith.index_cast %swap3A_428 : i32 to index
          %swap3A_430 = arith.constant 16 : index
          %swap3A_431 = tpu.vector_load %arg7[%swap3A_429, %swap3A_430] {strides = array<i32>} : memref<1x128xi32, #tpu.memory_space<vmem>>, vector<1x16xi32>,
          %swap3A_432 = vector.shape_cast %swap3A_431 : vector<1x16xi32> to vector<16xi32>
          %swap3A_433 = vector.shape_cast %add3A_427 : vector<16xi32> to vector<1x16xi32>
          tpu.vector_store %arg7[%swap3A_429, %swap3A_430], %swap3A_433 {strides = array<i32>} : memref<1x128xi32, #tpu.memory_space<vmem>>, vector<1x16xi32>,
          %get3A_434 = arith.constant 0 : i32
          %get3A_435 = arith.index_cast %get3A_434 : i32 to index
          %get3A_436 = arith.constant 32 : index
          %get3A_437 = tpu.vector_load %arg7[%get3A_435, %get3A_436] {strides = array<i32>} : memref<1x128xi32, #tpu.memory_space<vmem>>, vector<1x16xi32>,
          %get3A_438 = vector.shape_cast %get3A_437 : vector<1x16xi32> to vector<16xi32>
          %add3A_439 = vector.broadcast %mul3A_33 : i32 to vector<16xi32>
          %add3A_440 = arith.addi %get3A_438, %add3A_439 : vector<16xi32>
          %swap3A_441 = arith.constant 0 : i32
          %swap3A_442 = arith.index_cast %swap3A_441 : i32 to index
          %swap3A_443 = arith.constant 32 : index
          %swap3A_444 = tpu.vector_load %arg7[%swap3A_442, %swap3A_443] {strides = array<i32>} : memref<1x128xi32, #tpu.memory_space<vmem>>, vector<1x16xi32>,
          %swap3A_445 = vector.shape_cast %swap3A_444 : vector<1x16xi32> to vector<16xi32>
          %swap3A_446 = vector.shape_cast %add3A_440 : vector<16xi32> to vector<1x16xi32>
          tpu.vector_store %arg7[%swap3A_442, %swap3A_443], %swap3A_446 {strides = array<i32>} : memref<1x128xi32, #tpu.memory_space<vmem>>, vector<1x16xi32>,
          %get3A_447 = arith.constant 0 : i32
          %get3A_448 = arith.index_cast %get3A_447 : i32 to index
          %get3A_449 = arith.constant 48 : index
          %get3A_450 = tpu.vector_load %arg7[%get3A_448, %get3A_449] {strides = array<i32>} : memref<1x128xi32, #tpu.memory_space<vmem>>, vector<1x16xi32>,
          %get3A_451 = vector.shape_cast %get3A_450 : vector<1x16xi32> to vector<16xi32>
          %add3A_452 = vector.broadcast %mul3A_33 : i32 to vector<16xi32>
          %add3A_453 = arith.addi %get3A_451, %add3A_452 : vector<16xi32>
          %swap3A_454 = arith.constant 0 : i32
          %swap3A_455 = arith.index_cast %swap3A_454 : i32 to index
          %swap3A_456 = arith.constant 48 : index
          %swap3A_457 = tpu.vector_load %arg7[%swap3A_455, %swap3A_456] {strides = array<i32>} : memref<1x128xi32, #tpu.memory_space<vmem>>, vector<1x16xi32>,
          %swap3A_458 = vector.shape_cast %swap3A_457 : vector<1x16xi32> to vector<16xi32>
          %swap3A_459 = vector.shape_cast %add3A_453 : vector<16xi32> to vector<1x16xi32>
          tpu.vector_store %arg7[%swap3A_455, %swap3A_456], %swap3A_459 {strides = array<i32>} : memref<1x128xi32, #tpu.memory_space<vmem>>, vector<1x16xi32>,
          %get3A_460 = arith.constant 0 : i32
          %get3A_461 = arith.index_cast %get3A_460 : i32 to index
          %get3A_462 = arith.constant 64 : index
          %get3A_463 = tpu.vector_load %arg7[%get3A_461, %get3A_462] {strides = array<i32>} : memref<1x128xi32, #tpu.memory_space<vmem>>, vector<1x16xi32>,
          %get3A_464 = vector.shape_cast %get3A_463 : vector<1x16xi32> to vector<16xi32>
          %add3A_465 = vector.broadcast %mul3A_33 : i32 to vector<16xi32>
          %add3A_466 = arith.addi %get3A_464, %add3A_465 : vector<16xi32>
          %swap3A_467 = arith.constant 0 : i32
          %swap3A_468 = arith.index_cast %swap3A_467 : i32 to index
          %swap3A_469 = arith.constant 64 : index
          %swap3A_470 = tpu.vector_load %arg7[%swap3A_468, %swap3A_469] {strides = array<i32>} : memref<1x128xi32, #tpu.memory_space<vmem>>, vector<1x16xi32>,
          %swap3A_471 = vector.shape_cast %swap3A_470 : vector<1x16xi32> to vector<16xi32>
          %swap3A_472 = vector.shape_cast %add3A_466 : vector<16xi32> to vector<1x16xi32>
          tpu.vector_store %arg7[%swap3A_468, %swap3A_469], %swap3A_472 {strides = array<i32>} : memref<1x128xi32, #tpu.memory_space<vmem>>, vector<1x16xi32>,
          %get3A_473 = arith.constant 0 : i32
          %get3A_474 = arith.index_cast %get3A_473 : i32 to index
          %get3A_475 = arith.constant 80 : index
          %get3A_476 = tpu.vector_load %arg7[%get3A_474, %get3A_475] {strides = array<i32>} : memref<1x128xi32, #tpu.memory_space<vmem>>, vector<1x16xi32>,
          %get3A_477 = vector.shape_cast %get3A_476 : vector<1x16xi32> to vector<16xi32>
          %add3A_478 = vector.broadcast %mul3A_33 : i32 to vector<16xi32>
          %add3A_479 = arith.addi %get3A_477, %add3A_478 : vector<16xi32>
          %swap3A_480 = arith.constant 0 : i32
          %swap3A_481 = arith.index_cast %swap3A_480 : i32 to index
          %swap3A_482 = arith.constant 80 : index
          %swap3A_483 = tpu.vector_load %arg7[%swap3A_481, %swap3A_482] {strides = array<i32>} : memref<1x128xi32, #tpu.memory_space<vmem>>, vector<1x16xi32>,
          %swap3A_484 = vector.shape_cast %swap3A_483 : vector<1x16xi32> to vector<16xi32>
          %swap3A_485 = vector.shape_cast %add3A_479 : vector<16xi32> to vector<1x16xi32>
          tpu.vector_store %arg7[%swap3A_481, %swap3A_482], %swap3A_485 {strides = array<i32>} : memref<1x128xi32, #tpu.memory_space<vmem>>, vector<1x16xi32>,
          %get3A_486 = arith.constant 0 : i32
          %get3A_487 = arith.index_cast %get3A_486 : i32 to index
          %get3A_488 = arith.constant 96 : index
          %get3A_489 = tpu.vector_load %arg7[%get3A_487, %get3A_488] {strides = array<i32>} : memref<1x128xi32, #tpu.memory_space<vmem>>, vector<1x16xi32>,
          %get3A_490 = vector.shape_cast %get3A_489 : vector<1x16xi32> to vector<16xi32>
          %add3A_491 = vector.broadcast %mul3A_33 : i32 to vector<16xi32>
          %add3A_492 = arith.addi %get3A_490, %add3A_491 : vector<16xi32>
          %swap3A_493 = arith.constant 0 : i32
          %swap3A_494 = arith.index_cast %swap3A_493 : i32 to index
          %swap3A_495 = arith.constant 96 : index
          %swap3A_496 = tpu.vector_load %arg7[%swap3A_494, %swap3A_495] {strides = array<i32>} : memref<1x128xi32, #tpu.memory_space<vmem>>, vector<1x16xi32>,
          %swap3A_497 = vector.shape_cast %swap3A_496 : vector<1x16xi32> to vector<16xi32>
          %swap3A_498 = vector.shape_cast %add3A_492 : vector<16xi32> to vector<1x16xi32>
          tpu.vector_store %arg7[%swap3A_494, %swap3A_495], %swap3A_498 {strides = array<i32>} : memref<1x128xi32, #tpu.memory_space<vmem>>, vector<1x16xi32>,
          %get3A_499 = arith.constant 0 : i32
          %get3A_500 = arith.index_cast %get3A_499 : i32 to index
          %get3A_501 = arith.constant 112 : index
          %get3A_502 = tpu.vector_load %arg7[%get3A_500, %get3A_501] {strides = array<i32>} : memref<1x128xi32, #tpu.memory_space<vmem>>, vector<1x16xi32>,
          %get3A_503 = vector.shape_cast %get3A_502 : vector<1x16xi32> to vector<16xi32>
          %add3A_504 = vector.broadcast %mul3A_33 : i32 to vector<16xi32>
          %add3A_505 = arith.addi %get3A_503, %add3A_504 : vector<16xi32>
          %swap3A_506 = arith.constant 0 : i32
          %swap3A_507 = arith.index_cast %swap3A_506 : i32 to index
          %swap3A_508 = arith.constant 112 : index
          %swap3A_509 = tpu.vector_load %arg7[%swap3A_507, %swap3A_508] {strides = array<i32>} : memref<1x128xi32, #tpu.memory_space<vmem>>, vector<1x16xi32>,
          %swap3A_510 = vector.shape_cast %swap3A_509 : vector<1x16xi32> to vector<16xi32>
          %swap3A_511 = vector.shape_cast %add3A_505 : vector<16xi32> to vector<1x16xi32>
          tpu.vector_store %arg7[%swap3A_507, %swap3A_508], %swap3A_511 {strides = array<i32>} : memref<1x128xi32, #tpu.memory_space<vmem>>, vector<1x16xi32>,
        } else {
        }
        %dma_wait3A_356 = arith.constant 0 : i32
        %dma_wait3A_357 = arith.constant 0 : i32
        %dma_wait3A_358 = tpu.memref_slice %arg9[%dma_wait3A_356, %dma_wait3A_357] : memref<1x128xi32, #tpu.memory_space<vmem>> -> memref<1x128xi32, #tpu.memory_space<vmem>>
        %dma_wait3A_359 = tpu.memref_squeeze %dma_wait3A_358 : memref<1x128xi32, #tpu.memory_space<vmem>> -> memref<128xi32, #tpu.memory_space<vmem>>
        %dma_wait3A_360 = arith.constant 0 : i32
        %dma_wait3A_361 = arith.constant 0 : i32
        %dma_wait3A_362 = tpu.memref_slice %arg2[%dma_wait3A_360, %dma_wait3A_361] : memref<200000x64xbf16, #tpu.memory_space<hbm>> -> memref<200000x64xbf16, #tpu.memory_space<hbm>>
        tpu.wait_indirect_dma semaphore(%arg17 : memref<!tpu.dma_semaphore, #tpu.memory_space<semaphore_mem>>) src(%dma_wait3A_362 : memref<200000x64xbf16, #tpu.memory_space<hbm>>) dst(%arg12 : memref<128x64xbf16, #tpu.memory_space<vmem>>)
        %convert_element_type3A_363 = arith.extui %lt3A : i1 to i32
        %cond3A_364 = arith.constant 0 : i32
        %cond3A_365 = arith.cmpi ne, %convert_element_type3A_363, %cond3A_364 : i32
        scf.if %cond3A_365 {
          %dma_start3A_367 = arith.constant 0 : i32
          %dma_start3A_368 = arith.constant 0 : i32
          %dma_start3A_369 = tpu.memref_slice %arg7[%dma_start3A_367, %dma_start3A_368] : memref<1x128xi32, #tpu.memory_space<vmem>> -> memref<1x128xi32, #tpu.memory_space<vmem>>
          %dma_start3A_370 = tpu.memref_squeeze %dma_start3A_369 : memref<1x128xi32, #tpu.memory_space<vmem>> -> memref<128xi32, #tpu.memory_space<vmem>>
          %dma_start3A_371 = arith.constant 0 : i32
          %dma_start3A_372 = arith.constant 0 : i32
          %dma_start3A_373 = tpu.memref_slice %arg2[%dma_start3A_371, %dma_start3A_372] : memref<200000x64xbf16, #tpu.memory_space<hbm>> -> memref<200000x64xbf16, #tpu.memory_space<hbm>>
          tpu.enqueue_indirect_dma source(%dma_start3A_373 : memref<200000x64xbf16, #tpu.memory_space<hbm>>) target(%arg11 : memref<128x64xbf16, #tpu.memory_space<vmem>>) offsets(%dma_start3A_370 : memref<128xi32, #tpu.memory_space<vmem>>) semaphore(%arg16 : memref<!tpu.dma_semaphore, #tpu.memory_space<semaphore_mem>>)
          %mul3A_374 = arith.constant 2 : i32
          %mul3A_375 = arith.muli %mul3A_374, %add3A_216 : i32
          %add3A_376 = arith.constant 3 : i32
          %add3A_377 = arith.addi %mul3A_375, %add3A_376 : i32
          %mul3A_378 = arith.constant 16 : i32
          %mul3A_379 = arith.muli %add3A_377, %mul3A_378 : i32
          %add3A_380 = arith.addi %add3A_22, %mul3A_379 : i32
          %dma_start3A_381 = arith.constant 0 : i32
          %dma_start3A_382 = arith.constant 0 : i32
          %dma_start3A_383 = tpu.memref_slice %arg3[%add3A_380, %dma_start3A_381, %dma_start3A_382] : memref<6400x1x128xi32, #tpu.memory_space<hbm>> -> memref<1x1x128xi32, #tpu.memory_space<hbm>>
          %dma_start3A_384 = tpu.memref_squeeze %dma_start3A_383 : memref<1x1x128xi32, #tpu.memory_space<hbm>> -> memref<1x128xi32, #tpu.memory_space<hbm>>
          %dma_start3A_385 = arith.constant 0 : i32
          %dma_start3A_386 = arith.constant 0 : i32
          %dma_start3A_387 = tpu.memref_slice %arg3[%add3A_380, %dma_start3A_385, %dma_start3A_386] : memref<6400x1x128xi32, #tpu.memory_space<hbm>> -> memref<1x1x128xi32, #tpu.memory_space<hbm>>
          %dma_start3A_388 = tpu.memref_squeeze %dma_start3A_387 : memref<1x1x128xi32, #tpu.memory_space<hbm>> -> memref<1x128xi32, #tpu.memory_space<hbm>>
          tpu.enqueue_dma source(%dma_start3A_388 : memref<1x128xi32, #tpu.memory_space<hbm>>) target(%arg9 : memref<1x128xi32, #tpu.memory_space<vmem>>) target_semaphore(%arg15 : memref<!tpu.dma_semaphore, #tpu.memory_space<semaphore_mem>>)
          %dma_start3A_389 = arith.constant 0 : i32
          %dma_start3A_390 = arith.constant 0 : i32
          %dma_start3A_391 = tpu.memref_slice %arg4[%add3A_380, %dma_start3A_389, %dma_start3A_390] : memref<6400x1x128xi32, #tpu.memory_space<hbm>> -> memref<1x1x128xi32, #tpu.memory_space<hbm>>
          %dma_start3A_392 = tpu.memref_squeeze %dma_start3A_391 : memref<1x1x128xi32, #tpu.memory_space<hbm>> -> memref<1x128xi32, #tpu.memory_space<hbm>>
          %dma_start3A_393 = arith.constant 0 : i32
          %dma_start3A_394 = arith.constant 0 : i32
          %dma_start3A_395 = tpu.memref_slice %arg4[%add3A_380, %dma_start3A_393, %dma_start3A_394] : memref<6400x1x128xi32, #tpu.memory_space<hbm>> -> memref<1x1x128xi32, #tpu.memory_space<hbm>>
          %dma_start3A_396 = tpu.memref_squeeze %dma_start3A_395 : memref<1x1x128xi32, #tpu.memory_space<hbm>> -> memref<1x128xi32, #tpu.memory_space<hbm>>
          tpu.enqueue_dma source(%dma_start3A_396 : memref<1x128xi32, #tpu.memory_space<hbm>>) target(%arg10 : memref<1x128xi32, #tpu.memory_space<vmem>>) target_semaphore(%arg15 : memref<!tpu.dma_semaphore, #tpu.memory_space<semaphore_mem>>)
        } else {
        }
        %run_scoped3A_366 = arith.constant 0 : i32
        "tpu.region"() ({
          %run_scoped3A_367 = tpu.sem_alloc : memref<!tpu.dma_semaphore, #tpu.memory_space<semaphore_mem>>
          %dma_start3A_368 = arith.constant 0 : i32
          %dma_start3A_369 = tpu.memref_slice %arg10[%run_scoped3A_366, %dma_start3A_368] : memref<1x128xi32, #tpu.memory_space<vmem>> -> memref<1x128xi32, #tpu.memory_space<vmem>>
          %dma_start3A_370 = tpu.memref_squeeze %dma_start3A_369 : memref<1x128xi32, #tpu.memory_space<vmem>> -> memref<128xi32, #tpu.memory_space<vmem>>
          %dma_start3A_371 = arith.constant 0 : i32
          %dma_start3A_372 = arith.constant 0 : i32
          %dma_start3A_373 = tpu.memref_slice %arg13[%dma_start3A_371, %dma_start3A_372] : memref<50048x64xbf16, #tpu.memory_space<vmem_shared>> -> memref<50048x64xbf16, #tpu.memory_space<vmem_shared>>
          tpu.enqueue_indirect_dma source(%arg12 : memref<128x64xbf16, #tpu.memory_space<vmem>>) target(%dma_start3A_373 : memref<50048x64xbf16, #tpu.memory_space<vmem_shared>>) offsets(%dma_start3A_370 : memref<128xi32, #tpu.memory_space<vmem>>) semaphore(%run_scoped3A_367 : memref<!tpu.dma_semaphore, #tpu.memory_space<semaphore_mem>>) {add = true}
          %dma_wait3A_374 = arith.constant 0 : i32
          %dma_wait3A_375 = tpu.memref_slice %arg10[%run_scoped3A_366, %dma_wait3A_374] : memref<1x128xi32, #tpu.memory_space<vmem>> -> memref<1x128xi32, #tpu.memory_space<vmem>>
          %dma_wait3A_376 = tpu.memref_squeeze %dma_wait3A_375 : memref<1x128xi32, #tpu.memory_space<vmem>> -> memref<128xi32, #tpu.memory_space<vmem>>
          %dma_wait3A_377 = arith.constant 0 : i32
          %dma_wait3A_378 = arith.constant 0 : i32
          %dma_wait3A_379 = tpu.memref_slice %arg13[%dma_wait3A_377, %dma_wait3A_378] : memref<50048x64xbf16, #tpu.memory_space<vmem_shared>> -> memref<50048x64xbf16, #tpu.memory_space<vmem_shared>>
          tpu.wait_indirect_dma semaphore(%run_scoped3A_367 : memref<!tpu.dma_semaphore, #tpu.memory_space<semaphore_mem>>) src(%arg12 : memref<128x64xbf16, #tpu.memory_space<vmem>>) dst(%dma_wait3A_379 : memref<50048x64xbf16, #tpu.memory_space<vmem_shared>>)
          tpu.yield
        }) : () -> ()
      }
      %barrier3A_213 = arith.constant 0 : index
      tpu.barrier barrier_id(%barrier3A_213)
      "tpu.region"() ({
        %run_scoped3A = tpu.sem_alloc : memref<!tpu.dma_semaphore, #tpu.memory_space<semaphore_mem>>
        %dma_start3A_214 = arith.constant 0 : i32
        %dma_start3A_215 = tpu.memref_slice %arg6[%arg0, %add3A_31, %mul3A_0, %dma_start3A_214] : memref<2x4x50048x64xbf16, #tpu.memory_space<hbm>> -> memref<1x1x3128x64xbf16, #tpu.memory_space<hbm>>
        %dma_start3A_216 = tpu.memref_squeeze %dma_start3A_215 : memref<1x1x3128x64xbf16, #tpu.memory_space<hbm>> -> memref<3128x64xbf16, #tpu.memory_space<hbm>>
        %dma_start3A_217 = arith.constant 0 : i32
        %dma_start3A_218 = tpu.memref_slice %arg13[%mul3A_0, %dma_start3A_217] : memref<50048x64xbf16, #tpu.memory_space<vmem_shared>> -> memref<3128x64xbf16, #tpu.memory_space<vmem_shared>>
        tpu.enqueue_dma source(%dma_start3A_218 : memref<3128x64xbf16, #tpu.memory_space<vmem_shared>>) target(%dma_start3A_216 : memref<3128x64xbf16, #tpu.memory_space<hbm>>) target_semaphore(%run_scoped3A : memref<!tpu.dma_semaphore, #tpu.memory_space<semaphore_mem>>)
        %dma_wait3A_219 = arith.constant 0 : i32
        %dma_wait3A_220 = tpu.memref_slice %arg6[%arg0, %add3A_31, %mul3A_0, %dma_wait3A_219] : memref<2x4x50048x64xbf16, #tpu.memory_space<hbm>> -> memref<1x1x3128x64xbf16, #tpu.memory_space<hbm>>
        %dma_wait3A_221 = tpu.memref_squeeze %dma_wait3A_220 : memref<1x1x3128x64xbf16, #tpu.memory_space<hbm>> -> memref<3128x64xbf16, #tpu.memory_space<hbm>>
        %dma_wait3A_222 = arith.constant 0 : i32
        %dma_wait3A_223 = tpu.memref_slice %arg13[%mul3A_0, %dma_wait3A_222] : memref<50048x64xbf16, #tpu.memory_space<vmem_shared>> -> memref<3128x64xbf16, #tpu.memory_space<vmem_shared>>
        tpu.wait_dma2 semaphore(%run_scoped3A : memref<!tpu.dma_semaphore, #tpu.memory_space<semaphore_mem>>) src(%dma_wait3A_223 : memref<3128x64xbf16, #tpu.memory_space<vmem_shared>>) dst(%dma_wait3A_221 : memref<3128x64xbf16, #tpu.memory_space<hbm>>)
        tpu.yield
      }) : () -> ()
    }
    %scan3A_26 = arith.constant 4 : i32
    return
  }
}

#map = affine_map<(d0, d1) -> (0, 0)>
#map1 = affine_map<(d0, d1) -> (0, 0, 0)>
#map2 = affine_map<(d0, d1) -> (0, 0, 0, 0)>
module attributes {stable_mosaic.version = 14 : i64} {
  func.func @k(%arg0: i32, %arg1: i32, %arg2: memref<200000x64xbf16, #tpu.memory_space<hbm>>, %arg3: memref<6400x1x128xi32, #tpu.memory_space<hbm>>, %arg4: memref<6400x1x128xi32, #tpu.memory_space<hbm>>, %arg5: memref<50048x64xbf16, #tpu.memory_space<hbm>>, %arg6: memref<2x4x50048x64xbf16, #tpu.memory_space<hbm>>, %arg7: memref<1x128xi32, #tpu.memory_space<vmem>>, %arg8: memref<1x128xi32, #tpu.memory_space<vmem>>, %arg9: memref<1x128xi32, #tpu.memory_space<vmem>>, %arg10: memref<1x128xi32, #tpu.memory_space<vmem>>, %arg11: memref<128x64xbf16, #tpu.memory_space<vmem>>, %arg12: memref<128x64xbf16, #tpu.memory_space<vmem>>, %arg13: memref<50048x64xbf16, #tpu.memory_space<vmem_shared>>, %arg14: memref<!tpu.dma_semaphore, #tpu.memory_space<semaphore_mem>>, %arg15: memref<!tpu.dma_semaphore, #tpu.memory_space<semaphore_mem>>, %arg16: memref<!tpu.dma_semaphore, #tpu.memory_space<semaphore_mem>>, %arg17: memref<!tpu.dma_semaphore, #tpu.memory_space<semaphore_mem>>) attributes {dimension_semantics = [#tpu.dimension_semantics<core_parallel>, #tpu.dimension_semantics<subcore_parallel>], iteration_bounds = array<i64: 2, 16>, scalar_prefetch = 0 : i64, scratch_operands = 11 : i64, tpu.core_type = #tpu.core_type<sc_vector_subcore>, window_params = [{transform_indices = #map}, {transform_indices = #map1}, {transform_indices = #map1}, {transform_indices = #map}, {transform_indices = #map2}]} {
    %mul3A = arith.constant 3128 : i32
    %mul3A_0 = arith.muli %arg1, %mul3A : i32
    %mul3A_1 = arith.constant -768 : i32
    %mul3A_2 = arith.muli %arg0, %mul3A_1 : i32
    %add3A = arith.constant 3584 : i32
    %add3A_3 = arith.addi %add3A, %mul3A_2 : i32
    %jit3A = arith.constant 32 : i32
    %div3A = arith.divsi %add3A_3, %jit3A : i32
    %sign3A = arith.constant 0 : i32
    %sign3A_4 = arith.cmpi sgt, %add3A_3, %sign3A : i32
    %sign3A_5 = arith.extui %sign3A_4 : i1 to i32
    %sign3A_6 = arith.constant 0 : i32
    %sign3A_7 = arith.cmpi slt, %add3A_3, %sign3A_6 : i32
    %sign3A_8 = arith.extui %sign3A_7 : i1 to i32
    %sign3A_9 = arith.subi %sign3A_5, %sign3A_8 : i32
    %sign3A_10 = arith.constant 0 : i32
    %sign3A_11 = arith.cmpi sgt, %jit3A, %sign3A_10 : i32
    %sign3A_12 = arith.extui %sign3A_11 : i1 to i32
    %sign3A_13 = arith.constant 0 : i32
    %sign3A_14 = arith.cmpi slt, %jit3A, %sign3A_13 : i32
    %sign3A_15 = arith.extui %sign3A_14 : i1 to i32
    %sign3A_16 = arith.subi %sign3A_12, %sign3A_15 : i32
    %ne3A = arith.cmpi ne, %sign3A_9, %sign3A_16 : i32
    %rem3A = arith.remsi %add3A_3, %jit3A : i32
    %ne3A_17 = arith.constant 0 : i32
    %ne3A_18 = arith.cmpi ne, %rem3A, %ne3A_17 : i32
    %and3A = arith.andi %ne3A, %ne3A_18 : i1
    %sub3A = arith.constant 1 : i32
    %sub3A_19 = arith.subi %div3A, %sub3A : i32
    %select_n3A = arith.select %and3A, %sub3A_19, %div3A : i32
    %mul3A_20 = arith.constant 3584 : i32
    %mul3A_21 = arith.muli %arg0, %mul3A_20 : i32
    %add3A_22 = arith.addi %mul3A_21, %arg1 : i32
    %scan3A = arith.constant 0 : i32
    %scan3A_23 = arith.constant 4 : i32
    %scan3A_24 = arith.addi %scan3A, %scan3A_23 : i32
    %scan3A_25 = arith.constant 1 : i32
    scf.for %scan3A_27 = %scan3A to %scan3A_24 step %scan3A_25  : i32 {
      %mul3A_28 = arith.constant 1 : i32
      %mul3A_29 = arith.muli %scan3A_27, %mul3A_28 : i32
      %add3A_30 = arith.constant 0 : i32
      %add3A_31 = arith.addi %add3A_30, %mul3A_29 : i32
      %mul3A_32 = arith.constant 50000 : i32
      %mul3A_33 = arith.muli %add3A_31, %mul3A_32 : i32
      "tpu.region"() ({
        %run_scoped3A = tpu.sem_alloc : memref<!tpu.dma_semaphore, #tpu.memory_space<semaphore_mem>>
        %dma_start3A_214 = arith.constant 0 : i32
        %dma_start3A_215 = tpu.memref_slice %arg13[%mul3A_0, %dma_start3A_214] : memref<50048x64xbf16, #tpu.memory_space<vmem_shared>> -> memref<3128x64xbf16, #tpu.memory_space<vmem_shared>>
        %dma_start3A_216 = arith.constant 0 : i32
        %dma_start3A_217 = tpu.memref_slice %arg5[%mul3A_0, %dma_start3A_216] : memref<50048x64xbf16, #tpu.memory_space<hbm>> -> memref<3128x64xbf16, #tpu.memory_space<hbm>>
        tpu.enqueue_dma source(%dma_start3A_217 : memref<3128x64xbf16, #tpu.memory_space<hbm>>) target(%dma_start3A_215 : memref<3128x64xbf16, #tpu.memory_space<vmem_shared>>) target_semaphore(%run_scoped3A : memref<!tpu.dma_semaphore, #tpu.memory_space<semaphore_mem>>)
        %dma_wait3A_218 = arith.constant 0 : i32
        %dma_wait3A_219 = tpu.memref_slice %arg13[%mul3A_0, %dma_wait3A_218] : memref<50048x64xbf16, #tpu.memory_space<vmem_shared>> -> memref<3128x64xbf16, #tpu.memory_space<vmem_shared>>
        %dma_wait3A_220 = arith.constant 0 : i32
        %dma_wait3A_221 = tpu.memref_slice %arg5[%mul3A_0, %dma_wait3A_220] : memref<50048x64xbf16, #tpu.memory_space<hbm>> -> memref<3128x64xbf16, #tpu.memory_space<hbm>>
        tpu.wait_dma2 semaphore(%run_scoped3A : memref<!tpu.dma_semaphore, #tpu.memory_space<semaphore_mem>>) src(%dma_wait3A_221 : memref<3128x64xbf16, #tpu.memory_space<hbm>>) dst(%dma_wait3A_219 : memref<3128x64xbf16, #tpu.memory_space<vmem_shared>>)
        tpu.yield
      }) : () -> ()
      %barrier3A = arith.constant 0 : index
      tpu.barrier barrier_id(%barrier3A)
      %add3A_34 = arith.constant 0 : i32
      %add3A_35 = arith.addi %add3A_22, %add3A_34 : i32
      %dma_start3A = arith.constant 0 : i32
      %dma_start3A_36 = arith.constant 0 : i32
      %dma_start3A_37 = tpu.memref_slice %arg3[%add3A_35, %dma_start3A, %dma_start3A_36] : memref<6400x1x128xi32, #tpu.memory_space<hbm>> -> memref<1x1x128xi32, #tpu.memory_space<hbm>>
      %dma_start3A_38 = tpu.memref_squeeze %dma_start3A_37 : memref<1x1x128xi32, #tpu.memory_space<hbm>> -> memref<1x128xi32, #tpu.memory_space<hbm>>
      %dma_start3A_39 = arith.constant 0 : i32
      %dma_start3A_40 = arith.constant 0 : i32
      %dma_start3A_41 = tpu.memref_slice %arg3[%add3A_35, %dma_start3A_39, %dma_start3A_40] : memref<6400x1x128xi32, #tpu.memory_space<hbm>> -> memref<1x1x128xi32, #tpu.memory_space<hbm>>
      %dma_start3A_42 = tpu.memref_squeeze %dma_start3A_41 : memref<1x1x128xi32, #tpu.memory_space<hbm>> -> memref<1x128xi32, #tpu.memory_space<hbm>>
      tpu.enqueue_dma source(%dma_start3A_42 : memref<1x128xi32, #tpu.memory_space<hbm>>) target(%arg7 : memref<1x128xi32, #tpu.memory_space<vmem>>) target_semaphore(%arg14 : memref<!tpu.dma_semaphore, #tpu.memory_space<semaphore_mem>>)
      %dma_start3A_43 = arith.constant 0 : i32
      %dma_start3A_44 = arith.constant 0 : i32
      %dma_start3A_45 = tpu.memref_slice %arg4[%add3A_35, %dma_start3A_43, %dma_start3A_44] : memref<6400x1x128xi32, #tpu.memory_space<hbm>> -> memref<1x1x128xi32, #tpu.memory_space<hbm>>
      %dma_start3A_46 = tpu.memref_squeeze %dma_start3A_45 : memref<1x1x128xi32, #tpu.memory_space<hbm>> -> memref<1x128xi32, #tpu.memory_space<hbm>>
      %dma_start3A_47 = arith.constant 0 : i32
      %dma_start3A_48 = arith.constant 0 : i32
      %dma_start3A_49 = tpu.memref_slice %arg4[%add3A_35, %dma_start3A_47, %dma_start3A_48] : memref<6400x1x128xi32, #tpu.memory_space<hbm>> -> memref<1x1x128xi32, #tpu.memory_space<hbm>>
      %dma_start3A_50 = tpu.memref_squeeze %dma_start3A_49 : memref<1x1x128xi32, #tpu.memory_space<hbm>> -> memref<1x128xi32, #tpu.memory_space<hbm>>
      tpu.enqueue_dma source(%dma_start3A_50 : memref<1x128xi32, #tpu.memory_space<hbm>>) target(%arg8 : memref<1x128xi32, #tpu.memory_space<vmem>>) target_semaphore(%arg14 : memref<!tpu.dma_semaphore, #tpu.memory_space<semaphore_mem>>)
      %dma_wait3A = arith.constant 0 : i32
      %dma_wait3A_51 = arith.constant 0 : i32
      %dma_wait3A_52 = arith.constant 0 : i32
      %dma_wait3A_53 = tpu.memref_slice %arg3[%dma_wait3A, %dma_wait3A_51, %dma_wait3A_52] : memref<6400x1x128xi32, #tpu.memory_space<hbm>> -> memref<1x1x128xi32, #tpu.memory_space<hbm>>
      %dma_wait3A_54 = tpu.memref_squeeze %dma_wait3A_53 : memref<1x1x128xi32, #tpu.memory_space<hbm>> -> memref<1x128xi32, #tpu.memory_space<hbm>>
      %dma_wait3A_55 = arith.constant 0 : i32
      %dma_wait3A_56 = arith.constant 0 : i32
      %dma_wait3A_57 = tpu.memref_slice %arg3[%dma_wait3A, %dma_wait3A_55, %dma_wait3A_56] : memref<6400x1x128xi32, #tpu.memory_space<hbm>> -> memref<1x1x128xi32, #tpu.memory_space<hbm>>
      %dma_wait3A_58 = tpu.memref_squeeze %dma_wait3A_57 : memref<1x1x128xi32, #tpu.memory_space<hbm>> -> memref<1x128xi32, #tpu.memory_space<hbm>>
      tpu.wait_dma2 semaphore(%arg14 : memref<!tpu.dma_semaphore, #tpu.memory_space<semaphore_mem>>) src(%dma_wait3A_58 : memref<1x128xi32, #tpu.memory_space<hbm>>) dst(%arg7 : memref<1x128xi32, #tpu.memory_space<vmem>>)
      %dma_wait3A_59 = arith.constant 0 : i32
      %dma_wait3A_60 = arith.constant 0 : i32
      %dma_wait3A_61 = arith.constant 0 : i32
      %dma_wait3A_62 = tpu.memref_slice %arg4[%dma_wait3A_59, %dma_wait3A_60, %dma_wait3A_61] : memref<6400x1x128xi32, #tpu.memory_space<hbm>> -> memref<1x1x128xi32, #tpu.memory_space<hbm>>
      %dma_wait3A_63 = tpu.memref_squeeze %dma_wait3A_62 : memref<1x1x128xi32, #tpu.memory_space<hbm>> -> memref<1x128xi32, #tpu.memory_space<hbm>>
      %dma_wait3A_64 = arith.constant 0 : i32
      %dma_wait3A_65 = arith.constant 0 : i32
      %dma_wait3A_66 = tpu.memref_slice %arg4[%dma_wait3A_59, %dma_wait3A_64, %dma_wait3A_65] : memref<6400x1x128xi32, #tpu.memory_space<hbm>> -> memref<1x1x128xi32, #tpu.memory_space<hbm>>
      %dma_wait3A_67 = tpu.memref_squeeze %dma_wait3A_66 : memref<1x1x128xi32, #tpu.memory_space<hbm>> -> memref<1x128xi32, #tpu.memory_space<hbm>>
      tpu.wait_dma2 semaphore(%arg14 : memref<!tpu.dma_semaphore, #tpu.memory_space<semaphore_mem>>) src(%dma_wait3A_67 : memref<1x128xi32, #tpu.memory_space<hbm>>) dst(%arg8 : memref<1x128xi32, #tpu.memory_space<vmem>>)
      %get3A = arith.constant 0 : i32
      %get3A_68 = arith.index_cast %get3A : i32 to index
      %get3A_69 = arith.constant 0 : index
      %get3A_70 = tpu.vector_load %arg7[%get3A_68, %get3A_69] {strides = array<i32>} : memref<1x128xi32, #tpu.memory_space<vmem>>, vector<1x16xi32>,
      %get3A_71 = vector.shape_cast %get3A_70 : vector<1x16xi32> to vector<16xi32>
      %add3A_72 = vector.broadcast %mul3A_33 : i32 to vector<16xi32>
      %add3A_73 = arith.addi %get3A_71, %add3A_72 : vector<16xi32>
      %swap3A = arith.constant 0 : i32
      %swap3A_74 = arith.index_cast %swap3A : i32 to index
      %swap3A_75 = arith.constant 0 : index
      %swap3A_76 = tpu.vector_load %arg7[%swap3A_74, %swap3A_75] {strides = array<i32>} : memref<1x128xi32, #tpu.memory_space<vmem>>, vector<1x16xi32>,
      %swap3A_77 = vector.shape_cast %swap3A_76 : vector<1x16xi32> to vector<16xi32>
      %swap3A_78 = vector.shape_cast %add3A_73 : vector<16xi32> to vector<1x16xi32>
      tpu.vector_store %arg7[%swap3A_74, %swap3A_75], %swap3A_78 {strides = array<i32>} : memref<1x128xi32, #tpu.memory_space<vmem>>, vector<1x16xi32>,
      %get3A_79 = arith.constant 0 : i32
      %get3A_80 = arith.index_cast %get3A_79 : i32 to index
      %get3A_81 = arith.constant 16 : index
      %get3A_82 = tpu.vector_load %arg7[%get3A_80, %get3A_81] {strides = array<i32>} : memref<1x128xi32, #tpu.memory_space<vmem>>, vector<1x16xi32>,
      %get3A_83 = vector.shape_cast %get3A_82 : vector<1x16xi32> to vector<16xi32>
      %add3A_84 = vector.broadcast %mul3A_33 : i32 to vector<16xi32>
      %add3A_85 = arith.addi %get3A_83, %add3A_84 : vector<16xi32>
      %swap3A_86 = arith.constant 0 : i32
      %swap3A_87 = arith.index_cast %swap3A_86 : i32 to index
      %swap3A_88 = arith.constant 16 : index
      %swap3A_89 = tpu.vector_load %arg7[%swap3A_87, %swap3A_88] {strides = array<i32>} : memref<1x128xi32, #tpu.memory_space<vmem>>, vector<1x16xi32>,
      %swap3A_90 = vector.shape_cast %swap3A_89 : vector<1x16xi32> to vector<16xi32>
      %swap3A_91 = vector.shape_cast %add3A_85 : vector<16xi32> to vector<1x16xi32>
      tpu.vector_store %arg7[%swap3A_87, %swap3A_88], %swap3A_91 {strides = array<i32>} : memref<1x128xi32, #tpu.memory_space<vmem>>, vector<1x16xi32>,
      %get3A_92 = arith.constant 0 : i32
      %get3A_93 = arith.index_cast %get3A_92 : i32 to index
      %get3A_94 = arith.constant 32 : index
      %get3A_95 = tpu.vector_load %arg7[%get3A_93, %get3A_94] {strides = array<i32>} : memref<1x128xi32, #tpu.memory_space<vmem>>, vector<1x16xi32>,
      %get3A_96 = vector.shape_cast %get3A_95 : vector<1x16xi32> to vector<16xi32>
      %add3A_97 = vector.broadcast %mul3A_33 : i32 to vector<16xi32>
      %add3A_98 = arith.addi %get3A_96, %add3A_97 : vector<16xi32>
      %swap3A_99 = arith.constant 0 : i32
      %swap3A_100 = arith.index_cast %swap3A_99 : i32 to index
      %swap3A_101 = arith.constant 32 : index
      %swap3A_102 = tpu.vector_load %arg7[%swap3A_100, %swap3A_101] {strides = array<i32>} : memref<1x128xi32, #tpu.memory_space<vmem>>, vector<1x16xi32>,
      %swap3A_103 = vector.shape_cast %swap3A_102 : vector<1x16xi32> to vector<16xi32>
      %swap3A_104 = vector.shape_cast %add3A_98 : vector<16xi32> to vector<1x16xi32>
      tpu.vector_store %arg7[%swap3A_100, %swap3A_101], %swap3A_104 {strides = array<i32>} : memref<1x128xi32, #tpu.memory_space<vmem>>, vector<1x16xi32>,
      %get3A_105 = arith.constant 0 : i32
      %get3A_106 = arith.index_cast %get3A_105 : i32 to index
      %get3A_107 = arith.constant 48 : index
      %get3A_108 = tpu.vector_load %arg7[%get3A_106, %get3A_107] {strides = array<i32>} : memref<1x128xi32, #tpu.memory_space<vmem>>, vector<1x16xi32>,
      %get3A_109 = vector.shape_cast %get3A_108 : vector<1x16xi32> to vector<16xi32>
      %add3A_110 = vector.broadcast %mul3A_33 : i32 to vector<16xi32>
      %add3A_111 = arith.addi %get3A_109, %add3A_110 : vector<16xi32>
      %swap3A_112 = arith.constant 0 : i32
      %swap3A_113 = arith.index_cast %swap3A_112 : i32 to index
      %swap3A_114 = arith.constant 48 : index
      %swap3A_115 = tpu.vector_load %arg7[%swap3A_113, %swap3A_114] {strides = array<i32>} : memref<1x128xi32, #tpu.memory_space<vmem>>, vector<1x16xi32>,
      %swap3A_116 = vector.shape_cast %swap3A_115 : vector<1x16xi32> to vector<16xi32>
      %swap3A_117 = vector.shape_cast %add3A_111 : vector<16xi32> to vector<1x16xi32>
      tpu.vector_store %arg7[%swap3A_113, %swap3A_114], %swap3A_117 {strides = array<i32>} : memref<1x128xi32, #tpu.memory_space<vmem>>, vector<1x16xi32>,
      %get3A_118 = arith.constant 0 : i32
      %get3A_119 = arith.index_cast %get3A_118 : i32 to index
      %get3A_120 = arith.constant 64 : index
      %get3A_121 = tpu.vector_load %arg7[%get3A_119, %get3A_120] {strides = array<i32>} : memref<1x128xi32, #tpu.memory_space<vmem>>, vector<1x16xi32>,
      %get3A_122 = vector.shape_cast %get3A_121 : vector<1x16xi32> to vector<16xi32>
      %add3A_123 = vector.broadcast %mul3A_33 : i32 to vector<16xi32>
      %add3A_124 = arith.addi %get3A_122, %add3A_123 : vector<16xi32>
      %swap3A_125 = arith.constant 0 : i32
      %swap3A_126 = arith.index_cast %swap3A_125 : i32 to index
      %swap3A_127 = arith.constant 64 : index
      %swap3A_128 = tpu.vector_load %arg7[%swap3A_126, %swap3A_127] {strides = array<i32>} : memref<1x128xi32, #tpu.memory_space<vmem>>, vector<1x16xi32>,
      %swap3A_129 = vector.shape_cast %swap3A_128 : vector<1x16xi32> to vector<16xi32>
      %swap3A_130 = vector.shape_cast %add3A_124 : vector<16xi32> to vector<1x16xi32>
      tpu.vector_store %arg7[%swap3A_126, %swap3A_127], %swap3A_130 {strides = array<i32>} : memref<1x128xi32, #tpu.memory_space<vmem>>, vector<1x16xi32>,
      %get3A_131 = arith.constant 0 : i32
      %get3A_132 = arith.index_cast %get3A_131 : i32 to index
      %get3A_133 = arith.constant 80 : index
      %get3A_134 = tpu.vector_load %arg7[%get3A_132, %get3A_133] {strides = array<i32>} : memref<1x128xi32, #tpu.memory_space<vmem>>, vector<1x16xi32>,
      %get3A_135 = vector.shape_cast %get3A_134 : vector<1x16xi32> to vector<16xi32>
      %add3A_136 = vector.broadcast %mul3A_33 : i32 to vector<16xi32>
      %add3A_137 = arith.addi %get3A_135, %add3A_136 : vector<16xi32>
      %swap3A_138 = arith.constant 0 : i32
      %swap3A_139 = arith.index_cast %swap3A_138 : i32 to index
      %swap3A_140 = arith.constant 80 : index
      %swap3A_141 = tpu.vector_load %arg7[%swap3A_139, %swap3A_140] {strides = array<i32>} : memref<1x128xi32, #tpu.memory_space<vmem>>, vector<1x16xi32>,
      %swap3A_142 = vector.shape_cast %swap3A_141 : vector<1x16xi32> to vector<16xi32>
      %swap3A_143 = vector.shape_cast %add3A_137 : vector<16xi32> to vector<1x16xi32>
      tpu.vector_store %arg7[%swap3A_139, %swap3A_140], %swap3A_143 {strides = array<i32>} : memref<1x128xi32, #tpu.memory_space<vmem>>, vector<1x16xi32>,
      %get3A_144 = arith.constant 0 : i32
      %get3A_145 = arith.index_cast %get3A_144 : i32 to index
      %get3A_146 = arith.constant 96 : index
      %get3A_147 = tpu.vector_load %arg7[%get3A_145, %get3A_146] {strides = array<i32>} : memref<1x128xi32, #tpu.memory_space<vmem>>, vector<1x16xi32>,
      %get3A_148 = vector.shape_cast %get3A_147 : vector<1x16xi32> to vector<16xi32>
      %add3A_149 = vector.broadcast %mul3A_33 : i32 to vector<16xi32>
      %add3A_150 = arith.addi %get3A_148, %add3A_149 : vector<16xi32>
      %swap3A_151 = arith.constant 0 : i32
      %swap3A_152 = arith.index_cast %swap3A_151 : i32 to index
      %swap3A_153 = arith.constant 96 : index
      %swap3A_154 = tpu.vector_load %arg7[%swap3A_152, %swap3A_153] {strides = array<i32>} : memref<1x128xi32, #tpu.memory_space<vmem>>, vector<1x16xi32>,
      %swap3A_155 = vector.shape_cast %swap3A_154 : vector<1x16xi32> to vector<16xi32>
      %swap3A_156 = vector.shape_cast %add3A_150 : vector<16xi32> to vector<1x16xi32>
      tpu.vector_store %arg7[%swap3A_152, %swap3A_153], %swap3A_156 {strides = array<i32>} : memref<1x128xi32, #tpu.memory_space<vmem>>, vector<1x16xi32>,
      %get3A_157 = arith.constant 0 : i32
      %get3A_158 = arith.index_cast %get3A_157 : i32 to index
      %get3A_159 = arith.constant 112 : index
      %get3A_160 = tpu.vector_load %arg7[%get3A_158, %get3A_159] {strides = array<i32>} : memref<1x128xi32, #tpu.memory_space<vmem>>, vector<1x16xi32>,
      %get3A_161 = vector.shape_cast %get3A_160 : vector<1x16xi32> to vector<16xi32>
      %add3A_162 = vector.broadcast %mul3A_33 : i32 to vector<16xi32>
      %add3A_163 = arith.addi %get3A_161, %add3A_162 : vector<16xi32>
      %swap3A_164 = arith.constant 0 : i32
      %swap3A_165 = arith.index_cast %swap3A_164 : i32 to index
      %swap3A_166 = arith.constant 112 : index
      %swap3A_167 = tpu.vector_load %arg7[%swap3A_165, %swap3A_166] {strides = array<i32>} : memref<1x128xi32, #tpu.memory_space<vmem>>, vector<1x16xi32>,
      %swap3A_168 = vector.shape_cast %swap3A_167 : vector<1x16xi32> to vector<16xi32>
      %swap3A_169 = vector.shape_cast %add3A_163 : vector<16xi32> to vector<1x16xi32>
      tpu.vector_store %arg7[%swap3A_165, %swap3A_166], %swap3A_169 {strides = array<i32>} : memref<1x128xi32, #tpu.memory_space<vmem>>, vector<1x16xi32>,
      %dma_start3A_170 = arith.constant 0 : i32
      %dma_start3A_171 = arith.constant 0 : i32
      %dma_start3A_172 = tpu.memref_slice %arg7[%dma_start3A_170, %dma_start3A_171] : memref<1x128xi32, #tpu.memory_space<vmem>> -> memref<1x128xi32, #tpu.memory_space<vmem>>
      %dma_start3A_173 = tpu.memref_squeeze %dma_start3A_172 : memref<1x128xi32, #tpu.memory_space<vmem>> -> memref<128xi32, #tpu.memory_space<vmem>>
      %dma_start3A_174 = arith.constant 0 : i32
      %dma_start3A_175 = arith.constant 0 : i32
      %dma_start3A_176 = tpu.memref_slice %arg2[%dma_start3A_174, %dma_start3A_175] : memref<200000x64xbf16, #tpu.memory_space<hbm>> -> memref<200000x64xbf16, #tpu.memory_space<hbm>>
      tpu.enqueue_indirect_dma source(%dma_start3A_176 : memref<200000x64xbf16, #tpu.memory_space<hbm>>) target(%arg11 : memref<128x64xbf16, #tpu.memory_space<vmem>>) offsets(%dma_start3A_173 : memref<128xi32, #tpu.memory_space<vmem>>) semaphore(%arg16 : memref<!tpu.dma_semaphore, #tpu.memory_space<semaphore_mem>>)
      %add3A_177 = arith.constant 16 : i32
      %add3A_178 = arith.addi %add3A_22, %add3A_177 : i32
      %dma_start3A_179 = arith.constant 0 : i32
      %dma_start3A_180 = arith.constant 0 : i32
      %dma_start3A_181 = tpu.memref_slice %arg3[%add3A_178, %dma_start3A_179, %dma_start3A_180] : memref<6400x1x128xi32, #tpu.memory_space<hbm>> -> memref<1x1x128xi32, #tpu.memory_space<hbm>>
      %dma_start3A_182 = tpu.memref_squeeze %dma_start3A_181 : memref<1x1x128xi32, #tpu.memory_space<hbm>> -> memref<1x128xi32, #tpu.memory_space<hbm>>
      %dma_start3A_183 = arith.constant 0 : i32
      %dma_start3A_184 = arith.constant 0 : i32
      %dma_start3A_185 = tpu.memref_slice %arg3[%add3A_178, %dma_start3A_183, %dma_start3A_184] : memref<6400x1x128xi32, #tpu.memory_space<hbm>> -> memref<1x1x128xi32, #tpu.memory_space<hbm>>
      %dma_start3A_186 = tpu.memref_squeeze %dma_start3A_185 : memref<1x1x128xi32, #tpu.memory_space<hbm>> -> memref<1x128xi32, #tpu.memory_space<hbm>>
      tpu.enqueue_dma source(%dma_start3A_186 : memref<1x128xi32, #tpu.memory_space<hbm>>) target(%arg9 : memref<1x128xi32, #tpu.memory_space<vmem>>) target_semaphore(%arg15 : memref<!tpu.dma_semaphore, #tpu.memory_space<semaphore_mem>>)
      %dma_start3A_187 = arith.constant 0 : i32
      %dma_start3A_188 = arith.constant 0 : i32
      %dma_start3A_189 = tpu.memref_slice %arg4[%add3A_178, %dma_start3A_187, %dma_start3A_188] : memref<6400x1x128xi32, #tpu.memory_space<hbm>> -> memref<1x1x128xi32, #tpu.memory_space<hbm>>
      %dma_start3A_190 = tpu.memref_squeeze %dma_start3A_189 : memref<1x1x128xi32, #tpu.memory_space<hbm>> -> memref<1x128xi32, #tpu.memory_space<hbm>>
      %dma_start3A_191 = arith.constant 0 : i32
      %dma_start3A_192 = arith.constant 0 : i32
      %dma_start3A_193 = tpu.memref_slice %arg4[%add3A_178, %dma_start3A_191, %dma_start3A_192] : memref<6400x1x128xi32, #tpu.memory_space<hbm>> -> memref<1x1x128xi32, #tpu.memory_space<hbm>>
      %dma_start3A_194 = tpu.memref_squeeze %dma_start3A_193 : memref<1x1x128xi32, #tpu.memory_space<hbm>> -> memref<1x128xi32, #tpu.memory_space<hbm>>
      tpu.enqueue_dma source(%dma_start3A_194 : memref<1x128xi32, #tpu.memory_space<hbm>>) target(%arg10 : memref<1x128xi32, #tpu.memory_space<vmem>>) target_semaphore(%arg15 : memref<!tpu.dma_semaphore, #tpu.memory_space<semaphore_mem>>)
      %sub3A_195 = arith.constant 0 : i32
      %sub3A_196 = arith.subi %select_n3A, %sub3A_195 : i32
      %sub3A_197 = arith.constant 1 : i32
      %sub3A_198 = arith.constant 1 : i32
      %sub3A_199 = arith.subi %sub3A_197, %sub3A_198 : i32
      %add3A_200 = arith.addi %sub3A_196, %sub3A_199 : i32
      %div3A_201 = arith.constant 1 : i32
      %div3A_202 = arith.divsi %add3A_200, %div3A_201 : i32
      %while3A = arith.constant 1 : i32
      %while3A_203 = arith.constant 0 : i32
      %while3A_204 = arith.constant 0 : i32
      %while3A_205 = arith.subi %div3A_202, %while3A_204 : i32
      %while3A_206 = arith.addi %while3A_204, %while3A_205 : i32
      %while3A_207 = arith.constant 1 : i32
      %while3A_208 = arith.divsi %while3A_205, %while3A_207 : i32
      %while3A_209 = arith.muli %while3A_208, %while3A_207 : i32
      %while3A_210 = arith.addi %while3A_204, %while3A_209 : i32
      %while3A_211 = arith.constant 1 : i32
      scf.for %while3A_214 = %while3A_204 to %while3A_210 step %while3A_211  : i32 {
        %mul3A_215 = arith.muli %while3A_214, %while3A : i32
        %add3A_216 = arith.addi %while3A_203, %mul3A_215 : i32
        %sub3A_217 = arith.constant 1 : i32
        %sub3A_218 = arith.subi %select_n3A, %sub3A_217 : i32
        %lt3A = arith.cmpi slt, %add3A_216, %sub3A_218 : i32
        %dma_wait3A_219 = arith.constant 0 : i32
        %dma_wait3A_220 = arith.constant 0 : i32
        %dma_wait3A_221 = arith.constant 0 : i32
        %dma_wait3A_222 = tpu.memref_slice %arg3[%dma_wait3A_219, %dma_wait3A_220, %dma_wait3A_221] : memref<6400x1x128xi32, #tpu.memory_space<hbm>> -> memref<1x1x128xi32, #tpu.memory_space<hbm>>
        %dma_wait3A_223 = tpu.memref_squeeze %dma_wait3A_222 : memref<1x1x128xi32, #tpu.memory_space<hbm>> -> memref<1x128xi32, #tpu.memory_space<hbm>>
        %dma_wait3A_224 = arith.constant 0 : i32
        %dma_wait3A_225 = arith.constant 0 : i32
        %dma_wait3A_226 = tpu.memref_slice %arg3[%dma_wait3A_219, %dma_wait3A_224, %dma_wait3A_225] : memref<6400x1x128xi32, #tpu.memory_space<hbm>> -> memref<1x1x128xi32, #tpu.memory_space<hbm>>
        %dma_wait3A_227 = tpu.memref_squeeze %dma_wait3A_226 : memref<1x1x128xi32, #tpu.memory_space<hbm>> -> memref<1x128xi32, #tpu.memory_space<hbm>>
        tpu.wait_dma2 semaphore(%arg15 : memref<!tpu.dma_semaphore, #tpu.memory_space<semaphore_mem>>) src(%dma_wait3A_227 : memref<1x128xi32, #tpu.memory_space<hbm>>) dst(%arg9 : memref<1x128xi32, #tpu.memory_space<vmem>>)
        %dma_wait3A_228 = arith.constant 0 : i32
        %dma_wait3A_229 = arith.constant 0 : i32
        %dma_wait3A_230 = arith.constant 0 : i32
        %dma_wait3A_231 = tpu.memref_slice %arg4[%dma_wait3A_228, %dma_wait3A_229, %dma_wait3A_230] : memref<6400x1x128xi32, #tpu.memory_space<hbm>> -> memref<1x1x128xi32, #tpu.memory_space<hbm>>
        %dma_wait3A_232 = tpu.memref_squeeze %dma_wait3A_231 : memref<1x1x128xi32, #tpu.memory_space<hbm>> -> memref<1x128xi32, #tpu.memory_space<hbm>>
        %dma_wait3A_233 = arith.constant 0 : i32
        %dma_wait3A_234 = arith.constant 0 : i32
        %dma_wait3A_235 = tpu.memref_slice %arg4[%dma_wait3A_228, %dma_wait3A_233, %dma_wait3A_234] : memref<6400x1x128xi32, #tpu.memory_space<hbm>> -> memref<1x1x128xi32, #tpu.memory_space<hbm>>
        %dma_wait3A_236 = tpu.memref_squeeze %dma_wait3A_235 : memref<1x1x128xi32, #tpu.memory_space<hbm>> -> memref<1x128xi32, #tpu.memory_space<hbm>>
        tpu.wait_dma2 semaphore(%arg15 : memref<!tpu.dma_semaphore, #tpu.memory_space<semaphore_mem>>) src(%dma_wait3A_236 : memref<1x128xi32, #tpu.memory_space<hbm>>) dst(%arg10 : memref<1x128xi32, #tpu.memory_space<vmem>>)
        %get3A_237 = arith.constant 0 : i32
        %get3A_238 = arith.index_cast %get3A_237 : i32 to index
        %get3A_239 = arith.constant 0 : index
        %get3A_240 = tpu.vector_load %arg9[%get3A_238, %get3A_239] {strides = array<i32>} : memref<1x128xi32, #tpu.memory_space<vmem>>, vector<1x16xi32>,
        %get3A_241 = vector.shape_cast %get3A_240 : vector<1x16xi32> to vector<16xi32>
        %add3A_242 = vector.broadcast %mul3A_33 : i32 to vector<16xi32>
        %add3A_243 = arith.addi %get3A_241, %add3A_242 : vector<16xi32>
        %swap3A_244 = arith.constant 0 : i32
        %swap3A_245 = arith.index_cast %swap3A_244 : i32 to index
        %swap3A_246 = arith.constant 0 : index
        %swap3A_247 = tpu.vector_load %arg9[%swap3A_245, %swap3A_246] {strides = array<i32>} : memref<1x128xi32, #tpu.memory_space<vmem>>, vector<1x16xi32>,
        %swap3A_248 = vector.shape_cast %swap3A_247 : vector<1x16xi32> to vector<16xi32>
        %swap3A_249 = vector.shape_cast %add3A_243 : vector<16xi32> to vector<1x16xi32>
        tpu.vector_store %arg9[%swap3A_245, %swap3A_246], %swap3A_249 {strides = array<i32>} : memref<1x128xi32, #tpu.memory_space<vmem>>, vector<1x16xi32>,
        %get3A_250 = arith.constant 0 : i32
        %get3A_251 = arith.index_cast %get3A_250 : i32 to index
        %get3A_252 = arith.constant 16 : index
        %get3A_253 = tpu.vector_load %arg9[%get3A_251, %get3A_252] {strides = array<i32>} : memref<1x128xi32, #tpu.memory_space<vmem>>, vector<1x16xi32>,
        %get3A_254 = vector.shape_cast %get3A_253 : vector<1x16xi32> to vector<16xi32>
        %add3A_255 = vector.broadcast %mul3A_33 : i32 to vector<16xi32>
        %add3A_256 = arith.addi %get3A_254, %add3A_255 : vector<16xi32>
        %swap3A_257 = arith.constant 0 : i32
        %swap3A_258 = arith.index_cast %swap3A_257 : i32 to index
        %swap3A_259 = arith.constant 16 : index
        %swap3A_260 = tpu.vector_load %arg9[%swap3A_258, %swap3A_259] {strides = array<i32>} : memref<1x128xi32, #tpu.memory_space<vmem>>, vector<1x16xi32>,
        %swap3A_261 = vector.shape_cast %swap3A_260 : vector<1x16xi32> to vector<16xi32>
        %swap3A_262 = vector.shape_cast %add3A_256 : vector<16xi32> to vector<1x16xi32>
        tpu.vector_store %arg9[%swap3A_258, %swap3A_259], %swap3A_262 {strides = array<i32>} : memref<1x128xi32, #tpu.memory_space<vmem>>, vector<1x16xi32>,
        %get3A_263 = arith.constant 0 : i32
        %get3A_264 = arith.index_cast %get3A_263 : i32 to index
        %get3A_265 = arith.constant 32 : index
        %get3A_266 = tpu.vector_load %arg9[%get3A_264, %get3A_265] {strides = array<i32>} : memref<1x128xi32, #tpu.memory_space<vmem>>, vector<1x16xi32>,
        %get3A_267 = vector.shape_cast %get3A_266 : vector<1x16xi32> to vector<16xi32>
        %add3A_268 = vector.broadcast %mul3A_33 : i32 to vector<16xi32>
        %add3A_269 = arith.addi %get3A_267, %add3A_268 : vector<16xi32>
        %swap3A_270 = arith.constant 0 : i32
        %swap3A_271 = arith.index_cast %swap3A_270 : i32 to index
        %swap3A_272 = arith.constant 32 : index
        %swap3A_273 = tpu.vector_load %arg9[%swap3A_271, %swap3A_272] {strides = array<i32>} : memref<1x128xi32, #tpu.memory_space<vmem>>, vector<1x16xi32>,
        %swap3A_274 = vector.shape_cast %swap3A_273 : vector<1x16xi32> to vector<16xi32>
        %swap3A_275 = vector.shape_cast %add3A_269 : vector<16xi32> to vector<1x16xi32>
        tpu.vector_store %arg9[%swap3A_271, %swap3A_272], %swap3A_275 {strides = array<i32>} : memref<1x128xi32, #tpu.memory_space<vmem>>, vector<1x16xi32>,
        %get3A_276 = arith.constant 0 : i32
        %get3A_277 = arith.index_cast %get3A_276 : i32 to index
        %get3A_278 = arith.constant 48 : index
        %get3A_279 = tpu.vector_load %arg9[%get3A_277, %get3A_278] {strides = array<i32>} : memref<1x128xi32, #tpu.memory_space<vmem>>, vector<1x16xi32>,
        %get3A_280 = vector.shape_cast %get3A_279 : vector<1x16xi32> to vector<16xi32>
        %add3A_281 = vector.broadcast %mul3A_33 : i32 to vector<16xi32>
        %add3A_282 = arith.addi %get3A_280, %add3A_281 : vector<16xi32>
        %swap3A_283 = arith.constant 0 : i32
        %swap3A_284 = arith.index_cast %swap3A_283 : i32 to index
        %swap3A_285 = arith.constant 48 : index
        %swap3A_286 = tpu.vector_load %arg9[%swap3A_284, %swap3A_285] {strides = array<i32>} : memref<1x128xi32, #tpu.memory_space<vmem>>, vector<1x16xi32>,
        %swap3A_287 = vector.shape_cast %swap3A_286 : vector<1x16xi32> to vector<16xi32>
        %swap3A_288 = vector.shape_cast %add3A_282 : vector<16xi32> to vector<1x16xi32>
        tpu.vector_store %arg9[%swap3A_284, %swap3A_285], %swap3A_288 {strides = array<i32>} : memref<1x128xi32, #tpu.memory_space<vmem>>, vector<1x16xi32>,
        %get3A_289 = arith.constant 0 : i32
        %get3A_290 = arith.index_cast %get3A_289 : i32 to index
        %get3A_291 = arith.constant 64 : index
        %get3A_292 = tpu.vector_load %arg9[%get3A_290, %get3A_291] {strides = array<i32>} : memref<1x128xi32, #tpu.memory_space<vmem>>, vector<1x16xi32>,
        %get3A_293 = vector.shape_cast %get3A_292 : vector<1x16xi32> to vector<16xi32>
        %add3A_294 = vector.broadcast %mul3A_33 : i32 to vector<16xi32>
        %add3A_295 = arith.addi %get3A_293, %add3A_294 : vector<16xi32>
        %swap3A_296 = arith.constant 0 : i32
        %swap3A_297 = arith.index_cast %swap3A_296 : i32 to index
        %swap3A_298 = arith.constant 64 : index
        %swap3A_299 = tpu.vector_load %arg9[%swap3A_297, %swap3A_298] {strides = array<i32>} : memref<1x128xi32, #tpu.memory_space<vmem>>, vector<1x16xi32>,
        %swap3A_300 = vector.shape_cast %swap3A_299 : vector<1x16xi32> to vector<16xi32>
        %swap3A_301 = vector.shape_cast %add3A_295 : vector<16xi32> to vector<1x16xi32>
        tpu.vector_store %arg9[%swap3A_297, %swap3A_298], %swap3A_301 {strides = array<i32>} : memref<1x128xi32, #tpu.memory_space<vmem>>, vector<1x16xi32>,
        %get3A_302 = arith.constant 0 : i32
        %get3A_303 = arith.index_cast %get3A_302 : i32 to index
        %get3A_304 = arith.constant 80 : index
        %get3A_305 = tpu.vector_load %arg9[%get3A_303, %get3A_304] {strides = array<i32>} : memref<1x128xi32, #tpu.memory_space<vmem>>, vector<1x16xi32>,
        %get3A_306 = vector.shape_cast %get3A_305 : vector<1x16xi32> to vector<16xi32>
        %add3A_307 = vector.broadcast %mul3A_33 : i32 to vector<16xi32>
        %add3A_308 = arith.addi %get3A_306, %add3A_307 : vector<16xi32>
        %swap3A_309 = arith.constant 0 : i32
        %swap3A_310 = arith.index_cast %swap3A_309 : i32 to index
        %swap3A_311 = arith.constant 80 : index
        %swap3A_312 = tpu.vector_load %arg9[%swap3A_310, %swap3A_311] {strides = array<i32>} : memref<1x128xi32, #tpu.memory_space<vmem>>, vector<1x16xi32>,
        %swap3A_313 = vector.shape_cast %swap3A_312 : vector<1x16xi32> to vector<16xi32>
        %swap3A_314 = vector.shape_cast %add3A_308 : vector<16xi32> to vector<1x16xi32>
        tpu.vector_store %arg9[%swap3A_310, %swap3A_311], %swap3A_314 {strides = array<i32>} : memref<1x128xi32, #tpu.memory_space<vmem>>, vector<1x16xi32>,
        %get3A_315 = arith.constant 0 : i32
        %get3A_316 = arith.index_cast %get3A_315 : i32 to index
        %get3A_317 = arith.constant 96 : index
        %get3A_318 = tpu.vector_load %arg9[%get3A_316, %get3A_317] {strides = array<i32>} : memref<1x128xi32, #tpu.memory_space<vmem>>, vector<1x16xi32>,
        %get3A_319 = vector.shape_cast %get3A_318 : vector<1x16xi32> to vector<16xi32>
        %add3A_320 = vector.broadcast %mul3A_33 : i32 to vector<16xi32>
        %add3A_321 = arith.addi %get3A_319, %add3A_320 : vector<16xi32>
        %swap3A_322 = arith.constant 0 : i32
        %swap3A_323 = arith.index_cast %swap3A_322 : i32 to index
        %swap3A_324 = arith.constant 96 : index
        %swap3A_325 = tpu.vector_load %arg9[%swap3A_323, %swap3A_324] {strides = array<i32>} : memref<1x128xi32, #tpu.memory_space<vmem>>, vector<1x16xi32>,
        %swap3A_326 = vector.shape_cast %swap3A_325 : vector<1x16xi32> to vector<16xi32>
        %swap3A_327 = vector.shape_cast %add3A_321 : vector<16xi32> to vector<1x16xi32>
        tpu.vector_store %arg9[%swap3A_323, %swap3A_324], %swap3A_327 {strides = array<i32>} : memref<1x128xi32, #tpu.memory_space<vmem>>, vector<1x16xi32>,
        %get3A_328 = arith.constant 0 : i32
        %get3A_329 = arith.index_cast %get3A_328 : i32 to index
        %get3A_330 = arith.constant 112 : index
        %get3A_331 = tpu.vector_load %arg9[%get3A_329, %get3A_330] {strides = array<i32>} : memref<1x128xi32, #tpu.memory_space<vmem>>, vector<1x16xi32>,
        %get3A_332 = vector.shape_cast %get3A_331 : vector<1x16xi32> to vector<16xi32>
        %add3A_333 = vector.broadcast %mul3A_33 : i32 to vector<16xi32>
        %add3A_334 = arith.addi %get3A_332, %add3A_333 : vector<16xi32>
        %swap3A_335 = arith.constant 0 : i32
        %swap3A_336 = arith.index_cast %swap3A_335 : i32 to index
        %swap3A_337 = arith.constant 112 : index
        %swap3A_338 = tpu.vector_load %arg9[%swap3A_336, %swap3A_337] {strides = array<i32>} : memref<1x128xi32, #tpu.memory_space<vmem>>, vector<1x16xi32>,
        %swap3A_339 = vector.shape_cast %swap3A_338 : vector<1x16xi32> to vector<16xi32>
        %swap3A_340 = vector.shape_cast %add3A_334 : vector<16xi32> to vector<1x16xi32>
        tpu.vector_store %arg9[%swap3A_336, %swap3A_337], %swap3A_340 {strides = array<i32>} : memref<1x128xi32, #tpu.memory_space<vmem>>, vector<1x16xi32>,
        %dma_wait3A_341 = arith.constant 0 : i32
        %dma_wait3A_342 = arith.constant 0 : i32
        %dma_wait3A_343 = tpu.memref_slice %arg7[%dma_wait3A_341, %dma_wait3A_342] : memref<1x128xi32, #tpu.memory_space<vmem>> -> memref<1x128xi32, #tpu.memory_space<vmem>>
        %dma_wait3A_344 = tpu.memref_squeeze %dma_wait3A_343 : memref<1x128xi32, #tpu.memory_space<vmem>> -> memref<128xi32, #tpu.memory_space<vmem>>
        %dma_wait3A_345 = arith.constant 0 : i32
        %dma_wait3A_346 = arith.constant 0 : i32
        %dma_wait3A_347 = tpu.memref_slice %arg2[%dma_wait3A_345, %dma_wait3A_346] : memref<200000x64xbf16, #tpu.memory_space<hbm>> -> memref<200000x64xbf16, #tpu.memory_space<hbm>>
        tpu.wait_indirect_dma semaphore(%arg16 : memref<!tpu.dma_semaphore, #tpu.memory_space<semaphore_mem>>) src(%dma_wait3A_347 : memref<200000x64xbf16, #tpu.memory_space<hbm>>) dst(%arg11 : memref<128x64xbf16, #tpu.memory_space<vmem>>)
        %dma_start3A_348 = arith.constant 0 : i32
        %dma_start3A_349 = arith.constant 0 : i32
        %dma_start3A_350 = tpu.memref_slice %arg9[%dma_start3A_348, %dma_start3A_349] : memref<1x128xi32, #tpu.memory_space<vmem>> -> memref<1x128xi32, #tpu.memory_space<vmem>>
        %dma_start3A_351 = tpu.memref_squeeze %dma_start3A_350 : memref<1x128xi32, #tpu.memory_space<vmem>> -> memref<128xi32, #tpu.memory_space<vmem>>
        %dma_start3A_352 = arith.constant 0 : i32
        %dma_start3A_353 = arith.constant 0 : i32
        %dma_start3A_354 = tpu.memref_slice %arg2[%dma_start3A_352, %dma_start3A_353] : memref<200000x64xbf16, #tpu.memory_space<hbm>> -> memref<200000x64xbf16, #tpu.memory_space<hbm>>
        tpu.enqueue_indirect_dma source(%dma_start3A_354 : memref<200000x64xbf16, #tpu.memory_space<hbm>>) target(%arg12 : memref<128x64xbf16, #tpu.memory_space<vmem>>) offsets(%dma_start3A_351 : memref<128xi32, #tpu.memory_space<vmem>>) semaphore(%arg17 : memref<!tpu.dma_semaphore, #tpu.memory_space<semaphore_mem>>)
        %run_scoped3A = arith.constant 0 : i32
        "tpu.region"() ({
          %run_scoped3A_367 = tpu.sem_alloc : memref<!tpu.dma_semaphore, #tpu.memory_space<semaphore_mem>>
          %dma_start3A_368 = arith.constant 0 : i32
          %dma_start3A_369 = tpu.memref_slice %arg8[%run_scoped3A, %dma_start3A_368] : memref<1x128xi32, #tpu.memory_space<vmem>> -> memref<1x128xi32, #tpu.memory_space<vmem>>
          %dma_start3A_370 = tpu.memref_squeeze %dma_start3A_369 : memref<1x128xi32, #tpu.memory_space<vmem>> -> memref<128xi32, #tpu.memory_space<vmem>>
          %dma_start3A_371 = arith.constant 0 : i32
          %dma_start3A_372 = arith.constant 0 : i32
          %dma_start3A_373 = tpu.memref_slice %arg13[%dma_start3A_371, %dma_start3A_372] : memref<50048x64xbf16, #tpu.memory_space<vmem_shared>> -> memref<50048x64xbf16, #tpu.memory_space<vmem_shared>>
          tpu.enqueue_indirect_dma source(%arg11 : memref<128x64xbf16, #tpu.memory_space<vmem>>) target(%dma_start3A_373 : memref<50048x64xbf16, #tpu.memory_space<vmem_shared>>) offsets(%dma_start3A_370 : memref<128xi32, #tpu.memory_space<vmem>>) semaphore(%run_scoped3A_367 : memref<!tpu.dma_semaphore, #tpu.memory_space<semaphore_mem>>) {add = true}
          %dma_wait3A_374 = arith.constant 0 : i32
          %dma_wait3A_375 = tpu.memref_slice %arg8[%run_scoped3A, %dma_wait3A_374] : memref<1x128xi32, #tpu.memory_space<vmem>> -> memref<1x128xi32, #tpu.memory_space<vmem>>
          %dma_wait3A_376 = tpu.memref_squeeze %dma_wait3A_375 : memref<1x128xi32, #tpu.memory_space<vmem>> -> memref<128xi32, #tpu.memory_space<vmem>>
          %dma_wait3A_377 = arith.constant 0 : i32
          %dma_wait3A_378 = arith.constant 0 : i32
          %dma_wait3A_379 = tpu.memref_slice %arg13[%dma_wait3A_377, %dma_wait3A_378] : memref<50048x64xbf16, #tpu.memory_space<vmem_shared>> -> memref<50048x64xbf16, #tpu.memory_space<vmem_shared>>
          tpu.wait_indirect_dma semaphore(%run_scoped3A_367 : memref<!tpu.dma_semaphore, #tpu.memory_space<semaphore_mem>>) src(%arg11 : memref<128x64xbf16, #tpu.memory_space<vmem>>) dst(%dma_wait3A_379 : memref<50048x64xbf16, #tpu.memory_space<vmem_shared>>)
          tpu.yield
        }) : () -> ()
        %convert_element_type3A = arith.extui %lt3A : i1 to i32
        %cond3A = arith.constant 0 : i32
        %cond3A_355 = arith.cmpi ne, %convert_element_type3A, %cond3A : i32
        scf.if %cond3A_355 {
          %mul3A_367 = arith.constant 2 : i32
          %mul3A_368 = arith.muli %mul3A_367, %add3A_216 : i32
          %add3A_369 = arith.constant 2 : i32
          %add3A_370 = arith.addi %mul3A_368, %add3A_369 : i32
          %mul3A_371 = arith.constant 16 : i32
          %mul3A_372 = arith.muli %add3A_370, %mul3A_371 : i32
          %add3A_373 = arith.addi %add3A_22, %mul3A_372 : i32
          %dma_start3A_374 = arith.constant 0 : i32
          %dma_start3A_375 = arith.constant 0 : i32
          %dma_start3A_376 = tpu.memref_slice %arg3[%add3A_373, %dma_start3A_374, %dma_start3A_375] : memref<6400x1x128xi32, #tpu.memory_space<hbm>> -> memref<1x1x128xi32, #tpu.memory_space<hbm>>
          %dma_start3A_377 = tpu.memref_squeeze %dma_start3A_376 : memref<1x1x128xi32, #tpu.memory_space<hbm>> -> memref<1x128xi32, #tpu.memory_space<hbm>>
          %dma_start3A_378 = arith.constant 0 : i32
          %dma_start3A_379 = arith.constant 0 : i32
          %dma_start3A_380 = tpu.memref_slice %arg3[%add3A_373, %dma_start3A_378, %dma_start3A_379] : memref<6400x1x128xi32, #tpu.memory_space<hbm>> -> memref<1x1x128xi32, #tpu.memory_space<hbm>>
          %dma_start3A_381 = tpu.memref_squeeze %dma_start3A_380 : memref<1x1x128xi32, #tpu.memory_space<hbm>> -> memref<1x128xi32, #tpu.memory_space<hbm>>
          tpu.enqueue_dma source(%dma_start3A_381 : memref<1x128xi32, #tpu.memory_space<hbm>>) target(%arg7 : memref<1x128xi32, #tpu.memory_space<vmem>>) target_semaphore(%arg14 : memref<!tpu.dma_semaphore, #tpu.memory_space<semaphore_mem>>)
          %dma_start3A_382 = arith.constant 0 : i32
          %dma_start3A_383 = arith.constant 0 : i32
          %dma_start3A_384 = tpu.memref_slice %arg4[%add3A_373, %dma_start3A_382, %dma_start3A_383] : memref<6400x1x128xi32, #tpu.memory_space<hbm>> -> memref<1x1x128xi32, #tpu.memory_space<hbm>>
          %dma_start3A_385 = tpu.memref_squeeze %dma_start3A_384 : memref<1x1x128xi32, #tpu.memory_space<hbm>> -> memref<1x128xi32, #tpu.memory_space<hbm>>
          %dma_start3A_386 = arith.constant 0 : i32
          %dma_start3A_387 = arith.constant 0 : i32
          %dma_start3A_388 = tpu.memref_slice %arg4[%add3A_373, %dma_start3A_386, %dma_start3A_387] : memref<6400x1x128xi32, #tpu.memory_space<hbm>> -> memref<1x1x128xi32, #tpu.memory_space<hbm>>
          %dma_start3A_389 = tpu.memref_squeeze %dma_start3A_388 : memref<1x1x128xi32, #tpu.memory_space<hbm>> -> memref<1x128xi32, #tpu.memory_space<hbm>>
          tpu.enqueue_dma source(%dma_start3A_389 : memref<1x128xi32, #tpu.memory_space<hbm>>) target(%arg8 : memref<1x128xi32, #tpu.memory_space<vmem>>) target_semaphore(%arg14 : memref<!tpu.dma_semaphore, #tpu.memory_space<semaphore_mem>>)
          %dma_wait3A_390 = arith.constant 0 : i32
          %dma_wait3A_391 = arith.constant 0 : i32
          %dma_wait3A_392 = arith.constant 0 : i32
          %dma_wait3A_393 = tpu.memref_slice %arg3[%dma_wait3A_390, %dma_wait3A_391, %dma_wait3A_392] : memref<6400x1x128xi32, #tpu.memory_space<hbm>> -> memref<1x1x128xi32, #tpu.memory_space<hbm>>
          %dma_wait3A_394 = tpu.memref_squeeze %dma_wait3A_393 : memref<1x1x128xi32, #tpu.memory_space<hbm>> -> memref<1x128xi32, #tpu.memory_space<hbm>>
          %dma_wait3A_395 = arith.constant 0 : i32
          %dma_wait3A_396 = arith.constant 0 : i32
          %dma_wait3A_397 = tpu.memref_slice %arg3[%dma_wait3A_390, %dma_wait3A_395, %dma_wait3A_396] : memref<6400x1x128xi32, #tpu.memory_space<hbm>> -> memref<1x1x128xi32, #tpu.memory_space<hbm>>
          %dma_wait3A_398 = tpu.memref_squeeze %dma_wait3A_397 : memref<1x1x128xi32, #tpu.memory_space<hbm>> -> memref<1x128xi32, #tpu.memory_space<hbm>>
          tpu.wait_dma2 semaphore(%arg14 : memref<!tpu.dma_semaphore, #tpu.memory_space<semaphore_mem>>) src(%dma_wait3A_398 : memref<1x128xi32, #tpu.memory_space<hbm>>) dst(%arg7 : memref<1x128xi32, #tpu.memory_space<vmem>>)
          %dma_wait3A_399 = arith.constant 0 : i32
          %dma_wait3A_400 = arith.constant 0 : i32
          %dma_wait3A_401 = arith.constant 0 : i32
          %dma_wait3A_402 = tpu.memref_slice %arg4[%dma_wait3A_399, %dma_wait3A_400, %dma_wait3A_401] : memref<6400x1x128xi32, #tpu.memory_space<hbm>> -> memref<1x1x128xi32, #tpu.memory_space<hbm>>
          %dma_wait3A_403 = tpu.memref_squeeze %dma_wait3A_402 : memref<1x1x128xi32, #tpu.memory_space<hbm>> -> memref<1x128xi32, #tpu.memory_space<hbm>>
          %dma_wait3A_404 = arith.constant 0 : i32
          %dma_wait3A_405 = arith.constant 0 : i32
          %dma_wait3A_406 = tpu.memref_slice %arg4[%dma_wait3A_399, %dma_wait3A_404, %dma_wait3A_405] : memref<6400x1x128xi32, #tpu.memory_space<hbm>> -> memref<1x1x128xi32, #tpu.memory_space<hbm>>
          %dma_wait3A_407 = tpu.memref_squeeze %dma_wait3A_406 : memref<1x1x128xi32, #tpu.memory_space<hbm>> -> memref<1x128xi32, #tpu.memory_space<hbm>>
          tpu.wait_dma2 semaphore(%arg14 : memref<!tpu.dma_semaphore, #tpu.memory_space<semaphore_mem>>) src(%dma_wait3A_407 : memref<1x128xi32, #tpu.memory_space<hbm>>) dst(%arg8 : memref<1x128xi32, #tpu.memory_space<vmem>>)
          %get3A_408 = arith.constant 0 : i32
          %get3A_409 = arith.index_cast %get3A_408 : i32 to index
          %get3A_410 = arith.constant 0 : index
          %get3A_411 = tpu.vector_load %arg7[%get3A_409, %get3A_410] {strides = array<i32>} : memref<1x128xi32, #tpu.memory_space<vmem>>, vector<1x16xi32>,
          %get3A_412 = vector.shape_cast %get3A_411 : vector<1x16xi32> to vector<16xi32>
          %add3A_413 = vector.broadcast %mul3A_33 : i32 to vector<16xi32>
          %add3A_414 = arith.addi %get3A_412, %add3A_413 : vector<16xi32>
          %swap3A_415 = arith.constant 0 : i32
          %swap3A_416 = arith.index_cast %swap3A_415 : i32 to index
          %swap3A_417 = arith.constant 0 : index
          %swap3A_418 = tpu.vector_load %arg7[%swap3A_416, %swap3A_417] {strides = array<i32>} : memref<1x128xi32, #tpu.memory_space<vmem>>, vector<1x16xi32>,
          %swap3A_419 = vector.shape_cast %swap3A_418 : vector<1x16xi32> to vector<16xi32>
          %swap3A_420 = vector.shape_cast %add3A_414 : vector<16xi32> to vector<1x16xi32>
          tpu.vector_store %arg7[%swap3A_416, %swap3A_417], %swap3A_420 {strides = array<i32>} : memref<1x128xi32, #tpu.memory_space<vmem>>, vector<1x16xi32>,
          %get3A_421 = arith.constant 0 : i32
          %get3A_422 = arith.index_cast %get3A_421 : i32 to index
          %get3A_423 = arith.constant 16 : index
          %get3A_424 = tpu.vector_load %arg7[%get3A_422, %get3A_423] {strides = array<i32>} : memref<1x128xi32, #tpu.memory_space<vmem>>, vector<1x16xi32>,
          %get3A_425 = vector.shape_cast %get3A_424 : vector<1x16xi32> to vector<16xi32>
          %add3A_426 = vector.broadcast %mul3A_33 : i32 to vector<16xi32>
          %add3A_427 = arith.addi %get3A_425, %add3A_426 : vector<16xi32>
          %swap3A_428 = arith.constant 0 : i32
          %swap3A_429 = arith.index_cast %swap3A_428 : i32 to index
          %swap3A_430 = arith.constant 16 : index
          %swap3A_431 = tpu.vector_load %arg7[%swap3A_429, %swap3A_430] {strides = array<i32>} : memref<1x128xi32, #tpu.memory_space<vmem>>, vector<1x16xi32>,
          %swap3A_432 = vector.shape_cast %swap3A_431 : vector<1x16xi32> to vector<16xi32>
          %swap3A_433 = vector.shape_cast %add3A_427 : vector<16xi32> to vector<1x16xi32>
          tpu.vector_store %arg7[%swap3A_429, %swap3A_430], %swap3A_433 {strides = array<i32>} : memref<1x128xi32, #tpu.memory_space<vmem>>, vector<1x16xi32>,
          %get3A_434 = arith.constant 0 : i32
          %get3A_435 = arith.index_cast %get3A_434 : i32 to index
          %get3A_436 = arith.constant 32 : index
          %get3A_437 = tpu.vector_load %arg7[%get3A_435, %get3A_436] {strides = array<i32>} : memref<1x128xi32, #tpu.memory_space<vmem>>, vector<1x16xi32>,
          %get3A_438 = vector.shape_cast %get3A_437 : vector<1x16xi32> to vector<16xi32>
          %add3A_439 = vector.broadcast %mul3A_33 : i32 to vector<16xi32>
          %add3A_440 = arith.addi %get3A_438, %add3A_439 : vector<16xi32>
          %swap3A_441 = arith.constant 0 : i32
          %swap3A_442 = arith.index_cast %swap3A_441 : i32 to index
          %swap3A_443 = arith.constant 32 : index
          %swap3A_444 = tpu.vector_load %arg7[%swap3A_442, %swap3A_443] {strides = array<i32>} : memref<1x128xi32, #tpu.memory_space<vmem>>, vector<1x16xi32>,
          %swap3A_445 = vector.shape_cast %swap3A_444 : vector<1x16xi32> to vector<16xi32>
          %swap3A_446 = vector.shape_cast %add3A_440 : vector<16xi32> to vector<1x16xi32>
          tpu.vector_store %arg7[%swap3A_442, %swap3A_443], %swap3A_446 {strides = array<i32>} : memref<1x128xi32, #tpu.memory_space<vmem>>, vector<1x16xi32>,
          %get3A_447 = arith.constant 0 : i32
          %get3A_448 = arith.index_cast %get3A_447 : i32 to index
          %get3A_449 = arith.constant 48 : index
          %get3A_450 = tpu.vector_load %arg7[%get3A_448, %get3A_449] {strides = array<i32>} : memref<1x128xi32, #tpu.memory_space<vmem>>, vector<1x16xi32>,
          %get3A_451 = vector.shape_cast %get3A_450 : vector<1x16xi32> to vector<16xi32>
          %add3A_452 = vector.broadcast %mul3A_33 : i32 to vector<16xi32>
          %add3A_453 = arith.addi %get3A_451, %add3A_452 : vector<16xi32>
          %swap3A_454 = arith.constant 0 : i32
          %swap3A_455 = arith.index_cast %swap3A_454 : i32 to index
          %swap3A_456 = arith.constant 48 : index
          %swap3A_457 = tpu.vector_load %arg7[%swap3A_455, %swap3A_456] {strides = array<i32>} : memref<1x128xi32, #tpu.memory_space<vmem>>, vector<1x16xi32>,
          %swap3A_458 = vector.shape_cast %swap3A_457 : vector<1x16xi32> to vector<16xi32>
          %swap3A_459 = vector.shape_cast %add3A_453 : vector<16xi32> to vector<1x16xi32>
          tpu.vector_store %arg7[%swap3A_455, %swap3A_456], %swap3A_459 {strides = array<i32>} : memref<1x128xi32, #tpu.memory_space<vmem>>, vector<1x16xi32>,
          %get3A_460 = arith.constant 0 : i32
          %get3A_461 = arith.index_cast %get3A_460 : i32 to index
          %get3A_462 = arith.constant 64 : index
          %get3A_463 = tpu.vector_load %arg7[%get3A_461, %get3A_462] {strides = array<i32>} : memref<1x128xi32, #tpu.memory_space<vmem>>, vector<1x16xi32>,
          %get3A_464 = vector.shape_cast %get3A_463 : vector<1x16xi32> to vector<16xi32>
          %add3A_465 = vector.broadcast %mul3A_33 : i32 to vector<16xi32>
          %add3A_466 = arith.addi %get3A_464, %add3A_465 : vector<16xi32>
          %swap3A_467 = arith.constant 0 : i32
          %swap3A_468 = arith.index_cast %swap3A_467 : i32 to index
          %swap3A_469 = arith.constant 64 : index
          %swap3A_470 = tpu.vector_load %arg7[%swap3A_468, %swap3A_469] {strides = array<i32>} : memref<1x128xi32, #tpu.memory_space<vmem>>, vector<1x16xi32>,
          %swap3A_471 = vector.shape_cast %swap3A_470 : vector<1x16xi32> to vector<16xi32>
          %swap3A_472 = vector.shape_cast %add3A_466 : vector<16xi32> to vector<1x16xi32>
          tpu.vector_store %arg7[%swap3A_468, %swap3A_469], %swap3A_472 {strides = array<i32>} : memref<1x128xi32, #tpu.memory_space<vmem>>, vector<1x16xi32>,
          %get3A_473 = arith.constant 0 : i32
          %get3A_474 = arith.index_cast %get3A_473 : i32 to index
          %get3A_475 = arith.constant 80 : index
          %get3A_476 = tpu.vector_load %arg7[%get3A_474, %get3A_475] {strides = array<i32>} : memref<1x128xi32, #tpu.memory_space<vmem>>, vector<1x16xi32>,
          %get3A_477 = vector.shape_cast %get3A_476 : vector<1x16xi32> to vector<16xi32>
          %add3A_478 = vector.broadcast %mul3A_33 : i32 to vector<16xi32>
          %add3A_479 = arith.addi %get3A_477, %add3A_478 : vector<16xi32>
          %swap3A_480 = arith.constant 0 : i32
          %swap3A_481 = arith.index_cast %swap3A_480 : i32 to index
          %swap3A_482 = arith.constant 80 : index
          %swap3A_483 = tpu.vector_load %arg7[%swap3A_481, %swap3A_482] {strides = array<i32>} : memref<1x128xi32, #tpu.memory_space<vmem>>, vector<1x16xi32>,
          %swap3A_484 = vector.shape_cast %swap3A_483 : vector<1x16xi32> to vector<16xi32>
          %swap3A_485 = vector.shape_cast %add3A_479 : vector<16xi32> to vector<1x16xi32>
          tpu.vector_store %arg7[%swap3A_481, %swap3A_482], %swap3A_485 {strides = array<i32>} : memref<1x128xi32, #tpu.memory_space<vmem>>, vector<1x16xi32>,
          %get3A_486 = arith.constant 0 : i32
          %get3A_487 = arith.index_cast %get3A_486 : i32 to index
          %get3A_488 = arith.constant 96 : index
          %get3A_489 = tpu.vector_load %arg7[%get3A_487, %get3A_488] {strides = array<i32>} : memref<1x128xi32, #tpu.memory_space<vmem>>, vector<1x16xi32>,
          %get3A_490 = vector.shape_cast %get3A_489 : vector<1x16xi32> to vector<16xi32>
          %add3A_491 = vector.broadcast %mul3A_33 : i32 to vector<16xi32>
          %add3A_492 = arith.addi %get3A_490, %add3A_491 : vector<16xi32>
          %swap3A_493 = arith.constant 0 : i32
          %swap3A_494 = arith.index_cast %swap3A_493 : i32 to index
          %swap3A_495 = arith.constant 96 : index
          %swap3A_496 = tpu.vector_load %arg7[%swap3A_494, %swap3A_495] {strides = array<i32>} : memref<1x128xi32, #tpu.memory_space<vmem>>, vector<1x16xi32>,
          %swap3A_497 = vector.shape_cast %swap3A_496 : vector<1x16xi32> to vector<16xi32>
          %swap3A_498 = vector.shape_cast %add3A_492 : vector<16xi32> to vector<1x16xi32>
          tpu.vector_store %arg7[%swap3A_494, %swap3A_495], %swap3A_498 {strides = array<i32>} : memref<1x128xi32, #tpu.memory_space<vmem>>, vector<1x16xi32>,
          %get3A_499 = arith.constant 0 : i32
          %get3A_500 = arith.index_cast %get3A_499 : i32 to index
          %get3A_501 = arith.constant 112 : index
          %get3A_502 = tpu.vector_load %arg7[%get3A_500, %get3A_501] {strides = array<i32>} : memref<1x128xi32, #tpu.memory_space<vmem>>, vector<1x16xi32>,
          %get3A_503 = vector.shape_cast %get3A_502 : vector<1x16xi32> to vector<16xi32>
          %add3A_504 = vector.broadcast %mul3A_33 : i32 to vector<16xi32>
          %add3A_505 = arith.addi %get3A_503, %add3A_504 : vector<16xi32>
          %swap3A_506 = arith.constant 0 : i32
          %swap3A_507 = arith.index_cast %swap3A_506 : i32 to index
          %swap3A_508 = arith.constant 112 : index
          %swap3A_509 = tpu.vector_load %arg7[%swap3A_507, %swap3A_508] {strides = array<i32>} : memref<1x128xi32, #tpu.memory_space<vmem>>, vector<1x16xi32>,
          %swap3A_510 = vector.shape_cast %swap3A_509 : vector<1x16xi32> to vector<16xi32>
          %swap3A_511 = vector.shape_cast %add3A_505 : vector<16xi32> to vector<1x16xi32>
          tpu.vector_store %arg7[%swap3A_507, %swap3A_508], %swap3A_511 {strides = array<i32>} : memref<1x128xi32, #tpu.memory_space<vmem>>, vector<1x16xi32>,
        } else {
        }
        %dma_wait3A_356 = arith.constant 0 : i32
        %dma_wait3A_357 = arith.constant 0 : i32
        %dma_wait3A_358 = tpu.memref_slice %arg9[%dma_wait3A_356, %dma_wait3A_357] : memref<1x128xi32, #tpu.memory_space<vmem>> -> memref<1x128xi32, #tpu.memory_space<vmem>>
        %dma_wait3A_359 = tpu.memref_squeeze %dma_wait3A_358 : memref<1x128xi32, #tpu.memory_space<vmem>> -> memref<128xi32, #tpu.memory_space<vmem>>
        %dma_wait3A_360 = arith.constant 0 : i32
        %dma_wait3A_361 = arith.constant 0 : i32
        %dma_wait3A_362 = tpu.memref_slice %arg2[%dma_wait3A_360, %dma_wait3A_361] : memref<200000x64xbf16, #tpu.memory_space<hbm>> -> memref<200000x64xbf16, #tpu.memory_space<hbm>>
        tpu.wait_indirect_dma semaphore(%arg17 : memref<!tpu.dma_semaphore, #tpu.memory_space<semaphore_mem>>) src(%dma_wait3A_362 : memref<200000x64xbf16, #tpu.memory_space<hbm>>) dst(%arg12 : memref<128x64xbf16, #tpu.memory_space<vmem>>)
        %convert_element_type3A_363 = arith.extui %lt3A : i1 to i32
        %cond3A_364 = arith.constant 0 : i32
        %cond3A_365 = arith.cmpi ne, %convert_element_type3A_363, %cond3A_364 : i32
        scf.if %cond3A_365 {
          %dma_start3A_367 = arith.constant 0 : i32
          %dma_start3A_368 = arith.constant 0 : i32
          %dma_start3A_369 = tpu.memref_slice %arg7[%dma_start3A_367, %dma_start3A_368] : memref<1x128xi32, #tpu.memory_space<vmem>> -> memref<1x128xi32, #tpu.memory_space<vmem>>
          %dma_start3A_370 = tpu.memref_squeeze %dma_start3A_369 : memref<1x128xi32, #tpu.memory_space<vmem>> -> memref<128xi32, #tpu.memory_space<vmem>>
          %dma_start3A_371 = arith.constant 0 : i32
          %dma_start3A_372 = arith.constant 0 : i32
          %dma_start3A_373 = tpu.memref_slice %arg2[%dma_start3A_371, %dma_start3A_372] : memref<200000x64xbf16, #tpu.memory_space<hbm>> -> memref<200000x64xbf16, #tpu.memory_space<hbm>>
          tpu.enqueue_indirect_dma source(%dma_start3A_373 : memref<200000x64xbf16, #tpu.memory_space<hbm>>) target(%arg11 : memref<128x64xbf16, #tpu.memory_space<vmem>>) offsets(%dma_start3A_370 : memref<128xi32, #tpu.memory_space<vmem>>) semaphore(%arg16 : memref<!tpu.dma_semaphore, #tpu.memory_space<semaphore_mem>>)
          %mul3A_374 = arith.constant 2 : i32
          %mul3A_375 = arith.muli %mul3A_374, %add3A_216 : i32
          %add3A_376 = arith.constant 3 : i32
          %add3A_377 = arith.addi %mul3A_375, %add3A_376 : i32
          %mul3A_378 = arith.constant 16 : i32
          %mul3A_379 = arith.muli %add3A_377, %mul3A_378 : i32
          %add3A_380 = arith.addi %add3A_22, %mul3A_379 : i32
          %dma_start3A_381 = arith.constant 0 : i32
          %dma_start3A_382 = arith.constant 0 : i32
          %dma_start3A_383 = tpu.memref_slice %arg3[%add3A_380, %dma_start3A_381, %dma_start3A_382] : memref<6400x1x128xi32, #tpu.memory_space<hbm>> -> memref<1x1x128xi32, #tpu.memory_space<hbm>>
          %dma_start3A_384 = tpu.memref_squeeze %dma_start3A_383 : memref<1x1x128xi32, #tpu.memory_space<hbm>> -> memref<1x128xi32, #tpu.memory_space<hbm>>
          %dma_start3A_385 = arith.constant 0 : i32
          %dma_start3A_386 = arith.constant 0 : i32
          %dma_start3A_387 = tpu.memref_slice %arg3[%add3A_380, %dma_start3A_385, %dma_start3A_386] : memref<6400x1x128xi32, #tpu.memory_space<hbm>> -> memref<1x1x128xi32, #tpu.memory_space<hbm>>
          %dma_start3A_388 = tpu.memref_squeeze %dma_start3A_387 : memref<1x1x128xi32, #tpu.memory_space<hbm>> -> memref<1x128xi32, #tpu.memory_space<hbm>>
          tpu.enqueue_dma source(%dma_start3A_388 : memref<1x128xi32, #tpu.memory_space<hbm>>) target(%arg9 : memref<1x128xi32, #tpu.memory_space<vmem>>) target_semaphore(%arg15 : memref<!tpu.dma_semaphore, #tpu.memory_space<semaphore_mem>>)
          %dma_start3A_389 = arith.constant 0 : i32
          %dma_start3A_390 = arith.constant 0 : i32
          %dma_start3A_391 = tpu.memref_slice %arg4[%add3A_380, %dma_start3A_389, %dma_start3A_390] : memref<6400x1x128xi32, #tpu.memory_space<hbm>> -> memref<1x1x128xi32, #tpu.memory_space<hbm>>
          %dma_start3A_392 = tpu.memref_squeeze %dma_start3A_391 : memref<1x1x128xi32, #tpu.memory_space<hbm>> -> memref<1x128xi32, #tpu.memory_space<hbm>>
          %dma_start3A_393 = arith.constant 0 : i32
          %dma_start3A_394 = arith.constant 0 : i32
          %dma_start3A_395 = tpu.memref_slice %arg4[%add3A_380, %dma_start3A_393, %dma_start3A_394] : memref<6400x1x128xi32, #tpu.memory_space<hbm>> -> memref<1x1x128xi32, #tpu.memory_space<hbm>>
          %dma_start3A_396 = tpu.memref_squeeze %dma_start3A_395 : memref<1x1x128xi32, #tpu.memory_space<hbm>> -> memref<1x128xi32, #tpu.memory_space<hbm>>
          tpu.enqueue_dma source(%dma_start3A_396 : memref<1x128xi32, #tpu.memory_space<hbm>>) target(%arg10 : memref<1x128xi32, #tpu.memory_space<vmem>>) target_semaphore(%arg15 : memref<!tpu.dma_semaphore, #tpu.memory_space<semaphore_mem>>)
        } else {
        }
        %run_scoped3A_366 = arith.constant 0 : i32
        "tpu.region"() ({
          %run_scoped3A_367 = tpu.sem_alloc : memref<!tpu.dma_semaphore, #tpu.memory_space<semaphore_mem>>
          %dma_start3A_368 = arith.constant 0 : i32
          %dma_start3A_369 = tpu.memref_slice %arg10[%run_scoped3A_366, %dma_start3A_368] : memref<1x128xi32, #tpu.memory_space<vmem>> -> memref<1x128xi32, #tpu.memory_space<vmem>>
          %dma_start3A_370 = tpu.memref_squeeze %dma_start3A_369 : memref<1x128xi32, #tpu.memory_space<vmem>> -> memref<128xi32, #tpu.memory_space<vmem>>
          %dma_start3A_371 = arith.constant 0 : i32
          %dma_start3A_372 = arith.constant 0 : i32
          %dma_start3A_373 = tpu.memref_slice %arg13[%dma_start3A_371, %dma_start3A_372] : memref<50048x64xbf16, #tpu.memory_space<vmem_shared>> -> memref<50048x64xbf16, #tpu.memory_space<vmem_shared>>
          tpu.enqueue_indirect_dma source(%arg12 : memref<128x64xbf16, #tpu.memory_space<vmem>>) target(%dma_start3A_373 : memref<50048x64xbf16, #tpu.memory_space<vmem_shared>>) offsets(%dma_start3A_370 : memref<128xi32, #tpu.memory_space<vmem>>) semaphore(%run_scoped3A_367 : memref<!tpu.dma_semaphore, #tpu.memory_space<semaphore_mem>>) {add = true}
          %dma_wait3A_374 = arith.constant 0 : i32
          %dma_wait3A_375 = tpu.memref_slice %arg10[%run_scoped3A_366, %dma_wait3A_374] : memref<1x128xi32, #tpu.memory_space<vmem>> -> memref<1x128xi32, #tpu.memory_space<vmem>>
          %dma_wait3A_376 = tpu.memref_squeeze %dma_wait3A_375 : memref<1x128xi32, #tpu.memory_space<vmem>> -> memref<128xi32, #tpu.memory_space<vmem>>
          %dma_wait3A_377 = arith.constant 0 : i32
          %dma_wait3A_378 = arith.constant 0 : i32
          %dma_wait3A_379 = tpu.memref_slice %arg13[%dma_wait3A_377, %dma_wait3A_378] : memref<50048x64xbf16, #tpu.memory_space<vmem_shared>> -> memref<50048x64xbf16, #tpu.memory_space<vmem_shared>>
          tpu.wait_indirect_dma semaphore(%run_scoped3A_367 : memref<!tpu.dma_semaphore, #tpu.memory_space<semaphore_mem>>) src(%arg12 : memref<128x64xbf16, #tpu.memory_space<vmem>>) dst(%dma_wait3A_379 : memref<50048x64xbf16, #tpu.memory_space<vmem_shared>>)
          tpu.yield
        }) : () -> ()
      }
      %while3A_212 = arith.constant 1 : i32
      scf.for %while3A_214 = %while3A_210 to %while3A_206 step %while3A_212  : i32 {
        %mul3A_215 = arith.muli %while3A_214, %while3A : i32
        %add3A_216 = arith.addi %while3A_203, %mul3A_215 : i32
        %sub3A_217 = arith.constant 1 : i32
        %sub3A_218 = arith.subi %select_n3A, %sub3A_217 : i32
        %lt3A = arith.cmpi slt, %add3A_216, %sub3A_218 : i32
        %dma_wait3A_219 = arith.constant 0 : i32
        %dma_wait3A_220 = arith.constant 0 : i32
        %dma_wait3A_221 = arith.constant 0 : i32
        %dma_wait3A_222 = tpu.memref_slice %arg3[%dma_wait3A_219, %dma_wait3A_220, %dma_wait3A_221] : memref<6400x1x128xi32, #tpu.memory_space<hbm>> -> memref<1x1x128xi32, #tpu.memory_space<hbm>>
        %dma_wait3A_223 = tpu.memref_squeeze %dma_wait3A_222 : memref<1x1x128xi32, #tpu.memory_space<hbm>> -> memref<1x128xi32, #tpu.memory_space<hbm>>
        %dma_wait3A_224 = arith.constant 0 : i32
        %dma_wait3A_225 = arith.constant 0 : i32
        %dma_wait3A_226 = tpu.memref_slice %arg3[%dma_wait3A_219, %dma_wait3A_224, %dma_wait3A_225] : memref<6400x1x128xi32, #tpu.memory_space<hbm>> -> memref<1x1x128xi32, #tpu.memory_space<hbm>>
        %dma_wait3A_227 = tpu.memref_squeeze %dma_wait3A_226 : memref<1x1x128xi32, #tpu.memory_space<hbm>> -> memref<1x128xi32, #tpu.memory_space<hbm>>
        tpu.wait_dma2 semaphore(%arg15 : memref<!tpu.dma_semaphore, #tpu.memory_space<semaphore_mem>>) src(%dma_wait3A_227 : memref<1x128xi32, #tpu.memory_space<hbm>>) dst(%arg9 : memref<1x128xi32, #tpu.memory_space<vmem>>)
        %dma_wait3A_228 = arith.constant 0 : i32
        %dma_wait3A_229 = arith.constant 0 : i32
        %dma_wait3A_230 = arith.constant 0 : i32
        %dma_wait3A_231 = tpu.memref_slice %arg4[%dma_wait3A_228, %dma_wait3A_229, %dma_wait3A_230] : memref<6400x1x128xi32, #tpu.memory_space<hbm>> -> memref<1x1x128xi32, #tpu.memory_space<hbm>>
        %dma_wait3A_232 = tpu.memref_squeeze %dma_wait3A_231 : memref<1x1x128xi32, #tpu.memory_space<hbm>> -> memref<1x128xi32, #tpu.memory_space<hbm>>
        %dma_wait3A_233 = arith.constant 0 : i32
        %dma_wait3A_234 = arith.constant 0 : i32
        %dma_wait3A_235 = tpu.memref_slice %arg4[%dma_wait3A_228, %dma_wait3A_233, %dma_wait3A_234] : memref<6400x1x128xi32, #tpu.memory_space<hbm>> -> memref<1x1x128xi32, #tpu.memory_space<hbm>>
        %dma_wait3A_236 = tpu.memref_squeeze %dma_wait3A_235 : memref<1x1x128xi32, #tpu.memory_space<hbm>> -> memref<1x128xi32, #tpu.memory_space<hbm>>
        tpu.wait_dma2 semaphore(%arg15 : memref<!tpu.dma_semaphore, #tpu.memory_space<semaphore_mem>>) src(%dma_wait3A_236 : memref<1x128xi32, #tpu.memory_space<hbm>>) dst(%arg10 : memref<1x128xi32, #tpu.memory_space<vmem>>)
        %get3A_237 = arith.constant 0 : i32
        %get3A_238 = arith.index_cast %get3A_237 : i32 to index
        %get3A_239 = arith.constant 0 : index
        %get3A_240 = tpu.vector_load %arg9[%get3A_238, %get3A_239] {strides = array<i32>} : memref<1x128xi32, #tpu.memory_space<vmem>>, vector<1x16xi32>,
        %get3A_241 = vector.shape_cast %get3A_240 : vector<1x16xi32> to vector<16xi32>
        %add3A_242 = vector.broadcast %mul3A_33 : i32 to vector<16xi32>
        %add3A_243 = arith.addi %get3A_241, %add3A_242 : vector<16xi32>
        %swap3A_244 = arith.constant 0 : i32
        %swap3A_245 = arith.index_cast %swap3A_244 : i32 to index
        %swap3A_246 = arith.constant 0 : index
        %swap3A_247 = tpu.vector_load %arg9[%swap3A_245, %swap3A_246] {strides = array<i32>} : memref<1x128xi32, #tpu.memory_space<vmem>>, vector<1x16xi32>,
        %swap3A_248 = vector.shape_cast %swap3A_247 : vector<1x16xi32> to vector<16xi32>
        %swap3A_249 = vector.shape_cast %add3A_243 : vector<16xi32> to vector<1x16xi32>
        tpu.vector_store %arg9[%swap3A_245, %swap3A_246], %swap3A_249 {strides = array<i32>} : memref<1x128xi32, #tpu.memory_space<vmem>>, vector<1x16xi32>,
        %get3A_250 = arith.constant 0 : i32
        %get3A_251 = arith.index_cast %get3A_250 : i32 to index
        %get3A_252 = arith.constant 16 : index
        %get3A_253 = tpu.vector_load %arg9[%get3A_251, %get3A_252] {strides = array<i32>} : memref<1x128xi32, #tpu.memory_space<vmem>>, vector<1x16xi32>,
        %get3A_254 = vector.shape_cast %get3A_253 : vector<1x16xi32> to vector<16xi32>
        %add3A_255 = vector.broadcast %mul3A_33 : i32 to vector<16xi32>
        %add3A_256 = arith.addi %get3A_254, %add3A_255 : vector<16xi32>
        %swap3A_257 = arith.constant 0 : i32
        %swap3A_258 = arith.index_cast %swap3A_257 : i32 to index
        %swap3A_259 = arith.constant 16 : index
        %swap3A_260 = tpu.vector_load %arg9[%swap3A_258, %swap3A_259] {strides = array<i32>} : memref<1x128xi32, #tpu.memory_space<vmem>>, vector<1x16xi32>,
        %swap3A_261 = vector.shape_cast %swap3A_260 : vector<1x16xi32> to vector<16xi32>
        %swap3A_262 = vector.shape_cast %add3A_256 : vector<16xi32> to vector<1x16xi32>
        tpu.vector_store %arg9[%swap3A_258, %swap3A_259], %swap3A_262 {strides = array<i32>} : memref<1x128xi32, #tpu.memory_space<vmem>>, vector<1x16xi32>,
        %get3A_263 = arith.constant 0 : i32
        %get3A_264 = arith.index_cast %get3A_263 : i32 to index
        %get3A_265 = arith.constant 32 : index
        %get3A_266 = tpu.vector_load %arg9[%get3A_264, %get3A_265] {strides = array<i32>} : memref<1x128xi32, #tpu.memory_space<vmem>>, vector<1x16xi32>,
        %get3A_267 = vector.shape_cast %get3A_266 : vector<1x16xi32> to vector<16xi32>
        %add3A_268 = vector.broadcast %mul3A_33 : i32 to vector<16xi32>
        %add3A_269 = arith.addi %get3A_267, %add3A_268 : vector<16xi32>
        %swap3A_270 = arith.constant 0 : i32
        %swap3A_271 = arith.index_cast %swap3A_270 : i32 to index
        %swap3A_272 = arith.constant 32 : index
        %swap3A_273 = tpu.vector_load %arg9[%swap3A_271, %swap3A_272] {strides = array<i32>} : memref<1x128xi32, #tpu.memory_space<vmem>>, vector<1x16xi32>,
        %swap3A_274 = vector.shape_cast %swap3A_273 : vector<1x16xi32> to vector<16xi32>
        %swap3A_275 = vector.shape_cast %add3A_269 : vector<16xi32> to vector<1x16xi32>
        tpu.vector_store %arg9[%swap3A_271, %swap3A_272], %swap3A_275 {strides = array<i32>} : memref<1x128xi32, #tpu.memory_space<vmem>>, vector<1x16xi32>,
        %get3A_276 = arith.constant 0 : i32
        %get3A_277 = arith.index_cast %get3A_276 : i32 to index
        %get3A_278 = arith.constant 48 : index
        %get3A_279 = tpu.vector_load %arg9[%get3A_277, %get3A_278] {strides = array<i32>} : memref<1x128xi32, #tpu.memory_space<vmem>>, vector<1x16xi32>,
        %get3A_280 = vector.shape_cast %get3A_279 : vector<1x16xi32> to vector<16xi32>
        %add3A_281 = vector.broadcast %mul3A_33 : i32 to vector<16xi32>
        %add3A_282 = arith.addi %get3A_280, %add3A_281 : vector<16xi32>
        %swap3A_283 = arith.constant 0 : i32
        %swap3A_284 = arith.index_cast %swap3A_283 : i32 to index
        %swap3A_285 = arith.constant 48 : index
        %swap3A_286 = tpu.vector_load %arg9[%swap3A_284, %swap3A_285] {strides = array<i32>} : memref<1x128xi32, #tpu.memory_space<vmem>>, vector<1x16xi32>,
        %swap3A_287 = vector.shape_cast %swap3A_286 : vector<1x16xi32> to vector<16xi32>
        %swap3A_288 = vector.shape_cast %add3A_282 : vector<16xi32> to vector<1x16xi32>
        tpu.vector_store %arg9[%swap3A_284, %swap3A_285], %swap3A_288 {strides = array<i32>} : memref<1x128xi32, #tpu.memory_space<vmem>>, vector<1x16xi32>,
        %get3A_289 = arith.constant 0 : i32
        %get3A_290 = arith.index_cast %get3A_289 : i32 to index
        %get3A_291 = arith.constant 64 : index
        %get3A_292 = tpu.vector_load %arg9[%get3A_290, %get3A_291] {strides = array<i32>} : memref<1x128xi32, #tpu.memory_space<vmem>>, vector<1x16xi32>,
        %get3A_293 = vector.shape_cast %get3A_292 : vector<1x16xi32> to vector<16xi32>
        %add3A_294 = vector.broadcast %mul3A_33 : i32 to vector<16xi32>
        %add3A_295 = arith.addi %get3A_293, %add3A_294 : vector<16xi32>
        %swap3A_296 = arith.constant 0 : i32
        %swap3A_297 = arith.index_cast %swap3A_296 : i32 to index
        %swap3A_298 = arith.constant 64 : index
        %swap3A_299 = tpu.vector_load %arg9[%swap3A_297, %swap3A_298] {strides = array<i32>} : memref<1x128xi32, #tpu.memory_space<vmem>>, vector<1x16xi32>,
        %swap3A_300 = vector.shape_cast %swap3A_299 : vector<1x16xi32> to vector<16xi32>
        %swap3A_301 = vector.shape_cast %add3A_295 : vector<16xi32> to vector<1x16xi32>
        tpu.vector_store %arg9[%swap3A_297, %swap3A_298], %swap3A_301 {strides = array<i32>} : memref<1x128xi32, #tpu.memory_space<vmem>>, vector<1x16xi32>,
        %get3A_302 = arith.constant 0 : i32
        %get3A_303 = arith.index_cast %get3A_302 : i32 to index
        %get3A_304 = arith.constant 80 : index
        %get3A_305 = tpu.vector_load %arg9[%get3A_303, %get3A_304] {strides = array<i32>} : memref<1x128xi32, #tpu.memory_space<vmem>>, vector<1x16xi32>,
        %get3A_306 = vector.shape_cast %get3A_305 : vector<1x16xi32> to vector<16xi32>
        %add3A_307 = vector.broadcast %mul3A_33 : i32 to vector<16xi32>
        %add3A_308 = arith.addi %get3A_306, %add3A_307 : vector<16xi32>
        %swap3A_309 = arith.constant 0 : i32
        %swap3A_310 = arith.index_cast %swap3A_309 : i32 to index
        %swap3A_311 = arith.constant 80 : index
        %swap3A_312 = tpu.vector_load %arg9[%swap3A_310, %swap3A_311] {strides = array<i32>} : memref<1x128xi32, #tpu.memory_space<vmem>>, vector<1x16xi32>,
        %swap3A_313 = vector.shape_cast %swap3A_312 : vector<1x16xi32> to vector<16xi32>
        %swap3A_314 = vector.shape_cast %add3A_308 : vector<16xi32> to vector<1x16xi32>
        tpu.vector_store %arg9[%swap3A_310, %swap3A_311], %swap3A_314 {strides = array<i32>} : memref<1x128xi32, #tpu.memory_space<vmem>>, vector<1x16xi32>,
        %get3A_315 = arith.constant 0 : i32
        %get3A_316 = arith.index_cast %get3A_315 : i32 to index
        %get3A_317 = arith.constant 96 : index
        %get3A_318 = tpu.vector_load %arg9[%get3A_316, %get3A_317] {strides = array<i32>} : memref<1x128xi32, #tpu.memory_space<vmem>>, vector<1x16xi32>,
        %get3A_319 = vector.shape_cast %get3A_318 : vector<1x16xi32> to vector<16xi32>
        %add3A_320 = vector.broadcast %mul3A_33 : i32 to vector<16xi32>
        %add3A_321 = arith.addi %get3A_319, %add3A_320 : vector<16xi32>
        %swap3A_322 = arith.constant 0 : i32
        %swap3A_323 = arith.index_cast %swap3A_322 : i32 to index
        %swap3A_324 = arith.constant 96 : index
        %swap3A_325 = tpu.vector_load %arg9[%swap3A_323, %swap3A_324] {strides = array<i32>} : memref<1x128xi32, #tpu.memory_space<vmem>>, vector<1x16xi32>,
        %swap3A_326 = vector.shape_cast %swap3A_325 : vector<1x16xi32> to vector<16xi32>
        %swap3A_327 = vector.shape_cast %add3A_321 : vector<16xi32> to vector<1x16xi32>
        tpu.vector_store %arg9[%swap3A_323, %swap3A_324], %swap3A_327 {strides = array<i32>} : memref<1x128xi32, #tpu.memory_space<vmem>>, vector<1x16xi32>,
        %get3A_328 = arith.constant 0 : i32
        %get3A_329 = arith.index_cast %get3A_328 : i32 to index
        %get3A_330 = arith.constant 112 : index
        %get3A_331 = tpu.vector_load %arg9[%get3A_329, %get3A_330] {strides = array<i32>} : memref<1x128xi32, #tpu.memory_space<vmem>>, vector<1x16xi32>,
        %get3A_332 = vector.shape_cast %get3A_331 : vector<1x16xi32> to vector<16xi32>
        %add3A_333 = vector.broadcast %mul3A_33 : i32 to vector<16xi32>
        %add3A_334 = arith.addi %get3A_332, %add3A_333 : vector<16xi32>
        %swap3A_335 = arith.constant 0 : i32
        %swap3A_336 = arith.index_cast %swap3A_335 : i32 to index
        %swap3A_337 = arith.constant 112 : index
        %swap3A_338 = tpu.vector_load %arg9[%swap3A_336, %swap3A_337] {strides = array<i32>} : memref<1x128xi32, #tpu.memory_space<vmem>>, vector<1x16xi32>,
        %swap3A_339 = vector.shape_cast %swap3A_338 : vector<1x16xi32> to vector<16xi32>
        %swap3A_340 = vector.shape_cast %add3A_334 : vector<16xi32> to vector<1x16xi32>
        tpu.vector_store %arg9[%swap3A_336, %swap3A_337], %swap3A_340 {strides = array<i32>} : memref<1x128xi32, #tpu.memory_space<vmem>>, vector<1x16xi32>,
        %dma_wait3A_341 = arith.constant 0 : i32
        %dma_wait3A_342 = arith.constant 0 : i32
        %dma_wait3A_343 = tpu.memref_slice %arg7[%dma_wait3A_341, %dma_wait3A_342] : memref<1x128xi32, #tpu.memory_space<vmem>> -> memref<1x128xi32, #tpu.memory_space<vmem>>
        %dma_wait3A_344 = tpu.memref_squeeze %dma_wait3A_343 : memref<1x128xi32, #tpu.memory_space<vmem>> -> memref<128xi32, #tpu.memory_space<vmem>>
        %dma_wait3A_345 = arith.constant 0 : i32
        %dma_wait3A_346 = arith.constant 0 : i32
        %dma_wait3A_347 = tpu.memref_slice %arg2[%dma_wait3A_345, %dma_wait3A_346] : memref<200000x64xbf16, #tpu.memory_space<hbm>> -> memref<200000x64xbf16, #tpu.memory_space<hbm>>
        tpu.wait_indirect_dma semaphore(%arg16 : memref<!tpu.dma_semaphore, #tpu.memory_space<semaphore_mem>>) src(%dma_wait3A_347 : memref<200000x64xbf16, #tpu.memory_space<hbm>>) dst(%arg11 : memref<128x64xbf16, #tpu.memory_space<vmem>>)
        %dma_start3A_348 = arith.constant 0 : i32
        %dma_start3A_349 = arith.constant 0 : i32
        %dma_start3A_350 = tpu.memref_slice %arg9[%dma_start3A_348, %dma_start3A_349] : memref<1x128xi32, #tpu.memory_space<vmem>> -> memref<1x128xi32, #tpu.memory_space<vmem>>
        %dma_start3A_351 = tpu.memref_squeeze %dma_start3A_350 : memref<1x128xi32, #tpu.memory_space<vmem>> -> memref<128xi32, #tpu.memory_space<vmem>>
        %dma_start3A_352 = arith.constant 0 : i32
        %dma_start3A_353 = arith.constant 0 : i32
        %dma_start3A_354 = tpu.memref_slice %arg2[%dma_start3A_352, %dma_start3A_353] : memref<200000x64xbf16, #tpu.memory_space<hbm>> -> memref<200000x64xbf16, #tpu.memory_space<hbm>>
        tpu.enqueue_indirect_dma source(%dma_start3A_354 : memref<200000x64xbf16, #tpu.memory_space<hbm>>) target(%arg12 : memref<128x64xbf16, #tpu.memory_space<vmem>>) offsets(%dma_start3A_351 : memref<128xi32, #tpu.memory_space<vmem>>) semaphore(%arg17 : memref<!tpu.dma_semaphore, #tpu.memory_space<semaphore_mem>>)
        %run_scoped3A = arith.constant 0 : i32
        "tpu.region"() ({
          %run_scoped3A_367 = tpu.sem_alloc : memref<!tpu.dma_semaphore, #tpu.memory_space<semaphore_mem>>
          %dma_start3A_368 = arith.constant 0 : i32
          %dma_start3A_369 = tpu.memref_slice %arg8[%run_scoped3A, %dma_start3A_368] : memref<1x128xi32, #tpu.memory_space<vmem>> -> memref<1x128xi32, #tpu.memory_space<vmem>>
          %dma_start3A_370 = tpu.memref_squeeze %dma_start3A_369 : memref<1x128xi32, #tpu.memory_space<vmem>> -> memref<128xi32, #tpu.memory_space<vmem>>
          %dma_start3A_371 = arith.constant 0 : i32
          %dma_start3A_372 = arith.constant 0 : i32
          %dma_start3A_373 = tpu.memref_slice %arg13[%dma_start3A_371, %dma_start3A_372] : memref<50048x64xbf16, #tpu.memory_space<vmem_shared>> -> memref<50048x64xbf16, #tpu.memory_space<vmem_shared>>
          tpu.enqueue_indirect_dma source(%arg11 : memref<128x64xbf16, #tpu.memory_space<vmem>>) target(%dma_start3A_373 : memref<50048x64xbf16, #tpu.memory_space<vmem_shared>>) offsets(%dma_start3A_370 : memref<128xi32, #tpu.memory_space<vmem>>) semaphore(%run_scoped3A_367 : memref<!tpu.dma_semaphore, #tpu.memory_space<semaphore_mem>>) {add = true}
          %dma_wait3A_374 = arith.constant 0 : i32
          %dma_wait3A_375 = tpu.memref_slice %arg8[%run_scoped3A, %dma_wait3A_374] : memref<1x128xi32, #tpu.memory_space<vmem>> -> memref<1x128xi32, #tpu.memory_space<vmem>>
          %dma_wait3A_376 = tpu.memref_squeeze %dma_wait3A_375 : memref<1x128xi32, #tpu.memory_space<vmem>> -> memref<128xi32, #tpu.memory_space<vmem>>
          %dma_wait3A_377 = arith.constant 0 : i32
          %dma_wait3A_378 = arith.constant 0 : i32
          %dma_wait3A_379 = tpu.memref_slice %arg13[%dma_wait3A_377, %dma_wait3A_378] : memref<50048x64xbf16, #tpu.memory_space<vmem_shared>> -> memref<50048x64xbf16, #tpu.memory_space<vmem_shared>>
          tpu.wait_indirect_dma semaphore(%run_scoped3A_367 : memref<!tpu.dma_semaphore, #tpu.memory_space<semaphore_mem>>) src(%arg11 : memref<128x64xbf16, #tpu.memory_space<vmem>>) dst(%dma_wait3A_379 : memref<50048x64xbf16, #tpu.memory_space<vmem_shared>>)
          tpu.yield
        }) : () -> ()
        %convert_element_type3A = arith.extui %lt3A : i1 to i32
        %cond3A = arith.constant 0 : i32
        %cond3A_355 = arith.cmpi ne, %convert_element_type3A, %cond3A : i32
        scf.if %cond3A_355 {
          %mul3A_367 = arith.constant 2 : i32
          %mul3A_368 = arith.muli %mul3A_367, %add3A_216 : i32
          %add3A_369 = arith.constant 2 : i32
          %add3A_370 = arith.addi %mul3A_368, %add3A_369 : i32
          %mul3A_371 = arith.constant 16 : i32
          %mul3A_372 = arith.muli %add3A_370, %mul3A_371 : i32
          %add3A_373 = arith.addi %add3A_22, %mul3A_372 : i32
          %dma_start3A_374 = arith.constant 0 : i32
          %dma_start3A_375 = arith.constant 0 : i32
          %dma_start3A_376 = tpu.memref_slice %arg3[%add3A_373, %dma_start3A_374, %dma_start3A_375] : memref<6400x1x128xi32, #tpu.memory_space<hbm>> -> memref<1x1x128xi32, #tpu.memory_space<hbm>>
          %dma_start3A_377 = tpu.memref_squeeze %dma_start3A_376 : memref<1x1x128xi32, #tpu.memory_space<hbm>> -> memref<1x128xi32, #tpu.memory_space<hbm>>
          %dma_start3A_378 = arith.constant 0 : i32
          %dma_start3A_379 = arith.constant 0 : i32
          %dma_start3A_380 = tpu.memref_slice %arg3[%add3A_373, %dma_start3A_378, %dma_start3A_379] : memref<6400x1x128xi32, #tpu.memory_space<hbm>> -> memref<1x1x128xi32, #tpu.memory_space<hbm>>
          %dma_start3A_381 = tpu.memref_squeeze %dma_start3A_380 : memref<1x1x128xi32, #tpu.memory_space<hbm>> -> memref<1x128xi32, #tpu.memory_space<hbm>>
          tpu.enqueue_dma source(%dma_start3A_381 : memref<1x128xi32, #tpu.memory_space<hbm>>) target(%arg7 : memref<1x128xi32, #tpu.memory_space<vmem>>) target_semaphore(%arg14 : memref<!tpu.dma_semaphore, #tpu.memory_space<semaphore_mem>>)
          %dma_start3A_382 = arith.constant 0 : i32
          %dma_start3A_383 = arith.constant 0 : i32
          %dma_start3A_384 = tpu.memref_slice %arg4[%add3A_373, %dma_start3A_382, %dma_start3A_383] : memref<6400x1x128xi32, #tpu.memory_space<hbm>> -> memref<1x1x128xi32, #tpu.memory_space<hbm>>
          %dma_start3A_385 = tpu.memref_squeeze %dma_start3A_384 : memref<1x1x128xi32, #tpu.memory_space<hbm>> -> memref<1x128xi32, #tpu.memory_space<hbm>>
          %dma_start3A_386 = arith.constant 0 : i32
          %dma_start3A_387 = arith.constant 0 : i32
          %dma_start3A_388 = tpu.memref_slice %arg4[%add3A_373, %dma_start3A_386, %dma_start3A_387] : memref<6400x1x128xi32, #tpu.memory_space<hbm>> -> memref<1x1x128xi32, #tpu.memory_space<hbm>>
          %dma_start3A_389 = tpu.memref_squeeze %dma_start3A_388 : memref<1x1x128xi32, #tpu.memory_space<hbm>> -> memref<1x128xi32, #tpu.memory_space<hbm>>
          tpu.enqueue_dma source(%dma_start3A_389 : memref<1x128xi32, #tpu.memory_space<hbm>>) target(%arg8 : memref<1x128xi32, #tpu.memory_space<vmem>>) target_semaphore(%arg14 : memref<!tpu.dma_semaphore, #tpu.memory_space<semaphore_mem>>)
          %dma_wait3A_390 = arith.constant 0 : i32
          %dma_wait3A_391 = arith.constant 0 : i32
          %dma_wait3A_392 = arith.constant 0 : i32
          %dma_wait3A_393 = tpu.memref_slice %arg3[%dma_wait3A_390, %dma_wait3A_391, %dma_wait3A_392] : memref<6400x1x128xi32, #tpu.memory_space<hbm>> -> memref<1x1x128xi32, #tpu.memory_space<hbm>>
          %dma_wait3A_394 = tpu.memref_squeeze %dma_wait3A_393 : memref<1x1x128xi32, #tpu.memory_space<hbm>> -> memref<1x128xi32, #tpu.memory_space<hbm>>
          %dma_wait3A_395 = arith.constant 0 : i32
          %dma_wait3A_396 = arith.constant 0 : i32
          %dma_wait3A_397 = tpu.memref_slice %arg3[%dma_wait3A_390, %dma_wait3A_395, %dma_wait3A_396] : memref<6400x1x128xi32, #tpu.memory_space<hbm>> -> memref<1x1x128xi32, #tpu.memory_space<hbm>>
          %dma_wait3A_398 = tpu.memref_squeeze %dma_wait3A_397 : memref<1x1x128xi32, #tpu.memory_space<hbm>> -> memref<1x128xi32, #tpu.memory_space<hbm>>
          tpu.wait_dma2 semaphore(%arg14 : memref<!tpu.dma_semaphore, #tpu.memory_space<semaphore_mem>>) src(%dma_wait3A_398 : memref<1x128xi32, #tpu.memory_space<hbm>>) dst(%arg7 : memref<1x128xi32, #tpu.memory_space<vmem>>)
          %dma_wait3A_399 = arith.constant 0 : i32
          %dma_wait3A_400 = arith.constant 0 : i32
          %dma_wait3A_401 = arith.constant 0 : i32
          %dma_wait3A_402 = tpu.memref_slice %arg4[%dma_wait3A_399, %dma_wait3A_400, %dma_wait3A_401] : memref<6400x1x128xi32, #tpu.memory_space<hbm>> -> memref<1x1x128xi32, #tpu.memory_space<hbm>>
          %dma_wait3A_403 = tpu.memref_squeeze %dma_wait3A_402 : memref<1x1x128xi32, #tpu.memory_space<hbm>> -> memref<1x128xi32, #tpu.memory_space<hbm>>
          %dma_wait3A_404 = arith.constant 0 : i32
          %dma_wait3A_405 = arith.constant 0 : i32
          %dma_wait3A_406 = tpu.memref_slice %arg4[%dma_wait3A_399, %dma_wait3A_404, %dma_wait3A_405] : memref<6400x1x128xi32, #tpu.memory_space<hbm>> -> memref<1x1x128xi32, #tpu.memory_space<hbm>>
          %dma_wait3A_407 = tpu.memref_squeeze %dma_wait3A_406 : memref<1x1x128xi32, #tpu.memory_space<hbm>> -> memref<1x128xi32, #tpu.memory_space<hbm>>
          tpu.wait_dma2 semaphore(%arg14 : memref<!tpu.dma_semaphore, #tpu.memory_space<semaphore_mem>>) src(%dma_wait3A_407 : memref<1x128xi32, #tpu.memory_space<hbm>>) dst(%arg8 : memref<1x128xi32, #tpu.memory_space<vmem>>)
          %get3A_408 = arith.constant 0 : i32
          %get3A_409 = arith.index_cast %get3A_408 : i32 to index
          %get3A_410 = arith.constant 0 : index
          %get3A_411 = tpu.vector_load %arg7[%get3A_409, %get3A_410] {strides = array<i32>} : memref<1x128xi32, #tpu.memory_space<vmem>>, vector<1x16xi32>,
          %get3A_412 = vector.shape_cast %get3A_411 : vector<1x16xi32> to vector<16xi32>
          %add3A_413 = vector.broadcast %mul3A_33 : i32 to vector<16xi32>
          %add3A_414 = arith.addi %get3A_412, %add3A_413 : vector<16xi32>
          %swap3A_415 = arith.constant 0 : i32
          %swap3A_416 = arith.index_cast %swap3A_415 : i32 to index
          %swap3A_417 = arith.constant 0 : index
          %swap3A_418 = tpu.vector_load %arg7[%swap3A_416, %swap3A_417] {strides = array<i32>} : memref<1x128xi32, #tpu.memory_space<vmem>>, vector<1x16xi32>,
          %swap3A_419 = vector.shape_cast %swap3A_418 : vector<1x16xi32> to vector<16xi32>
          %swap3A_420 = vector.shape_cast %add3A_414 : vector<16xi32> to vector<1x16xi32>
          tpu.vector_store %arg7[%swap3A_416, %swap3A_417], %swap3A_420 {strides = array<i32>} : memref<1x128xi32, #tpu.memory_space<vmem>>, vector<1x16xi32>,
          %get3A_421 = arith.constant 0 : i32
          %get3A_422 = arith.index_cast %get3A_421 : i32 to index
          %get3A_423 = arith.constant 16 : index
          %get3A_424 = tpu.vector_load %arg7[%get3A_422, %get3A_423] {strides = array<i32>} : memref<1x128xi32, #tpu.memory_space<vmem>>, vector<1x16xi32>,
          %get3A_425 = vector.shape_cast %get3A_424 : vector<1x16xi32> to vector<16xi32>
          %add3A_426 = vector.broadcast %mul3A_33 : i32 to vector<16xi32>
          %add3A_427 = arith.addi %get3A_425, %add3A_426 : vector<16xi32>
          %swap3A_428 = arith.constant 0 : i32
          %swap3A_429 = arith.index_cast %swap3A_428 : i32 to index
          %swap3A_430 = arith.constant 16 : index
          %swap3A_431 = tpu.vector_load %arg7[%swap3A_429, %swap3A_430] {strides = array<i32>} : memref<1x128xi32, #tpu.memory_space<vmem>>, vector<1x16xi32>,
          %swap3A_432 = vector.shape_cast %swap3A_431 : vector<1x16xi32> to vector<16xi32>
          %swap3A_433 = vector.shape_cast %add3A_427 : vector<16xi32> to vector<1x16xi32>
          tpu.vector_store %arg7[%swap3A_429, %swap3A_430], %swap3A_433 {strides = array<i32>} : memref<1x128xi32, #tpu.memory_space<vmem>>, vector<1x16xi32>,
          %get3A_434 = arith.constant 0 : i32
          %get3A_435 = arith.index_cast %get3A_434 : i32 to index
          %get3A_436 = arith.constant 32 : index
          %get3A_437 = tpu.vector_load %arg7[%get3A_435, %get3A_436] {strides = array<i32>} : memref<1x128xi32, #tpu.memory_space<vmem>>, vector<1x16xi32>,
          %get3A_438 = vector.shape_cast %get3A_437 : vector<1x16xi32> to vector<16xi32>
          %add3A_439 = vector.broadcast %mul3A_33 : i32 to vector<16xi32>
          %add3A_440 = arith.addi %get3A_438, %add3A_439 : vector<16xi32>
          %swap3A_441 = arith.constant 0 : i32
          %swap3A_442 = arith.index_cast %swap3A_441 : i32 to index
          %swap3A_443 = arith.constant 32 : index
          %swap3A_444 = tpu.vector_load %arg7[%swap3A_442, %swap3A_443] {strides = array<i32>} : memref<1x128xi32, #tpu.memory_space<vmem>>, vector<1x16xi32>,
          %swap3A_445 = vector.shape_cast %swap3A_444 : vector<1x16xi32> to vector<16xi32>
          %swap3A_446 = vector.shape_cast %add3A_440 : vector<16xi32> to vector<1x16xi32>
          tpu.vector_store %arg7[%swap3A_442, %swap3A_443], %swap3A_446 {strides = array<i32>} : memref<1x128xi32, #tpu.memory_space<vmem>>, vector<1x16xi32>,
          %get3A_447 = arith.constant 0 : i32
          %get3A_448 = arith.index_cast %get3A_447 : i32 to index
          %get3A_449 = arith.constant 48 : index
          %get3A_450 = tpu.vector_load %arg7[%get3A_448, %get3A_449] {strides = array<i32>} : memref<1x128xi32, #tpu.memory_space<vmem>>, vector<1x16xi32>,
          %get3A_451 = vector.shape_cast %get3A_450 : vector<1x16xi32> to vector<16xi32>
          %add3A_452 = vector.broadcast %mul3A_33 : i32 to vector<16xi32>
          %add3A_453 = arith.addi %get3A_451, %add3A_452 : vector<16xi32>
          %swap3A_454 = arith.constant 0 : i32
          %swap3A_455 = arith.index_cast %swap3A_454 : i32 to index
          %swap3A_456 = arith.constant 48 : index
          %swap3A_457 = tpu.vector_load %arg7[%swap3A_455, %swap3A_456] {strides = array<i32>} : memref<1x128xi32, #tpu.memory_space<vmem>>, vector<1x16xi32>,
          %swap3A_458 = vector.shape_cast %swap3A_457 : vector<1x16xi32> to vector<16xi32>
          %swap3A_459 = vector.shape_cast %add3A_453 : vector<16xi32> to vector<1x16xi32>
          tpu.vector_store %arg7[%swap3A_455, %swap3A_456], %swap3A_459 {strides = array<i32>} : memref<1x128xi32, #tpu.memory_space<vmem>>, vector<1x16xi32>,
          %get3A_460 = arith.constant 0 : i32
          %get3A_461 = arith.index_cast %get3A_460 : i32 to index
          %get3A_462 = arith.constant 64 : index
          %get3A_463 = tpu.vector_load %arg7[%get3A_461, %get3A_462] {strides = array<i32>} : memref<1x128xi32, #tpu.memory_space<vmem>>, vector<1x16xi32>,
          %get3A_464 = vector.shape_cast %get3A_463 : vector<1x16xi32> to vector<16xi32>
          %add3A_465 = vector.broadcast %mul3A_33 : i32 to vector<16xi32>
          %add3A_466 = arith.addi %get3A_464, %add3A_465 : vector<16xi32>
          %swap3A_467 = arith.constant 0 : i32
          %swap3A_468 = arith.index_cast %swap3A_467 : i32 to index
          %swap3A_469 = arith.constant 64 : index
          %swap3A_470 = tpu.vector_load %arg7[%swap3A_468, %swap3A_469] {strides = array<i32>} : memref<1x128xi32, #tpu.memory_space<vmem>>, vector<1x16xi32>,
          %swap3A_471 = vector.shape_cast %swap3A_470 : vector<1x16xi32> to vector<16xi32>
          %swap3A_472 = vector.shape_cast %add3A_466 : vector<16xi32> to vector<1x16xi32>
          tpu.vector_store %arg7[%swap3A_468, %swap3A_469], %swap3A_472 {strides = array<i32>} : memref<1x128xi32, #tpu.memory_space<vmem>>, vector<1x16xi32>,
          %get3A_473 = arith.constant 0 : i32
          %get3A_474 = arith.index_cast %get3A_473 : i32 to index
          %get3A_475 = arith.constant 80 : index
          %get3A_476 = tpu.vector_load %arg7[%get3A_474, %get3A_475] {strides = array<i32>} : memref<1x128xi32, #tpu.memory_space<vmem>>, vector<1x16xi32>,
          %get3A_477 = vector.shape_cast %get3A_476 : vector<1x16xi32> to vector<16xi32>
          %add3A_478 = vector.broadcast %mul3A_33 : i32 to vector<16xi32>
          %add3A_479 = arith.addi %get3A_477, %add3A_478 : vector<16xi32>
          %swap3A_480 = arith.constant 0 : i32
          %swap3A_481 = arith.index_cast %swap3A_480 : i32 to index
          %swap3A_482 = arith.constant 80 : index
          %swap3A_483 = tpu.vector_load %arg7[%swap3A_481, %swap3A_482] {strides = array<i32>} : memref<1x128xi32, #tpu.memory_space<vmem>>, vector<1x16xi32>,
          %swap3A_484 = vector.shape_cast %swap3A_483 : vector<1x16xi32> to vector<16xi32>
          %swap3A_485 = vector.shape_cast %add3A_479 : vector<16xi32> to vector<1x16xi32>
          tpu.vector_store %arg7[%swap3A_481, %swap3A_482], %swap3A_485 {strides = array<i32>} : memref<1x128xi32, #tpu.memory_space<vmem>>, vector<1x16xi32>,
          %get3A_486 = arith.constant 0 : i32
          %get3A_487 = arith.index_cast %get3A_486 : i32 to index
          %get3A_488 = arith.constant 96 : index
          %get3A_489 = tpu.vector_load %arg7[%get3A_487, %get3A_488] {strides = array<i32>} : memref<1x128xi32, #tpu.memory_space<vmem>>, vector<1x16xi32>,
          %get3A_490 = vector.shape_cast %get3A_489 : vector<1x16xi32> to vector<16xi32>
          %add3A_491 = vector.broadcast %mul3A_33 : i32 to vector<16xi32>
          %add3A_492 = arith.addi %get3A_490, %add3A_491 : vector<16xi32>
          %swap3A_493 = arith.constant 0 : i32
          %swap3A_494 = arith.index_cast %swap3A_493 : i32 to index
          %swap3A_495 = arith.constant 96 : index
          %swap3A_496 = tpu.vector_load %arg7[%swap3A_494, %swap3A_495] {strides = array<i32>} : memref<1x128xi32, #tpu.memory_space<vmem>>, vector<1x16xi32>,
          %swap3A_497 = vector.shape_cast %swap3A_496 : vector<1x16xi32> to vector<16xi32>
          %swap3A_498 = vector.shape_cast %add3A_492 : vector<16xi32> to vector<1x16xi32>
          tpu.vector_store %arg7[%swap3A_494, %swap3A_495], %swap3A_498 {strides = array<i32>} : memref<1x128xi32, #tpu.memory_space<vmem>>, vector<1x16xi32>,
          %get3A_499 = arith.constant 0 : i32
          %get3A_500 = arith.index_cast %get3A_499 : i32 to index
          %get3A_501 = arith.constant 112 : index
          %get3A_502 = tpu.vector_load %arg7[%get3A_500, %get3A_501] {strides = array<i32>} : memref<1x128xi32, #tpu.memory_space<vmem>>, vector<1x16xi32>,
          %get3A_503 = vector.shape_cast %get3A_502 : vector<1x16xi32> to vector<16xi32>
          %add3A_504 = vector.broadcast %mul3A_33 : i32 to vector<16xi32>
          %add3A_505 = arith.addi %get3A_503, %add3A_504 : vector<16xi32>
          %swap3A_506 = arith.constant 0 : i32
          %swap3A_507 = arith.index_cast %swap3A_506 : i32 to index
          %swap3A_508 = arith.constant 112 : index
          %swap3A_509 = tpu.vector_load %arg7[%swap3A_507, %swap3A_508] {strides = array<i32>} : memref<1x128xi32, #tpu.memory_space<vmem>>, vector<1x16xi32>,
          %swap3A_510 = vector.shape_cast %swap3A_509 : vector<1x16xi32> to vector<16xi32>
          %swap3A_511 = vector.shape_cast %add3A_505 : vector<16xi32> to vector<1x16xi32>
          tpu.vector_store %arg7[%swap3A_507, %swap3A_508], %swap3A_511 {strides = array<i32>} : memref<1x128xi32, #tpu.memory_space<vmem>>, vector<1x16xi32>,
        } else {
        }
        %dma_wait3A_356 = arith.constant 0 : i32
        %dma_wait3A_357 = arith.constant 0 : i32
        %dma_wait3A_358 = tpu.memref_slice %arg9[%dma_wait3A_356, %dma_wait3A_357] : memref<1x128xi32, #tpu.memory_space<vmem>> -> memref<1x128xi32, #tpu.memory_space<vmem>>
        %dma_wait3A_359 = tpu.memref_squeeze %dma_wait3A_358 : memref<1x128xi32, #tpu.memory_space<vmem>> -> memref<128xi32, #tpu.memory_space<vmem>>
        %dma_wait3A_360 = arith.constant 0 : i32
        %dma_wait3A_361 = arith.constant 0 : i32
        %dma_wait3A_362 = tpu.memref_slice %arg2[%dma_wait3A_360, %dma_wait3A_361] : memref<200000x64xbf16, #tpu.memory_space<hbm>> -> memref<200000x64xbf16, #tpu.memory_space<hbm>>
        tpu.wait_indirect_dma semaphore(%arg17 : memref<!tpu.dma_semaphore, #tpu.memory_space<semaphore_mem>>) src(%dma_wait3A_362 : memref<200000x64xbf16, #tpu.memory_space<hbm>>) dst(%arg12 : memref<128x64xbf16, #tpu.memory_space<vmem>>)
        %convert_element_type3A_363 = arith.extui %lt3A : i1 to i32
        %cond3A_364 = arith.constant 0 : i32
        %cond3A_365 = arith.cmpi ne, %convert_element_type3A_363, %cond3A_364 : i32
        scf.if %cond3A_365 {
          %dma_start3A_367 = arith.constant 0 : i32
          %dma_start3A_368 = arith.constant 0 : i32
          %dma_start3A_369 = tpu.memref_slice %arg7[%dma_start3A_367, %dma_start3A_368] : memref<1x128xi32, #tpu.memory_space<vmem>> -> memref<1x128xi32, #tpu.memory_space<vmem>>
          %dma_start3A_370 = tpu.memref_squeeze %dma_start3A_369 : memref<1x128xi32, #tpu.memory_space<vmem>> -> memref<128xi32, #tpu.memory_space<vmem>>
          %dma_start3A_371 = arith.constant 0 : i32
          %dma_start3A_372 = arith.constant 0 : i32
          %dma_start3A_373 = tpu.memref_slice %arg2[%dma_start3A_371, %dma_start3A_372] : memref<200000x64xbf16, #tpu.memory_space<hbm>> -> memref<200000x64xbf16, #tpu.memory_space<hbm>>
          tpu.enqueue_indirect_dma source(%dma_start3A_373 : memref<200000x64xbf16, #tpu.memory_space<hbm>>) target(%arg11 : memref<128x64xbf16, #tpu.memory_space<vmem>>) offsets(%dma_start3A_370 : memref<128xi32, #tpu.memory_space<vmem>>) semaphore(%arg16 : memref<!tpu.dma_semaphore, #tpu.memory_space<semaphore_mem>>)
          %mul3A_374 = arith.constant 2 : i32
          %mul3A_375 = arith.muli %mul3A_374, %add3A_216 : i32
          %add3A_376 = arith.constant 3 : i32
          %add3A_377 = arith.addi %mul3A_375, %add3A_376 : i32
          %mul3A_378 = arith.constant 16 : i32
          %mul3A_379 = arith.muli %add3A_377, %mul3A_378 : i32
          %add3A_380 = arith.addi %add3A_22, %mul3A_379 : i32
          %dma_start3A_381 = arith.constant 0 : i32
          %dma_start3A_382 = arith.constant 0 : i32
          %dma_start3A_383 = tpu.memref_slice %arg3[%add3A_380, %dma_start3A_381, %dma_start3A_382] : memref<6400x1x128xi32, #tpu.memory_space<hbm>> -> memref<1x1x128xi32, #tpu.memory_space<hbm>>
          %dma_start3A_384 = tpu.memref_squeeze %dma_start3A_383 : memref<1x1x128xi32, #tpu.memory_space<hbm>> -> memref<1x128xi32, #tpu.memory_space<hbm>>
          %dma_start3A_385 = arith.constant 0 : i32
          %dma_start3A_386 = arith.constant 0 : i32
          %dma_start3A_387 = tpu.memref_slice %arg3[%add3A_380, %dma_start3A_385, %dma_start3A_386] : memref<6400x1x128xi32, #tpu.memory_space<hbm>> -> memref<1x1x128xi32, #tpu.memory_space<hbm>>
          %dma_start3A_388 = tpu.memref_squeeze %dma_start3A_387 : memref<1x1x128xi32, #tpu.memory_space<hbm>> -> memref<1x128xi32, #tpu.memory_space<hbm>>
          tpu.enqueue_dma source(%dma_start3A_388 : memref<1x128xi32, #tpu.memory_space<hbm>>) target(%arg9 : memref<1x128xi32, #tpu.memory_space<vmem>>) target_semaphore(%arg15 : memref<!tpu.dma_semaphore, #tpu.memory_space<semaphore_mem>>)
          %dma_start3A_389 = arith.constant 0 : i32
          %dma_start3A_390 = arith.constant 0 : i32
          %dma_start3A_391 = tpu.memref_slice %arg4[%add3A_380, %dma_start3A_389, %dma_start3A_390] : memref<6400x1x128xi32, #tpu.memory_space<hbm>> -> memref<1x1x128xi32, #tpu.memory_space<hbm>>
          %dma_start3A_392 = tpu.memref_squeeze %dma_start3A_391 : memref<1x1x128xi32, #tpu.memory_space<hbm>> -> memref<1x128xi32, #tpu.memory_space<hbm>>
          %dma_start3A_393 = arith.constant 0 : i32
          %dma_start3A_394 = arith.constant 0 : i32
          %dma_start3A_395 = tpu.memref_slice %arg4[%add3A_380, %dma_start3A_393, %dma_start3A_394] : memref<6400x1x128xi32, #tpu.memory_space<hbm>> -> memref<1x1x128xi32, #tpu.memory_space<hbm>>
          %dma_start3A_396 = tpu.memref_squeeze %dma_start3A_395 : memref<1x1x128xi32, #tpu.memory_space<hbm>> -> memref<1x128xi32, #tpu.memory_space<hbm>>
          tpu.enqueue_dma source(%dma_start3A_396 : memref<1x128xi32, #tpu.memory_space<hbm>>) target(%arg10 : memref<1x128xi32, #tpu.memory_space<vmem>>) target_semaphore(%arg15 : memref<!tpu.dma_semaphore, #tpu.memory_space<semaphore_mem>>)
        } else {
        }
        %run_scoped3A_366 = arith.constant 0 : i32
        "tpu.region"() ({
          %run_scoped3A_367 = tpu.sem_alloc : memref<!tpu.dma_semaphore, #tpu.memory_space<semaphore_mem>>
          %dma_start3A_368 = arith.constant 0 : i32
          %dma_start3A_369 = tpu.memref_slice %arg10[%run_scoped3A_366, %dma_start3A_368] : memref<1x128xi32, #tpu.memory_space<vmem>> -> memref<1x128xi32, #tpu.memory_space<vmem>>
          %dma_start3A_370 = tpu.memref_squeeze %dma_start3A_369 : memref<1x128xi32, #tpu.memory_space<vmem>> -> memref<128xi32, #tpu.memory_space<vmem>>
          %dma_start3A_371 = arith.constant 0 : i32
          %dma_start3A_372 = arith.constant 0 : i32
          %dma_start3A_373 = tpu.memref_slice %arg13[%dma_start3A_371, %dma_start3A_372] : memref<50048x64xbf16, #tpu.memory_space<vmem_shared>> -> memref<50048x64xbf16, #tpu.memory_space<vmem_shared>>
          tpu.enqueue_indirect_dma source(%arg12 : memref<128x64xbf16, #tpu.memory_space<vmem>>) target(%dma_start3A_373 : memref<50048x64xbf16, #tpu.memory_space<vmem_shared>>) offsets(%dma_start3A_370 : memref<128xi32, #tpu.memory_space<vmem>>) semaphore(%run_scoped3A_367 : memref<!tpu.dma_semaphore, #tpu.memory_space<semaphore_mem>>) {add = true}
          %dma_wait3A_374 = arith.constant 0 : i32
          %dma_wait3A_375 = tpu.memref_slice %arg10[%run_scoped3A_366, %dma_wait3A_374] : memref<1x128xi32, #tpu.memory_space<vmem>> -> memref<1x128xi32, #tpu.memory_space<vmem>>
          %dma_wait3A_376 = tpu.memref_squeeze %dma_wait3A_375 : memref<1x128xi32, #tpu.memory_space<vmem>> -> memref<128xi32, #tpu.memory_space<vmem>>
          %dma_wait3A_377 = arith.constant 0 : i32
          %dma_wait3A_378 = arith.constant 0 : i32
          %dma_wait3A_379 = tpu.memref_slice %arg13[%dma_wait3A_377, %dma_wait3A_378] : memref<50048x64xbf16, #tpu.memory_space<vmem_shared>> -> memref<50048x64xbf16, #tpu.memory_space<vmem_shared>>
          tpu.wait_indirect_dma semaphore(%run_scoped3A_367 : memref<!tpu.dma_semaphore, #tpu.memory_space<semaphore_mem>>) src(%arg12 : memref<128x64xbf16, #tpu.memory_space<vmem>>) dst(%dma_wait3A_379 : memref<50048x64xbf16, #tpu.memory_space<vmem_shared>>)
          tpu.yield
        }) : () -> ()
      }
      %barrier3A_213 = arith.constant 0 : index
      tpu.barrier barrier_id(%barrier3A_213)
      "tpu.region"() ({
        %run_scoped3A = tpu.sem_alloc : memref<!tpu.dma_semaphore, #tpu.memory_space<semaphore_mem>>
        %dma_start3A_214 = arith.constant 0 : i32
        %dma_start3A_215 = tpu.memref_slice %arg6[%arg0, %add3A_31, %mul3A_0, %dma_start3A_214] : memref<2x4x50048x64xbf16, #tpu.memory_space<hbm>> -> memref<1x1x3128x64xbf16, #tpu.memory_space<hbm>>
        %dma_start3A_216 = tpu.memref_squeeze %dma_start3A_215 : memref<1x1x3128x64xbf16, #tpu.memory_space<hbm>> -> memref<3128x64xbf16, #tpu.memory_space<hbm>>
        %dma_start3A_217 = arith.constant 0 : i32
        %dma_start3A_218 = tpu.memref_slice %arg13[%mul3A_0, %dma_start3A_217] : memref<50048x64xbf16, #tpu.memory_space<vmem_shared>> -> memref<3128x64xbf16, #tpu.memory_space<vmem_shared>>
        tpu.enqueue_dma source(%dma_start3A_218 : memref<3128x64xbf16, #tpu.memory_space<vmem_shared>>) target(%dma_start3A_216 : memref<3128x64xbf16, #tpu.memory_space<hbm>>) target_semaphore(%run_scoped3A : memref<!tpu.dma_semaphore, #tpu.memory_space<semaphore_mem>>)
        %dma_wait3A_219 = arith.constant 0 : i32
        %dma_wait3A_220 = tpu.memref_slice %arg6[%arg0, %add3A_31, %mul3A_0, %dma_wait3A_219] : memref<2x4x50048x64xbf16, #tpu.memory_space<hbm>> -> memref<1x1x3128x64xbf16, #tpu.memory_space<hbm>>
        %dma_wait3A_221 = tpu.memref_squeeze %dma_wait3A_220 : memref<1x1x3128x64xbf16, #tpu.memory_space<hbm>> -> memref<3128x64xbf16, #tpu.memory_space<hbm>>
        %dma_wait3A_222 = arith.constant 0 : i32
        %dma_wait3A_223 = tpu.memref_slice %arg13[%mul3A_0, %dma_wait3A_222] : memref<50048x64xbf16, #tpu.memory_space<vmem_shared>> -> memref<3128x64xbf16, #tpu.memory_space<vmem_shared>>
        tpu.wait_dma2 semaphore(%run_scoped3A : memref<!tpu.dma_semaphore, #tpu.memory_space<semaphore_mem>>) src(%dma_wait3A_223 : memref<3128x64xbf16, #tpu.memory_space<vmem_shared>>) dst(%dma_wait3A_221 : memref<3128x64xbf16, #tpu.memory_space<hbm>>)
        tpu.yield
      }) : () -> ()
    }
    %scan3A_26 = arith.constant 4 : i32
    return
  }
}

module attributes {stable_mosaic.version = 14 : i64} {
  func.func @body(%arg0: i32, %arg1: memref<2x2000x32xbf16, #tpu.memory_space<vmem>>, %arg2: memref<2000x16xf32, #tpu.memory_space<vmem>>, %arg3: memref<32x256xf32, #tpu.memory_space<vmem>>, %arg4: memref<16x256xf32, #tpu.memory_space<vmem>>, %arg5: memref<1x256xf32, #tpu.memory_space<vmem>>, %arg6: memref<2000x256xf32, #tpu.memory_space<vmem>>, %arg7: memref<4x2000x64xbf16, #tpu.memory_space<vmem>>, %arg8: memref<2000x1xf32, #tpu.memory_space<vmem>>) attributes {dimension_semantics = [#tpu.dimension_semantics<arbitrary>], iteration_bounds = array<i64: 25>, scalar_prefetch = 0 : i64, scratch_operands = 0 : i64, tpu.core_type = #tpu.core_type<tc>, window_params = [{transform_indices = @transform_0, window_bounds = array<i64: 2, 2000, 32>}, {transform_indices = @transform_1, window_bounds = array<i64: 2000, 16>}, {pipeline_mode = #tpu.pipeline_mode<synchronous>, transform_indices = @transform_2, window_bounds = array<i64: 32, 256>}, {pipeline_mode = #tpu.pipeline_mode<synchronous>, transform_indices = @transform_3, window_bounds = array<i64: 16, 256>}, {pipeline_mode = #tpu.pipeline_mode<synchronous>, transform_indices = @transform_4, window_bounds = array<i64: 1, 256>}, {transform_indices = @transform_5, window_bounds = array<i64: 2000, 256>}, {transform_indices = @transform_6, window_bounds = array<i64: 4, 2000, 64>}, {transform_indices = @transform_7, window_bounds = array<i64: 2000, 1>}]} {
    %get3A = arith.constant 0 : index
    %get3A_0 = arith.constant 0 : index
    %get3A_1 = arith.constant 0 : index
    %get3A_2 = vector.load %arg1[%get3A, %get3A_0, %get3A_1] : memref<2x2000x32xbf16, #tpu.memory_space<vmem>>, vector<1x2000x32xbf16>
    %get3A_3 = vector.shape_cast %get3A_2 : vector<1x2000x32xbf16> to vector<2000x32xbf16>
    %convert_element_type3A = arith.extf %get3A_3 : vector<2000x32xbf16> to vector<2000x32xf32>
    %get3A_4 = arith.constant 1 : index
    %get3A_5 = arith.constant 0 : index
    %get3A_6 = arith.constant 0 : index
    %get3A_7 = vector.load %arg1[%get3A_4, %get3A_5, %get3A_6] : memref<2x2000x32xbf16, #tpu.memory_space<vmem>>, vector<1x2000x32xbf16>
    %get3A_8 = vector.shape_cast %get3A_7 : vector<1x2000x32xbf16> to vector<2000x32xbf16>
    %convert_element_type3A_9 = arith.extf %get3A_8 : vector<2000x32xbf16> to vector<2000x32xf32>
    %add3A = arith.addf %convert_element_type3A, %convert_element_type3A_9 : vector<2000x32xf32>
    %slice3A = vector.extract_strided_slice %add3A {offsets = [0, 3], sizes = [2000, 1], strides = [1, 1]} : vector<2000x32xf32> to vector<2000x1xf32>
    %max3A = arith.constant 1.000000e+00 : f32
    %max3A_10 = vector.broadcast %max3A : f32 to vector<2000x1xf32>
    %max3A_11 = arith.maximumf %slice3A, %max3A_10 : vector<2000x1xf32>
    %div3A = arith.constant 1.000000e+00 : f32
    %div3A_12 = vector.broadcast %div3A : f32 to vector<2000x1xf32>
    %div3A_13 = arith.divf %div3A_12, %max3A_11 : vector<2000x1xf32>
    %mul3A = vector.broadcast %div3A_13 : vector<2000x1xf32> to vector<2000x32xf32>
    %mul3A_14 = arith.mulf %add3A, %mul3A : vector<2000x32xf32>
    %get3A_15 = arith.constant 0 : index
    %get3A_16 = arith.constant 0 : index
    %get3A_17 = vector.load %arg3[%get3A_15, %get3A_16] : memref<32x256xf32, #tpu.memory_space<vmem>>, vector<32x256xf32>
    %dot_general3A = arith.constant dense<0.000000e+00> : vector<2000x256xf32>
    %dot_general3A_18 = tpu.matmul %mul3A_14, %get3A_17, %dot_general3A {dimension_numbers = #tpu.dot_dimension_numbers<[1], [0], [0], [1], [0, 0, 1, 1], [], []>, transpose_lhs_hint = false} : vector<2000x32xf32>, vector<32x256xf32>, vector<2000x256xf32> -> vector<2000x256xf32>
    %get3A_19 = arith.constant 0 : index
    %get3A_20 = arith.constant 0 : index
    %get3A_21 = vector.load %arg2[%get3A_19, %get3A_20] : memref<2000x16xf32, #tpu.memory_space<vmem>>, vector<2000x16xf32>
    %get3A_22 = arith.constant 0 : index
    %get3A_23 = arith.constant 0 : index
    %get3A_24 = vector.load %arg4[%get3A_22, %get3A_23] : memref<16x256xf32, #tpu.memory_space<vmem>>, vector<16x256xf32>
    %dot_general3A_25 = arith.constant dense<0.000000e+00> : vector<2000x256xf32>
    %dot_general3A_26 = tpu.matmul %get3A_21, %get3A_24, %dot_general3A_25 {dimension_numbers = #tpu.dot_dimension_numbers<[1], [0], [0], [1], [0, 0, 1, 1], [], []>, transpose_lhs_hint = false} : vector<2000x16xf32>, vector<16x256xf32>, vector<2000x256xf32> -> vector<2000x256xf32>
    %add3A_27 = arith.addf %dot_general3A_18, %dot_general3A_26 : vector<2000x256xf32>
    %get3A_28 = arith.constant 0 : index
    %get3A_29 = arith.constant 0 : index
    %get3A_30 = vector.load %arg5[%get3A_28, %get3A_29] : memref<1x256xf32, #tpu.memory_space<vmem>>, vector<1x256xf32>
    %add3A_31 = vector.broadcast %get3A_30 : vector<1x256xf32> to vector<2000x256xf32>
    %add3A_32 = arith.addf %add3A_27, %add3A_31 : vector<2000x256xf32>
    %max3A_33 = arith.constant 0.000000e+00 : f32
    %max3A_34 = vector.broadcast %max3A_33 : f32 to vector<2000x256xf32>
    %max3A_35 = arith.maximumf %add3A_32, %max3A_34 : vector<2000x256xf32>
    %swap3A = arith.constant 0 : index
    %swap3A_36 = arith.constant 0 : index
    %swap3A_37 = vector.load %arg6[%swap3A, %swap3A_36] : memref<2000x256xf32, #tpu.memory_space<vmem>>, vector<2000x256xf32>
    tpu.vector_store %arg6[%swap3A, %swap3A_36], %max3A_35 {strides = array<i32>} : memref<2000x256xf32, #tpu.memory_space<vmem>>, vector<2000x256xf32>,
    %slice3A_38 = vector.extract_strided_slice %max3A_35 {offsets = [0, 0], sizes = [2000, 64], strides = [1, 1]} : vector<2000x256xf32> to vector<2000x64xf32>
    %convert_element_type3A_39 = arith.truncf %slice3A_38 : vector<2000x64xf32> to vector<2000x64xbf16>
    %swap3A_40 = arith.constant 0 : index
    %swap3A_41 = arith.constant 0 : index
    %swap3A_42 = arith.constant 0 : index
    %swap3A_43 = vector.load %arg7[%swap3A_40, %swap3A_41, %swap3A_42] : memref<4x2000x64xbf16, #tpu.memory_space<vmem>>, vector<1x2000x64xbf16>
    %swap3A_44 = vector.shape_cast %swap3A_43 : vector<1x2000x64xbf16> to vector<2000x64xbf16>
    %swap3A_45 = vector.shape_cast %convert_element_type3A_39 : vector<2000x64xbf16> to vector<1x2000x64xbf16>
    tpu.vector_store %arg7[%swap3A_40, %swap3A_41, %swap3A_42], %swap3A_45 {strides = array<i32>} : memref<4x2000x64xbf16, #tpu.memory_space<vmem>>, vector<1x2000x64xbf16>,
    %slice3A_46 = vector.extract_strided_slice %max3A_35 {offsets = [0, 64], sizes = [2000, 64], strides = [1, 1]} : vector<2000x256xf32> to vector<2000x64xf32>
    %convert_element_type3A_47 = arith.truncf %slice3A_46 : vector<2000x64xf32> to vector<2000x64xbf16>
    %swap3A_48 = arith.constant 1 : index
    %swap3A_49 = arith.constant 0 : index
    %swap3A_50 = arith.constant 0 : index
    %swap3A_51 = vector.load %arg7[%swap3A_48, %swap3A_49, %swap3A_50] : memref<4x2000x64xbf16, #tpu.memory_space<vmem>>, vector<1x2000x64xbf16>
    %swap3A_52 = vector.shape_cast %swap3A_51 : vector<1x2000x64xbf16> to vector<2000x64xbf16>
    %swap3A_53 = vector.shape_cast %convert_element_type3A_47 : vector<2000x64xbf16> to vector<1x2000x64xbf16>
    tpu.vector_store %arg7[%swap3A_48, %swap3A_49, %swap3A_50], %swap3A_53 {strides = array<i32>} : memref<4x2000x64xbf16, #tpu.memory_space<vmem>>, vector<1x2000x64xbf16>,
    %slice3A_54 = vector.extract_strided_slice %max3A_35 {offsets = [0, 128], sizes = [2000, 64], strides = [1, 1]} : vector<2000x256xf32> to vector<2000x64xf32>
    %convert_element_type3A_55 = arith.truncf %slice3A_54 : vector<2000x64xf32> to vector<2000x64xbf16>
    %swap3A_56 = arith.constant 2 : index
    %swap3A_57 = arith.constant 0 : index
    %swap3A_58 = arith.constant 0 : index
    %swap3A_59 = vector.load %arg7[%swap3A_56, %swap3A_57, %swap3A_58] : memref<4x2000x64xbf16, #tpu.memory_space<vmem>>, vector<1x2000x64xbf16>
    %swap3A_60 = vector.shape_cast %swap3A_59 : vector<1x2000x64xbf16> to vector<2000x64xbf16>
    %swap3A_61 = vector.shape_cast %convert_element_type3A_55 : vector<2000x64xbf16> to vector<1x2000x64xbf16>
    tpu.vector_store %arg7[%swap3A_56, %swap3A_57, %swap3A_58], %swap3A_61 {strides = array<i32>} : memref<4x2000x64xbf16, #tpu.memory_space<vmem>>, vector<1x2000x64xbf16>,
    %slice3A_62 = vector.extract_strided_slice %max3A_35 {offsets = [0, 192], sizes = [2000, 64], strides = [1, 1]} : vector<2000x256xf32> to vector<2000x64xf32>
    %convert_element_type3A_63 = arith.truncf %slice3A_62 : vector<2000x64xf32> to vector<2000x64xbf16>
    %swap3A_64 = arith.constant 3 : index
    %swap3A_65 = arith.constant 0 : index
    %swap3A_66 = arith.constant 0 : index
    %swap3A_67 = vector.load %arg7[%swap3A_64, %swap3A_65, %swap3A_66] : memref<4x2000x64xbf16, #tpu.memory_space<vmem>>, vector<1x2000x64xbf16>
    %swap3A_68 = vector.shape_cast %swap3A_67 : vector<1x2000x64xbf16> to vector<2000x64xbf16>
    %swap3A_69 = vector.shape_cast %convert_element_type3A_63 : vector<2000x64xbf16> to vector<1x2000x64xbf16>
    tpu.vector_store %arg7[%swap3A_64, %swap3A_65, %swap3A_66], %swap3A_69 {strides = array<i32>} : memref<4x2000x64xbf16, #tpu.memory_space<vmem>>, vector<1x2000x64xbf16>,
    %swap3A_70 = arith.constant 0 : index
    %swap3A_71 = arith.constant 0 : index
    %swap3A_72 = vector.load %arg8[%swap3A_70, %swap3A_71] : memref<2000x1xf32, #tpu.memory_space<vmem>>, vector<2000x1xf32>
    tpu.vector_store %arg8[%swap3A_70, %swap3A_71], %div3A_13 {strides = array<i32>} : memref<2000x1xf32, #tpu.memory_space<vmem>>, vector<2000x1xf32>,
    return
  }
  func.func @transform_0(%arg0: i32) -> (i32, i32, i32) {
    %c0_i32 = arith.constant 0 : i32
    %c0_i32_0 = arith.constant 0 : i32
    %c0_i32_1 = arith.constant 0 : i32
    return %c0_i32, %arg0, %c0_i32_0 : i32, i32, i32
  }
  func.func @transform_1(%arg0: i32) -> (i32, i32) {
    %c0_i32 = arith.constant 0 : i32
    %c0_i32_0 = arith.constant 0 : i32
    return %arg0, %c0_i32 : i32, i32
  }
  func.func @transform_2(%arg0: i32) -> (i32, i32) {
    %c0_i32 = arith.constant 0 : i32
    %c0_i32_0 = arith.constant 0 : i32
    %c0_i32_1 = arith.constant 0 : i32
    return %c0_i32, %c0_i32_0 : i32, i32
  }
  func.func @transform_3(%arg0: i32) -> (i32, i32) {
    %c0_i32 = arith.constant 0 : i32
    %c0_i32_0 = arith.constant 0 : i32
    %c0_i32_1 = arith.constant 0 : i32
    return %c0_i32, %c0_i32_0 : i32, i32
  }
  func.func @transform_4(%arg0: i32) -> (i32, i32) {
    %c0_i32 = arith.constant 0 : i32
    %c0_i32_0 = arith.constant 0 : i32
    %c0_i32_1 = arith.constant 0 : i32
    return %c0_i32, %c0_i32_0 : i32, i32
  }
  func.func @transform_5(%arg0: i32) -> (i32, i32) {
    %c0_i32 = arith.constant 0 : i32
    %c0_i32_0 = arith.constant 0 : i32
    return %arg0, %c0_i32 : i32, i32
  }
  func.func @transform_6(%arg0: i32) -> (i32, i32, i32) {
    %c0_i32 = arith.constant 0 : i32
    %c0_i32_0 = arith.constant 0 : i32
    %c0_i32_1 = arith.constant 0 : i32
    return %c0_i32, %arg0, %c0_i32_0 : i32, i32, i32
  }
  func.func @transform_7(%arg0: i32) -> (i32, i32) {
    %c0_i32 = arith.constant 0 : i32
    %c0_i32_0 = arith.constant 0 : i32
    return %arg0, %c0_i32 : i32, i32
  }
}

module attributes {stable_mosaic.version = 14 : i64} {
  func.func @body(%arg0: i32, %arg1: memref<2x4x2000x64xbf16, #tpu.memory_space<vmem>>, %arg2: memref<2000x256xf32, #tpu.memory_space<vmem>>, %arg3: memref<2000x1xf32, #tpu.memory_space<vmem>>, %arg4: memref<256x256xbf16, #tpu.memory_space<vmem>>, %arg5: memref<256x256xbf16, #tpu.memory_space<vmem>>, %arg6: memref<1x256xf32, #tpu.memory_space<vmem>>, %arg7: memref<2000x256xf32, #tpu.memory_space<vmem>>, %arg8: memref<4x2000x64xbf16, #tpu.memory_space<vmem>>) attributes {dimension_semantics = [#tpu.dimension_semantics<arbitrary>], iteration_bounds = array<i64: 25>, scalar_prefetch = 0 : i64, scratch_operands = 0 : i64, tpu.core_type = #tpu.core_type<tc>, window_params = [{transform_indices = @transform_0, window_bounds = array<i64: 2, 4, 2000, 64>}, {transform_indices = @transform_1, window_bounds = array<i64: 2000, 256>}, {transform_indices = @transform_2, window_bounds = array<i64: 2000, 1>}, {pipeline_mode = #tpu.pipeline_mode<synchronous>, transform_indices = @transform_3, window_bounds = array<i64: 256, 256>}, {pipeline_mode = #tpu.pipeline_mode<synchronous>, transform_indices = @transform_4, window_bounds = array<i64: 256, 256>}, {pipeline_mode = #tpu.pipeline_mode<synchronous>, transform_indices = @transform_5, window_bounds = array<i64: 1, 256>}, {transform_indices = @transform_6, window_bounds = array<i64: 2000, 256>}, {transform_indices = @transform_7, window_bounds = array<i64: 4, 2000, 64>}]} {
    %get3A = arith.constant 0 : index
    %get3A_0 = arith.constant 0 : index
    %get3A_1 = arith.constant 0 : index
    %get3A_2 = arith.constant 0 : index
    %get3A_3 = vector.load %arg1[%get3A, %get3A_0, %get3A_1, %get3A_2] : memref<2x4x2000x64xbf16, #tpu.memory_space<vmem>>, vector<1x1x2000x64xbf16>
    %get3A_4 = vector.shape_cast %get3A_3 : vector<1x1x2000x64xbf16> to vector<2000x64xbf16>
    %convert_element_type3A = arith.extf %get3A_4 : vector<2000x64xbf16> to vector<2000x64xf32>
    %get3A_5 = arith.constant 1 : index
    %get3A_6 = arith.constant 0 : index
    %get3A_7 = arith.constant 0 : index
    %get3A_8 = arith.constant 0 : index
    %get3A_9 = vector.load %arg1[%get3A_5, %get3A_6, %get3A_7, %get3A_8] : memref<2x4x2000x64xbf16, #tpu.memory_space<vmem>>, vector<1x1x2000x64xbf16>
    %get3A_10 = vector.shape_cast %get3A_9 : vector<1x1x2000x64xbf16> to vector<2000x64xbf16>
    %convert_element_type3A_11 = arith.extf %get3A_10 : vector<2000x64xbf16> to vector<2000x64xf32>
    %add3A = arith.addf %convert_element_type3A, %convert_element_type3A_11 : vector<2000x64xf32>
    %get3A_12 = arith.constant 0 : index
    %get3A_13 = arith.constant 1 : index
    %get3A_14 = arith.constant 0 : index
    %get3A_15 = arith.constant 0 : index
    %get3A_16 = vector.load %arg1[%get3A_12, %get3A_13, %get3A_14, %get3A_15] : memref<2x4x2000x64xbf16, #tpu.memory_space<vmem>>, vector<1x1x2000x64xbf16>
    %get3A_17 = vector.shape_cast %get3A_16 : vector<1x1x2000x64xbf16> to vector<2000x64xbf16>
    %convert_element_type3A_18 = arith.extf %get3A_17 : vector<2000x64xbf16> to vector<2000x64xf32>
    %get3A_19 = arith.constant 1 : index
    %get3A_20 = arith.constant 1 : index
    %get3A_21 = arith.constant 0 : index
    %get3A_22 = arith.constant 0 : index
    %get3A_23 = vector.load %arg1[%get3A_19, %get3A_20, %get3A_21, %get3A_22] : memref<2x4x2000x64xbf16, #tpu.memory_space<vmem>>, vector<1x1x2000x64xbf16>
    %get3A_24 = vector.shape_cast %get3A_23 : vector<1x1x2000x64xbf16> to vector<2000x64xbf16>
    %convert_element_type3A_25 = arith.extf %get3A_24 : vector<2000x64xbf16> to vector<2000x64xf32>
    %add3A_26 = arith.addf %convert_element_type3A_18, %convert_element_type3A_25 : vector<2000x64xf32>
    %get3A_27 = arith.constant 0 : index
    %get3A_28 = arith.constant 2 : index
    %get3A_29 = arith.constant 0 : index
    %get3A_30 = arith.constant 0 : index
    %get3A_31 = vector.load %arg1[%get3A_27, %get3A_28, %get3A_29, %get3A_30] : memref<2x4x2000x64xbf16, #tpu.memory_space<vmem>>, vector<1x1x2000x64xbf16>
    %get3A_32 = vector.shape_cast %get3A_31 : vector<1x1x2000x64xbf16> to vector<2000x64xbf16>
    %convert_element_type3A_33 = arith.extf %get3A_32 : vector<2000x64xbf16> to vector<2000x64xf32>
    %get3A_34 = arith.constant 1 : index
    %get3A_35 = arith.constant 2 : index
    %get3A_36 = arith.constant 0 : index
    %get3A_37 = arith.constant 0 : index
    %get3A_38 = vector.load %arg1[%get3A_34, %get3A_35, %get3A_36, %get3A_37] : memref<2x4x2000x64xbf16, #tpu.memory_space<vmem>>, vector<1x1x2000x64xbf16>
    %get3A_39 = vector.shape_cast %get3A_38 : vector<1x1x2000x64xbf16> to vector<2000x64xbf16>
    %convert_element_type3A_40 = arith.extf %get3A_39 : vector<2000x64xbf16> to vector<2000x64xf32>
    %add3A_41 = arith.addf %convert_element_type3A_33, %convert_element_type3A_40 : vector<2000x64xf32>
    %get3A_42 = arith.constant 0 : index
    %get3A_43 = arith.constant 3 : index
    %get3A_44 = arith.constant 0 : index
    %get3A_45 = arith.constant 0 : index
    %get3A_46 = vector.load %arg1[%get3A_42, %get3A_43, %get3A_44, %get3A_45] : memref<2x4x2000x64xbf16, #tpu.memory_space<vmem>>, vector<1x1x2000x64xbf16>
    %get3A_47 = vector.shape_cast %get3A_46 : vector<1x1x2000x64xbf16> to vector<2000x64xbf16>
    %convert_element_type3A_48 = arith.extf %get3A_47 : vector<2000x64xbf16> to vector<2000x64xf32>
    %get3A_49 = arith.constant 1 : index
    %get3A_50 = arith.constant 3 : index
    %get3A_51 = arith.constant 0 : index
    %get3A_52 = arith.constant 0 : index
    %get3A_53 = vector.load %arg1[%get3A_49, %get3A_50, %get3A_51, %get3A_52] : memref<2x4x2000x64xbf16, #tpu.memory_space<vmem>>, vector<1x1x2000x64xbf16>
    %get3A_54 = vector.shape_cast %get3A_53 : vector<1x1x2000x64xbf16> to vector<2000x64xbf16>
    %convert_element_type3A_55 = arith.extf %get3A_54 : vector<2000x64xbf16> to vector<2000x64xf32>
    %add3A_56 = arith.addf %convert_element_type3A_48, %convert_element_type3A_55 : vector<2000x64xf32>
    %concatenate3A = tpu.concatenate %add3A, %add3A_26, %add3A_41, %add3A_56 in 1 : vector<2000x64xf32>, vector<2000x64xf32>, vector<2000x64xf32>, vector<2000x64xf32> -> vector<2000x256xf32>
    %get3A_57 = arith.constant 0 : index
    %get3A_58 = arith.constant 0 : index
    %get3A_59 = vector.load %arg3[%get3A_57, %get3A_58] : memref<2000x1xf32, #tpu.memory_space<vmem>>, vector<2000x1xf32>
    %mul3A = vector.broadcast %get3A_59 : vector<2000x1xf32> to vector<2000x256xf32>
    %mul3A_60 = arith.mulf %concatenate3A, %mul3A : vector<2000x256xf32>
    %convert_element_type3A_61 = arith.truncf %mul3A_60 : vector<2000x256xf32> to vector<2000x256xbf16>
    %get3A_62 = arith.constant 0 : index
    %get3A_63 = arith.constant 0 : index
    %get3A_64 = vector.load %arg4[%get3A_62, %get3A_63] : memref<256x256xbf16, #tpu.memory_space<vmem>>, vector<256x256xbf16>
    %dot_general3A = arith.constant dense<0.000000e+00> : vector<2000x256xf32>
    %dot_general3A_65 = tpu.matmul %convert_element_type3A_61, %get3A_64, %dot_general3A {dimension_numbers = #tpu.dot_dimension_numbers<[1], [0], [0], [1], [0, 0, 1, 1], [], []>, transpose_lhs_hint = false} : vector<2000x256xbf16>, vector<256x256xbf16>, vector<2000x256xf32> -> vector<2000x256xf32>
    %get3A_66 = arith.constant 0 : index
    %get3A_67 = arith.constant 0 : index
    %get3A_68 = vector.load %arg2[%get3A_66, %get3A_67] : memref<2000x256xf32, #tpu.memory_space<vmem>>, vector<2000x256xf32>
    %convert_element_type3A_69 = arith.truncf %get3A_68 : vector<2000x256xf32> to vector<2000x256xbf16>
    %get3A_70 = arith.constant 0 : index
    %get3A_71 = arith.constant 0 : index
    %get3A_72 = vector.load %arg5[%get3A_70, %get3A_71] : memref<256x256xbf16, #tpu.memory_space<vmem>>, vector<256x256xbf16>
    %dot_general3A_73 = arith.constant dense<0.000000e+00> : vector<2000x256xf32>
    %dot_general3A_74 = tpu.matmul %convert_element_type3A_69, %get3A_72, %dot_general3A_73 {dimension_numbers = #tpu.dot_dimension_numbers<[1], [0], [0], [1], [0, 0, 1, 1], [], []>, transpose_lhs_hint = false} : vector<2000x256xbf16>, vector<256x256xbf16>, vector<2000x256xf32> -> vector<2000x256xf32>
    %add3A_75 = arith.addf %dot_general3A_65, %dot_general3A_74 : vector<2000x256xf32>
    %get3A_76 = arith.constant 0 : index
    %get3A_77 = arith.constant 0 : index
    %get3A_78 = vector.load %arg6[%get3A_76, %get3A_77] : memref<1x256xf32, #tpu.memory_space<vmem>>, vector<1x256xf32>
    %add3A_79 = vector.broadcast %get3A_78 : vector<1x256xf32> to vector<2000x256xf32>
    %add3A_80 = arith.addf %add3A_75, %add3A_79 : vector<2000x256xf32>
    %max3A = arith.constant 0.000000e+00 : f32
    %max3A_81 = vector.broadcast %max3A : f32 to vector<2000x256xf32>
    %max3A_82 = arith.maximumf %add3A_80, %max3A_81 : vector<2000x256xf32>
    %swap3A = arith.constant 0 : index
    %swap3A_83 = arith.constant 0 : index
    %swap3A_84 = vector.load %arg7[%swap3A, %swap3A_83] : memref<2000x256xf32, #tpu.memory_space<vmem>>, vector<2000x256xf32>
    tpu.vector_store %arg7[%swap3A, %swap3A_83], %max3A_82 {strides = array<i32>} : memref<2000x256xf32, #tpu.memory_space<vmem>>, vector<2000x256xf32>,
    %slice3A = vector.extract_strided_slice %max3A_82 {offsets = [0, 0], sizes = [2000, 64], strides = [1, 1]} : vector<2000x256xf32> to vector<2000x64xf32>
    %convert_element_type3A_85 = arith.truncf %slice3A : vector<2000x64xf32> to vector<2000x64xbf16>
    %swap3A_86 = arith.constant 0 : index
    %swap3A_87 = arith.constant 0 : index
    %swap3A_88 = arith.constant 0 : index
    %swap3A_89 = vector.load %arg8[%swap3A_86, %swap3A_87, %swap3A_88] : memref<4x2000x64xbf16, #tpu.memory_space<vmem>>, vector<1x2000x64xbf16>
    %swap3A_90 = vector.shape_cast %swap3A_89 : vector<1x2000x64xbf16> to vector<2000x64xbf16>
    %swap3A_91 = vector.shape_cast %convert_element_type3A_85 : vector<2000x64xbf16> to vector<1x2000x64xbf16>
    tpu.vector_store %arg8[%swap3A_86, %swap3A_87, %swap3A_88], %swap3A_91 {strides = array<i32>} : memref<4x2000x64xbf16, #tpu.memory_space<vmem>>, vector<1x2000x64xbf16>,
    %slice3A_92 = vector.extract_strided_slice %max3A_82 {offsets = [0, 64], sizes = [2000, 64], strides = [1, 1]} : vector<2000x256xf32> to vector<2000x64xf32>
    %convert_element_type3A_93 = arith.truncf %slice3A_92 : vector<2000x64xf32> to vector<2000x64xbf16>
    %swap3A_94 = arith.constant 1 : index
    %swap3A_95 = arith.constant 0 : index
    %swap3A_96 = arith.constant 0 : index
    %swap3A_97 = vector.load %arg8[%swap3A_94, %swap3A_95, %swap3A_96] : memref<4x2000x64xbf16, #tpu.memory_space<vmem>>, vector<1x2000x64xbf16>
    %swap3A_98 = vector.shape_cast %swap3A_97 : vector<1x2000x64xbf16> to vector<2000x64xbf16>
    %swap3A_99 = vector.shape_cast %convert_element_type3A_93 : vector<2000x64xbf16> to vector<1x2000x64xbf16>
    tpu.vector_store %arg8[%swap3A_94, %swap3A_95, %swap3A_96], %swap3A_99 {strides = array<i32>} : memref<4x2000x64xbf16, #tpu.memory_space<vmem>>, vector<1x2000x64xbf16>,
    %slice3A_100 = vector.extract_strided_slice %max3A_82 {offsets = [0, 128], sizes = [2000, 64], strides = [1, 1]} : vector<2000x256xf32> to vector<2000x64xf32>
    %convert_element_type3A_101 = arith.truncf %slice3A_100 : vector<2000x64xf32> to vector<2000x64xbf16>
    %swap3A_102 = arith.constant 2 : index
    %swap3A_103 = arith.constant 0 : index
    %swap3A_104 = arith.constant 0 : index
    %swap3A_105 = vector.load %arg8[%swap3A_102, %swap3A_103, %swap3A_104] : memref<4x2000x64xbf16, #tpu.memory_space<vmem>>, vector<1x2000x64xbf16>
    %swap3A_106 = vector.shape_cast %swap3A_105 : vector<1x2000x64xbf16> to vector<2000x64xbf16>
    %swap3A_107 = vector.shape_cast %convert_element_type3A_101 : vector<2000x64xbf16> to vector<1x2000x64xbf16>
    tpu.vector_store %arg8[%swap3A_102, %swap3A_103, %swap3A_104], %swap3A_107 {strides = array<i32>} : memref<4x2000x64xbf16, #tpu.memory_space<vmem>>, vector<1x2000x64xbf16>,
    %slice3A_108 = vector.extract_strided_slice %max3A_82 {offsets = [0, 192], sizes = [2000, 64], strides = [1, 1]} : vector<2000x256xf32> to vector<2000x64xf32>
    %convert_element_type3A_109 = arith.truncf %slice3A_108 : vector<2000x64xf32> to vector<2000x64xbf16>
    %swap3A_110 = arith.constant 3 : index
    %swap3A_111 = arith.constant 0 : index
    %swap3A_112 = arith.constant 0 : index
    %swap3A_113 = vector.load %arg8[%swap3A_110, %swap3A_111, %swap3A_112] : memref<4x2000x64xbf16, #tpu.memory_space<vmem>>, vector<1x2000x64xbf16>
    %swap3A_114 = vector.shape_cast %swap3A_113 : vector<1x2000x64xbf16> to vector<2000x64xbf16>
    %swap3A_115 = vector.shape_cast %convert_element_type3A_109 : vector<2000x64xbf16> to vector<1x2000x64xbf16>
    tpu.vector_store %arg8[%swap3A_110, %swap3A_111, %swap3A_112], %swap3A_115 {strides = array<i32>} : memref<4x2000x64xbf16, #tpu.memory_space<vmem>>, vector<1x2000x64xbf16>,
    return
  }
  func.func @transform_0(%arg0: i32) -> (i32, i32, i32, i32) {
    %c0_i32 = arith.constant 0 : i32
    %c0_i32_0 = arith.constant 0 : i32
    %c0_i32_1 = arith.constant 0 : i32
    %c0_i32_2 = arith.constant 0 : i32
    return %c0_i32, %c0_i32_0, %arg0, %c0_i32_1 : i32, i32, i32, i32
  }
  func.func @transform_1(%arg0: i32) -> (i32, i32) {
    %c0_i32 = arith.constant 0 : i32
    %c0_i32_0 = arith.constant 0 : i32
    return %arg0, %c0_i32 : i32, i32
  }
  func.func @transform_2(%arg0: i32) -> (i32, i32) {
    %c0_i32 = arith.constant 0 : i32
    %c0_i32_0 = arith.constant 0 : i32
    return %arg0, %c0_i32 : i32, i32
  }
  func.func @transform_3(%arg0: i32) -> (i32, i32) {
    %c0_i32 = arith.constant 0 : i32
    %c0_i32_0 = arith.constant 0 : i32
    %c0_i32_1 = arith.constant 0 : i32
    return %c0_i32, %c0_i32_0 : i32, i32
  }
  func.func @transform_4(%arg0: i32) -> (i32, i32) {
    %c0_i32 = arith.constant 0 : i32
    %c0_i32_0 = arith.constant 0 : i32
    %c0_i32_1 = arith.constant 0 : i32
    return %c0_i32, %c0_i32_0 : i32, i32
  }
  func.func @transform_5(%arg0: i32) -> (i32, i32) {
    %c0_i32 = arith.constant 0 : i32
    %c0_i32_0 = arith.constant 0 : i32
    %c0_i32_1 = arith.constant 0 : i32
    return %c0_i32, %c0_i32_0 : i32, i32
  }
  func.func @transform_6(%arg0: i32) -> (i32, i32) {
    %c0_i32 = arith.constant 0 : i32
    %c0_i32_0 = arith.constant 0 : i32
    return %arg0, %c0_i32 : i32, i32
  }
  func.func @transform_7(%arg0: i32) -> (i32, i32, i32) {
    %c0_i32 = arith.constant 0 : i32
    %c0_i32_0 = arith.constant 0 : i32
    %c0_i32_1 = arith.constant 0 : i32
    return %c0_i32, %arg0, %c0_i32_0 : i32, i32, i32
  }
}

module attributes {stable_mosaic.version = 14 : i64} {
  func.func @body(%arg0: i32, %arg1: memref<2x4x2000x64xbf16, #tpu.memory_space<vmem>>, %arg2: memref<2000x256xf32, #tpu.memory_space<vmem>>, %arg3: memref<2000x1xf32, #tpu.memory_space<vmem>>, %arg4: memref<256x512xbf16, #tpu.memory_space<vmem>>, %arg5: memref<256x512xbf16, #tpu.memory_space<vmem>>, %arg6: memref<1x512xf32, #tpu.memory_space<vmem>>, %arg7: memref<2000x1xi32, #tpu.memory_space<vmem>>, %arg8: memref<8x512xf32, #tpu.memory_space<vmem>>, %arg9: memref<8x512xf32, #tpu.memory_space<vmem>>, %arg10: memref<8x1xf32, #tpu.memory_space<vmem>>) attributes {dimension_semantics = [#tpu.dimension_semantics<arbitrary>], iteration_bounds = array<i64: 25>, scalar_prefetch = 0 : i64, scratch_operands = 2 : i64, tpu.core_type = #tpu.core_type<tc>, window_params = [{transform_indices = @transform_0, window_bounds = array<i64: 2, 4, 2000, 64>}, {transform_indices = @transform_1, window_bounds = array<i64: 2000, 256>}, {transform_indices = @transform_2, window_bounds = array<i64: 2000, 1>}, {pipeline_mode = #tpu.pipeline_mode<synchronous>, transform_indices = @transform_3, window_bounds = array<i64: 256, 512>}, {pipeline_mode = #tpu.pipeline_mode<synchronous>, transform_indices = @transform_4, window_bounds = array<i64: 256, 512>}, {pipeline_mode = #tpu.pipeline_mode<synchronous>, transform_indices = @transform_5, window_bounds = array<i64: 1, 512>}, {transform_indices = @transform_6, window_bounds = array<i64: 2000, 1>}, {pipeline_mode = #tpu.pipeline_mode<synchronous>, transform_indices = @transform_7, window_bounds = array<i64: 8, 512>}]} {
    %eq3A = arith.constant 0 : i32
    %eq3A_0 = arith.cmpi eq, %arg0, %eq3A : i32
    %convert_element_type3A = arith.extui %eq3A_0 : i1 to i32
    %cond3A = arith.constant 0 : i32
    %cond3A_1 = arith.cmpi ne, %convert_element_type3A, %cond3A : i32
    scf.if %cond3A_1 {
      %broadcast_in_dim3A_114 = arith.constant 0.000000e+00 : f32
      %broadcast_in_dim3A_115 = vector.broadcast %broadcast_in_dim3A_114 : f32 to vector<8x512xf32>
      %swap3A_116 = arith.constant 0 : index
      %swap3A_117 = arith.constant 0 : index
      %swap3A_118 = vector.load %arg9[%swap3A_116, %swap3A_117] : memref<8x512xf32, #tpu.memory_space<vmem>>, vector<8x512xf32>
      tpu.vector_store %arg9[%swap3A_116, %swap3A_117], %broadcast_in_dim3A_115 {strides = array<i32>} : memref<8x512xf32, #tpu.memory_space<vmem>>, vector<8x512xf32>,
      %broadcast_in_dim3A_119 = arith.constant 0.000000e+00 : f32
      %broadcast_in_dim3A_120 = vector.broadcast %broadcast_in_dim3A_119 : f32 to vector<8x1xf32>
      %swap3A_121 = arith.constant 0 : index
      %swap3A_122 = arith.constant 0 : index
      %swap3A_123 = vector.load %arg10[%swap3A_121, %swap3A_122] : memref<8x1xf32, #tpu.memory_space<vmem>>, vector<8x1xf32>
      tpu.vector_store %arg10[%swap3A_121, %swap3A_122], %broadcast_in_dim3A_120 {strides = array<i32>} : memref<8x1xf32, #tpu.memory_space<vmem>>, vector<8x1xf32>,
    } else {
    }
    %get3A = arith.constant 0 : index
    %get3A_2 = arith.constant 0 : index
    %get3A_3 = arith.constant 0 : index
    %get3A_4 = arith.constant 0 : index
    %get3A_5 = vector.load %arg1[%get3A, %get3A_2, %get3A_3, %get3A_4] : memref<2x4x2000x64xbf16, #tpu.memory_space<vmem>>, vector<1x1x2000x64xbf16>
    %get3A_6 = vector.shape_cast %get3A_5 : vector<1x1x2000x64xbf16> to vector<2000x64xbf16>
    %convert_element_type3A_7 = arith.extf %get3A_6 : vector<2000x64xbf16> to vector<2000x64xf32>
    %get3A_8 = arith.constant 1 : index
    %get3A_9 = arith.constant 0 : index
    %get3A_10 = arith.constant 0 : index
    %get3A_11 = arith.constant 0 : index
    %get3A_12 = vector.load %arg1[%get3A_8, %get3A_9, %get3A_10, %get3A_11] : memref<2x4x2000x64xbf16, #tpu.memory_space<vmem>>, vector<1x1x2000x64xbf16>
    %get3A_13 = vector.shape_cast %get3A_12 : vector<1x1x2000x64xbf16> to vector<2000x64xbf16>
    %convert_element_type3A_14 = arith.extf %get3A_13 : vector<2000x64xbf16> to vector<2000x64xf32>
    %add3A = arith.addf %convert_element_type3A_7, %convert_element_type3A_14 : vector<2000x64xf32>
    %get3A_15 = arith.constant 0 : index
    %get3A_16 = arith.constant 1 : index
    %get3A_17 = arith.constant 0 : index
    %get3A_18 = arith.constant 0 : index
    %get3A_19 = vector.load %arg1[%get3A_15, %get3A_16, %get3A_17, %get3A_18] : memref<2x4x2000x64xbf16, #tpu.memory_space<vmem>>, vector<1x1x2000x64xbf16>
    %get3A_20 = vector.shape_cast %get3A_19 : vector<1x1x2000x64xbf16> to vector<2000x64xbf16>
    %convert_element_type3A_21 = arith.extf %get3A_20 : vector<2000x64xbf16> to vector<2000x64xf32>
    %get3A_22 = arith.constant 1 : index
    %get3A_23 = arith.constant 1 : index
    %get3A_24 = arith.constant 0 : index
    %get3A_25 = arith.constant 0 : index
    %get3A_26 = vector.load %arg1[%get3A_22, %get3A_23, %get3A_24, %get3A_25] : memref<2x4x2000x64xbf16, #tpu.memory_space<vmem>>, vector<1x1x2000x64xbf16>
    %get3A_27 = vector.shape_cast %get3A_26 : vector<1x1x2000x64xbf16> to vector<2000x64xbf16>
    %convert_element_type3A_28 = arith.extf %get3A_27 : vector<2000x64xbf16> to vector<2000x64xf32>
    %add3A_29 = arith.addf %convert_element_type3A_21, %convert_element_type3A_28 : vector<2000x64xf32>
    %get3A_30 = arith.constant 0 : index
    %get3A_31 = arith.constant 2 : index
    %get3A_32 = arith.constant 0 : index
    %get3A_33 = arith.constant 0 : index
    %get3A_34 = vector.load %arg1[%get3A_30, %get3A_31, %get3A_32, %get3A_33] : memref<2x4x2000x64xbf16, #tpu.memory_space<vmem>>, vector<1x1x2000x64xbf16>
    %get3A_35 = vector.shape_cast %get3A_34 : vector<1x1x2000x64xbf16> to vector<2000x64xbf16>
    %convert_element_type3A_36 = arith.extf %get3A_35 : vector<2000x64xbf16> to vector<2000x64xf32>
    %get3A_37 = arith.constant 1 : index
    %get3A_38 = arith.constant 2 : index
    %get3A_39 = arith.constant 0 : index
    %get3A_40 = arith.constant 0 : index
    %get3A_41 = vector.load %arg1[%get3A_37, %get3A_38, %get3A_39, %get3A_40] : memref<2x4x2000x64xbf16, #tpu.memory_space<vmem>>, vector<1x1x2000x64xbf16>
    %get3A_42 = vector.shape_cast %get3A_41 : vector<1x1x2000x64xbf16> to vector<2000x64xbf16>
    %convert_element_type3A_43 = arith.extf %get3A_42 : vector<2000x64xbf16> to vector<2000x64xf32>
    %add3A_44 = arith.addf %convert_element_type3A_36, %convert_element_type3A_43 : vector<2000x64xf32>
    %get3A_45 = arith.constant 0 : index
    %get3A_46 = arith.constant 3 : index
    %get3A_47 = arith.constant 0 : index
    %get3A_48 = arith.constant 0 : index
    %get3A_49 = vector.load %arg1[%get3A_45, %get3A_46, %get3A_47, %get3A_48] : memref<2x4x2000x64xbf16, #tpu.memory_space<vmem>>, vector<1x1x2000x64xbf16>
    %get3A_50 = vector.shape_cast %get3A_49 : vector<1x1x2000x64xbf16> to vector<2000x64xbf16>
    %convert_element_type3A_51 = arith.extf %get3A_50 : vector<2000x64xbf16> to vector<2000x64xf32>
    %get3A_52 = arith.constant 1 : index
    %get3A_53 = arith.constant 3 : index
    %get3A_54 = arith.constant 0 : index
    %get3A_55 = arith.constant 0 : index
    %get3A_56 = vector.load %arg1[%get3A_52, %get3A_53, %get3A_54, %get3A_55] : memref<2x4x2000x64xbf16, #tpu.memory_space<vmem>>, vector<1x1x2000x64xbf16>
    %get3A_57 = vector.shape_cast %get3A_56 : vector<1x1x2000x64xbf16> to vector<2000x64xbf16>
    %convert_element_type3A_58 = arith.extf %get3A_57 : vector<2000x64xbf16> to vector<2000x64xf32>
    %add3A_59 = arith.addf %convert_element_type3A_51, %convert_element_type3A_58 : vector<2000x64xf32>
    %concatenate3A = tpu.concatenate %add3A, %add3A_29, %add3A_44, %add3A_59 in 1 : vector<2000x64xf32>, vector<2000x64xf32>, vector<2000x64xf32>, vector<2000x64xf32> -> vector<2000x256xf32>
    %get3A_60 = arith.constant 0 : index
    %get3A_61 = arith.constant 0 : index
    %get3A_62 = vector.load %arg3[%get3A_60, %get3A_61] : memref<2000x1xf32, #tpu.memory_space<vmem>>, vector<2000x1xf32>
    %mul3A = vector.broadcast %get3A_62 : vector<2000x1xf32> to vector<2000x256xf32>
    %mul3A_63 = arith.mulf %concatenate3A, %mul3A : vector<2000x256xf32>
    %convert_element_type3A_64 = arith.truncf %mul3A_63 : vector<2000x256xf32> to vector<2000x256xbf16>
    %get3A_65 = arith.constant 0 : index
    %get3A_66 = arith.constant 0 : index
    %get3A_67 = vector.load %arg4[%get3A_65, %get3A_66] : memref<256x512xbf16, #tpu.memory_space<vmem>>, vector<256x512xbf16>
    %dot_general3A = arith.constant dense<0.000000e+00> : vector<2000x512xf32>
    %dot_general3A_68 = tpu.matmul %convert_element_type3A_64, %get3A_67, %dot_general3A {dimension_numbers = #tpu.dot_dimension_numbers<[1], [0], [0], [1], [0, 0, 1, 1], [], []>, transpose_lhs_hint = false} : vector<2000x256xbf16>, vector<256x512xbf16>, vector<2000x512xf32> -> vector<2000x512xf32>
    %get3A_69 = arith.constant 0 : index
    %get3A_70 = arith.constant 0 : index
    %get3A_71 = vector.load %arg2[%get3A_69, %get3A_70] : memref<2000x256xf32, #tpu.memory_space<vmem>>, vector<2000x256xf32>
    %convert_element_type3A_72 = arith.truncf %get3A_71 : vector<2000x256xf32> to vector<2000x256xbf16>
    %get3A_73 = arith.constant 0 : index
    %get3A_74 = arith.constant 0 : index
    %get3A_75 = vector.load %arg5[%get3A_73, %get3A_74] : memref<256x512xbf16, #tpu.memory_space<vmem>>, vector<256x512xbf16>
    %dot_general3A_76 = arith.constant dense<0.000000e+00> : vector<2000x512xf32>
    %dot_general3A_77 = tpu.matmul %convert_element_type3A_72, %get3A_75, %dot_general3A_76 {dimension_numbers = #tpu.dot_dimension_numbers<[1], [0], [0], [1], [0, 0, 1, 1], [], []>, transpose_lhs_hint = false} : vector<2000x256xbf16>, vector<256x512xbf16>, vector<2000x512xf32> -> vector<2000x512xf32>
    %add3A_78 = arith.addf %dot_general3A_68, %dot_general3A_77 : vector<2000x512xf32>
    %get3A_79 = arith.constant 0 : index
    %get3A_80 = arith.constant 0 : index
    %get3A_81 = vector.load %arg6[%get3A_79, %get3A_80] : memref<1x512xf32, #tpu.memory_space<vmem>>, vector<1x512xf32>
    %add3A_82 = vector.broadcast %get3A_81 : vector<1x512xf32> to vector<2000x512xf32>
    %add3A_83 = arith.addf %add3A_78, %add3A_82 : vector<2000x512xf32>
    %get3A_84 = arith.constant 0 : index
    %get3A_85 = arith.constant 0 : index
    %get3A_86 = vector.load %arg7[%get3A_84, %get3A_85] : memref<2000x1xi32, #tpu.memory_space<vmem>>, vector<2000x1xi32>
    %iota3A = tpu.iota {dimensions = array<i32: 1>} : vector<2000x8xi32>
    %eq3A_87 = vector.broadcast %get3A_86 : vector<2000x1xi32> to vector<2000x8xi32>
    %eq3A_88 = arith.cmpi eq, %eq3A_87, %iota3A : vector<2000x8xi32>
    %convert_element_type3A_89 = arith.extui %eq3A_88 : vector<2000x8xi1> to vector<2000x8xi32>
    %convert_element_type3A_90 = arith.sitofp %convert_element_type3A_89 : vector<2000x8xi32> to vector<2000x8xf32>
    %get3A_91 = arith.constant 0 : index
    %get3A_92 = arith.constant 0 : index
    %get3A_93 = vector.load %arg9[%get3A_91, %get3A_92] : memref<8x512xf32, #tpu.memory_space<vmem>>, vector<8x512xf32>
    %dot_general3A_94 = arith.constant dense<0.000000e+00> : vector<8x512xf32>
    %dot_general3A_95 = tpu.matmul %convert_element_type3A_90, %add3A_83, %dot_general3A_94 {dimension_numbers = #tpu.dot_dimension_numbers<[0], [0], [1], [1], [0, 1, 1, 1], [], []>, transpose_lhs_hint = false} : vector<2000x8xf32>, vector<2000x512xf32>, vector<8x512xf32> -> vector<8x512xf32>
    %add3A_96 = arith.addf %get3A_93, %dot_general3A_95 : vector<8x512xf32>
    %swap3A = arith.constant 0 : index
    %swap3A_97 = arith.constant 0 : index
    %swap3A_98 = vector.load %arg9[%swap3A, %swap3A_97] : memref<8x512xf32, #tpu.memory_space<vmem>>, vector<8x512xf32>
    tpu.vector_store %arg9[%swap3A, %swap3A_97], %add3A_96 {strides = array<i32>} : memref<8x512xf32, #tpu.memory_space<vmem>>, vector<8x512xf32>,
    %get3A_99 = arith.constant 0 : index
    %get3A_100 = arith.constant 0 : index
    %get3A_101 = vector.load %arg10[%get3A_99, %get3A_100] : memref<8x1xf32, #tpu.memory_space<vmem>>, vector<8x1xf32>
    %broadcast_in_dim3A = arith.constant 1.000000e+00 : f32
    %broadcast_in_dim3A_102 = vector.broadcast %broadcast_in_dim3A : f32 to vector<2000x1xf32>
    %dot_general3A_103 = arith.constant dense<0.000000e+00> : vector<8x1xf32>
    %dot_general3A_104 = tpu.matmul %convert_element_type3A_90, %broadcast_in_dim3A_102, %dot_general3A_103 {dimension_numbers = #tpu.dot_dimension_numbers<[0], [0], [1], [1], [0, 1, 1, 1], [], []>, transpose_lhs_hint = false} : vector<2000x8xf32>, vector<2000x1xf32>, vector<8x1xf32> -> vector<8x1xf32>
    %add3A_105 = arith.addf %get3A_101, %dot_general3A_104 : vector<8x1xf32>
    %swap3A_106 = arith.constant 0 : index
    %swap3A_107 = arith.constant 0 : index
    %swap3A_108 = vector.load %arg10[%swap3A_106, %swap3A_107] : memref<8x1xf32, #tpu.memory_space<vmem>>, vector<8x1xf32>
    tpu.vector_store %arg10[%swap3A_106, %swap3A_107], %add3A_105 {strides = array<i32>} : memref<8x1xf32, #tpu.memory_space<vmem>>, vector<8x1xf32>,
    %eq3A_109 = arith.constant 24 : i32
    %eq3A_110 = arith.cmpi eq, %arg0, %eq3A_109 : i32
    %convert_element_type3A_111 = arith.extui %eq3A_110 : i1 to i32
    %cond3A_112 = arith.constant 0 : i32
    %cond3A_113 = arith.cmpi ne, %convert_element_type3A_111, %cond3A_112 : i32
    scf.if %cond3A_113 {
      %get3A_114 = arith.constant 0 : index
      %get3A_115 = arith.constant 0 : index
      %get3A_116 = vector.load %arg9[%get3A_114, %get3A_115] : memref<8x512xf32, #tpu.memory_space<vmem>>, vector<8x512xf32>
      %get3A_117 = arith.constant 0 : index
      %get3A_118 = arith.constant 0 : index
      %get3A_119 = vector.load %arg10[%get3A_117, %get3A_118] : memref<8x1xf32, #tpu.memory_space<vmem>>, vector<8x1xf32>
      %max3A = arith.constant 1.000000e+00 : f32
      %max3A_120 = vector.broadcast %max3A : f32 to vector<8x1xf32>
      %max3A_121 = arith.maximumf %get3A_119, %max3A_120 : vector<8x1xf32>
      %div3A = vector.broadcast %max3A_121 : vector<8x1xf32> to vector<8x512xf32>
      %div3A_122 = arith.divf %get3A_116, %div3A : vector<8x512xf32>
      %swap3A_123 = arith.constant 0 : index
      %swap3A_124 = arith.constant 0 : index
      %swap3A_125 = vector.load %arg8[%swap3A_123, %swap3A_124] : memref<8x512xf32, #tpu.memory_space<vmem>>, vector<8x512xf32>
      tpu.vector_store %arg8[%swap3A_123, %swap3A_124], %div3A_122 {strides = array<i32>} : memref<8x512xf32, #tpu.memory_space<vmem>>, vector<8x512xf32>,
    } else {
    }
    return
  }
  func.func @transform_0(%arg0: i32) -> (i32, i32, i32, i32) {
    %c0_i32 = arith.constant 0 : i32
    %c0_i32_0 = arith.constant 0 : i32
    %c0_i32_1 = arith.constant 0 : i32
    %c0_i32_2 = arith.constant 0 : i32
    return %c0_i32, %c0_i32_0, %arg0, %c0_i32_1 : i32, i32, i32, i32
  }
  func.func @transform_1(%arg0: i32) -> (i32, i32) {
    %c0_i32 = arith.constant 0 : i32
    %c0_i32_0 = arith.constant 0 : i32
    return %arg0, %c0_i32 : i32, i32
  }
  func.func @transform_2(%arg0: i32) -> (i32, i32) {
    %c0_i32 = arith.constant 0 : i32
    %c0_i32_0 = arith.constant 0 : i32
    return %arg0, %c0_i32 : i32, i32
  }
  func.func @transform_3(%arg0: i32) -> (i32, i32) {
    %c0_i32 = arith.constant 0 : i32
    %c0_i32_0 = arith.constant 0 : i32
    %c0_i32_1 = arith.constant 0 : i32
    return %c0_i32, %c0_i32_0 : i32, i32
  }
  func.func @transform_4(%arg0: i32) -> (i32, i32) {
    %c0_i32 = arith.constant 0 : i32
    %c0_i32_0 = arith.constant 0 : i32
    %c0_i32_1 = arith.constant 0 : i32
    return %c0_i32, %c0_i32_0 : i32, i32
  }
  func.func @transform_5(%arg0: i32) -> (i32, i32) {
    %c0_i32 = arith.constant 0 : i32
    %c0_i32_0 = arith.constant 0 : i32
    %c0_i32_1 = arith.constant 0 : i32
    return %c0_i32, %c0_i32_0 : i32, i32
  }
  func.func @transform_6(%arg0: i32) -> (i32, i32) {
    %c0_i32 = arith.constant 0 : i32
    %c0_i32_0 = arith.constant 0 : i32
    return %arg0, %c0_i32 : i32, i32
  }
  func.func @transform_7(%arg0: i32) -> (i32, i32) {
    %c0_i32 = arith.constant 0 : i32
    %c0_i32_0 = arith.constant 0 : i32
    %c0_i32_1 = arith.constant 0 : i32
    return %c0_i32, %c0_i32_0 : i32, i32
  }
}

</mosaic_0001>

<sc_bundles>
// kernel: kernel.11.cloned.1.call-start
scs
__scs_entry_jumppad:
0x0: {  	(pc) =	sbr.rel $0x88, $3  }
0x1: {  	(tag) =	ssettag $0x0;
	lr =	simm.s32 $0x1  }
0x2: {  	[smem:$0x3F95] =	sst lr;
	_ =	strace $0xD0000000  }
0x3: {  	_ = 	snop  }
0x4: {  	_ = 	snop  }
0x5: {  	_ = 	snop  }
0x6: {  	_ = 	snop  }
0x7: {  	_ = 	snop  }
__scs_overlays_trampoline_lowered:
0x8: {  	[smem:$0x3FA4] =	sst s0  }
0x9: {  	[smem:$0x3FA5] =	sst s1  }
0xa: {  	[smem:$0x3FA6] =	sst s2  }
0xb: {  	[smem:$0x3FA7] =	sst s3  }
0xc: {  	[smem:$0x3FA8] =	sst s4  }
0xd: {  	[smem:$0x3FA9] =	sst s5  }
0xe: {  	[smem:$0x3FAA] =	sst s6  }
0xf: {  	[smem:$0x3FAB] =	sst s7  }
0x10: {  	[smem:$0x3FAC] =	sst s8  }
0x11: {  	[smem:$0x3FAD] =	sst s9;
	s0 =	simm.s32 @!p0 $0x0  }
0x12: {  	s1 =	sld [smem:$0x3F93];
	s0 =	simm.s32 @p0 $0x1  }
0x13: {  	[smem:$0x3FAE] =	sst s0;
	s0 =	simm.s32 @!p1 $0x0  }
0x14: {  	s2 =	sld [smem:$0x3F92];
	s0 =	simm.s32 @p1 $0x1  }
0x15: {  	[smem:$0x3FAF] =	sst s0;
	s0 =	simm.s32 @!p2 $0x0  }
0x16: {  	s3 =	sld [smem:$0x3FDB];
	s0 =	simm.s32 @p2 $0x1  }
0x17: {  	s4 =	simm.s32 $0x1BF5;
	[smem:$0x3FB1] =	sst s0  }
0x18: {  	s0 =	sld [smem:$0x3F94];
	_ =	swait.ge [sflag:s4], $0x0  }
0x19: {  	s7 =	sld [smem:$0x3F95]  }
0x1a: {  	s8 =	sadd.s32 $0xFFFFE003, lr  }
0x1b: {  	s9 =	sadd.s32 $0xFFFFFEF7, lr;
	s5 =	simm.s32 $0xFFFFFFFF;
	p2 =	slt.u32 s8, $0xFFFFF086  }
0x1c: {  	p1 =	slt.u32 s9, $0xF7A;
	s5 =	simm.s32 @!p2 $0x0  }
0x1d: {  	s5 =	simm.s32 @p1 $0x1;
	p0 =	seq.s32 s7, s2  }
0x1e: {  	s7 =	smul.u32 @!p0 $0xF7A, s2;
	p2 =	seq.s32 @!p0 s5, $0x0  }
0x1f: {  	s9 =	smul.u32 $0xF7A, s1;
	s8 =	simm.s32 @!p0 $0x1BF5;
	p2 =	por !p2, p0  }
0x20: {  	[sflag:s8] =	ssyncset.s32 @!p0 $0xFFFFF086;
	s6 =	sadd.s32 @!p0 s3, s7;
	s7 =	simm.s32 @!p0 $0x108  }
0x21: {  	s3 =	sadd.s32 s3, s9;
	s6 =	sadd.s32 @!p0 $0x88, s6;
	s7 =	simm.s32 @p2 $0x1082  }
0x22: {  	[simem:s7], [sflag:s8] =	dma.local @!p0 [hbm:s6], $0xF7A  }
0x23: {  	s9 =	sor.u32 $0xD0000000, s2;
	s6 =	simm.s32 $0x108;
	_ =	swait.ge @!p0 [sflag:s8], $0x0  }
0x24: {  	s3 =	sadd.s32 $0x88, s3;
	s6 =	simm.s32 @!p1 $0x1082;
	[sflag:s4] =	ssyncset.s32 $0xFFFFF086  }
0x25: {  	[simem:s6], [sflag:s4] =	dma.local [hbm:s3], $0xF7A  }
0x26: {  	[smem:$0x3F95] =	sst s1;
	(tag) =	ssettag s2;
	_ =	strace s9  }
0x27: {  	s1 =	sld [smem:$0x3FA5]  }
0x28: {  	s2 =	sld [smem:$0x3FA6]  }
0x29: {  	s4 =	sld [smem:$0x3FA8]  }
0x2a: {  	p0 =	seq.s32 s5, $0x0;
	s5 =	sld [smem:$0x3FA9]  }
0x2b: {  	s6 =	sld [smem:$0x3FAA]  }
0x2c: {  	s7 =	sld [smem:$0x3FAB]  }
0x2d: {  	s3 =	simm.s32 $0x108;
	s8 =	sld [smem:$0x3FAC]  }
0x2e: {  	s3 =	simm.s32 @!p0 $0x1082;
	s9 =	sld [smem:$0x3FAD]  }
0x2f: {  	lr =	sadd.s32 s0, s3;
	s0 =	sld [smem:$0x3FA4]  }
0x30: {  	s3 =	sld [smem:$0x3FA7]  }
0x31: {  	[smem:$0x3FB0] =	sst s10  }
0x32: {  	s10 =	sld [smem:$0x3FAE];
	_ =	sdelay $0x3  }
0x33: {  	p0 =	seq.s32 s10, $0x1;
	s10 =	sld [smem:$0x3FB0];
	_ =	sdelay $0x3  }
0x34: {  	[smem:$0x3FB0] =	sst s10  }
0x35: {  	s10 =	sld [smem:$0x3FAF];
	_ =	sdelay $0x3  }
0x36: {  	p1 =	seq.s32 s10, $0x1;
	s10 =	sld [smem:$0x3FB0];
	_ =	sdelay $0x3  }
0x37: {  	[smem:$0x3FB0] =	sst s10  }
0x38: {  	s10 =	sld [smem:$0x3FB1]  }
0x39: {  	_ = 	snop;
	(pc) =	sbr.ind lr, $3  }
0x3a: {  	_ = 	snop  }
0x3b: {  	_ = 	snop  }
0x3c: {  	p2 =	seq.s32 s10, $0x1;
	s10 =	sld [smem:$0x3FB0]  }
0x3d: {  	_ =	shalt  }
0x3e: {  	_ =	shalt  }
0x3f: {  	_ =	shalt  }
0x40: {  	_ =	shalt  }
0x41: {  	_ =	shalt  }
0x42: {  	_ =	shalt  }
0x43: {  	_ =	shalt  }
0x44: {  	_ =	shalt  }
0x45: {  	_ =	shalt  }
0x46: {  	_ =	shalt  }
0x47: {  	_ =	shalt  }
0x48: {  	_ =	shalt  }
0x49: {  	_ =	shalt  }
0x4a: {  	_ =	shalt  }
0x4b: {  	_ =	shalt  }
0x4c: {  	_ =	shalt  }
0x4d: {  	_ =	shalt  }
0x4e: {  	_ =	shalt  }
0x4f: {  	_ =	shalt  }
0x50: {  	_ =	shalt  }
0x51: {  	_ =	shalt  }
0x52: {  	_ =	shalt  }
0x53: {  	_ =	shalt  }
0x54: {  	_ =	shalt  }
0x55: {  	_ =	shalt  }
0x56: {  	_ =	shalt  }
0x57: {  	_ =	shalt  }
0x58: {  	_ =	shalt  }
0x59: {  	_ =	shalt  }
0x5a: {  	_ =	shalt  }
0x5b: {  	_ =	shalt  }
0x5c: {  	_ =	shalt  }
0x5d: {  	_ =	shalt  }
0x5e: {  	_ =	shalt  }
0x5f: {  	_ =	shalt  }
0x60: {  	_ =	shalt  }
0x61: {  	_ =	shalt  }
0x62: {  	_ =	shalt  }
0x63: {  	_ =	shalt  }
0x64: {  	_ =	shalt  }
0x65: {  	_ =	shalt  }
0x66: {  	_ =	shalt  }
0x67: {  	_ =	shalt  }
0x68: {  	_ =	shalt  }
0x69: {  	_ =	shalt  }
0x6a: {  	_ =	shalt  }
0x6b: {  	_ =	shalt  }
0x6c: {  	_ =	shalt  }
0x6d: {  	_ =	shalt  }
0x6e: {  	_ =	shalt  }
0x6f: {  	_ =	shalt  }
0x70: {  	_ =	shalt  }
0x71: {  	_ =	shalt  }
0x72: {  	_ =	shalt  }
0x73: {  	_ =	shalt  }
0x74: {  	_ =	shalt  }
0x75: {  	_ =	shalt  }
0x76: {  	_ =	shalt  }
0x77: {  	_ =	shalt  }
0x78: {  	_ =	shalt  }
0x79: {  	_ =	shalt  }
0x7a: {  	_ =	shalt  }
0x7b: {  	_ =	shalt  }
0x7c: {  	_ =	shalt  }
0x7d: {  	_ =	shalt  }
0x7e: {  	_ =	shalt  }
0x7f: {  	_ =	shalt  }
0x80: {  	_ =	shalt  }
0x81: {  	_ =	shalt  }
0x82: {  	_ =	shalt  }
0x83: {  	_ =	shalt  }
0x84: {  	_ =	shalt  }
0x85: {  	_ =	shalt  }
0x86: {  	_ =	shalt  }
0x87: {  	_ =	shalt  }
.Lfunc_end0:
.L_simem_size_0:
called_computation.1_lowered:
.L_overlay_start_0:
0x88: {  	s2 =	sld [smem:$0x3FD9]  }
0x89: {  	s3 =	sld [smem:$0x3FFE];
	_ =	sdelay $0x1  }
0x8a: {  	s1 =	srdreg.scid  }
0x8b: {  	s0 =	sand.u32 $0x1, s1  }
0x8c: {  	s16 =	sshll.u32 s0, $0xA;
	s2 =	sadd.s32 s3, s2  }
0x8d: {  	s2 =	sadd.s32 s2, s16  }
0x8e: {  	[smem:$0x3FBC] =	sst s2  }
0x8f: {  	_ = 	snop  }
0x90: {  	(tm) =	ssettm $0x1  }
0x91: {  	s17 =	sld [smem:$0x3FFB];
	_ =	sdelay $0x3  }
0x92: {  	_ =	strace s17  }
0x93: {  	s2 =	sld [smem:$0x3FFC];
	_ =	sdelay $0x3  }
0x94: {  	_ =	strace s2  }
0x95: {  	s2 =	sld [smem:$0x3FFD];
	_ =	sdelay $0x3  }
0x96: {  	_ =	strace s2  }
0x97: {  	_ =	strace $0x8FFFFFFF  }
0x98: {  	s18 =	sld [smem:$0x3FDB];
	_ =	sdelay $0x1  }
0x99: {  	s19 =	simm.s32 $_scs_section_size  }
0x9a: {  	s4 =	simm.s32 $_size__tile_overlayer_lowered;
	s5 =	simm.s32 $_tile_overlayer_lowered  }
0x9b: {  	s22 =	simm.s32 $0x1BFF;
	s21 =	sshll.u32 s5, $0x1;
	s2 =	sadd.s32 s19, s18  }
0x9c: {  	s6 =	simm.s32 $0x0;
	s20 =	sshll.u32 s4, $0x1;
	s4 =	sadd.s32 s21, s2  }
0x9d: {  	[timem:s6], [sflag:s22] =	dma.local [hbm:s4], s20  }
0x9e: {  	_ =	swait.ge [sflag:s22], s20  }
0x9f: {  	s3 =	ssub.s32 $0x0, s20;
	[sflag:s22] =	ssyncset.done $0x0  }
0xa0: {  	[sflag:s22] =	ssyncadd.s32 s3;
	_ =	sdelay $0x1  }
0xa1: {  	s23 =	simm.s32 $0x1B8B  }
0xa2: {  	_ =	swait.ge [sflag:s23], $0x1  }
0xa3: {  	[sflag:s23] =	ssyncset.done $0x0  }
0xa4: {  	s25 =	simm.s32 $0x1B8E;
	s24 =	sld [smem:$0x3FFE];
	[sflag:s23] =	ssyncadd.s32 $0xFFFFFFFF  }
0xa5: {  	s26 =	simm.s32 $execute0_lowered;
	[smem:$0x3FD2] =	sst s25  }
0xa6: {  	s4 =	sshll.u32 s26, $0x1;
	_ =	strace $0x80000049;
	[dreg:$0x1] =	wrdreg $0xFFFFFFFF  }
0xa7: {  	s28 =	simm.s32 $_size_execute0_lowered;
	s2 =	sadd.s32 s2, s4;
	[dreg:$0x0] =	wrdreg $0x0  }
0xa8: {  	s4 =	sshll.u32 s28, $0x1;
	[dreg:$0x2] =	wrdreg s2  }
0xa9: {  	[dreg:$0x3] =	wrdreg s4  }
0xaa: {  	[dreg:$0x4] =	wrdreg $0xC0  }
0xab: {  	_ =	task [dreg:s6], $0x5FFFF  }
0xac: {  	[dreg:$0x1] =	wrdreg $0xFFFFFFFF  }
0xad: {  	[dreg:$0x0] =	wrdreg $0x60  }
0xae: {  	[dreg:$0x2] =	wrdreg s24  }
0xaf: {  	[dreg:$0x3] =	wrdreg $0x22000  }
0xb0: {  	[dreg:$0x4] =	wrdreg $0x9  }
0xb1: {  	_ =	task.clear_ibuf [dreg:s6], $0x5FFFF;
	_ =	strace $0x90000049  }
0xb2: {  	s29 =	simm.s32 $0x9;
	_ =	strace $0x8000004B  }
0xb3: {  	_ =	swait.ge [sflag:s29], $0x1  }
0xb4: {  	[sflag:s29] =	ssyncadd.s32 $0xFFFFFFFF  }
0xb5: {  	_ =	strace $0x9000004B  }
0xb6: {  	_ =	sfence  }
0xb7: {  	s30 =	sld [smem:$0x0];
	_ =	sdelay $0x2  }
0xb8: {  	s31 =	sshll.u32 s1, $0xD;
	s1 =	sshrl.u32 s1, $0x2  }
0xb9: {  	s3 =	sand.u32 $0x4000, s31;
	s1 =	sadd.s32 s1, s30  }
0xba: {  	s0 =	sor.u32 s3, s0;
	s1 =	sshll.u32 s1, $0x11  }
0xbb: {  	s0 =	sor.u32 s1, s0  }
0xbc: {  	s0 =	sadd.s32 $0x8F2B, s0  }
0xbd: {  	[sflag:s0] =	ssyncadd.remote.s32 $0x1  }
0xbe: {  	_ =	sfence.sel $0xFFFF  }
0xbf: {  	[dreg:$0x0] =	wrdreg $0xFFFFFFFF;
	(pc) =	sbr.abs _section_cstart, $3  }
0xc0: {  	[dreg:$0x1] =	wrdreg $0xFFFFFFFF  }
0xc1: {  	_ =	task.clear_ibuf [dreg:s6], $0x2FFFF;
	_ =	strace $0x9FFFFFFF  }
0xc2: {  	(tm) =	ssettm $0x7FFFFFFF  }
0xc3: {  	_ =	shalt  }
tec
execute0_lowered:
.L_overlay_start_1:
0x0: {  	(tag) =	ssettag $0x1  }
0x1: {  	s0 =	rddreg [dreg:$0x0]  }
0x2: {  	s2 =	rddreg [dreg:$0x1]  }
0x3: {  	s29 =	simm.s32 $0x0;
	s11 =	stileid.u32;
	s3 =	srdreg.scid  }
0x4: {  	s19 =	simm.s32 $0x5;
	s20 =	simm.s32 $0x80;
	s28 =	simm.s32 $0x1200  }
0x5: {  	[smem:$0x7FF] =	sst s29;
	s1 =	smul.u32 $0x30E00, s11;
	s3 =	sand.u32 $0x1, s3  }
0x6: {  	s4 =	sadd.s32 $0x18A000, s0;
	s5 =	sadd.s32 $0x4BE00, s0;
	s9 =	smul.u32 $0xFFFFFD00, s3  }
0x7: {  	s6 =	sadd.s32 $0x32E00, s0;
	s24 =	sshll.u32 s11, $0x6;
	s10 =	smul.u32 $0xE00, s3  }
0x8: {  	s31 =	sshll.u32 s11, $0x4;
	_ =	strace $0x8000004A;
	s15 =	smul.u32 $0xC38000, s3  }
0x9: {  	s8 =	ssub.s32 $0x2, s3;
	s3 =	smul.u32 $0xE000, s3;
	s7 =	sshrl.u32 s1, $0x4  }
0xa: {  	s21 =	sshrl.u32 s8, $0x1;
	s23 =	sshrl.u32 s1, $0x1;
	s7 =	sadd.s32 s7, s0  }
0xb: {  	s0 =	sadd.s32 $0x61E200, s0;
	s22 =	sadd.s32 $0xE00, s9;
	s10 =	sor.u32 s11, s10  }
0xc: {  	s16 =	sadd.s32 s23, s2;
	s15 =	sadd.s32 s15, s1;
	s17 =	sor.u32 s31, s3  }
0xd: {  	s23 =	simm.s32 $0x100;
	[dreg:$0x5] =	wrdreg s0;
	s0 =	ssub.s32 s8, s21  }
0xe: {  	s8 =	sshrl.u32 s22, $0x5;
	s7 =	sadd.s32 $0x159200, s7;
	s12 =	sshll.u32 s10, $0x4  }
0xf: {  	s10 =	sor.u32 $0x1C05, s24;
	s18 =	sshrl.u32 s16, $0x3;
	s21 =	simm.s32 $0x1  }
0x10: {  	s22 =	simm.s32 $0x200;
	s24 =	simm.s32 $0x180;
	[dreg:$0x6] =	wrdreg s7  }
0x11: {  	s25 =	sadd.s32 s5, s12;
	s26 =	sor.u32 $0x100, s12;
	s12 =	sadd.s32 s6, s12  }
0x12: {  	s30 =	sadd.s32 $0xFFFFFFFF, s8;
	s0 =	smax.u32 s0, $0x1;
	[dreg:$0x7] =	wrdreg s25  }
0x13: {  	s13 =	sadd.s32 s5, s26;
	s14 =	sadd.s32 s6, s26;
	[dreg:$0x3] =	wrdreg s30  }
0x14: {  	[dreg:$0x8] =	wrdreg s0;
	s25 =	simm.s32 $0x2;
	s26 =	simm.s32 $0x3  }
.LBB2_1:
0x15: {  	[dreg:$0x4] =	wrdreg s29;
	s29 =	simm.s32 $0x0  }
.LBB2_2:
0x16: {  	s0 =	rddreg [dreg:$0x6]  }
0x17: {  	[spmem:s18], [sflag:s10] =	dma.local [hbm:s0], $0x30E0  }
0x18: {  	_ =	swait.ge [sflag:s19], $0x30E0  }
0x19: {  	[sflag:s19] =	ssyncset.done $0x0  }
0x1a: {  	[sflag:s19] =	ssyncadd.s32 $0xFFFFCF20  }
0x1b: {  	[bflag:$0x0] =	sbarrier.arrive $0xFFFF  }
0x1c: {  	s9 =	simm.s32 $0x0;
	s1 =	rddreg [dreg:$0x7]  }
0x1d: {  	[tilespmem:s9], [sflag:$0x1] =	stream.linear.gather [hbm4b:s1+s9], $0x80, $0x38;
	[tilespmem:$0x1A900] =	vst v63  }
0x1e: {  	_ = 	snop  }
0x1f: {  	[tilespmem:s20], [sflag:$0x1] =	stream.linear.gather [hbm4b:s12+s9], $0x80, $0x38;
	[tilespmem:$0x1A900] =	vst v63  }
0x20: {  	_ =	swait.ge [sflag:s21], $0x80  }
0x21: {  	[sflag:s21] =	ssyncset.done $0x0  }
0x22: {  	[sflag:s21] =	ssyncadd.s32 $0xFFFFFF80  }
0x23: {  	_ =	swait.ge [sflag:s21], $0x80  }
0x24: {  	[sflag:s21] =	ssyncset.done $0x0  }
0x25: {  	[sflag:s21] =	ssyncadd.s32 $0xFFFFFF80  }
0x26: {  	v0 =	vld [tilespmem:$0x0]  }
0x27: {  	v1 =	vld [tilespmem:$0x10]  }
0x28: {  	v2 =	vld [tilespmem:$0x20]  }
0x29: {  	s11 =	smul.u32 $0xC350, s29;
	v3 =	vld [tilespmem:$0x30]  }
0x2a: {  	v4 =	vld [tilespmem:$0x40]  }
0x2b: {  	v5 =	vld [tilespmem:$0x50];
	v0 =	vadd.s32 s11, v0  }
0x2c: {  	[tilespmem:$0x0] =	vst v0;
	v0 =	vadd.s32 s11, v1;
	v1 =	vld [tilespmem:$0x60]  }
0x2d: {  	[tilespmem:$0x10] =	vst v0;
	v0 =	vadd.s32 s11, v2;
	v2 =	vld [tilespmem:$0x70]  }
0x2e: {  	[tilespmem:$0x20] =	vst v0;
	v0 =	vadd.s32 s11, v3  }
0x2f: {  	[tilespmem:$0x30] =	vst v0;
	v0 =	vadd.s32 s11, v4  }
0x30: {  	[tilespmem:$0x40] =	vst v0;
	v0 =	vadd.s32 s11, v5  }
0x31: {  	[tilespmem:$0x50] =	vst v0;
	v0 =	vadd.s32 s11, v1  }
0x32: {  	[tilespmem:$0x60] =	vst v0;
	v0 =	vadd.s32 s11, v2  }
0x33: {  	[tilespmem:$0x70] =	vst v0  }
0x34: {  	[tilespmem:s22], [sflag:$0x3] =	stream.indirect.gather [hbm4b:s4+s20], $0x20, s9, s20, $0xb8;
	[tilespmem:$0x1A900] =	vst v63  }
0x35: {  	_ = 	snop  }
0x36: {  	[tilespmem:s23], [sflag:$0x2] =	stream.linear.gather [hbm4b:s13+s9], $0x80, $0x38;
	[tilespmem:$0x1A900] =	vst v63  }
0x37: {  	_ = 	snop  }
0x38: {  	[tilespmem:s24], [sflag:$0x2] =	stream.linear.gather [hbm4b:s14+s9], $0x80, $0x38;
	[tilespmem:$0x1A900] =	vst v63  }
0x39: {  	s16 =	rddreg [dreg:$0x3];
	_ =	swait.ge [sflag:s25], $0x80  }
0x3a: {  	[sflag:s25] =	ssyncset.done $0x0  }
0x3b: {  	[sflag:s25] =	ssyncadd.s32 $0xFFFFFF80  }
0x3c: {  	_ =	swait.ge [sflag:s25], $0x80  }
0x3d: {  	[sflag:s25] =	ssyncset.done $0x0  }
0x3e: {  	[sflag:s25] =	ssyncadd.s32 $0xFFFFFF80  }
0x3f: {  	v1 =	vld [tilespmem:$0x120]  }
0x40: {  	v3 =	vld [tilespmem:$0x100]  }
0x41: {  	v2 =	vld [tilespmem:$0x150]  }
0x42: {  	v63 =	vld [tilespmem:$0x110]  }
0x43: {  	v0 =	vmov s11;
	v62 =	vld [tilespmem:$0x130]  }
0x44: {  	v7 =	vld [tilespmem:$0x140];
	v1 =	vadd.s32 v0, v1  }
0x45: {  	v6 =	vld [tilespmem:$0x170];
	v3 =	vadd.s32 v0, v3;
	[tilespmem:$0x120] =	vst v1  }
0x46: {  	v1 =	vadd.s32 v0, v2;
	v2 =	vld [tilespmem:$0x160];
	[tilespmem:$0x100] =	vst v3  }
0x47: {  	v3 =	vadd.s32 v0, v63;
	[tilespmem:$0x150] =	vst v1  }
0x48: {  	v1 =	vadd.s32 v0, v62;
	[tilespmem:$0x110] =	vst v3  }
0x49: {  	v3 =	vadd.s32 v0, v7;
	[tilespmem:$0x130] =	vst v1  }
0x4a: {  	v1 =	vadd.s32 v0, v6;
	[tilespmem:$0x140] =	vst v3  }
0x4b: {  	[tilespmem:$0x170] =	vst v1;
	v1 =	vadd.s32 v0, v2  }
0x4c: {  	[tilespmem:$0x160] =	vst v1  }
0x4d: {  	_ =	swait.ge [sflag:s26], $0x1000  }
0x4e: {  	[sflag:s26] =	ssyncset.done $0x0  }
0x4f: {  	[sflag:s26] =	ssyncadd.s32 $0xFFFFF000  }
0x50: {  	[tilespmem:s28], [sflag:$0x4] =	stream.indirect.gather [hbm4b:s4+s20], $0x20, s23, s20, $0xb8;
	[tilespmem:$0x1A900] =	vst v63  }
0x51: {  	_ = 	snop  }
0x52: {  	[spmem:s2] =	stream.indirect.scatter.add.bf16 [tilespmem:s22], [sflag:$0x5], $0x20, s20, s20, $0xb8;
	[tilespmem:$0x1A900] =	vst v63  }
0x53: {  	_ =	swait.ge [sflag:s19], $0x1000  }
0x54: {  	p1 =	sle.u32 s16, $0x0;
	[sflag:s19] =	ssyncset.done $0x0  }
0x55: {  	s0 =	simm.s32 @p1 $0x4;
	[sflag:s19] =	ssyncadd.s32 $0xFFFFF000  }
0x56: {  	s1 =	sadd.s32 @!p1 $0x200, s17;
	_ =	swait.ge @p1 [sflag:s0], $0x1000  }
0x57: {  	s1 =	sand.u32 @!p1 $0x1FFFFEF0, s1;
	[sflag:s0] =	ssyncset.done @p1 $0x0  }
0x58: {  	s3 =	sadd.s32 @!p1 s5, s1;
	[sflag:s0] =	ssyncadd.s32 @p1 $0xFFFFF000;
	s0 =	simm.s32 @!p1 $0x0  }
0x59: {  	[tilespmem:s0], [sflag:$0x1] =	stream.linear.gather @!p1 [hbm4b:s3+s0], $0x80, $0x38;
	[tilespmem:$0x1A900] =	vst v63  }
0x5a: {  	s16 =	simm.s32 @!p1 $0x80;
	s31 =	simm.s32 @!p1 $0x1;
	s1 =	sadd.s32 @!p1 s6, s1  }
0x5b: {  	[tilespmem:s16], [sflag:$0x1] =	stream.linear.gather @!p1 [hbm4b:s1+s0], $0x80, $0x38;
	[tilespmem:$0x1A900] =	vst v63  }
0x5c: {  	p0 =	sne.s32 s8, $0x1;
	_ =	swait.ge @!p1 [sflag:s31], $0x80  }
.Ltmp0:
0x5d: {  	[sflag:s31] =	ssyncset.done @!p1 $0x0;
	(pc) =	sbr.rel @!p0 .LBB2_4-.Ltmp0, $4  }
0x5e: {  	s1 =	sadd.s32 @!p1 $0x300, s17;
	[sflag:s31] =	ssyncadd.s32 @!p1 $0xFFFFFF80  }
0x5f: {  	s1 =	sand.u32 @!p1 $0x1FFFFFF0, s1;
	_ =	swait.ge @!p1 [sflag:s31], $0x80  }
0x60: {  	s30 =	simm.s32 $0x1;
	s3 =	sadd.s32 @!p1 s5, s1;
	[sflag:s31] =	ssyncset.done @!p1 $0x0  }
0x61: {  	s7 =	sadd.s32 @!p1 s6, s1;
	[sflag:s31] =	ssyncadd.s32 @!p1 $0xFFFFFF80;
	s31 =	smov.u32 s17  }
.LBB2_3:
0x62: {  	v1 =	vld @!p1 [tilespmem:$0x70]  }
0x63: {  	v2 =	vld @!p1 [tilespmem:$0x60]  }
0x64: {  	v3 =	vld @!p1 [tilespmem:$0x50]  }
0x65: {  	v4 =	vld @!p1 [tilespmem:$0x40]  }
0x66: {  	v5 =	vld @!p1 [tilespmem:$0x30]  }
0x67: {  	v6 =	vld @!p1 [tilespmem:$0x20];
	v1 =	vadd.s32 @!p1 v0, v1  }
0x68: {  	v7 =	vld @!p1 [tilespmem:$0x10];
	v2 =	vadd.s32 @!p1 v0, v2;
	[tilespmem:$0x70] =	vst @!p1 v1  }
0x69: {  	v3 =	vadd.s32 @!p1 v0, v3;
	v1 =	vld @!p1 [tilespmem:$0x0];
	[tilespmem:$0x60] =	vst @!p1 v2  }
0x6a: {  	v2 =	vadd.s32 @!p1 v0, v4;
	[tilespmem:$0x50] =	vst @!p1 v3  }
0x6b: {  	v3 =	vadd.s32 @!p1 v0, v5;
	[tilespmem:$0x40] =	vst @!p1 v2  }
0x6c: {  	v2 =	vadd.s32 @!p1 v0, v6;
	[tilespmem:$0x30] =	vst @!p1 v3  }
0x6d: {  	v3 =	vadd.s32 @!p1 v0, v7;
	[tilespmem:$0x20] =	vst @!p1 v2  }
0x6e: {  	[tilespmem:$0x10] =	vst @!p1 v3;
	v1 =	vadd.s32 @!p1 v0, v1  }
0x6f: {  	s9 =	simm.s32 @!p1 $0x4;
	[tilespmem:$0x0] =	vst @!p1 v1  }
0x70: {  	_ =	swait.ge @!p1 [sflag:s9], $0x1000  }
0x71: {  	[sflag:s9] =	ssyncset.done @!p1 $0x0  }
0x72: {  	[sflag:s9] =	ssyncadd.s32 @!p1 $0xFFFFF000;
	s9 =	simm.s32 @!p1 $0x200  }
0x73: {  	[tilespmem:s9], [sflag:$0x3] =	stream.indirect.gather @!p1 [hbm4b:s4+s16], $0x20, s0, s16, $0xb8;
	[tilespmem:$0x1A900] =	vst v63  }
0x74: {  	s9 =	simm.s32 @!p1 $0x100  }
0x75: {  	[tilespmem:s9], [sflag:$0x2] =	stream.linear.gather @!p1 [hbm4b:s3+s0], $0x80, $0x38;
	[tilespmem:$0x1A900] =	vst v63  }
0x76: {  	s3 =	simm.s32 @!p1 $0x180  }
0x77: {  	[tilespmem:s3], [sflag:$0x2] =	stream.linear.gather @!p1 [hbm4b:s7+s0], $0x80, $0x38;
	[tilespmem:$0x1A900] =	vst v63  }
0x78: {  	_ = 	snop  }
0x79: {  	[spmem:s2] =	stream.indirect.scatter.add.bf16 [tilespmem:s28], [sflag:$0x5], $0x20, s24, s20, $0xb8;
	[tilespmem:$0x1A900] =	vst v63  }
0x7a: {  	_ =	swait.ge [sflag:s19], $0x1000  }
0x7b: {  	[sflag:s19] =	ssyncset.done $0x0  }
0x7c: {  	[sflag:s19] =	ssyncadd.s32 $0xFFFFF000  }
0x7d: {  	s16 =	rddreg [dreg:$0x3];
	_ =	swait.ge [sflag:s25], $0x80  }
0x7e: {  	[sflag:s25] =	ssyncset.done $0x0  }
0x7f: {  	[sflag:s25] =	ssyncadd.s32 $0xFFFFFF80  }
0x80: {  	_ =	swait.ge [sflag:s25], $0x80  }
0x81: {  	[sflag:s25] =	ssyncset.done $0x0  }
0x82: {  	[sflag:s25] =	ssyncadd.s32 $0xFFFFFF80  }
0x83: {  	v2 =	vld [tilespmem:$0x120]  }
0x84: {  	v59 =	vld [tilespmem:$0x150]  }
0x85: {  	v60 =	vld [tilespmem:$0x100]  }
0x86: {  	v1 =	vld [tilespmem:$0x130]  }
0x87: {  	v61 =	vld [tilespmem:$0x110]  }
0x88: {  	v3 =	vld [tilespmem:$0x160];
	v2 =	vadd.s32 v0, v2  }
0x89: {  	v62 =	vld [tilespmem:$0x140];
	v4 =	vadd.s32 v0, v59;
	[tilespmem:$0x120] =	vst v2  }
0x8a: {  	v5 =	vadd.s32 v0, v60;
	v2 =	vld [tilespmem:$0x170];
	[tilespmem:$0x150] =	vst v4  }
0x8b: {  	v1 =	vadd.s32 v0, v1;
	[tilespmem:$0x100] =	vst v5  }
0x8c: {  	v63 =	vadd.s32 v0, v61;
	[tilespmem:$0x130] =	vst v1  }
0x8d: {  	v3 =	vadd.s32 v0, v3;
	[tilespmem:$0x110] =	vst v63  }
0x8e: {  	v1 =	vadd.s32 v0, v62;
	[tilespmem:$0x160] =	vst v3  }
0x8f: {  	[tilespmem:$0x140] =	vst v1;
	v2 =	vadd.s32 v0, v2  }
0x90: {  	[tilespmem:$0x170] =	vst v2  }
0x91: {  	_ =	swait.ge [sflag:s26], $0x1000  }
0x92: {  	[sflag:s26] =	ssyncset.done $0x0  }
0x93: {  	[sflag:s26] =	ssyncadd.s32 $0xFFFFF000  }
0x94: {  	[tilespmem:s28], [sflag:$0x4] =	stream.indirect.gather [hbm4b:s4+s20], $0x20, s23, s20, $0xb8;
	[tilespmem:$0x1A900] =	vst v63  }
0x95: {  	_ = 	snop  }
0x96: {  	[spmem:s2] =	stream.indirect.scatter.add.bf16 [tilespmem:s22], [sflag:$0x5], $0x20, s20, s20, $0xb8;
	[tilespmem:$0x1A900] =	vst v63  }
0x97: {  	s1 =	smov.u32 s30;
	_ =	swait.ge [sflag:s19], $0x1000  }
0x98: {  	p1 =	sge.u32 s1, s16;
	[sflag:s19] =	ssyncset.done $0x0  }
0x99: {  	s31 =	sadd.s32 $0x200, s31;
	s0 =	simm.s32 @p1 $0x4;
	[sflag:s19] =	ssyncadd.s32 $0xFFFFF000  }
0x9a: {  	s1 =	sadd.s32 @!p1 $0x200, s31;
	_ =	swait.ge @p1 [sflag:s0], $0x1000  }
0x9b: {  	s30 =	sadd.s32 $0x1, s30;
	s1 =	sand.u32 @!p1 $0x1FFFFEF0, s1;
	[sflag:s0] =	ssyncset.done @p1 $0x0  }
0x9c: {  	s7 =	sadd.s32 @!p1 s5, s1;
	[sflag:s0] =	ssyncadd.s32 @p1 $0xFFFFF000;
	s0 =	simm.s32 @!p1 $0x0  }
0x9d: {  	[tilespmem:s0], [sflag:$0x1] =	stream.linear.gather @!p1 [hbm4b:s7+s0], $0x80, $0x38;
	[tilespmem:$0x1A900] =	vst v63  }
0x9e: {  	s16 =	simm.s32 @!p1 $0x80;
	s11 =	simm.s32 @!p1 $0x1;
	s1 =	sadd.s32 @!p1 s6, s1  }
0x9f: {  	[tilespmem:s16], [sflag:$0x1] =	stream.linear.gather @!p1 [hbm4b:s1+s0], $0x80, $0x38;
	[tilespmem:$0x1A900] =	vst v63  }
0xa0: {  	p0 =	sne.s32 s8, s30;
	_ =	swait.ge @!p1 [sflag:s11], $0x80  }
.Ltmp1:
0xa1: {  	[sflag:s11] =	ssyncset.done @!p1 $0x0;
	(pc) =	sbr.rel @p0 .LBB2_3-.Ltmp1, $4  }
0xa2: {  	[sflag:s11] =	ssyncadd.s32 @!p1 $0xFFFFFF80  }
0xa3: {  	s3 =	sadd.s32 @!p1 $0x300, s31;
	_ =	swait.ge @!p1 [sflag:s11], $0x80  }
0xa4: {  	s9 =	sand.u32 @!p1 $0x1FFFFFF0, s3;
	[sflag:s11] =	ssyncset.done @!p1 $0x0  }
0xa5: {  	s3 =	sadd.s32 @!p1 s5, s9;
	s7 =	sadd.s32 @!p1 s6, s9;
	[sflag:s11] =	ssyncadd.s32 @!p1 $0xFFFFFF80  }
.LBB2_4:
0xa6: {  	v1 =	vld @!p1 [tilespmem:$0x70]  }
0xa7: {  	v2 =	vld @!p1 [tilespmem:$0x60]  }
0xa8: {  	v3 =	vld @!p1 [tilespmem:$0x50]  }
0xa9: {  	v4 =	vld @!p1 [tilespmem:$0x40]  }
0xaa: {  	v5 =	vld @!p1 [tilespmem:$0x30]  }
0xab: {  	v6 =	vld @!p1 [tilespmem:$0x20];
	v1 =	vadd.s32 @!p1 v0, v1  }
0xac: {  	v7 =	vld @!p1 [tilespmem:$0x10];
	v2 =	vadd.s32 @!p1 v0, v2;
	[tilespmem:$0x70] =	vst @!p1 v1  }
0xad: {  	v3 =	vadd.s32 @!p1 v0, v3;
	v1 =	vld @!p1 [tilespmem:$0x0];
	[tilespmem:$0x60] =	vst @!p1 v2  }
0xae: {  	v2 =	vadd.s32 @!p1 v0, v4;
	[tilespmem:$0x50] =	vst @!p1 v3  }
0xaf: {  	v3 =	vadd.s32 @!p1 v0, v5;
	[tilespmem:$0x40] =	vst @!p1 v2  }
0xb0: {  	v2 =	vadd.s32 @!p1 v0, v6;
	[tilespmem:$0x30] =	vst @!p1 v3  }
0xb1: {  	v3 =	vadd.s32 @!p1 v0, v7;
	[tilespmem:$0x20] =	vst @!p1 v2  }
0xb2: {  	[tilespmem:$0x10] =	vst @!p1 v3;
	v0 =	vadd.s32 @!p1 v0, v1  }
0xb3: {  	s1 =	simm.s32 @!p1 $0x4;
	[tilespmem:$0x0] =	vst @!p1 v0  }
0xb4: {  	_ =	swait.ge @!p1 [sflag:s1], $0x1000  }
0xb5: {  	[sflag:s1] =	ssyncset.done @!p1 $0x0  }
0xb6: {  	[sflag:s1] =	ssyncadd.s32 @!p1 $0xFFFFF000;
	s1 =	simm.s32 @!p1 $0x200  }
0xb7: {  	[tilespmem:s1], [sflag:$0x3] =	stream.indirect.gather @!p1 [hbm4b:s4+s16], $0x20, s0, s16, $0xb8;
	[tilespmem:$0x1A900] =	vst v63  }
0xb8: {  	s1 =	simm.s32 @!p1 $0x100  }
0xb9: {  	[tilespmem:s1], [sflag:$0x2] =	stream.linear.gather @!p1 [hbm4b:s3+s0], $0x80, $0x38;
	[tilespmem:$0x1A900] =	vst v63  }
0xba: {  	s1 =	simm.s32 @!p1 $0x180  }
0xbb: {  	[tilespmem:s1], [sflag:$0x2] =	stream.linear.gather @!p1 [hbm4b:s7+s0], $0x80, $0x38;
	[tilespmem:$0x1A900] =	vst v63  }
0xbc: {  	_ = 	snop  }
0xbd: {  	[spmem:s2] =	stream.indirect.scatter.add.bf16 [tilespmem:s28], [sflag:$0x5], $0x20, s24, s20, $0xb8;
	[tilespmem:$0x1A900] =	vst v63  }
0xbe: {  	_ =	swait.ge [sflag:s19], $0x1000  }
0xbf: {  	s30 =	smul.u32 $0x30E000, s29;
	[sflag:s19] =	ssyncset.done $0x0  }
0xc0: {  	[sflag:s19] =	ssyncadd.s32 $0xFFFFF000  }
0xc1: {  	s29 =	sadd.s32 $0x1, s29;
	s0 =	sadd.s32 s30, s15;
	[bflag:$0x0] =	sbarrier.arrive $0xFFFF  }
0xc2: {  	p0 =	sne.s32 s29, $0x4;
	s0 =	sshrl.u32 s0, $0x4;
	s31 =	rddreg [dreg:$0x5]  }
.Ltmp2:
0xc3: {  	s0 =	sadd.s32 s31, s0;
	(pc) =	sbr.rel @p0 .LBB2_2-.Ltmp2, $4  }
0xc4: {  	[hbm:s0], [sflag:s10] =	dma.local [spmem:s18], $0x30E0  }
0xc5: {  	_ =	swait.ge [sflag:s19], $0x30E0  }
0xc6: {  	[sflag:s19] =	ssyncset.done $0x0  }
0xc7: {  	[sflag:s19] =	ssyncadd.s32 $0xFFFFCF20  }
0xc8: {  	s29 =	rddreg [dreg:$0x4]  }
0xc9: {  	s0 =	rddreg [dreg:$0x8];
	s29 =	sadd.s32 $0x1, s29  }
0xca: {  	p0 =	sne.s32 s29, s0  }
.Ltmp3:
0xcb: {  	_ = 	snop;
	(pc) =	sbr.rel @p0 .LBB2_1-.Ltmp3, $1  }
0xcc: {  	_ =	sdelay $0x3  }
0xcd: {  	_ =	sfence.sel $0x180000  }
0xce: {  	[bflag:$0x0] =	sbarrier.arrive $0xFFFF  }
0xcf: {  	_ =	strace $0x9000004A  }
0xd0: {  	s0 =	stileid.u32;
	[bflag:$0x2] =	sbarrier.arrive $0xFFFF  }
0xd1: {  	p0 =	sne.s32 s0, $0x0;
	s0 =	rddreg [dreg:$0x2]  }
0xd2: {  	s0 =	sadd.s32 @!p0 $0x100000, s0  }
0xd3: {  	[sflag:s0] =	ssyncadd.tile.s32 @!p0 $0x1;
	_ =	shalt  }
.Lfunc_end2:
_tile_overlayer_lowered:
.L_overlay_start_2:
0xd4: {  	(tag) =	ssettag $0x2  }
0xd5: {  	s0 =	rddreg [dreg:$0x0];
	s2 =	stileid.u32  }
0xd6: {  	s1 =	rddreg [dreg:$0x1];
	p0 =	sne.s32 s2, $0x0  }
0xd7: {  	s3 =	rddreg [dreg:$0x2];
	[bflag:$0x3] =	sbarrier.arrive $0xFFFF;
	s2 =	simm.s32 @!p0 $0x1C05  }
0xd8: {  	[timem:s3], [sflag:s2] =	dma.local @!p0 [hbm:s0], s1  }
0xd9: {  	s0 =	simm.s32 @!p0 $0x5  }
0xda: {  	_ =	swait.ge @!p0 [sflag:s0], s1  }
0xdb: {  	s1 =	ssub.s32 @!p0 $0x0, s1;
	[sflag:s0] =	ssyncset.done @!p0 $0x0  }
0xdc: {  	[sflag:s0] =	ssyncadd.s32 @!p0 s1  }
0xdd: {  	[bflag:$0x3] =	sbarrier.arrive $0xFFFF  }
0xde: {  	_ =	shalt  }

// kernel: kernel.14.cloned.1.call-start
scs
__scs_entry_jumppad:
0x0: {  	(pc) =	sbr.rel $0x88, $3  }
0x1: {  	(tag) =	ssettag $0x0;
	lr =	simm.s32 $0x1  }
0x2: {  	[smem:$0x3F95] =	sst lr;
	_ =	strace $0xD0000000  }
0x3: {  	_ = 	snop  }
0x4: {  	_ = 	snop  }
0x5: {  	_ = 	snop  }
0x6: {  	_ = 	snop  }
0x7: {  	_ = 	snop  }
__scs_overlays_trampoline_lowered:
0x8: {  	[smem:$0x3FA4] =	sst s0  }
0x9: {  	[smem:$0x3FA5] =	sst s1  }
0xa: {  	[smem:$0x3FA6] =	sst s2  }
0xb: {  	[smem:$0x3FA7] =	sst s3  }
0xc: {  	[smem:$0x3FA8] =	sst s4  }
0xd: {  	[smem:$0x3FA9] =	sst s5  }
0xe: {  	[smem:$0x3FAA] =	sst s6  }
0xf: {  	[smem:$0x3FAB] =	sst s7  }
0x10: {  	[smem:$0x3FAC] =	sst s8  }
0x11: {  	[smem:$0x3FAD] =	sst s9;
	s0 =	simm.s32 @!p0 $0x0  }
0x12: {  	s1 =	sld [smem:$0x3F93];
	s0 =	simm.s32 @p0 $0x1  }
0x13: {  	[smem:$0x3FAE] =	sst s0;
	s0 =	simm.s32 @!p1 $0x0  }
0x14: {  	s2 =	sld [smem:$0x3F92];
	s0 =	simm.s32 @p1 $0x1  }
0x15: {  	[smem:$0x3FAF] =	sst s0;
	s0 =	simm.s32 @!p2 $0x0  }
0x16: {  	s3 =	sld [smem:$0x3FDB];
	s0 =	simm.s32 @p2 $0x1  }
0x17: {  	s4 =	simm.s32 $0x1BF5;
	[smem:$0x3FB1] =	sst s0  }
0x18: {  	s0 =	sld [smem:$0x3F94];
	_ =	swait.ge [sflag:s4], $0x0  }
0x19: {  	s7 =	sld [smem:$0x3F95]  }
0x1a: {  	s8 =	sadd.s32 $0xFFFFE003, lr  }
0x1b: {  	s9 =	sadd.s32 $0xFFFFFEF7, lr;
	s5 =	simm.s32 $0xFFFFFFFF;
	p2 =	slt.u32 s8, $0xFFFFF086  }
0x1c: {  	p1 =	slt.u32 s9, $0xF7A;
	s5 =	simm.s32 @!p2 $0x0  }
0x1d: {  	s5 =	simm.s32 @p1 $0x1;
	p0 =	seq.s32 s7, s2  }
0x1e: {  	s7 =	smul.u32 @!p0 $0xF7A, s2;
	p2 =	seq.s32 @!p0 s5, $0x0  }
0x1f: {  	s9 =	smul.u32 $0xF7A, s1;
	s8 =	simm.s32 @!p0 $0x1BF5;
	p2 =	por !p2, p0  }
0x20: {  	[sflag:s8] =	ssyncset.s32 @!p0 $0xFFFFF086;
	s6 =	sadd.s32 @!p0 s3, s7;
	s7 =	simm.s32 @!p0 $0x108  }
0x21: {  	s3 =	sadd.s32 s3, s9;
	s6 =	sadd.s32 @!p0 $0x88, s6;
	s7 =	simm.s32 @p2 $0x1082  }
0x22: {  	[simem:s7], [sflag:s8] =	dma.local @!p0 [hbm:s6], $0xF7A  }
0x23: {  	s9 =	sor.u32 $0xD0000000, s2;
	s6 =	simm.s32 $0x108;
	_ =	swait.ge @!p0 [sflag:s8], $0x0  }
0x24: {  	s3 =	sadd.s32 $0x88, s3;
	s6 =	simm.s32 @!p1 $0x1082;
	[sflag:s4] =	ssyncset.s32 $0xFFFFF086  }
0x25: {  	[simem:s6], [sflag:s4] =	dma.local [hbm:s3], $0xF7A  }
0x26: {  	[smem:$0x3F95] =	sst s1;
	(tag) =	ssettag s2;
	_ =	strace s9  }
0x27: {  	s1 =	sld [smem:$0x3FA5]  }
0x28: {  	s2 =	sld [smem:$0x3FA6]  }
0x29: {  	s4 =	sld [smem:$0x3FA8]  }
0x2a: {  	p0 =	seq.s32 s5, $0x0;
	s5 =	sld [smem:$0x3FA9]  }
0x2b: {  	s6 =	sld [smem:$0x3FAA]  }
0x2c: {  	s7 =	sld [smem:$0x3FAB]  }
0x2d: {  	s3 =	simm.s32 $0x108;
	s8 =	sld [smem:$0x3FAC]  }
0x2e: {  	s3 =	simm.s32 @!p0 $0x1082;
	s9 =	sld [smem:$0x3FAD]  }
0x2f: {  	lr =	sadd.s32 s0, s3;
	s0 =	sld [smem:$0x3FA4]  }
0x30: {  	s3 =	sld [smem:$0x3FA7]  }
0x31: {  	[smem:$0x3FB0] =	sst s10  }
0x32: {  	s10 =	sld [smem:$0x3FAE];
	_ =	sdelay $0x3  }
0x33: {  	p0 =	seq.s32 s10, $0x1;
	s10 =	sld [smem:$0x3FB0];
	_ =	sdelay $0x3  }
0x34: {  	[smem:$0x3FB0] =	sst s10  }
0x35: {  	s10 =	sld [smem:$0x3FAF];
	_ =	sdelay $0x3  }
0x36: {  	p1 =	seq.s32 s10, $0x1;
	s10 =	sld [smem:$0x3FB0];
	_ =	sdelay $0x3  }
0x37: {  	[smem:$0x3FB0] =	sst s10  }
0x38: {  	s10 =	sld [smem:$0x3FB1]  }
0x39: {  	_ = 	snop;
	(pc) =	sbr.ind lr, $3  }
0x3a: {  	_ = 	snop  }
0x3b: {  	_ = 	snop  }
0x3c: {  	p2 =	seq.s32 s10, $0x1;
	s10 =	sld [smem:$0x3FB0]  }
0x3d: {  	_ =	shalt  }
0x3e: {  	_ =	shalt  }
0x3f: {  	_ =	shalt  }
0x40: {  	_ =	shalt  }
0x41: {  	_ =	shalt  }
0x42: {  	_ =	shalt  }
0x43: {  	_ =	shalt  }
0x44: {  	_ =	shalt  }
0x45: {  	_ =	shalt  }
0x46: {  	_ =	shalt  }
0x47: {  	_ =	shalt  }
0x48: {  	_ =	shalt  }
0x49: {  	_ =	shalt  }
0x4a: {  	_ =	shalt  }
0x4b: {  	_ =	shalt  }
0x4c: {  	_ =	shalt  }
0x4d: {  	_ =	shalt  }
0x4e: {  	_ =	shalt  }
0x4f: {  	_ =	shalt  }
0x50: {  	_ =	shalt  }
0x51: {  	_ =	shalt  }
0x52: {  	_ =	shalt  }
0x53: {  	_ =	shalt  }
0x54: {  	_ =	shalt  }
0x55: {  	_ =	shalt  }
0x56: {  	_ =	shalt  }
0x57: {  	_ =	shalt  }
0x58: {  	_ =	shalt  }
0x59: {  	_ =	shalt  }
0x5a: {  	_ =	shalt  }
0x5b: {  	_ =	shalt  }
0x5c: {  	_ =	shalt  }
0x5d: {  	_ =	shalt  }
0x5e: {  	_ =	shalt  }
0x5f: {  	_ =	shalt  }
0x60: {  	_ =	shalt  }
0x61: {  	_ =	shalt  }
0x62: {  	_ =	shalt  }
0x63: {  	_ =	shalt  }
0x64: {  	_ =	shalt  }
0x65: {  	_ =	shalt  }
0x66: {  	_ =	shalt  }
0x67: {  	_ =	shalt  }
0x68: {  	_ =	shalt  }
0x69: {  	_ =	shalt  }
0x6a: {  	_ =	shalt  }
0x6b: {  	_ =	shalt  }
0x6c: {  	_ =	shalt  }
0x6d: {  	_ =	shalt  }
0x6e: {  	_ =	shalt  }
0x6f: {  	_ =	shalt  }
0x70: {  	_ =	shalt  }
0x71: {  	_ =	shalt  }
0x72: {  	_ =	shalt  }
0x73: {  	_ =	shalt  }
0x74: {  	_ =	shalt  }
0x75: {  	_ =	shalt  }
0x76: {  	_ =	shalt  }
0x77: {  	_ =	shalt  }
0x78: {  	_ =	shalt  }
0x79: {  	_ =	shalt  }
0x7a: {  	_ =	shalt  }
0x7b: {  	_ =	shalt  }
0x7c: {  	_ =	shalt  }
0x7d: {  	_ =	shalt  }
0x7e: {  	_ =	shalt  }
0x7f: {  	_ =	shalt  }
0x80: {  	_ =	shalt  }
0x81: {  	_ =	shalt  }
0x82: {  	_ =	shalt  }
0x83: {  	_ =	shalt  }
0x84: {  	_ =	shalt  }
0x85: {  	_ =	shalt  }
0x86: {  	_ =	shalt  }
0x87: {  	_ =	shalt  }
.Lfunc_end0:
.L_simem_size_0:
called_computation.2_lowered:
.L_overlay_start_0:
0x88: {  	s2 =	sld [smem:$0x3FD9]  }
0x89: {  	s3 =	sld [smem:$0x3FFE];
	_ =	sdelay $0x1  }
0x8a: {  	s1 =	srdreg.scid  }
0x8b: {  	s0 =	sand.u32 $0x1, s1  }
0x8c: {  	s16 =	sshll.u32 s0, $0xA;
	s2 =	sadd.s32 s3, s2  }
0x8d: {  	s2 =	sadd.s32 s2, s16  }
0x8e: {  	[smem:$0x3FBC] =	sst s2  }
0x8f: {  	_ = 	snop  }
0x90: {  	(tm) =	ssettm $0x1  }
0x91: {  	s17 =	sld [smem:$0x3FFB];
	_ =	sdelay $0x3  }
0x92: {  	_ =	strace s17  }
0x93: {  	s2 =	sld [smem:$0x3FFC];
	_ =	sdelay $0x3  }
0x94: {  	_ =	strace s2  }
0x95: {  	s2 =	sld [smem:$0x3FFD];
	_ =	sdelay $0x3  }
0x96: {  	_ =	strace s2  }
0x97: {  	_ =	strace $0x8FFFFFFF  }
0x98: {  	s18 =	sld [smem:$0x3FDB];
	_ =	sdelay $0x1  }
0x99: {  	s19 =	simm.s32 $_scs_section_size  }
0x9a: {  	s4 =	simm.s32 $_size__tile_overlayer_lowered;
	s5 =	simm.s32 $_tile_overlayer_lowered  }
0x9b: {  	s22 =	simm.s32 $0x1BFF;
	s21 =	sshll.u32 s5, $0x1;
	s2 =	sadd.s32 s19, s18  }
0x9c: {  	s6 =	simm.s32 $0x0;
	s20 =	sshll.u32 s4, $0x1;
	s4 =	sadd.s32 s21, s2  }
0x9d: {  	[timem:s6], [sflag:s22] =	dma.local [hbm:s4], s20  }
0x9e: {  	_ =	swait.ge [sflag:s22], s20  }
0x9f: {  	s3 =	ssub.s32 $0x0, s20;
	[sflag:s22] =	ssyncset.done $0x0  }
0xa0: {  	[sflag:s22] =	ssyncadd.s32 s3;
	_ =	sdelay $0x1  }
0xa1: {  	s23 =	simm.s32 $0x1B8B  }
0xa2: {  	_ =	swait.ge [sflag:s23], $0x1  }
0xa3: {  	[sflag:s23] =	ssyncset.done $0x0  }
0xa4: {  	s25 =	simm.s32 $0x1B8E;
	s24 =	sld [smem:$0x3FFE];
	[sflag:s23] =	ssyncadd.s32 $0xFFFFFFFF  }
0xa5: {  	s26 =	simm.s32 $execute0_lowered;
	[smem:$0x3FD2] =	sst s25  }
0xa6: {  	s4 =	sshll.u32 s26, $0x1;
	_ =	strace $0x8000004C;
	[dreg:$0x1] =	wrdreg $0xFFFFFFFF  }
0xa7: {  	s28 =	simm.s32 $_size_execute0_lowered;
	s2 =	sadd.s32 s2, s4;
	[dreg:$0x0] =	wrdreg $0x0  }
0xa8: {  	s4 =	sshll.u32 s28, $0x1;
	[dreg:$0x2] =	wrdreg s2  }
0xa9: {  	[dreg:$0x3] =	wrdreg s4  }
0xaa: {  	[dreg:$0x4] =	wrdreg $0xC0  }
0xab: {  	_ =	task [dreg:s6], $0x5FFFF  }
0xac: {  	[dreg:$0x1] =	wrdreg $0xFFFFFFFF  }
0xad: {  	[dreg:$0x0] =	wrdreg $0x60  }
0xae: {  	[dreg:$0x2] =	wrdreg s24  }
0xaf: {  	[dreg:$0x3] =	wrdreg $0x22000  }
0xb0: {  	[dreg:$0x4] =	wrdreg $0x9  }
0xb1: {  	_ =	task.clear_ibuf [dreg:s6], $0x5FFFF;
	_ =	strace $0x9000004C  }
0xb2: {  	s29 =	simm.s32 $0x9;
	_ =	strace $0x8000004E  }
0xb3: {  	_ =	swait.ge [sflag:s29], $0x1  }
0xb4: {  	[sflag:s29] =	ssyncadd.s32 $0xFFFFFFFF  }
0xb5: {  	_ =	strace $0x9000004E  }
0xb6: {  	_ =	sfence  }
0xb7: {  	s30 =	sld [smem:$0x0];
	_ =	sdelay $0x2  }
0xb8: {  	s31 =	sshll.u32 s1, $0xD;
	s1 =	sshrl.u32 s1, $0x2  }
0xb9: {  	s3 =	sand.u32 $0x4000, s31;
	s1 =	sadd.s32 s1, s30  }
0xba: {  	s0 =	sor.u32 s3, s0;
	s1 =	sshll.u32 s1, $0x11  }
0xbb: {  	s0 =	sor.u32 s1, s0  }
0xbc: {  	s0 =	sadd.s32 $0x8F2B, s0  }
0xbd: {  	[sflag:s0] =	ssyncadd.remote.s32 $0x1  }
0xbe: {  	_ =	sfence.sel $0xFFFF  }
0xbf: {  	[dreg:$0x0] =	wrdreg $0xFFFFFFFF;
	(pc) =	sbr.abs _section_cstart, $3  }
0xc0: {  	[dreg:$0x1] =	wrdreg $0xFFFFFFFF  }
0xc1: {  	_ =	task.clear_ibuf [dreg:s6], $0x2FFFF;
	_ =	strace $0x9FFFFFFF  }
0xc2: {  	(tm) =	ssettm $0x7FFFFFFF  }
0xc3: {  	_ =	shalt  }
tec
execute0_lowered:
.L_overlay_start_1:
0x0: {  	(tag) =	ssettag $0x1  }
0x1: {  	s0 =	rddreg [dreg:$0x0]  }
0x2: {  	s2 =	rddreg [dreg:$0x1]  }
0x3: {  	s29 =	simm.s32 $0x0;
	s11 =	stileid.u32;
	s3 =	srdreg.scid  }
0x4: {  	s19 =	simm.s32 $0x5;
	s20 =	simm.s32 $0x80;
	s28 =	simm.s32 $0x1200  }
0x5: {  	[smem:$0x7FF] =	sst s29;
	s1 =	smul.u32 $0x30E00, s11;
	s3 =	sand.u32 $0x1, s3  }
0x6: {  	s4 =	sadd.s32 $0x310A00, s0;
	s5 =	sadd.s32 $0x4BE00, s0;
	s9 =	smul.u32 $0xFFFFFD00, s3  }
0x7: {  	s6 =	sadd.s32 $0x32E00, s0;
	s24 =	sshll.u32 s11, $0x6;
	s10 =	smul.u32 $0xE00, s3  }
0x8: {  	s31 =	sshll.u32 s11, $0x4;
	_ =	strace $0x8000004D;
	s15 =	smul.u32 $0xC38000, s3  }
0x9: {  	s8 =	ssub.s32 $0x2, s3;
	s3 =	smul.u32 $0xE000, s3;
	s7 =	sshrl.u32 s1, $0x4  }
0xa: {  	s21 =	sshrl.u32 s8, $0x1;
	s23 =	sshrl.u32 s1, $0x1;
	s7 =	sadd.s32 s7, s0  }
0xb: {  	s0 =	sadd.s32 $0x61E200, s0;
	s22 =	sadd.s32 $0xE00, s9;
	s10 =	sor.u32 s11, s10  }
0xc: {  	s16 =	sadd.s32 s23, s2;
	s15 =	sadd.s32 s15, s1;
	s17 =	sor.u32 s31, s3  }
0xd: {  	s23 =	simm.s32 $0x100;
	[dreg:$0x5] =	wrdreg s0;
	s0 =	ssub.s32 s8, s21  }
0xe: {  	s8 =	sshrl.u32 s22, $0x5;
	s7 =	sadd.s32 $0x159200, s7;
	s12 =	sshll.u32 s10, $0x4  }
0xf: {  	s10 =	sor.u32 $0x1C05, s24;
	s18 =	sshrl.u32 s16, $0x3;
	s21 =	simm.s32 $0x1  }
0x10: {  	s22 =	simm.s32 $0x200;
	s24 =	simm.s32 $0x180;
	[dreg:$0x6] =	wrdreg s7  }
0x11: {  	s25 =	sadd.s32 s5, s12;
	s26 =	sor.u32 $0x100, s12;
	s12 =	sadd.s32 s6, s12  }
0x12: {  	s30 =	sadd.s32 $0xFFFFFFFF, s8;
	s0 =	smax.u32 s0, $0x1;
	[dreg:$0x7] =	wrdreg s25  }
0x13: {  	s13 =	sadd.s32 s5, s26;
	s14 =	sadd.s32 s6, s26;
	[dreg:$0x3] =	wrdreg s30  }
0x14: {  	[dreg:$0x8] =	wrdreg s0;
	s25 =	simm.s32 $0x2;
	s26 =	simm.s32 $0x3  }
.LBB2_1:
0x15: {  	[dreg:$0x4] =	wrdreg s29;
	s29 =	simm.s32 $0x0  }
.LBB2_2:
0x16: {  	s0 =	rddreg [dreg:$0x6]  }
0x17: {  	[spmem:s18], [sflag:s10] =	dma.local [hbm:s0], $0x30E0  }
0x18: {  	_ =	swait.ge [sflag:s19], $0x30E0  }
0x19: {  	[sflag:s19] =	ssyncset.done $0x0  }
0x1a: {  	[sflag:s19] =	ssyncadd.s32 $0xFFFFCF20  }
0x1b: {  	[bflag:$0x0] =	sbarrier.arrive $0xFFFF  }
0x1c: {  	s9 =	simm.s32 $0x0;
	s1 =	rddreg [dreg:$0x7]  }
0x1d: {  	[tilespmem:s9], [sflag:$0x1] =	stream.linear.gather [hbm4b:s1+s9], $0x80, $0x38;
	[tilespmem:$0x1A900] =	vst v63  }
0x1e: {  	_ = 	snop  }
0x1f: {  	[tilespmem:s20], [sflag:$0x1] =	stream.linear.gather [hbm4b:s12+s9], $0x80, $0x38;
	[tilespmem:$0x1A900] =	vst v63  }
0x20: {  	_ =	swait.ge [sflag:s21], $0x80  }
0x21: {  	[sflag:s21] =	ssyncset.done $0x0  }
0x22: {  	[sflag:s21] =	ssyncadd.s32 $0xFFFFFF80  }
0x23: {  	_ =	swait.ge [sflag:s21], $0x80  }
0x24: {  	[sflag:s21] =	ssyncset.done $0x0  }
0x25: {  	[sflag:s21] =	ssyncadd.s32 $0xFFFFFF80  }
0x26: {  	v0 =	vld [tilespmem:$0x0]  }
0x27: {  	v1 =	vld [tilespmem:$0x10]  }
0x28: {  	v2 =	vld [tilespmem:$0x20]  }
0x29: {  	s11 =	smul.u32 $0xC350, s29;
	v3 =	vld [tilespmem:$0x30]  }
0x2a: {  	v4 =	vld [tilespmem:$0x40]  }
0x2b: {  	v5 =	vld [tilespmem:$0x50];
	v0 =	vadd.s32 s11, v0  }
0x2c: {  	[tilespmem:$0x0] =	vst v0;
	v0 =	vadd.s32 s11, v1;
	v1 =	vld [tilespmem:$0x60]  }
0x2d: {  	[tilespmem:$0x10] =	vst v0;
	v0 =	vadd.s32 s11, v2;
	v2 =	vld [tilespmem:$0x70]  }
0x2e: {  	[tilespmem:$0x20] =	vst v0;
	v0 =	vadd.s32 s11, v3  }
0x2f: {  	[tilespmem:$0x30] =	vst v0;
	v0 =	vadd.s32 s11, v4  }
0x30: {  	[tilespmem:$0x40] =	vst v0;
	v0 =	vadd.s32 s11, v5  }
0x31: {  	[tilespmem:$0x50] =	vst v0;
	v0 =	vadd.s32 s11, v1  }
0x32: {  	[tilespmem:$0x60] =	vst v0;
	v0 =	vadd.s32 s11, v2  }
0x33: {  	[tilespmem:$0x70] =	vst v0  }
0x34: {  	[tilespmem:s22], [sflag:$0x3] =	stream.indirect.gather [hbm4b:s4+s20], $0x20, s9, s20, $0xb8;
	[tilespmem:$0x1A900] =	vst v63  }
0x35: {  	_ = 	snop  }
0x36: {  	[tilespmem:s23], [sflag:$0x2] =	stream.linear.gather [hbm4b:s13+s9], $0x80, $0x38;
	[tilespmem:$0x1A900] =	vst v63  }
0x37: {  	_ = 	snop  }
0x38: {  	[tilespmem:s24], [sflag:$0x2] =	stream.linear.gather [hbm4b:s14+s9], $0x80, $0x38;
	[tilespmem:$0x1A900] =	vst v63  }
0x39: {  	s16 =	rddreg [dreg:$0x3];
	_ =	swait.ge [sflag:s25], $0x80  }
0x3a: {  	[sflag:s25] =	ssyncset.done $0x0  }
0x3b: {  	[sflag:s25] =	ssyncadd.s32 $0xFFFFFF80  }
0x3c: {  	_ =	swait.ge [sflag:s25], $0x80  }
0x3d: {  	[sflag:s25] =	ssyncset.done $0x0  }
0x3e: {  	[sflag:s25] =	ssyncadd.s32 $0xFFFFFF80  }
0x3f: {  	v1 =	vld [tilespmem:$0x120]  }
0x40: {  	v3 =	vld [tilespmem:$0x100]  }
0x41: {  	v2 =	vld [tilespmem:$0x150]  }
0x42: {  	v63 =	vld [tilespmem:$0x110]  }
0x43: {  	v0 =	vmov s11;
	v62 =	vld [tilespmem:$0x130]  }
0x44: {  	v7 =	vld [tilespmem:$0x140];
	v1 =	vadd.s32 v0, v1  }
0x45: {  	v6 =	vld [tilespmem:$0x170];
	v3 =	vadd.s32 v0, v3;
	[tilespmem:$0x120] =	vst v1  }
0x46: {  	v1 =	vadd.s32 v0, v2;
	v2 =	vld [tilespmem:$0x160];
	[tilespmem:$0x100] =	vst v3  }
0x47: {  	v3 =	vadd.s32 v0, v63;
	[tilespmem:$0x150] =	vst v1  }
0x48: {  	v1 =	vadd.s32 v0, v62;
	[tilespmem:$0x110] =	vst v3  }
0x49: {  	v3 =	vadd.s32 v0, v7;
	[tilespmem:$0x130] =	vst v1  }
0x4a: {  	v1 =	vadd.s32 v0, v6;
	[tilespmem:$0x140] =	vst v3  }
0x4b: {  	[tilespmem:$0x170] =	vst v1;
	v1 =	vadd.s32 v0, v2  }
0x4c: {  	[tilespmem:$0x160] =	vst v1  }
0x4d: {  	_ =	swait.ge [sflag:s26], $0x1000  }
0x4e: {  	[sflag:s26] =	ssyncset.done $0x0  }
0x4f: {  	[sflag:s26] =	ssyncadd.s32 $0xFFFFF000  }
0x50: {  	[tilespmem:s28], [sflag:$0x4] =	stream.indirect.gather [hbm4b:s4+s20], $0x20, s23, s20, $0xb8;
	[tilespmem:$0x1A900] =	vst v63  }
0x51: {  	_ = 	snop  }
0x52: {  	[spmem:s2] =	stream.indirect.scatter.add.bf16 [tilespmem:s22], [sflag:$0x5], $0x20, s20, s20, $0xb8;
	[tilespmem:$0x1A900] =	vst v63  }
0x53: {  	_ =	swait.ge [sflag:s19], $0x1000  }
0x54: {  	p1 =	sle.u32 s16, $0x0;
	[sflag:s19] =	ssyncset.done $0x0  }
0x55: {  	s0 =	simm.s32 @p1 $0x4;
	[sflag:s19] =	ssyncadd.s32 $0xFFFFF000  }
0x56: {  	s1 =	sadd.s32 @!p1 $0x200, s17;
	_ =	swait.ge @p1 [sflag:s0], $0x1000  }
0x57: {  	s1 =	sand.u32 @!p1 $0x1FFFFEF0, s1;
	[sflag:s0] =	ssyncset.done @p1 $0x0  }
0x58: {  	s3 =	sadd.s32 @!p1 s5, s1;
	[sflag:s0] =	ssyncadd.s32 @p1 $0xFFFFF000;
	s0 =	simm.s32 @!p1 $0x0  }
0x59: {  	[tilespmem:s0], [sflag:$0x1] =	stream.linear.gather @!p1 [hbm4b:s3+s0], $0x80, $0x38;
	[tilespmem:$0x1A900] =	vst v63  }
0x5a: {  	s16 =	simm.s32 @!p1 $0x80;
	s31 =	simm.s32 @!p1 $0x1;
	s1 =	sadd.s32 @!p1 s6, s1  }
0x5b: {  	[tilespmem:s16], [sflag:$0x1] =	stream.linear.gather @!p1 [hbm4b:s1+s0], $0x80, $0x38;
	[tilespmem:$0x1A900] =	vst v63  }
0x5c: {  	p0 =	sne.s32 s8, $0x1;
	_ =	swait.ge @!p1 [sflag:s31], $0x80  }
.Ltmp0:
0x5d: {  	[sflag:s31] =	ssyncset.done @!p1 $0x0;
	(pc) =	sbr.rel @!p0 .LBB2_4-.Ltmp0, $4  }
0x5e: {  	s1 =	sadd.s32 @!p1 $0x300, s17;
	[sflag:s31] =	ssyncadd.s32 @!p1 $0xFFFFFF80  }
0x5f: {  	s1 =	sand.u32 @!p1 $0x1FFFFFF0, s1;
	_ =	swait.ge @!p1 [sflag:s31], $0x80  }
0x60: {  	s30 =	simm.s32 $0x1;
	s3 =	sadd.s32 @!p1 s5, s1;
	[sflag:s31] =	ssyncset.done @!p1 $0x0  }
0x61: {  	s7 =	sadd.s32 @!p1 s6, s1;
	[sflag:s31] =	ssyncadd.s32 @!p1 $0xFFFFFF80;
	s31 =	smov.u32 s17  }
.LBB2_3:
0x62: {  	v1 =	vld @!p1 [tilespmem:$0x70]  }
0x63: {  	v2 =	vld @!p1 [tilespmem:$0x60]  }
0x64: {  	v3 =	vld @!p1 [tilespmem:$0x50]  }
0x65: {  	v4 =	vld @!p1 [tilespmem:$0x40]  }
0x66: {  	v5 =	vld @!p1 [tilespmem:$0x30]  }
0x67: {  	v6 =	vld @!p1 [tilespmem:$0x20];
	v1 =	vadd.s32 @!p1 v0, v1  }
0x68: {  	v7 =	vld @!p1 [tilespmem:$0x10];
	v2 =	vadd.s32 @!p1 v0, v2;
	[tilespmem:$0x70] =	vst @!p1 v1  }
0x69: {  	v3 =	vadd.s32 @!p1 v0, v3;
	v1 =	vld @!p1 [tilespmem:$0x0];
	[tilespmem:$0x60] =	vst @!p1 v2  }
0x6a: {  	v2 =	vadd.s32 @!p1 v0, v4;
	[tilespmem:$0x50] =	vst @!p1 v3  }
0x6b: {  	v3 =	vadd.s32 @!p1 v0, v5;
	[tilespmem:$0x40] =	vst @!p1 v2  }
0x6c: {  	v2 =	vadd.s32 @!p1 v0, v6;
	[tilespmem:$0x30] =	vst @!p1 v3  }
0x6d: {  	v3 =	vadd.s32 @!p1 v0, v7;
	[tilespmem:$0x20] =	vst @!p1 v2  }
0x6e: {  	[tilespmem:$0x10] =	vst @!p1 v3;
	v1 =	vadd.s32 @!p1 v0, v1  }
0x6f: {  	s9 =	simm.s32 @!p1 $0x4;
	[tilespmem:$0x0] =	vst @!p1 v1  }
0x70: {  	_ =	swait.ge @!p1 [sflag:s9], $0x1000  }
0x71: {  	[sflag:s9] =	ssyncset.done @!p1 $0x0  }
0x72: {  	[sflag:s9] =	ssyncadd.s32 @!p1 $0xFFFFF000;
	s9 =	simm.s32 @!p1 $0x200  }
0x73: {  	[tilespmem:s9], [sflag:$0x3] =	stream.indirect.gather @!p1 [hbm4b:s4+s16], $0x20, s0, s16, $0xb8;
	[tilespmem:$0x1A900] =	vst v63  }
0x74: {  	s9 =	simm.s32 @!p1 $0x100  }
0x75: {  	[tilespmem:s9], [sflag:$0x2] =	stream.linear.gather @!p1 [hbm4b:s3+s0], $0x80, $0x38;
	[tilespmem:$0x1A900] =	vst v63  }
0x76: {  	s3 =	simm.s32 @!p1 $0x180  }
0x77: {  	[tilespmem:s3], [sflag:$0x2] =	stream.linear.gather @!p1 [hbm4b:s7+s0], $0x80, $0x38;
	[tilespmem:$0x1A900] =	vst v63  }
0x78: {  	_ = 	snop  }
0x79: {  	[spmem:s2] =	stream.indirect.scatter.add.bf16 [tilespmem:s28], [sflag:$0x5], $0x20, s24, s20, $0xb8;
	[tilespmem:$0x1A900] =	vst v63  }
0x7a: {  	_ =	swait.ge [sflag:s19], $0x1000  }
0x7b: {  	[sflag:s19] =	ssyncset.done $0x0  }
0x7c: {  	[sflag:s19] =	ssyncadd.s32 $0xFFFFF000  }
0x7d: {  	s16 =	rddreg [dreg:$0x3];
	_ =	swait.ge [sflag:s25], $0x80  }
0x7e: {  	[sflag:s25] =	ssyncset.done $0x0  }
0x7f: {  	[sflag:s25] =	ssyncadd.s32 $0xFFFFFF80  }
0x80: {  	_ =	swait.ge [sflag:s25], $0x80  }
0x81: {  	[sflag:s25] =	ssyncset.done $0x0  }
0x82: {  	[sflag:s25] =	ssyncadd.s32 $0xFFFFFF80  }
0x83: {  	v2 =	vld [tilespmem:$0x120]  }
0x84: {  	v59 =	vld [tilespmem:$0x150]  }
0x85: {  	v60 =	vld [tilespmem:$0x100]  }
0x86: {  	v1 =	vld [tilespmem:$0x130]  }
0x87: {  	v61 =	vld [tilespmem:$0x110]  }
0x88: {  	v3 =	vld [tilespmem:$0x160];
	v2 =	vadd.s32 v0, v2  }
0x89: {  	v62 =	vld [tilespmem:$0x140];
	v4 =	vadd.s32 v0, v59;
	[tilespmem:$0x120] =	vst v2  }
0x8a: {  	v5 =	vadd.s32 v0, v60;
	v2 =	vld [tilespmem:$0x170];
	[tilespmem:$0x150] =	vst v4  }
0x8b: {  	v1 =	vadd.s32 v0, v1;
	[tilespmem:$0x100] =	vst v5  }
0x8c: {  	v63 =	vadd.s32 v0, v61;
	[tilespmem:$0x130] =	vst v1  }
0x8d: {  	v3 =	vadd.s32 v0, v3;
	[tilespmem:$0x110] =	vst v63  }
0x8e: {  	v1 =	vadd.s32 v0, v62;
	[tilespmem:$0x160] =	vst v3  }
0x8f: {  	[tilespmem:$0x140] =	vst v1;
	v2 =	vadd.s32 v0, v2  }
0x90: {  	[tilespmem:$0x170] =	vst v2  }
0x91: {  	_ =	swait.ge [sflag:s26], $0x1000  }
0x92: {  	[sflag:s26] =	ssyncset.done $0x0  }
0x93: {  	[sflag:s26] =	ssyncadd.s32 $0xFFFFF000  }
0x94: {  	[tilespmem:s28], [sflag:$0x4] =	stream.indirect.gather [hbm4b:s4+s20], $0x20, s23, s20, $0xb8;
	[tilespmem:$0x1A900] =	vst v63  }
0x95: {  	_ = 	snop  }
0x96: {  	[spmem:s2] =	stream.indirect.scatter.add.bf16 [tilespmem:s22], [sflag:$0x5], $0x20, s20, s20, $0xb8;
	[tilespmem:$0x1A900] =	vst v63  }
0x97: {  	s1 =	smov.u32 s30;
	_ =	swait.ge [sflag:s19], $0x1000  }
0x98: {  	p1 =	sge.u32 s1, s16;
	[sflag:s19] =	ssyncset.done $0x0  }
0x99: {  	s31 =	sadd.s32 $0x200, s31;
	s0 =	simm.s32 @p1 $0x4;
	[sflag:s19] =	ssyncadd.s32 $0xFFFFF000  }
0x9a: {  	s1 =	sadd.s32 @!p1 $0x200, s31;
	_ =	swait.ge @p1 [sflag:s0], $0x1000  }
0x9b: {  	s30 =	sadd.s32 $0x1, s30;
	s1 =	sand.u32 @!p1 $0x1FFFFEF0, s1;
	[sflag:s0] =	ssyncset.done @p1 $0x0  }
0x9c: {  	s7 =	sadd.s32 @!p1 s5, s1;
	[sflag:s0] =	ssyncadd.s32 @p1 $0xFFFFF000;
	s0 =	simm.s32 @!p1 $0x0  }
0x9d: {  	[tilespmem:s0], [sflag:$0x1] =	stream.linear.gather @!p1 [hbm4b:s7+s0], $0x80, $0x38;
	[tilespmem:$0x1A900] =	vst v63  }
0x9e: {  	s16 =	simm.s32 @!p1 $0x80;
	s11 =	simm.s32 @!p1 $0x1;
	s1 =	sadd.s32 @!p1 s6, s1  }
0x9f: {  	[tilespmem:s16], [sflag:$0x1] =	stream.linear.gather @!p1 [hbm4b:s1+s0], $0x80, $0x38;
	[tilespmem:$0x1A900] =	vst v63  }
0xa0: {  	p0 =	sne.s32 s8, s30;
	_ =	swait.ge @!p1 [sflag:s11], $0x80  }
.Ltmp1:
0xa1: {  	[sflag:s11] =	ssyncset.done @!p1 $0x0;
	(pc) =	sbr.rel @p0 .LBB2_3-.Ltmp1, $4  }
0xa2: {  	[sflag:s11] =	ssyncadd.s32 @!p1 $0xFFFFFF80  }
0xa3: {  	s3 =	sadd.s32 @!p1 $0x300, s31;
	_ =	swait.ge @!p1 [sflag:s11], $0x80  }
0xa4: {  	s9 =	sand.u32 @!p1 $0x1FFFFFF0, s3;
	[sflag:s11] =	ssyncset.done @!p1 $0x0  }
0xa5: {  	s3 =	sadd.s32 @!p1 s5, s9;
	s7 =	sadd.s32 @!p1 s6, s9;
	[sflag:s11] =	ssyncadd.s32 @!p1 $0xFFFFFF80  }
.LBB2_4:
0xa6: {  	v1 =	vld @!p1 [tilespmem:$0x70]  }
0xa7: {  	v2 =	vld @!p1 [tilespmem:$0x60]  }
0xa8: {  	v3 =	vld @!p1 [tilespmem:$0x50]  }
0xa9: {  	v4 =	vld @!p1 [tilespmem:$0x40]  }
0xaa: {  	v5 =	vld @!p1 [tilespmem:$0x30]  }
0xab: {  	v6 =	vld @!p1 [tilespmem:$0x20];
	v1 =	vadd.s32 @!p1 v0, v1  }
0xac: {  	v7 =	vld @!p1 [tilespmem:$0x10];
	v2 =	vadd.s32 @!p1 v0, v2;
	[tilespmem:$0x70] =	vst @!p1 v1  }
0xad: {  	v3 =	vadd.s32 @!p1 v0, v3;
	v1 =	vld @!p1 [tilespmem:$0x0];
	[tilespmem:$0x60] =	vst @!p1 v2  }
0xae: {  	v2 =	vadd.s32 @!p1 v0, v4;
	[tilespmem:$0x50] =	vst @!p1 v3  }
0xaf: {  	v3 =	vadd.s32 @!p1 v0, v5;
	[tilespmem:$0x40] =	vst @!p1 v2  }
0xb0: {  	v2 =	vadd.s32 @!p1 v0, v6;
	[tilespmem:$0x30] =	vst @!p1 v3  }
0xb1: {  	v3 =	vadd.s32 @!p1 v0, v7;
	[tilespmem:$0x20] =	vst @!p1 v2  }
0xb2: {  	[tilespmem:$0x10] =	vst @!p1 v3;
	v0 =	vadd.s32 @!p1 v0, v1  }
0xb3: {  	s1 =	simm.s32 @!p1 $0x4;
	[tilespmem:$0x0] =	vst @!p1 v0  }
0xb4: {  	_ =	swait.ge @!p1 [sflag:s1], $0x1000  }
0xb5: {  	[sflag:s1] =	ssyncset.done @!p1 $0x0  }
0xb6: {  	[sflag:s1] =	ssyncadd.s32 @!p1 $0xFFFFF000;
	s1 =	simm.s32 @!p1 $0x200  }
0xb7: {  	[tilespmem:s1], [sflag:$0x3] =	stream.indirect.gather @!p1 [hbm4b:s4+s16], $0x20, s0, s16, $0xb8;
	[tilespmem:$0x1A900] =	vst v63  }
0xb8: {  	s1 =	simm.s32 @!p1 $0x100  }
0xb9: {  	[tilespmem:s1], [sflag:$0x2] =	stream.linear.gather @!p1 [hbm4b:s3+s0], $0x80, $0x38;
	[tilespmem:$0x1A900] =	vst v63  }
0xba: {  	s1 =	simm.s32 @!p1 $0x180  }
0xbb: {  	[tilespmem:s1], [sflag:$0x2] =	stream.linear.gather @!p1 [hbm4b:s7+s0], $0x80, $0x38;
	[tilespmem:$0x1A900] =	vst v63  }
0xbc: {  	_ = 	snop  }
0xbd: {  	[spmem:s2] =	stream.indirect.scatter.add.bf16 [tilespmem:s28], [sflag:$0x5], $0x20, s24, s20, $0xb8;
	[tilespmem:$0x1A900] =	vst v63  }
0xbe: {  	_ =	swait.ge [sflag:s19], $0x1000  }
0xbf: {  	s30 =	smul.u32 $0x30E000, s29;
	[sflag:s19] =	ssyncset.done $0x0  }
0xc0: {  	[sflag:s19] =	ssyncadd.s32 $0xFFFFF000  }
0xc1: {  	s29 =	sadd.s32 $0x1, s29;
	s0 =	sadd.s32 s30, s15;
	[bflag:$0x0] =	sbarrier.arrive $0xFFFF  }
0xc2: {  	p0 =	sne.s32 s29, $0x4;
	s0 =	sshrl.u32 s0, $0x4;
	s31 =	rddreg [dreg:$0x5]  }
.Ltmp2:
0xc3: {  	s0 =	sadd.s32 s31, s0;
	(pc) =	sbr.rel @p0 .LBB2_2-.Ltmp2, $4  }
0xc4: {  	[hbm:s0], [sflag:s10] =	dma.local [spmem:s18], $0x30E0  }
0xc5: {  	_ =	swait.ge [sflag:s19], $0x30E0  }
0xc6: {  	[sflag:s19] =	ssyncset.done $0x0  }
0xc7: {  	[sflag:s19] =	ssyncadd.s32 $0xFFFFCF20  }
0xc8: {  	s29 =	rddreg [dreg:$0x4]  }
0xc9: {  	s0 =	rddreg [dreg:$0x8];
	s29 =	sadd.s32 $0x1, s29  }
0xca: {  	p0 =	sne.s32 s29, s0  }
.Ltmp3:
0xcb: {  	_ = 	snop;
	(pc) =	sbr.rel @p0 .LBB2_1-.Ltmp3, $1  }
0xcc: {  	_ =	sdelay $0x3  }
0xcd: {  	_ =	sfence.sel $0x180000  }
0xce: {  	[bflag:$0x0] =	sbarrier.arrive $0xFFFF  }
0xcf: {  	_ =	strace $0x9000004D  }
0xd0: {  	s0 =	stileid.u32;
	[bflag:$0x2] =	sbarrier.arrive $0xFFFF  }
0xd1: {  	p0 =	sne.s32 s0, $0x0;
	s0 =	rddreg [dreg:$0x2]  }
0xd2: {  	s0 =	sadd.s32 @!p0 $0x100000, s0  }
0xd3: {  	[sflag:s0] =	ssyncadd.tile.s32 @!p0 $0x1;
	_ =	shalt  }
.Lfunc_end2:
_tile_overlayer_lowered:
.L_overlay_start_2:
0xd4: {  	(tag) =	ssettag $0x2  }
0xd5: {  	s0 =	rddreg [dreg:$0x0];
	s2 =	stileid.u32  }
0xd6: {  	s1 =	rddreg [dreg:$0x1];
	p0 =	sne.s32 s2, $0x0  }
0xd7: {  	s3 =	rddreg [dreg:$0x2];
	[bflag:$0x3] =	sbarrier.arrive $0xFFFF;
	s2 =	simm.s32 @!p0 $0x1C05  }
0xd8: {  	[timem:s3], [sflag:s2] =	dma.local @!p0 [hbm:s0], s1  }
0xd9: {  	s0 =	simm.s32 @!p0 $0x5  }
0xda: {  	_ =	swait.ge @!p0 [sflag:s0], s1  }
0xdb: {  	s1 =	ssub.s32 @!p0 $0x0, s1;
	[sflag:s0] =	ssyncset.done @!p0 $0x0  }
0xdc: {  	[sflag:s0] =	ssyncadd.s32 @!p0 s1  }
0xdd: {  	[bflag:$0x3] =	sbarrier.arrive $0xFFFF  }
0xde: {  	_ =	shalt  }

// kernel: kernel.8.cloned.1.call-start
scs
__scs_entry_jumppad:
0x0: {  	(pc) =	sbr.rel $0x88, $3  }
0x1: {  	(tag) =	ssettag $0x0;
	lr =	simm.s32 $0x1  }
0x2: {  	[smem:$0x3F95] =	sst lr;
	_ =	strace $0xD0000000  }
0x3: {  	_ = 	snop  }
0x4: {  	_ = 	snop  }
0x5: {  	_ = 	snop  }
0x6: {  	_ = 	snop  }
0x7: {  	_ = 	snop  }
__scs_overlays_trampoline_lowered:
0x8: {  	[smem:$0x3FA4] =	sst s0  }
0x9: {  	[smem:$0x3FA5] =	sst s1  }
0xa: {  	[smem:$0x3FA6] =	sst s2  }
0xb: {  	[smem:$0x3FA7] =	sst s3  }
0xc: {  	[smem:$0x3FA8] =	sst s4  }
0xd: {  	[smem:$0x3FA9] =	sst s5  }
0xe: {  	[smem:$0x3FAA] =	sst s6  }
0xf: {  	[smem:$0x3FAB] =	sst s7  }
0x10: {  	[smem:$0x3FAC] =	sst s8  }
0x11: {  	[smem:$0x3FAD] =	sst s9;
	s0 =	simm.s32 @!p0 $0x0  }
0x12: {  	s1 =	sld [smem:$0x3F93];
	s0 =	simm.s32 @p0 $0x1  }
0x13: {  	[smem:$0x3FAE] =	sst s0;
	s0 =	simm.s32 @!p1 $0x0  }
0x14: {  	s2 =	sld [smem:$0x3F92];
	s0 =	simm.s32 @p1 $0x1  }
0x15: {  	[smem:$0x3FAF] =	sst s0;
	s0 =	simm.s32 @!p2 $0x0  }
0x16: {  	s3 =	sld [smem:$0x3FDB];
	s0 =	simm.s32 @p2 $0x1  }
0x17: {  	s4 =	simm.s32 $0x1BF5;
	[smem:$0x3FB1] =	sst s0  }
0x18: {  	s0 =	sld [smem:$0x3F94];
	_ =	swait.ge [sflag:s4], $0x0  }
0x19: {  	s7 =	sld [smem:$0x3F95]  }
0x1a: {  	s8 =	sadd.s32 $0xFFFFE003, lr  }
0x1b: {  	s9 =	sadd.s32 $0xFFFFFEF7, lr;
	s5 =	simm.s32 $0xFFFFFFFF;
	p2 =	slt.u32 s8, $0xFFFFF086  }
0x1c: {  	p1 =	slt.u32 s9, $0xF7A;
	s5 =	simm.s32 @!p2 $0x0  }
0x1d: {  	s5 =	simm.s32 @p1 $0x1;
	p0 =	seq.s32 s7, s2  }
0x1e: {  	s7 =	smul.u32 @!p0 $0xF7A, s2;
	p2 =	seq.s32 @!p0 s5, $0x0  }
0x1f: {  	s9 =	smul.u32 $0xF7A, s1;
	s8 =	simm.s32 @!p0 $0x1BF5;
	p2 =	por !p2, p0  }
0x20: {  	[sflag:s8] =	ssyncset.s32 @!p0 $0xFFFFF086;
	s6 =	sadd.s32 @!p0 s3, s7;
	s7 =	simm.s32 @!p0 $0x108  }
0x21: {  	s3 =	sadd.s32 s3, s9;
	s6 =	sadd.s32 @!p0 $0x88, s6;
	s7 =	simm.s32 @p2 $0x1082  }
0x22: {  	[simem:s7], [sflag:s8] =	dma.local @!p0 [hbm:s6], $0xF7A  }
0x23: {  	s9 =	sor.u32 $0xD0000000, s2;
	s6 =	simm.s32 $0x108;
	_ =	swait.ge @!p0 [sflag:s8], $0x0  }
0x24: {  	s3 =	sadd.s32 $0x88, s3;
	s6 =	simm.s32 @!p1 $0x1082;
	[sflag:s4] =	ssyncset.s32 $0xFFFFF086  }
0x25: {  	[simem:s6], [sflag:s4] =	dma.local [hbm:s3], $0xF7A  }
0x26: {  	[smem:$0x3F95] =	sst s1;
	(tag) =	ssettag s2;
	_ =	strace s9  }
0x27: {  	s1 =	sld [smem:$0x3FA5]  }
0x28: {  	s2 =	sld [smem:$0x3FA6]  }
0x29: {  	s4 =	sld [smem:$0x3FA8]  }
0x2a: {  	p0 =	seq.s32 s5, $0x0;
	s5 =	sld [smem:$0x3FA9]  }
0x2b: {  	s6 =	sld [smem:$0x3FAA]  }
0x2c: {  	s7 =	sld [smem:$0x3FAB]  }
0x2d: {  	s3 =	simm.s32 $0x108;
	s8 =	sld [smem:$0x3FAC]  }
0x2e: {  	s3 =	simm.s32 @!p0 $0x1082;
	s9 =	sld [smem:$0x3FAD]  }
0x2f: {  	lr =	sadd.s32 s0, s3;
	s0 =	sld [smem:$0x3FA4]  }
0x30: {  	s3 =	sld [smem:$0x3FA7]  }
0x31: {  	[smem:$0x3FB0] =	sst s10  }
0x32: {  	s10 =	sld [smem:$0x3FAE];
	_ =	sdelay $0x3  }
0x33: {  	p0 =	seq.s32 s10, $0x1;
	s10 =	sld [smem:$0x3FB0];
	_ =	sdelay $0x3  }
0x34: {  	[smem:$0x3FB0] =	sst s10  }
0x35: {  	s10 =	sld [smem:$0x3FAF];
	_ =	sdelay $0x3  }
0x36: {  	p1 =	seq.s32 s10, $0x1;
	s10 =	sld [smem:$0x3FB0];
	_ =	sdelay $0x3  }
0x37: {  	[smem:$0x3FB0] =	sst s10  }
0x38: {  	s10 =	sld [smem:$0x3FB1]  }
0x39: {  	_ = 	snop;
	(pc) =	sbr.ind lr, $3  }
0x3a: {  	_ = 	snop  }
0x3b: {  	_ = 	snop  }
0x3c: {  	p2 =	seq.s32 s10, $0x1;
	s10 =	sld [smem:$0x3FB0]  }
0x3d: {  	_ =	shalt  }
0x3e: {  	_ =	shalt  }
0x3f: {  	_ =	shalt  }
0x40: {  	_ =	shalt  }
0x41: {  	_ =	shalt  }
0x42: {  	_ =	shalt  }
0x43: {  	_ =	shalt  }
0x44: {  	_ =	shalt  }
0x45: {  	_ =	shalt  }
0x46: {  	_ =	shalt  }
0x47: {  	_ =	shalt  }
0x48: {  	_ =	shalt  }
0x49: {  	_ =	shalt  }
0x4a: {  	_ =	shalt  }
0x4b: {  	_ =	shalt  }
0x4c: {  	_ =	shalt  }
0x4d: {  	_ =	shalt  }
0x4e: {  	_ =	shalt  }
0x4f: {  	_ =	shalt  }
0x50: {  	_ =	shalt  }
0x51: {  	_ =	shalt  }
0x52: {  	_ =	shalt  }
0x53: {  	_ =	shalt  }
0x54: {  	_ =	shalt  }
0x55: {  	_ =	shalt  }
0x56: {  	_ =	shalt  }
0x57: {  	_ =	shalt  }
0x58: {  	_ =	shalt  }
0x59: {  	_ =	shalt  }
0x5a: {  	_ =	shalt  }
0x5b: {  	_ =	shalt  }
0x5c: {  	_ =	shalt  }
0x5d: {  	_ =	shalt  }
0x5e: {  	_ =	shalt  }
0x5f: {  	_ =	shalt  }
0x60: {  	_ =	shalt  }
0x61: {  	_ =	shalt  }
0x62: {  	_ =	shalt  }
0x63: {  	_ =	shalt  }
0x64: {  	_ =	shalt  }
0x65: {  	_ =	shalt  }
0x66: {  	_ =	shalt  }
0x67: {  	_ =	shalt  }
0x68: {  	_ =	shalt  }
0x69: {  	_ =	shalt  }
0x6a: {  	_ =	shalt  }
0x6b: {  	_ =	shalt  }
0x6c: {  	_ =	shalt  }
0x6d: {  	_ =	shalt  }
0x6e: {  	_ =	shalt  }
0x6f: {  	_ =	shalt  }
0x70: {  	_ =	shalt  }
0x71: {  	_ =	shalt  }
0x72: {  	_ =	shalt  }
0x73: {  	_ =	shalt  }
0x74: {  	_ =	shalt  }
0x75: {  	_ =	shalt  }
0x76: {  	_ =	shalt  }
0x77: {  	_ =	shalt  }
0x78: {  	_ =	shalt  }
0x79: {  	_ =	shalt  }
0x7a: {  	_ =	shalt  }
0x7b: {  	_ =	shalt  }
0x7c: {  	_ =	shalt  }
0x7d: {  	_ =	shalt  }
0x7e: {  	_ =	shalt  }
0x7f: {  	_ =	shalt  }
0x80: {  	_ =	shalt  }
0x81: {  	_ =	shalt  }
0x82: {  	_ =	shalt  }
0x83: {  	_ =	shalt  }
0x84: {  	_ =	shalt  }
0x85: {  	_ =	shalt  }
0x86: {  	_ =	shalt  }
0x87: {  	_ =	shalt  }
.Lfunc_end0:
.L_simem_size_0:
called_computation_lowered:
.L_overlay_start_0:
0x88: {  	s2 =	sld [smem:$0x3FD9]  }
0x89: {  	s3 =	sld [smem:$0x3FFE];
	_ =	sdelay $0x1  }
0x8a: {  	s1 =	srdreg.scid  }
0x8b: {  	s0 =	sand.u32 $0x1, s1  }
0x8c: {  	s16 =	sshll.u32 s0, $0xA;
	s2 =	sadd.s32 s3, s2  }
0x8d: {  	s2 =	sadd.s32 s2, s16  }
0x8e: {  	[smem:$0x3FBC] =	sst s2  }
0x8f: {  	_ = 	snop  }
0x90: {  	(tm) =	ssettm $0x1  }
0x91: {  	s17 =	sld [smem:$0x3FFB];
	_ =	sdelay $0x3  }
0x92: {  	_ =	strace s17  }
0x93: {  	s2 =	sld [smem:$0x3FFC];
	_ =	sdelay $0x3  }
0x94: {  	_ =	strace s2  }
0x95: {  	s2 =	sld [smem:$0x3FFD];
	_ =	sdelay $0x3  }
0x96: {  	_ =	strace s2  }
0x97: {  	_ =	strace $0x8FFFFFFF  }
0x98: {  	s18 =	sld [smem:$0x3FDB];
	_ =	sdelay $0x1  }
0x99: {  	s19 =	simm.s32 $_scs_section_size  }
0x9a: {  	s4 =	simm.s32 $_size__tile_overlayer_lowered;
	s5 =	simm.s32 $_tile_overlayer_lowered  }
0x9b: {  	s22 =	simm.s32 $0x1BFF;
	s21 =	sshll.u32 s5, $0x1;
	s2 =	sadd.s32 s19, s18  }
0x9c: {  	s6 =	simm.s32 $0x0;
	s20 =	sshll.u32 s4, $0x1;
	s4 =	sadd.s32 s21, s2  }
0x9d: {  	[timem:s6], [sflag:s22] =	dma.local [hbm:s4], s20  }
0x9e: {  	_ =	swait.ge [sflag:s22], s20  }
0x9f: {  	s3 =	ssub.s32 $0x0, s20;
	[sflag:s22] =	ssyncset.done $0x0  }
0xa0: {  	[sflag:s22] =	ssyncadd.s32 s3;
	_ =	sdelay $0x1  }
0xa1: {  	s23 =	simm.s32 $0x1B8B  }
0xa2: {  	_ =	swait.ge [sflag:s23], $0x1  }
0xa3: {  	[sflag:s23] =	ssyncset.done $0x0  }
0xa4: {  	s25 =	simm.s32 $0x1B8E;
	s24 =	sld [smem:$0x3FFE];
	[sflag:s23] =	ssyncadd.s32 $0xFFFFFFFF  }
0xa5: {  	s26 =	simm.s32 $execute0_lowered;
	[smem:$0x3FD2] =	sst s25  }
0xa6: {  	s4 =	sshll.u32 s26, $0x1;
	_ =	strace $0x80000046;
	[dreg:$0x1] =	wrdreg $0xFFFFFFFF  }
0xa7: {  	s28 =	simm.s32 $_size_execute0_lowered;
	s2 =	sadd.s32 s2, s4;
	[dreg:$0x0] =	wrdreg $0x0  }
0xa8: {  	s4 =	sshll.u32 s28, $0x1;
	[dreg:$0x2] =	wrdreg s2  }
0xa9: {  	[dreg:$0x3] =	wrdreg s4  }
0xaa: {  	[dreg:$0x4] =	wrdreg $0xC0  }
0xab: {  	_ =	task [dreg:s6], $0x5FFFF  }
0xac: {  	[dreg:$0x1] =	wrdreg $0xFFFFFFFF  }
0xad: {  	[dreg:$0x0] =	wrdreg $0x60  }
0xae: {  	[dreg:$0x2] =	wrdreg s24  }
0xaf: {  	[dreg:$0x3] =	wrdreg $0x12000  }
0xb0: {  	[dreg:$0x4] =	wrdreg $0x9  }
0xb1: {  	_ =	task.clear_ibuf [dreg:s6], $0x5FFFF;
	_ =	strace $0x90000046  }
0xb2: {  	s29 =	simm.s32 $0x9;
	_ =	strace $0x80000048  }
0xb3: {  	_ =	swait.ge [sflag:s29], $0x1  }
0xb4: {  	[sflag:s29] =	ssyncadd.s32 $0xFFFFFFFF  }
0xb5: {  	_ =	strace $0x90000048  }
0xb6: {  	_ =	sfence  }
0xb7: {  	s30 =	sld [smem:$0x0];
	_ =	sdelay $0x2  }
0xb8: {  	s31 =	sshll.u32 s1, $0xD;
	s1 =	sshrl.u32 s1, $0x2  }
0xb9: {  	s3 =	sand.u32 $0x4000, s31;
	s1 =	sadd.s32 s1, s30  }
0xba: {  	s0 =	sor.u32 s3, s0;
	s1 =	sshll.u32 s1, $0x11  }
0xbb: {  	s0 =	sor.u32 s1, s0  }
0xbc: {  	s0 =	sadd.s32 $0x8F2B, s0  }
0xbd: {  	[sflag:s0] =	ssyncadd.remote.s32 $0x1  }
0xbe: {  	_ =	sfence.sel $0xFFFF  }
0xbf: {  	[dreg:$0x0] =	wrdreg $0xFFFFFFFF;
	(pc) =	sbr.abs _section_cstart, $3  }
0xc0: {  	[dreg:$0x1] =	wrdreg $0xFFFFFFFF  }
0xc1: {  	_ =	task.clear_ibuf [dreg:s6], $0x2FFFF;
	_ =	strace $0x9FFFFFFF  }
0xc2: {  	(tm) =	ssettm $0x7FFFFFFF  }
0xc3: {  	_ =	shalt  }
tec
execute0_lowered:
.L_overlay_start_1:
0x0: {  	(tag) =	ssettag $0x1  }
0x1: {  	s0 =	rddreg [dreg:$0x0]  }
0x2: {  	s2 =	rddreg [dreg:$0x1]  }
0x3: {  	s19 =	stileid.u32;
	s1 =	srdreg.scid;
	s3 =	simm.s32 $0x0  }
0x4: {  	s28 =	simm.s32 $0xA00;
	s29 =	simm.s32 $0x4;
	s30 =	simm.s32 $0x0  }
0x5: {  	s7 =	smul.u32 $0x18700, s19;
	s1 =	sand.u32 $0x1, s1;
	[smem:$0x7FF] =	sst s3  }
0x6: {  	s4 =	sadd.s32 $0x1A600, s0;
	s5 =	sadd.s32 $0x4BE00, s0;
	s8 =	smul.u32 $0x187000, s1  }
0x7: {  	s6 =	sadd.s32 $0x32E00, s0;
	s21 =	sshll.u32 s19, $0x6;
	s10 =	smul.u32 $0xFFFFFD00, s1  }
0x8: {  	s31 =	sshll.u32 s19, $0x4;
	_ =	strace $0x80000047;
	s12 =	smul.u32 $0xE00, s1  }
0x9: {  	s20 =	ssub.s32 $0x2, s1;
	s17 =	smul.u32 $0xE000, s1;
	s9 =	sshrl.u32 s7, $0x4  }
0xa: {  	s11 =	sshrl.u32 s20, $0x1;
	s8 =	sadd.s32 s7, s8;
	s9 =	sadd.s32 s9, s0  }
0xb: {  	s10 =	sadd.s32 $0xE00, s10;
	s15 =	ssub.s32 s20, s11;
	s7 =	sshrl.u32 s7, $0x1  }
0xc: {  	s16 =	sor.u32 s19, s12;
	s17 =	sor.u32 s31, s17;
	s19 =	simm.s32 $0x5  }
0xd: {  	s20 =	simm.s32 $0x80;
	s8 =	sshrl.u32 s8, $0x4;
	s13 =	sshrl.u32 s10, $0x5  }
0xe: {  	s18 =	sadd.s32 s7, s2;
	s22 =	sadd.s32 $0x1E00, s9;
	s23 =	sshll.u32 s16, $0x4  }
0xf: {  	s15 =	smax.u32 s15, $0x1;
	s1 =	sor.u32 $0x30, s16;
	s0 =	sadd.s32 s8, s0  }
0x10: {  	[dreg:$0x3] =	wrdreg s22;
	s8 =	sor.u32 $0x1C05, s21;
	s24 =	sadd.s32 s5, s23  }
0x11: {  	s25 =	sadd.s32 s6, s23;
	s26 =	sor.u32 $0x100, s23;
	s13 =	sadd.s32 $0xFFFFFFFF, s13  }
0x12: {  	s18 =	sshrl.u32 s18, $0x3;
	s21 =	simm.s32 $0x1;
	[dreg:$0x4] =	wrdreg s24  }
0x13: {  	s22 =	simm.s32 $0x200;
	s23 =	simm.s32 $0x100;
	[dreg:$0x5] =	wrdreg s25  }
0x14: {  	s11 =	sadd.s32 s5, s26;
	s12 =	sadd.s32 s6, s26;
	s14 =	sadd.s32 $0x64E00, s0  }
0x15: {  	s24 =	simm.s32 $0x180;
	s25 =	simm.s32 $0x2;
	s26 =	simm.s32 $0x3  }
.LBB2_1:
0x16: {  	s0 =	rddreg [dreg:$0x3]  }
0x17: {  	[spmem:s18], [sflag:s8] =	dma.local [hbm:s0], $0x1870  }
0x18: {  	_ =	swait.ge [sflag:s19], $0x1870  }
0x19: {  	[sflag:s19] =	ssyncset.done $0x0  }
0x1a: {  	[sflag:s19] =	ssyncadd.s32 $0xFFFFE790  }
0x1b: {  	[bflag:$0x0] =	sbarrier.arrive $0xFFFF  }
0x1c: {  	s10 =	rddreg [dreg:$0x4]  }
0x1d: {  	[tilespmem:s3], [sflag:$0x1] =	stream.linear.gather [hbm4b:s10+s3], $0x80, $0x38;
	[tilespmem:$0xD580] =	vst v63  }
0x1e: {  	s16 =	rddreg [dreg:$0x5]  }
0x1f: {  	[tilespmem:s20], [sflag:$0x1] =	stream.linear.gather [hbm4b:s16+s3], $0x80, $0x38;
	[tilespmem:$0xD580] =	vst v63  }
0x20: {  	_ =	swait.ge [sflag:s21], $0x80  }
0x21: {  	[sflag:s21] =	ssyncset.done $0x0  }
0x22: {  	[sflag:s21] =	ssyncadd.s32 $0xFFFFFF80  }
0x23: {  	_ =	swait.ge [sflag:s21], $0x80  }
0x24: {  	[sflag:s21] =	ssyncset.done $0x0  }
0x25: {  	[sflag:s21] =	ssyncadd.s32 $0xFFFFFF80  }
0x26: {  	[tilespmem:s22], [sflag:$0x3] =	stream.indirect.gather [hbm4b:s4+s20], $0x10, s3, s20, $0xb8;
	[tilespmem:$0xD580] =	vst v63  }
0x27: {  	_ = 	snop  }
0x28: {  	[tilespmem:s23], [sflag:$0x2] =	stream.linear.gather [hbm4b:s11+s3], $0x80, $0x38;
	[tilespmem:$0xD580] =	vst v63  }
0x29: {  	_ = 	snop  }
0x2a: {  	[tilespmem:s24], [sflag:$0x2] =	stream.linear.gather [hbm4b:s12+s3], $0x80, $0x38;
	[tilespmem:$0xD580] =	vst v63  }
0x2b: {  	_ =	swait.ge [sflag:s25], $0x80  }
0x2c: {  	[sflag:s25] =	ssyncset.done $0x0  }
0x2d: {  	[sflag:s25] =	ssyncadd.s32 $0xFFFFFF80  }
0x2e: {  	_ =	swait.ge [sflag:s25], $0x80  }
0x2f: {  	[sflag:s25] =	ssyncset.done $0x0  }
0x30: {  	[sflag:s25] =	ssyncadd.s32 $0xFFFFFF80  }
0x31: {  	_ =	swait.ge [sflag:s26], $0x800  }
0x32: {  	[sflag:s26] =	ssyncset.done $0x0  }
0x33: {  	[sflag:s26] =	ssyncadd.s32 $0xFFFFF800  }
0x34: {  	[tilespmem:s28], [sflag:$0x4] =	stream.indirect.gather [hbm4b:s4+s20], $0x10, s23, s20, $0xb8;
	[tilespmem:$0xD580] =	vst v63  }
0x35: {  	_ = 	snop  }
0x36: {  	[spmem:s2] =	stream.indirect.scatter.add.bf16 [tilespmem:s22], [sflag:$0x5], $0x10, s20, s20, $0xb8;
	[tilespmem:$0xD580] =	vst v63  }
0x37: {  	s31 =	sadd.s32 $0x200, s17;
	_ =	swait.ge [sflag:s19], $0x800  }
0x38: {  	s7 =	sand.u32 $0x1FFFFEF0, s31;
	[sflag:s19] =	ssyncset.done $0x0  }
0x39: {  	s16 =	sadd.s32 s5, s7;
	[sflag:s19] =	ssyncadd.s32 $0xFFFFF800  }
0x3a: {  	[tilespmem:s3], [sflag:$0x1] =	stream.linear.gather [hbm4b:s16+s3], $0x80, $0x38;
	[tilespmem:$0xD580] =	vst v63  }
0x3b: {  	s0 =	sadd.s32 s6, s7  }
0x3c: {  	[tilespmem:s20], [sflag:$0x1] =	stream.linear.gather [hbm4b:s0+s3], $0x80, $0x38;
	[tilespmem:$0xD580] =	vst v63  }
0x3d: {  	_ =	swait.ge [sflag:s21], $0x80  }
0x3e: {  	[sflag:s21] =	ssyncset.done $0x0  }
0x3f: {  	[sflag:s21] =	ssyncadd.s32 $0xFFFFFF80  }
0x40: {  	_ =	swait.ge [sflag:s21], $0x80  }
0x41: {  	[sflag:s21] =	ssyncset.done $0x0  }
0x42: {  	[sflag:s21] =	ssyncadd.s32 $0xFFFFFF80  }
0x43: {  	_ =	swait.ge [sflag:s29], $0x800  }
0x44: {  	s9 =	sadd.s32 $0x300, s17;
	[sflag:s29] =	ssyncset.done $0x0  }
0x45: {  	s0 =	sand.u32 $0x1FFFFFF0, s9;
	[sflag:s29] =	ssyncadd.s32 $0xFFFFF800  }
0x46: {  	[tilespmem:s22], [sflag:$0x3] =	stream.indirect.gather [hbm4b:s4+s20], $0x10, s3, s20, $0xb8;
	[tilespmem:$0xD580] =	vst v63  }
0x47: {  	p0 =	sne.s32 s13, $0x1;
	s10 =	sadd.s32 s5, s0  }
0x48: {  	[tilespmem:s23], [sflag:$0x2] =	stream.linear.gather [hbm4b:s10+s3], $0x80, $0x38;
	[tilespmem:$0xD580] =	vst v63  }
.Ltmp0:
0x49: {  	s0 =	sadd.s32 s6, s0;
	(pc) =	sbr.rel @!p0 .LBB2_3-.Ltmp0, $4  }
0x4a: {  	[tilespmem:s24], [sflag:$0x2] =	stream.linear.gather [hbm4b:s0+s3], $0x80, $0x38;
	[tilespmem:$0xD580] =	vst v63  }
0x4b: {  	_ = 	snop  }
0x4c: {  	[spmem:s2] =	stream.indirect.scatter.add.bf16 [tilespmem:s28], [sflag:$0x5], $0x10, s24, s20, $0xb8;
	[tilespmem:$0xD580] =	vst v63  }
0x4d: {  	s16 =	smov.u32 s1;
	s0 =	simm.s32 $0x1;
	_ =	swait.ge [sflag:s19], $0x800  }
.LBB2_2:
0x4e: {  	s0 =	sadd.s32 $0x1, s0;
	[sflag:s19] =	ssyncset.done $0x0;
	s16 =	sadd.s32 $0x20, s16  }
0x4f: {  	s7 =	smov.u32 s31;
	p0 =	sne.s32 s13, s0;
	[sflag:s19] =	ssyncadd.s32 $0xFFFFF800  }
0x50: {  	_ =	swait.ge [sflag:s25], $0x80  }
0x51: {  	[sflag:s25] =	ssyncset.done $0x0  }
0x52: {  	[sflag:s25] =	ssyncadd.s32 $0xFFFFFF80  }
0x53: {  	_ =	swait.ge [sflag:s25], $0x80  }
0x54: {  	[sflag:s25] =	ssyncset.done $0x0  }
0x55: {  	[sflag:s25] =	ssyncadd.s32 $0xFFFFFF80  }
0x56: {  	_ =	swait.ge [sflag:s26], $0x800  }
0x57: {  	[sflag:s26] =	ssyncset.done $0x0  }
0x58: {  	[sflag:s26] =	ssyncadd.s32 $0xFFFFF800  }
0x59: {  	[tilespmem:s28], [sflag:$0x4] =	stream.indirect.gather [hbm4b:s4+s20], $0x10, s23, s20, $0xb8;
	[tilespmem:$0xD580] =	vst v63  }
0x5a: {  	_ = 	snop  }
0x5b: {  	[spmem:s2] =	stream.indirect.scatter.add.bf16 [tilespmem:s22], [sflag:$0x5], $0x10, s20, s20, $0xb8;
	[tilespmem:$0xD580] =	vst v63  }
0x5c: {  	s31 =	sadd.s32 $0x200, s31;
	_ =	swait.ge [sflag:s19], $0x800  }
0x5d: {  	s9 =	sand.u32 $0x1FFFFEF0, s31;
	[sflag:s19] =	ssyncset.done $0x0  }
0x5e: {  	s10 =	sadd.s32 s5, s9;
	[sflag:s19] =	ssyncadd.s32 $0xFFFFF800  }
0x5f: {  	[tilespmem:s3], [sflag:$0x1] =	stream.linear.gather [hbm4b:s10+s3], $0x80, $0x38;
	[tilespmem:$0xD580] =	vst v63  }
0x60: {  	s9 =	sadd.s32 s6, s9  }
0x61: {  	[tilespmem:s20], [sflag:$0x1] =	stream.linear.gather [hbm4b:s9+s3], $0x80, $0x38;
	[tilespmem:$0xD580] =	vst v63  }
0x62: {  	_ =	swait.ge [sflag:s21], $0x80  }
0x63: {  	[sflag:s21] =	ssyncset.done $0x0  }
0x64: {  	[sflag:s21] =	ssyncadd.s32 $0xFFFFFF80  }
0x65: {  	_ =	swait.ge [sflag:s21], $0x80  }
0x66: {  	[sflag:s21] =	ssyncset.done $0x0  }
0x67: {  	[sflag:s21] =	ssyncadd.s32 $0xFFFFFF80  }
0x68: {  	_ =	swait.ge [sflag:s29], $0x800  }
0x69: {  	[sflag:s29] =	ssyncset.done $0x0  }
0x6a: {  	s7 =	sadd.s32 $0x300, s7;
	[sflag:s29] =	ssyncadd.s32 $0xFFFFF800  }
0x6b: {  	[tilespmem:s22], [sflag:$0x3] =	stream.indirect.gather [hbm4b:s4+s20], $0x10, s3, s20, $0xb8;
	[tilespmem:$0xD580] =	vst v63  }
0x6c: {  	s7 =	sand.u32 $0x1FFFFFF0, s7  }
0x6d: {  	s9 =	sadd.s32 s5, s7;
	s7 =	sadd.s32 s6, s7  }
0x6e: {  	[tilespmem:s23], [sflag:$0x2] =	stream.linear.gather [hbm4b:s9+s3], $0x80, $0x38;
	[tilespmem:$0xD580] =	vst v63  }
.Ltmp1:
0x6f: {  	(pc) =	sbr.rel @p0 .LBB2_2-.Ltmp1, $4  }
0x70: {  	[tilespmem:s24], [sflag:$0x2] =	stream.linear.gather [hbm4b:s7+s3], $0x80, $0x38;
	[tilespmem:$0xD580] =	vst v63  }
0x71: {  	_ = 	snop  }
0x72: {  	[spmem:s2] =	stream.indirect.scatter.add.bf16 [tilespmem:s28], [sflag:$0x5], $0x10, s24, s20, $0xb8;
	[tilespmem:$0xD580] =	vst v63  }
0x73: {  	_ =	swait.ge [sflag:s19], $0x800  }
.LBB2_3:
0x74: {  	[sflag:s19] =	ssyncset.done $0x0  }
0x75: {  	[sflag:s19] =	ssyncadd.s32 $0xFFFFF800  }
0x76: {  	_ =	swait.ge [sflag:s25], $0x80  }
0x77: {  	[sflag:s25] =	ssyncset.done $0x0  }
0x78: {  	[sflag:s25] =	ssyncadd.s32 $0xFFFFFF80  }
0x79: {  	_ =	swait.ge [sflag:s25], $0x80  }
0x7a: {  	[sflag:s25] =	ssyncset.done $0x0  }
0x7b: {  	[sflag:s25] =	ssyncadd.s32 $0xFFFFFF80  }
0x7c: {  	_ =	swait.ge [sflag:s26], $0x800  }
0x7d: {  	[sflag:s26] =	ssyncset.done $0x0  }
0x7e: {  	s7 =	sadd.s32 $0x20, s16;
	p0 =	slt.u32 s0, s13;
	[sflag:s26] =	ssyncadd.s32 $0xFFFFF800  }
0x7f: {  	[tilespmem:s28], [sflag:$0x4] =	stream.indirect.gather [hbm4b:s4+s20], $0x10, s23, s20, $0xb8;
	[tilespmem:$0xD580] =	vst v63  }
0x80: {  	s0 =	sshll.u32 @p0 s7, $0x4  }
0x81: {  	[spmem:s2] =	stream.indirect.scatter.add.bf16 [tilespmem:s22], [sflag:$0x5], $0x10, s20, s20, $0xb8;
	[tilespmem:$0xD580] =	vst v63  }
0x82: {  	s7 =	sadd.s32 @p0 $0xFFFFFF00, s0;
	_ =	swait.ge [sflag:s19], $0x800  }
0x83: {  	s7 =	sand.u32 @p0 $0x1FFFFEF0, s7;
	[sflag:s19] =	ssyncset.done $0x0  }
0x84: {  	s10 =	simm.s32 @p0 $0x0;
	s9 =	sadd.s32 @p0 s5, s7;
	[sflag:s19] =	ssyncadd.s32 $0xFFFFF800  }
0x85: {  	[tilespmem:s10], [sflag:$0x1] =	stream.linear.gather @p0 [hbm4b:s9+s10], $0x80, $0x38;
	[tilespmem:$0xD580] =	vst v63  }
0x86: {  	s7 =	sadd.s32 @p0 s6, s7;
	s9 =	simm.s32 @p0 $0x80  }
0x87: {  	[tilespmem:s9], [sflag:$0x1] =	stream.linear.gather @p0 [hbm4b:s7+s10], $0x80, $0x38;
	[tilespmem:$0xD580] =	vst v63  }
0x88: {  	s7 =	simm.s32 @p0 $0x1  }
0x89: {  	_ =	swait.ge @p0 [sflag:s7], $0x80  }
0x8a: {  	[sflag:s7] =	ssyncset.done @p0 $0x0  }
0x8b: {  	[sflag:s7] =	ssyncadd.s32 @p0 $0xFFFFFF80  }
0x8c: {  	_ =	swait.ge @p0 [sflag:s7], $0x80  }
0x8d: {  	[sflag:s7] =	ssyncset.done @p0 $0x0  }
0x8e: {  	[sflag:s7] =	ssyncadd.s32 @p0 $0xFFFFFF80;
	s7 =	simm.s32 @p0 $0x4  }
0x8f: {  	_ =	swait.ge @p0 [sflag:s7], $0x800  }
0x90: {  	[sflag:s7] =	ssyncset.done @p0 $0x0  }
0x91: {  	s0 =	sand.u32 @p0 $0x1FFFFFF0, s0;
	[sflag:s7] =	ssyncadd.s32 @p0 $0xFFFFF800;
	s7 =	simm.s32 @p0 $0x200  }
0x92: {  	[tilespmem:s7], [sflag:$0x3] =	stream.indirect.gather @p0 [hbm4b:s4+s9], $0x10, s10, s9, $0xb8;
	[tilespmem:$0xD580] =	vst v63  }
0x93: {  	s7 =	sadd.s32 @p0 s5, s0;
	s9 =	simm.s32 @p0 $0x100  }
0x94: {  	[tilespmem:s9], [sflag:$0x2] =	stream.linear.gather @p0 [hbm4b:s7+s10], $0x80, $0x38;
	[tilespmem:$0xD580] =	vst v63  }
0x95: {  	s0 =	sadd.s32 @p0 s6, s0;
	s7 =	simm.s32 @p0 $0x180  }
0x96: {  	[tilespmem:s7], [sflag:$0x2] =	stream.linear.gather @p0 [hbm4b:s0+s10], $0x80, $0x38;
	[tilespmem:$0xD580] =	vst v63  }
0x97: {  	s0 =	simm.s32 @!p0 $0x4  }
0x98: {  	_ =	swait.ge @!p0 [sflag:s0], $0x800  }
0x99: {  	[sflag:s0] =	ssyncset.done @!p0 $0x0  }
0x9a: {  	[sflag:s0] =	ssyncadd.s32 @!p0 $0xFFFFF800  }
0x9b: {  	[spmem:s2] =	stream.indirect.scatter.add.bf16 [tilespmem:s28], [sflag:$0x5], $0x10, s24, s20, $0xb8;
	[tilespmem:$0xD580] =	vst v63  }
0x9c: {  	_ =	swait.ge [sflag:s19], $0x800  }
0x9d: {  	s30 =	sadd.s32 $0x1, s30;
	[sflag:s19] =	ssyncset.done $0x0  }
0x9e: {  	p0 =	sne.s32 s30, s15;
	[sflag:s19] =	ssyncadd.s32 $0xFFFFF800  }
.Ltmp2:
0x9f: {  	[bflag:$0x0] =	sbarrier.arrive $0xFFFF;
	(pc) =	sbr.rel @p0 .LBB2_1-.Ltmp2, $4  }
0xa0: {  	[hbm:s14], [sflag:s8] =	dma.local [spmem:s18], $0x1870  }
0xa1: {  	_ =	swait.ge [sflag:s19], $0x1870  }
0xa2: {  	[sflag:s19] =	ssyncset.done $0x0  }
0xa3: {  	[sflag:s19] =	ssyncadd.s32 $0xFFFFE790  }
0xa4: {  	_ =	sfence.sel $0x180000  }
0xa5: {  	[bflag:$0x0] =	sbarrier.arrive $0xFFFF  }
0xa6: {  	_ =	strace $0x90000047  }
0xa7: {  	s0 =	stileid.u32;
	[bflag:$0x2] =	sbarrier.arrive $0xFFFF  }
0xa8: {  	p0 =	sne.s32 s0, $0x0;
	s0 =	rddreg [dreg:$0x2]  }
0xa9: {  	s0 =	sadd.s32 @!p0 $0x100000, s0  }
0xaa: {  	[sflag:s0] =	ssyncadd.tile.s32 @!p0 $0x1;
	_ =	shalt  }
.Lfunc_end2:
_tile_overlayer_lowered:
.L_overlay_start_2:
0xab: {  	(tag) =	ssettag $0x2  }
0xac: {  	s0 =	rddreg [dreg:$0x0];
	s2 =	stileid.u32  }
0xad: {  	s1 =	rddreg [dreg:$0x1];
	p0 =	sne.s32 s2, $0x0  }
0xae: {  	s3 =	rddreg [dreg:$0x2];
	[bflag:$0x3] =	sbarrier.arrive $0xFFFF;
	s2 =	simm.s32 @!p0 $0x1C05  }
0xaf: {  	[timem:s3], [sflag:s2] =	dma.local @!p0 [hbm:s0], s1  }
0xb0: {  	s0 =	simm.s32 @!p0 $0x5  }
0xb1: {  	_ =	swait.ge @!p0 [sflag:s0], s1  }
0xb2: {  	s1 =	ssub.s32 @!p0 $0x0, s1;
	[sflag:s0] =	ssyncset.done @!p0 $0x0  }
0xb3: {  	[sflag:s0] =	ssyncadd.s32 @!p0 s1  }
0xb4: {  	[bflag:$0x3] =	sbarrier.arrive $0xFFFF  }
0xb5: {  	_ =	shalt  }

</sc_bundles>
